<compile_context>
chip_gen: v7x
topology: tpu7x:2x2x1
jax: 0.10.2.dev20260603
libtpu: 0.0.44.dev20260713+nightly
codegen_flags: <defaults>
</compile_context>

<pallas_src>
import functools

import jax
import jax.numpy as jnp
from jax import lax
from jax.experimental import pallas as pl
from jax.experimental.pallas import tpu as pltpu
from jax.experimental.pallas import tpu_sc as plsc

B = 4096
D = 64
ALPHA = 0.1
NEG_RANK = (B * B - B - 1) // 2

BLK = 256
NBLK = B // BLK

NW = 32
L = 16
NPER = B * B // NW
CHUNK = 16384
NCH = NPER // CHUNK

INF_KEY = 0xFF800000


def _monotone_key(x):
    u = lax.bitcast_convert_type(x, jnp.uint32)
    return jnp.where((u >> 31) == 0, u | jnp.uint32(0x80000000), ~u)


def _log_sigmoid(z):
    return jnp.minimum(z, 0.0) - jnp.log(1.0 + jnp.exp(-jnp.abs(z)))


def _prep_body(logits_ref, text_ref, img_ref, bias_ref,
               keys_ref, selsim_ref, base_ref):
    i = pl.program_id(0)
    l = logits_ref[...]
    t = text_ref[...]
    im = img_ref[...]
    bias = bias_ref[0, 0]

    raw = lax.dot_general(t, im, (((1,), (1,)), ((), ())),
                          preferred_element_type=jnp.float32)

    rows = i * BLK + lax.broadcasted_iota(jnp.int32, (BLK, B), 0)
    cols = lax.broadcasted_iota(jnp.int32, (BLK, B), 1)
    diag = rows == cols

    lb = l + bias
    z = jnp.where(diag, lb, -lb)

    @pl.when(i == 0)
    def _():
        base_ref[0, 0] = 0.0

    base_ref[0, 0] += jnp.sum(_log_sigmoid(z))

    rm = jnp.max(jnp.where(diag, -jnp.inf, raw), axis=1)
    selsim_ref[0, 0, :] = rm

    ratio = l / (raw + 1e-8)
    key = _monotone_key(ratio)
    key = jnp.where(diag, jnp.uint32(INF_KEY), key)
    keys_ref[...] = key.reshape(BLK * B // 128, 128)


def _prep(logits, text_emb, image_emb, bias2d):
    return pl.pallas_call(
        _prep_body,
        grid=(NBLK,),
        in_specs=[
            pl.BlockSpec((BLK, B), lambda i: (i, 0)),
            pl.BlockSpec((BLK, D), lambda i: (i, 0)),
            pl.BlockSpec((B, D), lambda i: (0, 0)),
            pl.BlockSpec(memory_space=pltpu.SMEM),
        ],
        out_specs=[
            pl.BlockSpec((BLK * B // 128, 128), lambda i: (i, 0)),
            pl.BlockSpec((1, 1, BLK), lambda i: (i, 0, 0)),
            pl.BlockSpec(memory_space=pltpu.SMEM),
        ],
        out_shape=[
            jax.ShapeDtypeStruct((B * B // 128, 128), jnp.uint32),
            jax.ShapeDtypeStruct((NBLK, 1, BLK), jnp.float32),
            jax.ShapeDtypeStruct((1, 1), jnp.float32),
        ],
    )(logits, text_emb, image_emb, bias2d)


def _make_sc_pass(shift, nbins, pshift):
    mesh = plsc.VectorSubcoreMesh(core_axis_name="c", subcore_axis_name="s",
                                  num_cores=2, num_subcores=16)

    def body(keys_hbm, pref_hbm, hist_hbm, buf0, buf1, hist, prefv,
             sem0, sem1):
        cid = lax.axis_index("c")
        sid = lax.axis_index("s")
        wid = sid * 2 + cid
        base = wid * NPER

        zeros = jnp.zeros((L,), jnp.int32)

        @plsc.parallel_loop(0, L * nbins, step=L, unroll=8)
        def _(z_i):
            hist[pl.ds(z_i, L)] = zeros

        lane_base = lax.iota(jnp.int32, L) * nbins
        ones = jnp.ones((L,), jnp.int32)

        if pshift is not None:
            pltpu.sync_copy(pref_hbm, prefv)
            pvu = plsc.bitcast(prefv[...], jnp.uint32)

        def process(buf):
            @plsc.parallel_loop(0, CHUNK, step=L, unroll=16)
            def _(j):
                k = buf[pl.ds(j, L)]
                bin_ = ((k >> shift) & jnp.uint32(nbins - 1)).astype(jnp.int32)
                addr = lane_base + bin_
                if pshift is None:
                    plsc.addupdate_scatter(hist, [addr], ones)
                else:
                    plsc.addupdate_scatter(hist, [addr], ones,
                                           mask=(k >> pshift) == pvu)

        pltpu.make_async_copy(
            keys_hbm.at[pl.ds(base, CHUNK)], buf0, sem0).start()
        pltpu.make_async_copy(
            keys_hbm.at[pl.ds(base + CHUNK, CHUNK)], buf1, sem1).start()

        @pl.loop(0, NCH, step=2)
        def _(c):
            pltpu.make_async_copy(
                keys_hbm.at[pl.ds(base, CHUNK)], buf0, sem0).wait()
            process(buf0)

            @pl.when(c + 2 < NCH)
            def _():
                off = pl.multiple_of(base + (c + 2) * CHUNK, CHUNK)
                pltpu.make_async_copy(
                    keys_hbm.at[pl.ds(off, CHUNK)], buf0, sem0).start()

            pltpu.make_async_copy(
                keys_hbm.at[pl.ds(base, CHUNK)], buf1, sem1).wait()
            process(buf1)

            @pl.when(c + 3 < NCH)
            def _():
                off = pl.multiple_of(base + (c + 3) * CHUNK, CHUNK)
                pltpu.make_async_copy(
                    keys_hbm.at[pl.ds(off, CHUNK)], buf1, sem1).start()

        for lane_i in range(L):
            pltpu.sync_copy(hist.at[pl.ds(lane_i * nbins, nbins)],
                            hist_hbm.at[wid * L + lane_i])

    return pl.kernel(
        body,
        out_type=jax.ShapeDtypeStruct((NW * L, nbins), jnp.int32),
        mesh=mesh,
        scratch_types=[
            pltpu.VMEM((CHUNK,), jnp.uint32),
            pltpu.VMEM((CHUNK,), jnp.uint32),
            pltpu.VMEM((L * nbins,), jnp.int32),
            pltpu.VMEM((L,), jnp.int32),
            pltpu.SemaphoreType.DMA,
            pltpu.SemaphoreType.DMA,
        ],
        compiler_params=pltpu.CompilerParams(needs_layout_passes=False),
    )


_sc_pass1 = _make_sc_pass(20, 4096, None)
_sc_pass2 = _make_sc_pass(8, 4096, 20)
_sc_pass3 = _make_sc_pass(0, 256, 8)


def _cumsum_1d(c, n):
    cum = c
    k = 1
    while k < n:
        shifted = jnp.concatenate(
            [jnp.zeros((1, k), jnp.int32), cum[:, :n - k]], axis=1)
        cum = cum + shifted
        k *= 2
    return cum


def _select_body(nbins, hist_ref, rank_ref, pref_ref,
                 pref16_ref, rank_out, pref_out):
    h = hist_ref[...]
    counts = jnp.sum(h, axis=0)
    cum = _cumsum_1d(counts.reshape(1, nbins), nbins)
    r = rank_ref[0, 0]
    le = cum <= r
    b = jnp.sum(le.astype(jnp.int32))
    prev = jnp.max(jnp.where(le, cum, 0))
    newpref = pref_ref[0, 0] * nbins + b
    rank_out[0, 0] = r - prev
    pref_out[0, 0] = newpref
    pref16_ref[...] = jnp.full((L,), newpref, jnp.int32)


def _make_select(nbins):
    return pl.pallas_call(
        functools.partial(_select_body, nbins),
        in_specs=[
            pl.BlockSpec((NW * L, nbins), lambda: (0, 0)),
            pl.BlockSpec(memory_space=pltpu.SMEM),
            pl.BlockSpec(memory_space=pltpu.SMEM),
        ],
        out_specs=[
            pl.BlockSpec((L,), lambda: (0,)),
            pl.BlockSpec(memory_space=pltpu.SMEM),
            pl.BlockSpec(memory_space=pltpu.SMEM),
        ],
        out_shape=[
            jax.ShapeDtypeStruct((L,), jnp.int32),
            jax.ShapeDtypeStruct((1, 1), jnp.int32),
            jax.ShapeDtypeStruct((1, 1), jnp.int32),
        ],
    )


_select1 = _make_select(4096)
_select2 = _make_select(4096)


def _final_body(hist_ref, rank_ref, pref_ref, base_ref, selsim_ref, out_ref):
    h = hist_ref[...]
    counts = jnp.sum(h, axis=0)
    cum = _cumsum_1d(counts.reshape(1, 256), 256)
    r = rank_ref[0, 0]
    b = jnp.sum((cum <= r).astype(jnp.int32))
    key = pref_ref[0, 0] * 256 + b
    u = jnp.where(key >= 0, ~key, key & jnp.int32(0x7FFFFFFF))
    scale = lax.bitcast_convert_type(u, jnp.float32)

    s = selsim_ref[...]
    select_loss = -jnp.sum(_log_sigmoid(-scale * s)) / B
    base_loss = -base_ref[0, 0] / (B * B)
    out_ref[0, 0] = base_loss + ALPHA * select_loss


_final = pl.pallas_call(
    _final_body,
    in_specs=[
        pl.BlockSpec((NW * L, 256), lambda: (0, 0)),
        pl.BlockSpec(memory_space=pltpu.SMEM),
        pl.BlockSpec(memory_space=pltpu.SMEM),
        pl.BlockSpec(memory_space=pltpu.SMEM),
        pl.BlockSpec((NBLK, 1, BLK), lambda: (0, 0, 0)),
    ],
    out_specs=pl.BlockSpec(memory_space=pltpu.SMEM),
    out_shape=jax.ShapeDtypeStruct((1, 1), jnp.float32),
)


def kernel(logits, text_emb, image_emb, logit_bias):
    bias2d = jnp.reshape(logit_bias, (1, 1)).astype(jnp.float32)
    keys2d, selsim, base_sum = _prep(logits, text_emb, image_emb, bias2d)
    keys = keys2d.reshape(B * B)

    rank0 = jnp.full((1, 1), NEG_RANK, jnp.int32)
    pref0 = jnp.zeros((1, 1), jnp.int32)
    dummy16 = jnp.zeros((L,), jnp.int32)

    hist1 = _sc_pass1(keys, dummy16)
    pref16, rank1, pref1 = _select1(hist1, rank0, pref0)
    hist2 = _sc_pass2(keys, pref16)
    pref16b, rank2, pref2 = _select2(hist2, rank1, pref1)
    hist3 = _sc_pass3(keys, pref16b)
    total = _final(hist3, rank2, pref2, base_sum, selsim)
    return jnp.reshape(total, ())

# --- scband reference (transcript-rebuilt; emitter-appended) ---
"""Pipeline reference for scband-otselect-loss-41867341201463 (READ-ONLY COPY).

The authoritative reference and input builder live on the scoring server;
editing this copy changes nothing except your own understanding.
"""

import jax, jax.numpy as jnp
import numpy as np

B = 4096
D = 64
TOP_K = 32
TAU = 0.05
ALPHA = 0.1  # warmup_steps=-1000 -> get_alpha() returns alpha_max at step 0


def setup_inputs(seed: int = 0) -> dict:
    key = jax.random.key(seed)
    k1, k2, k3 = jax.random.split(key, 3)
    logits = jax.random.normal(k1, (B, B), dtype=jnp.float32)
    text_emb = jax.random.normal(k2, (B, D), dtype=jnp.float32)
    image_emb = jax.random.normal(k3, (B, D), dtype=jnp.float32)
    logit_bias = jnp.zeros((), dtype=jnp.float32)  # nn.Parameter(init_bias=0.0)
    return {"logits": logits, "text_emb": text_emb, "image_emb": image_emb, "logit_bias": logit_bias}


def reference(logits, text_emb, image_emb, logit_bias):
    B_ = logits.shape[0]
    logits_biased = logits + logit_bias
    labels = 2.0 * jnp.eye(B_, dtype=logits.dtype) - 1.0
    base_loss = -jnp.sum(jax.nn.log_sigmoid(labels * logits_biased)) / (B_ * B_)
    alpha = ALPHA
    raw_sim = text_emb @ image_emb.T
    eye = jnp.eye(B_, dtype=bool)
    raw_sim_masked = jnp.where(eye, -jnp.inf, raw_sim)
    k = min(TOP_K, B_ - 1)
    topk_sims, topk_indices = jax.lax.top_k(raw_sim_masked, k)
    # no_grad block in torch -> stop_gradient
    weights = jax.nn.softmax(jax.lax.stop_gradient(topk_sims) / TAU, axis=1)
    max_weight_idx = jnp.argmax(weights, axis=1)
    batch_range = jnp.arange(B_)
    selected_neg_indices = topk_indices[batch_range, max_weight_idx]
    selected_neg_emb = image_emb[selected_neg_indices]
    # temp is None -> data-driven scale, computed under no_grad
    raw = jax.lax.stop_gradient(text_emb @ image_emb.T)
    logits_sg = jax.lax.stop_gradient(logits)
    ratio = logits_sg / (raw + 1e-08)
    # off-diagonal median: push diagonal to +inf so it sorts to the end;
    # torch.median returns the lower-middle element for even counts
    ratio = jnp.where(eye, jnp.inf, ratio)
    flat = jnp.sort(ratio.ravel())
    n_off = B_ * B_ - B_
    scale = flat[(n_off - 1) // 2]
    selected_sim = jnp.sum(text_emb * selected_neg_emb, axis=1)
    selected_logits = scale * selected_sim
    select_loss = -jnp.mean(jax.nn.log_sigmoid(-selected_logits))
    total_loss = base_loss + alpha * select_loss
    return total_loss

if __name__ == "__main__":
    import jax
    _d = setup_inputs()
    print(jax.jit(kernel)(*tuple(_d.values())))

</pallas_src>

<mosaic_0001>
#map = affine_map<(d0, d1) -> (0)>
#map1 = affine_map<(d0, d1) -> (0, 0)>
module attributes {stable_mosaic.version = 14 : i64} {
  func.func @body(%arg0: i32, %arg1: i32, %arg2: memref<16777216xi32, #tpu.memory_space<hbm>>, %arg3: memref<16xi32, #tpu.memory_space<hbm>>, %arg4: memref<512x4096xi32, #tpu.memory_space<hbm>>, %arg5: memref<16384xi32, #tpu.memory_space<vmem>>, %arg6: memref<16384xi32, #tpu.memory_space<vmem>>, %arg7: memref<65536xi32, #tpu.memory_space<vmem>>, %arg8: memref<16xi32, #tpu.memory_space<vmem>>, %arg9: memref<!tpu.dma_semaphore, #tpu.memory_space<semaphore_mem>>, %arg10: memref<!tpu.dma_semaphore, #tpu.memory_space<semaphore_mem>>) attributes {dimension_semantics = [#tpu.dimension_semantics<core_parallel>, #tpu.dimension_semantics<subcore_parallel>], iteration_bounds = array<i64: 2, 16>, scalar_prefetch = 0 : i64, scratch_operands = 6 : i64, tpu.core_type = #tpu.core_type<sc_vector_subcore>, window_params = [{transform_indices = #map}, {transform_indices = #map}, {transform_indices = #map1}]} {
    %mul3A = arith.constant 2 : i32
    %mul3A_0 = arith.muli %arg1, %mul3A : i32
    %add3A = arith.addi %mul3A_0, %arg0 : i32
    %mul3A_1 = arith.constant 524288 : i32
    %mul3A_2 = arith.muli %add3A, %mul3A_1 : i32
    %broadcast_in_dim3A = arith.constant 0 : i32
    %broadcast_in_dim3A_3 = vector.broadcast %broadcast_in_dim3A : i32 to vector<16xi32>
    %parallel_loop3A = arith.constant 0 : i32
    %parallel_loop3A_4 = arith.constant 65536 : i32
    %parallel_loop3A_5 = arith.constant 16 : i32
    scf.for %parallel_loop3A_85 = %parallel_loop3A to %parallel_loop3A_4 step %parallel_loop3A_5  : i32 {
      %parallel_loop3A_86 = arith.index_cast %parallel_loop3A_85 : i32 to index
      %parallel_loop3A_87 = tpu.vector_load %arg7[%parallel_loop3A_86] {strides = array<i32>} : memref<65536xi32, #tpu.memory_space<vmem>>, vector<16xi32>,
      tpu.vector_store %arg7[%parallel_loop3A_86], %broadcast_in_dim3A_3 {strides = array<i32>} : memref<65536xi32, #tpu.memory_space<vmem>>, vector<16xi32>,
    } {sc.loop_unroll_factor = 8 : i64, sc.parallel_access}
    %iota3A = tpu.iota {dimensions = array<i32: 0>} : vector<16xi32>
    %mul3A_6 = arith.constant 4096 : i32
    %mul3A_7 = vector.broadcast %mul3A_6 : i32 to vector<16xi32>
    %mul3A_8 = arith.muli %iota3A, %mul3A_7 : vector<16xi32>
    %broadcast_in_dim3A_9 = arith.constant 1 : i32
    %broadcast_in_dim3A_10 = vector.broadcast %broadcast_in_dim3A_9 : i32 to vector<16xi32>
    "tpu.region"() ({
      %run_scoped3A = tpu.sem_alloc : memref<!tpu.dma_semaphore, #tpu.memory_space<semaphore_mem>>
      tpu.enqueue_dma source(%arg3 : memref<16xi32, #tpu.memory_space<hbm>>) target(%arg8 : memref<16xi32, #tpu.memory_space<vmem>>) target_semaphore(%run_scoped3A : memref<!tpu.dma_semaphore, #tpu.memory_space<semaphore_mem>>)
      tpu.wait_dma2 semaphore(%run_scoped3A : memref<!tpu.dma_semaphore, #tpu.memory_space<semaphore_mem>>) src(%arg3 : memref<16xi32, #tpu.memory_space<hbm>>) dst(%arg8 : memref<16xi32, #tpu.memory_space<vmem>>)
      tpu.yield
    }) : () -> ()
    %get3A = arith.constant 0 : index
    %get3A_11 = tpu.vector_load %arg8[%get3A] {strides = array<i32>} : memref<16xi32, #tpu.memory_space<vmem>>, vector<16xi32>,
    %bitcast3A = vector.bitcast %get3A_11 : vector<16xi32> to vector<16xi32>
    %dma_start3A = tpu.memref_slice %arg2[%mul3A_2] : memref<16777216xi32, #tpu.memory_space<hbm>> -> memref<16384xi32, #tpu.memory_space<hbm>>
    %dma_start3A_12 = tpu.memref_slice %arg2[%mul3A_2] : memref<16777216xi32, #tpu.memory_space<hbm>> -> memref<16384xi32, #tpu.memory_space<hbm>>
    tpu.enqueue_dma source(%dma_start3A_12 : memref<16384xi32, #tpu.memory_space<hbm>>) target(%arg5 : memref<16384xi32, #tpu.memory_space<vmem>>) target_semaphore(%arg9 : memref<!tpu.dma_semaphore, #tpu.memory_space<semaphore_mem>>)
    %add3A_13 = arith.constant 16384 : i32
    %add3A_14 = arith.addi %mul3A_2, %add3A_13 : i32
    %dma_start3A_15 = tpu.memref_slice %arg2[%add3A_14] : memref<16777216xi32, #tpu.memory_space<hbm>> -> memref<16384xi32, #tpu.memory_space<hbm>>
    %dma_start3A_16 = tpu.memref_slice %arg2[%add3A_14] : memref<16777216xi32, #tpu.memory_space<hbm>> -> memref<16384xi32, #tpu.memory_space<hbm>>
    tpu.enqueue_dma source(%dma_start3A_16 : memref<16384xi32, #tpu.memory_space<hbm>>) target(%arg6 : memref<16384xi32, #tpu.memory_space<vmem>>) target_semaphore(%arg10 : memref<!tpu.dma_semaphore, #tpu.memory_space<semaphore_mem>>)
    %scan3A = arith.constant 0 : i32
    %scan3A_17 = arith.constant 16 : i32
    %scan3A_18 = arith.addi %scan3A, %scan3A_17 : i32
    %scan3A_19 = arith.constant 1 : i32
    scf.for %scan3A_85 = %scan3A to %scan3A_18 step %scan3A_19  : i32 {
      %mul3A_86 = arith.constant 2 : i32
      %mul3A_87 = arith.muli %scan3A_85, %mul3A_86 : i32
      %add3A_88 = arith.constant 0 : i32
      %add3A_89 = arith.addi %add3A_88, %mul3A_87 : i32
      %dma_wait3A = tpu.memref_slice %arg2[%mul3A_2] : memref<16777216xi32, #tpu.memory_space<hbm>> -> memref<16384xi32, #tpu.memory_space<hbm>>
      %dma_wait3A_90 = tpu.memref_slice %arg2[%mul3A_2] : memref<16777216xi32, #tpu.memory_space<hbm>> -> memref<16384xi32, #tpu.memory_space<hbm>>
      tpu.wait_dma2 semaphore(%arg9 : memref<!tpu.dma_semaphore, #tpu.memory_space<semaphore_mem>>) src(%dma_wait3A_90 : memref<16384xi32, #tpu.memory_space<hbm>>) dst(%arg5 : memref<16384xi32, #tpu.memory_space<vmem>>)
      %parallel_loop3A_91 = arith.constant 0 : i32
      %parallel_loop3A_92 = arith.constant 16384 : i32
      %parallel_loop3A_93 = arith.constant 16 : i32
      scf.for %parallel_loop3A_110 = %parallel_loop3A_91 to %parallel_loop3A_92 step %parallel_loop3A_93  : i32 {
        %parallel_loop3A_111 = arith.index_cast %parallel_loop3A_110 : i32 to index
        %parallel_loop3A_112 = tpu.vector_load %arg5[%parallel_loop3A_111] {strides = array<i32>} : memref<16384xi32, #tpu.memory_space<vmem>>, vector<16xi32>,
        %parallel_loop3A_113 = arith.constant 8 : i32
        %parallel_loop3A_114 = vector.broadcast %parallel_loop3A_113 : i32 to vector<16xi32>
        %parallel_loop3A_115 = arith.shrui %parallel_loop3A_112, %parallel_loop3A_114 : vector<16xi32>
        %parallel_loop3A_116 = arith.constant 4095 : i32
        %parallel_loop3A_117 = vector.broadcast %parallel_loop3A_116 : i32 to vector<16xi32>
        %parallel_loop3A_118 = arith.andi %parallel_loop3A_115, %parallel_loop3A_117 : vector<16xi32>
        %parallel_loop3A_119 = arith.addi %mul3A_8, %parallel_loop3A_118 : vector<16xi32>
        %parallel_loop3A_120 = arith.constant 20 : i32
        %parallel_loop3A_121 = vector.broadcast %parallel_loop3A_120 : i32 to vector<16xi32>
        %parallel_loop3A_122 = arith.shrui %parallel_loop3A_112, %parallel_loop3A_121 : vector<16xi32>
        %parallel_loop3A_123 = arith.cmpi eq, %parallel_loop3A_122, %bitcast3A : vector<16xi32>
        tpu.vector_store_idx %arg7[%parallel_loop3A_119], %broadcast_in_dim3A_10 masked %parallel_loop3A_123 {add = true} : memref<65536xi32, #tpu.memory_space<vmem>>[vector<16xi32>], vector<16xi32>, vector<16xi1>
      } {sc.loop_unroll_factor = 16 : i64, sc.parallel_access}
      %add3A_94 = arith.constant 2 : i32
      %add3A_95 = arith.addi %add3A_89, %add3A_94 : i32
      %lt3A = arith.constant 32 : i32
      %lt3A_96 = arith.cmpi slt, %add3A_95, %lt3A : i32
      %convert_element_type3A = arith.extui %lt3A_96 : i1 to i32
      %cond3A = arith.constant 0 : i32
      %cond3A_97 = arith.cmpi ne, %convert_element_type3A, %cond3A : i32
      scf.if %cond3A_97 {
        %add3A_110 = arith.constant 2 : i32
        %add3A_111 = arith.addi %add3A_89, %add3A_110 : i32
        %mul3A_112 = arith.constant 16384 : i32
        %mul3A_113 = arith.muli %add3A_111, %mul3A_112 : i32
        %add3A_114 = arith.addi %mul3A_2, %mul3A_113 : i32
        %multiple_of3A = tpu.assume_multiple %add3A_114, 16384 : i32
        %dma_start3A_115 = tpu.memref_slice %arg2[%multiple_of3A] : memref<16777216xi32, #tpu.memory_space<hbm>> -> memref<16384xi32, #tpu.memory_space<hbm>>
        %dma_start3A_116 = tpu.memref_slice %arg2[%multiple_of3A] : memref<16777216xi32, #tpu.memory_space<hbm>> -> memref<16384xi32, #tpu.memory_space<hbm>>
        tpu.enqueue_dma source(%dma_start3A_116 : memref<16384xi32, #tpu.memory_space<hbm>>) target(%arg5 : memref<16384xi32, #tpu.memory_space<vmem>>) target_semaphore(%arg9 : memref<!tpu.dma_semaphore, #tpu.memory_space<semaphore_mem>>)
      } else {
      }
      %dma_wait3A_98 = tpu.memref_slice %arg2[%mul3A_2] : memref<16777216xi32, #tpu.memory_space<hbm>> -> memref<16384xi32, #tpu.memory_space<hbm>>
      %dma_wait3A_99 = tpu.memref_slice %arg2[%mul3A_2] : memref<16777216xi32, #tpu.memory_space<hbm>> -> memref<16384xi32, #tpu.memory_space<hbm>>
      tpu.wait_dma2 semaphore(%arg10 : memref<!tpu.dma_semaphore, #tpu.memory_space<semaphore_mem>>) src(%dma_wait3A_99 : memref<16384xi32, #tpu.memory_space<hbm>>) dst(%arg6 : memref<16384xi32, #tpu.memory_space<vmem>>)
      %parallel_loop3A_100 = arith.constant 0 : i32
      %parallel_loop3A_101 = arith.constant 16384 : i32
      %parallel_loop3A_102 = arith.constant 16 : i32
      scf.for %parallel_loop3A_110 = %parallel_loop3A_100 to %parallel_loop3A_101 step %parallel_loop3A_102  : i32 {
        %parallel_loop3A_111 = arith.index_cast %parallel_loop3A_110 : i32 to index
        %parallel_loop3A_112 = tpu.vector_load %arg6[%parallel_loop3A_111] {strides = array<i32>} : memref<16384xi32, #tpu.memory_space<vmem>>, vector<16xi32>,
        %parallel_loop3A_113 = arith.constant 8 : i32
        %parallel_loop3A_114 = vector.broadcast %parallel_loop3A_113 : i32 to vector<16xi32>
        %parallel_loop3A_115 = arith.shrui %parallel_loop3A_112, %parallel_loop3A_114 : vector<16xi32>
        %parallel_loop3A_116 = arith.constant 4095 : i32
        %parallel_loop3A_117 = vector.broadcast %parallel_loop3A_116 : i32 to vector<16xi32>
        %parallel_loop3A_118 = arith.andi %parallel_loop3A_115, %parallel_loop3A_117 : vector<16xi32>
        %parallel_loop3A_119 = arith.addi %mul3A_8, %parallel_loop3A_118 : vector<16xi32>
        %parallel_loop3A_120 = arith.constant 20 : i32
        %parallel_loop3A_121 = vector.broadcast %parallel_loop3A_120 : i32 to vector<16xi32>
        %parallel_loop3A_122 = arith.shrui %parallel_loop3A_112, %parallel_loop3A_121 : vector<16xi32>
        %parallel_loop3A_123 = arith.cmpi eq, %parallel_loop3A_122, %bitcast3A : vector<16xi32>
        tpu.vector_store_idx %arg7[%parallel_loop3A_119], %broadcast_in_dim3A_10 masked %parallel_loop3A_123 {add = true} : memref<65536xi32, #tpu.memory_space<vmem>>[vector<16xi32>], vector<16xi32>, vector<16xi1>
      } {sc.loop_unroll_factor = 16 : i64, sc.parallel_access}
      %add3A_103 = arith.constant 3 : i32
      %add3A_104 = arith.addi %add3A_89, %add3A_103 : i32
      %lt3A_105 = arith.constant 32 : i32
      %lt3A_106 = arith.cmpi slt, %add3A_104, %lt3A_105 : i32
      %convert_element_type3A_107 = arith.extui %lt3A_106 : i1 to i32
      %cond3A_108 = arith.constant 0 : i32
      %cond3A_109 = arith.cmpi ne, %convert_element_type3A_107, %cond3A_108 : i32
      scf.if %cond3A_109 {
        %add3A_110 = arith.constant 3 : i32
        %add3A_111 = arith.addi %add3A_89, %add3A_110 : i32
        %mul3A_112 = arith.constant 16384 : i32
        %mul3A_113 = arith.muli %add3A_111, %mul3A_112 : i32
        %add3A_114 = arith.addi %mul3A_2, %mul3A_113 : i32
        %multiple_of3A = tpu.assume_multiple %add3A_114, 16384 : i32
        %dma_start3A_115 = tpu.memref_slice %arg2[%multiple_of3A] : memref<16777216xi32, #tpu.memory_space<hbm>> -> memref<16384xi32, #tpu.memory_space<hbm>>
        %dma_start3A_116 = tpu.memref_slice %arg2[%multiple_of3A] : memref<16777216xi32, #tpu.memory_space<hbm>> -> memref<16384xi32, #tpu.memory_space<hbm>>
        tpu.enqueue_dma source(%dma_start3A_116 : memref<16384xi32, #tpu.memory_space<hbm>>) target(%arg6 : memref<16384xi32, #tpu.memory_space<vmem>>) target_semaphore(%arg10 : memref<!tpu.dma_semaphore, #tpu.memory_space<semaphore_mem>>)
      } else {
      }
    }
    %scan3A_20 = arith.constant 16 : i32
    %mul3A_21 = arith.constant 16 : i32
    %mul3A_22 = arith.muli %add3A, %mul3A_21 : i32
    %add3A_23 = arith.constant 0 : i32
    %add3A_24 = arith.addi %mul3A_22, %add3A_23 : i32
    "tpu.region"() ({
      %run_scoped3A = tpu.sem_alloc : memref<!tpu.dma_semaphore, #tpu.memory_space<semaphore_mem>>
      %dma_start3A_85 = arith.constant 0 : i32
      %dma_start3A_86 = tpu.memref_slice %arg7[%dma_start3A_85] : memref<65536xi32, #tpu.memory_space<vmem>> -> memref<4096xi32, #tpu.memory_space<vmem>>
      %dma_start3A_87 = arith.constant 0 : i32
      %dma_start3A_88 = tpu.memref_slice %arg4[%add3A_24, %dma_start3A_87] : memref<512x4096xi32, #tpu.memory_space<hbm>> -> memref<1x4096xi32, #tpu.memory_space<hbm>>
      %dma_start3A_89 = tpu.memref_squeeze %dma_start3A_88 : memref<1x4096xi32, #tpu.memory_space<hbm>> -> memref<4096xi32, #tpu.memory_space<hbm>>
      %dma_start3A_90 = arith.constant 0 : i32
      %dma_start3A_91 = tpu.memref_slice %arg4[%add3A_24, %dma_start3A_90] : memref<512x4096xi32, #tpu.memory_space<hbm>> -> memref<1x4096xi32, #tpu.memory_space<hbm>>
      %dma_start3A_92 = tpu.memref_squeeze %dma_start3A_91 : memref<1x4096xi32, #tpu.memory_space<hbm>> -> memref<4096xi32, #tpu.memory_space<hbm>>
      %dma_start3A_93 = arith.constant 0 : i32
      %dma_start3A_94 = tpu.memref_slice %arg7[%dma_start3A_93] : memref<65536xi32, #tpu.memory_space<vmem>> -> memref<4096xi32, #tpu.memory_space<vmem>>
      tpu.enqueue_dma source(%dma_start3A_94 : memref<4096xi32, #tpu.memory_space<vmem>>) target(%dma_start3A_92 : memref<4096xi32, #tpu.memory_space<hbm>>) target_semaphore(%run_scoped3A : memref<!tpu.dma_semaphore, #tpu.memory_space<semaphore_mem>>)
      %dma_wait3A = arith.constant 0 : i32
      %dma_wait3A_95 = tpu.memref_slice %arg7[%dma_wait3A] : memref<65536xi32, #tpu.memory_space<vmem>> -> memref<4096xi32, #tpu.memory_space<vmem>>
      %dma_wait3A_96 = arith.constant 0 : i32
      %dma_wait3A_97 = tpu.memref_slice %arg4[%add3A_24, %dma_wait3A_96] : memref<512x4096xi32, #tpu.memory_space<hbm>> -> memref<1x4096xi32, #tpu.memory_space<hbm>>
      %dma_wait3A_98 = tpu.memref_squeeze %dma_wait3A_97 : memref<1x4096xi32, #tpu.memory_space<hbm>> -> memref<4096xi32, #tpu.memory_space<hbm>>
      %dma_wait3A_99 = arith.constant 0 : i32
      %dma_wait3A_100 = tpu.memref_slice %arg4[%add3A_24, %dma_wait3A_99] : memref<512x4096xi32, #tpu.memory_space<hbm>> -> memref<1x4096xi32, #tpu.memory_space<hbm>>
      %dma_wait3A_101 = tpu.memref_squeeze %dma_wait3A_100 : memref<1x4096xi32, #tpu.memory_space<hbm>> -> memref<4096xi32, #tpu.memory_space<hbm>>
      %dma_wait3A_102 = arith.constant 0 : i32
      %dma_wait3A_103 = tpu.memref_slice %arg7[%dma_wait3A_102] : memref<65536xi32, #tpu.memory_space<vmem>> -> memref<4096xi32, #tpu.memory_space<vmem>>
      tpu.wait_dma2 semaphore(%run_scoped3A : memref<!tpu.dma_semaphore, #tpu.memory_space<semaphore_mem>>) src(%dma_wait3A_103 : memref<4096xi32, #tpu.memory_space<vmem>>) dst(%dma_wait3A_101 : memref<4096xi32, #tpu.memory_space<hbm>>)
      tpu.yield
    }) : () -> ()
    %mul3A_25 = arith.constant 16 : i32
    %mul3A_26 = arith.muli %add3A, %mul3A_25 : i32
    %add3A_27 = arith.constant 1 : i32
    %add3A_28 = arith.addi %mul3A_26, %add3A_27 : i32
    "tpu.region"() ({
      %run_scoped3A = tpu.sem_alloc : memref<!tpu.dma_semaphore, #tpu.memory_space<semaphore_mem>>
      %dma_start3A_85 = arith.constant 4096 : i32
      %dma_start3A_86 = tpu.memref_slice %arg7[%dma_start3A_85] : memref<65536xi32, #tpu.memory_space<vmem>> -> memref<4096xi32, #tpu.memory_space<vmem>>
      %dma_start3A_87 = arith.constant 0 : i32
      %dma_start3A_88 = tpu.memref_slice %arg4[%add3A_28, %dma_start3A_87] : memref<512x4096xi32, #tpu.memory_space<hbm>> -> memref<1x4096xi32, #tpu.memory_space<hbm>>
      %dma_start3A_89 = tpu.memref_squeeze %dma_start3A_88 : memref<1x4096xi32, #tpu.memory_space<hbm>> -> memref<4096xi32, #tpu.memory_space<hbm>>
      %dma_start3A_90 = arith.constant 0 : i32
      %dma_start3A_91 = tpu.memref_slice %arg4[%add3A_28, %dma_start3A_90] : memref<512x4096xi32, #tpu.memory_space<hbm>> -> memref<1x4096xi32, #tpu.memory_space<hbm>>
      %dma_start3A_92 = tpu.memref_squeeze %dma_start3A_91 : memref<1x4096xi32, #tpu.memory_space<hbm>> -> memref<4096xi32, #tpu.memory_space<hbm>>
      %dma_start3A_93 = arith.constant 4096 : i32
      %dma_start3A_94 = tpu.memref_slice %arg7[%dma_start3A_93] : memref<65536xi32, #tpu.memory_space<vmem>> -> memref<4096xi32, #tpu.memory_space<vmem>>
      tpu.enqueue_dma source(%dma_start3A_94 : memref<4096xi32, #tpu.memory_space<vmem>>) target(%dma_start3A_92 : memref<4096xi32, #tpu.memory_space<hbm>>) target_semaphore(%run_scoped3A : memref<!tpu.dma_semaphore, #tpu.memory_space<semaphore_mem>>)
      %dma_wait3A = arith.constant 4096 : i32
      %dma_wait3A_95 = tpu.memref_slice %arg7[%dma_wait3A] : memref<65536xi32, #tpu.memory_space<vmem>> -> memref<4096xi32, #tpu.memory_space<vmem>>
      %dma_wait3A_96 = arith.constant 0 : i32
      %dma_wait3A_97 = tpu.memref_slice %arg4[%add3A_28, %dma_wait3A_96] : memref<512x4096xi32, #tpu.memory_space<hbm>> -> memref<1x4096xi32, #tpu.memory_space<hbm>>
      %dma_wait3A_98 = tpu.memref_squeeze %dma_wait3A_97 : memref<1x4096xi32, #tpu.memory_space<hbm>> -> memref<4096xi32, #tpu.memory_space<hbm>>
      %dma_wait3A_99 = arith.constant 0 : i32
      %dma_wait3A_100 = tpu.memref_slice %arg4[%add3A_28, %dma_wait3A_99] : memref<512x4096xi32, #tpu.memory_space<hbm>> -> memref<1x4096xi32, #tpu.memory_space<hbm>>
      %dma_wait3A_101 = tpu.memref_squeeze %dma_wait3A_100 : memref<1x4096xi32, #tpu.memory_space<hbm>> -> memref<4096xi32, #tpu.memory_space<hbm>>
      %dma_wait3A_102 = arith.constant 4096 : i32
      %dma_wait3A_103 = tpu.memref_slice %arg7[%dma_wait3A_102] : memref<65536xi32, #tpu.memory_space<vmem>> -> memref<4096xi32, #tpu.memory_space<vmem>>
      tpu.wait_dma2 semaphore(%run_scoped3A : memref<!tpu.dma_semaphore, #tpu.memory_space<semaphore_mem>>) src(%dma_wait3A_103 : memref<4096xi32, #tpu.memory_space<vmem>>) dst(%dma_wait3A_101 : memref<4096xi32, #tpu.memory_space<hbm>>)
      tpu.yield
    }) : () -> ()
    %mul3A_29 = arith.constant 16 : i32
    %mul3A_30 = arith.muli %add3A, %mul3A_29 : i32
    %add3A_31 = arith.constant 2 : i32
    %add3A_32 = arith.addi %mul3A_30, %add3A_31 : i32
    "tpu.region"() ({
      %run_scoped3A = tpu.sem_alloc : memref<!tpu.dma_semaphore, #tpu.memory_space<semaphore_mem>>
      %dma_start3A_85 = arith.constant 8192 : i32
      %dma_start3A_86 = tpu.memref_slice %arg7[%dma_start3A_85] : memref<65536xi32, #tpu.memory_space<vmem>> -> memref<4096xi32, #tpu.memory_space<vmem>>
      %dma_start3A_87 = arith.constant 0 : i32
      %dma_start3A_88 = tpu.memref_slice %arg4[%add3A_32, %dma_start3A_87] : memref<512x4096xi32, #tpu.memory_space<hbm>> -> memref<1x4096xi32, #tpu.memory_space<hbm>>
      %dma_start3A_89 = tpu.memref_squeeze %dma_start3A_88 : memref<1x4096xi32, #tpu.memory_space<hbm>> -> memref<4096xi32, #tpu.memory_space<hbm>>
      %dma_start3A_90 = arith.constant 0 : i32
      %dma_start3A_91 = tpu.memref_slice %arg4[%add3A_32, %dma_start3A_90] : memref<512x4096xi32, #tpu.memory_space<hbm>> -> memref<1x4096xi32, #tpu.memory_space<hbm>>
      %dma_start3A_92 = tpu.memref_squeeze %dma_start3A_91 : memref<1x4096xi32, #tpu.memory_space<hbm>> -> memref<4096xi32, #tpu.memory_space<hbm>>
      %dma_start3A_93 = arith.constant 8192 : i32
      %dma_start3A_94 = tpu.memref_slice %arg7[%dma_start3A_93] : memref<65536xi32, #tpu.memory_space<vmem>> -> memref<4096xi32, #tpu.memory_space<vmem>>
      tpu.enqueue_dma source(%dma_start3A_94 : memref<4096xi32, #tpu.memory_space<vmem>>) target(%dma_start3A_92 : memref<4096xi32, #tpu.memory_space<hbm>>) target_semaphore(%run_scoped3A : memref<!tpu.dma_semaphore, #tpu.memory_space<semaphore_mem>>)
      %dma_wait3A = arith.constant 8192 : i32
      %dma_wait3A_95 = tpu.memref_slice %arg7[%dma_wait3A] : memref<65536xi32, #tpu.memory_space<vmem>> -> memref<4096xi32, #tpu.memory_space<vmem>>
      %dma_wait3A_96 = arith.constant 0 : i32
      %dma_wait3A_97 = tpu.memref_slice %arg4[%add3A_32, %dma_wait3A_96] : memref<512x4096xi32, #tpu.memory_space<hbm>> -> memref<1x4096xi32, #tpu.memory_space<hbm>>
      %dma_wait3A_98 = tpu.memref_squeeze %dma_wait3A_97 : memref<1x4096xi32, #tpu.memory_space<hbm>> -> memref<4096xi32, #tpu.memory_space<hbm>>
      %dma_wait3A_99 = arith.constant 0 : i32
      %dma_wait3A_100 = tpu.memref_slice %arg4[%add3A_32, %dma_wait3A_99] : memref<512x4096xi32, #tpu.memory_space<hbm>> -> memref<1x4096xi32, #tpu.memory_space<hbm>>
      %dma_wait3A_101 = tpu.memref_squeeze %dma_wait3A_100 : memref<1x4096xi32, #tpu.memory_space<hbm>> -> memref<4096xi32, #tpu.memory_space<hbm>>
      %dma_wait3A_102 = arith.constant 8192 : i32
      %dma_wait3A_103 = tpu.memref_slice %arg7[%dma_wait3A_102] : memref<65536xi32, #tpu.memory_space<vmem>> -> memref<4096xi32, #tpu.memory_space<vmem>>
      tpu.wait_dma2 semaphore(%run_scoped3A : memref<!tpu.dma_semaphore, #tpu.memory_space<semaphore_mem>>) src(%dma_wait3A_103 : memref<4096xi32, #tpu.memory_space<vmem>>) dst(%dma_wait3A_101 : memref<4096xi32, #tpu.memory_space<hbm>>)
      tpu.yield
    }) : () -> ()
    %mul3A_33 = arith.constant 16 : i32
    %mul3A_34 = arith.muli %add3A, %mul3A_33 : i32
    %add3A_35 = arith.constant 3 : i32
    %add3A_36 = arith.addi %mul3A_34, %add3A_35 : i32
    "tpu.region"() ({
      %run_scoped3A = tpu.sem_alloc : memref<!tpu.dma_semaphore, #tpu.memory_space<semaphore_mem>>
      %dma_start3A_85 = arith.constant 12288 : i32
      %dma_start3A_86 = tpu.memref_slice %arg7[%dma_start3A_85] : memref<65536xi32, #tpu.memory_space<vmem>> -> memref<4096xi32, #tpu.memory_space<vmem>>
      %dma_start3A_87 = arith.constant 0 : i32
      %dma_start3A_88 = tpu.memref_slice %arg4[%add3A_36, %dma_start3A_87] : memref<512x4096xi32, #tpu.memory_space<hbm>> -> memref<1x4096xi32, #tpu.memory_space<hbm>>
      %dma_start3A_89 = tpu.memref_squeeze %dma_start3A_88 : memref<1x4096xi32, #tpu.memory_space<hbm>> -> memref<4096xi32, #tpu.memory_space<hbm>>
      %dma_start3A_90 = arith.constant 0 : i32
      %dma_start3A_91 = tpu.memref_slice %arg4[%add3A_36, %dma_start3A_90] : memref<512x4096xi32, #tpu.memory_space<hbm>> -> memref<1x4096xi32, #tpu.memory_space<hbm>>
      %dma_start3A_92 = tpu.memref_squeeze %dma_start3A_91 : memref<1x4096xi32, #tpu.memory_space<hbm>> -> memref<4096xi32, #tpu.memory_space<hbm>>
      %dma_start3A_93 = arith.constant 12288 : i32
      %dma_start3A_94 = tpu.memref_slice %arg7[%dma_start3A_93] : memref<65536xi32, #tpu.memory_space<vmem>> -> memref<4096xi32, #tpu.memory_space<vmem>>
      tpu.enqueue_dma source(%dma_start3A_94 : memref<4096xi32, #tpu.memory_space<vmem>>) target(%dma_start3A_92 : memref<4096xi32, #tpu.memory_space<hbm>>) target_semaphore(%run_scoped3A : memref<!tpu.dma_semaphore, #tpu.memory_space<semaphore_mem>>)
      %dma_wait3A = arith.constant 12288 : i32
      %dma_wait3A_95 = tpu.memref_slice %arg7[%dma_wait3A] : memref<65536xi32, #tpu.memory_space<vmem>> -> memref<4096xi32, #tpu.memory_space<vmem>>
      %dma_wait3A_96 = arith.constant 0 : i32
      %dma_wait3A_97 = tpu.memref_slice %arg4[%add3A_36, %dma_wait3A_96] : memref<512x4096xi32, #tpu.memory_space<hbm>> -> memref<1x4096xi32, #tpu.memory_space<hbm>>
      %dma_wait3A_98 = tpu.memref_squeeze %dma_wait3A_97 : memref<1x4096xi32, #tpu.memory_space<hbm>> -> memref<4096xi32, #tpu.memory_space<hbm>>
      %dma_wait3A_99 = arith.constant 0 : i32
      %dma_wait3A_100 = tpu.memref_slice %arg4[%add3A_36, %dma_wait3A_99] : memref<512x4096xi32, #tpu.memory_space<hbm>> -> memref<1x4096xi32, #tpu.memory_space<hbm>>
      %dma_wait3A_101 = tpu.memref_squeeze %dma_wait3A_100 : memref<1x4096xi32, #tpu.memory_space<hbm>> -> memref<4096xi32, #tpu.memory_space<hbm>>
      %dma_wait3A_102 = arith.constant 12288 : i32
      %dma_wait3A_103 = tpu.memref_slice %arg7[%dma_wait3A_102] : memref<65536xi32, #tpu.memory_space<vmem>> -> memref<4096xi32, #tpu.memory_space<vmem>>
      tpu.wait_dma2 semaphore(%run_scoped3A : memref<!tpu.dma_semaphore, #tpu.memory_space<semaphore_mem>>) src(%dma_wait3A_103 : memref<4096xi32, #tpu.memory_space<vmem>>) dst(%dma_wait3A_101 : memref<4096xi32, #tpu.memory_space<hbm>>)
      tpu.yield
    }) : () -> ()
    %mul3A_37 = arith.constant 16 : i32
    %mul3A_38 = arith.muli %add3A, %mul3A_37 : i32
    %add3A_39 = arith.constant 4 : i32
    %add3A_40 = arith.addi %mul3A_38, %add3A_39 : i32
    "tpu.region"() ({
      %run_scoped3A = tpu.sem_alloc : memref<!tpu.dma_semaphore, #tpu.memory_space<semaphore_mem>>
      %dma_start3A_85 = arith.constant 16384 : i32
      %dma_start3A_86 = tpu.memref_slice %arg7[%dma_start3A_85] : memref<65536xi32, #tpu.memory_space<vmem>> -> memref<4096xi32, #tpu.memory_space<vmem>>
      %dma_start3A_87 = arith.constant 0 : i32
      %dma_start3A_88 = tpu.memref_slice %arg4[%add3A_40, %dma_start3A_87] : memref<512x4096xi32, #tpu.memory_space<hbm>> -> memref<1x4096xi32, #tpu.memory_space<hbm>>
      %dma_start3A_89 = tpu.memref_squeeze %dma_start3A_88 : memref<1x4096xi32, #tpu.memory_space<hbm>> -> memref<4096xi32, #tpu.memory_space<hbm>>
      %dma_start3A_90 = arith.constant 0 : i32
      %dma_start3A_91 = tpu.memref_slice %arg4[%add3A_40, %dma_start3A_90] : memref<512x4096xi32, #tpu.memory_space<hbm>> -> memref<1x4096xi32, #tpu.memory_space<hbm>>
      %dma_start3A_92 = tpu.memref_squeeze %dma_start3A_91 : memref<1x4096xi32, #tpu.memory_space<hbm>> -> memref<4096xi32, #tpu.memory_space<hbm>>
      %dma_start3A_93 = arith.constant 16384 : i32
      %dma_start3A_94 = tpu.memref_slice %arg7[%dma_start3A_93] : memref<65536xi32, #tpu.memory_space<vmem>> -> memref<4096xi32, #tpu.memory_space<vmem>>
      tpu.enqueue_dma source(%dma_start3A_94 : memref<4096xi32, #tpu.memory_space<vmem>>) target(%dma_start3A_92 : memref<4096xi32, #tpu.memory_space<hbm>>) target_semaphore(%run_scoped3A : memref<!tpu.dma_semaphore, #tpu.memory_space<semaphore_mem>>)
      %dma_wait3A = arith.constant 16384 : i32
      %dma_wait3A_95 = tpu.memref_slice %arg7[%dma_wait3A] : memref<65536xi32, #tpu.memory_space<vmem>> -> memref<4096xi32, #tpu.memory_space<vmem>>
      %dma_wait3A_96 = arith.constant 0 : i32
      %dma_wait3A_97 = tpu.memref_slice %arg4[%add3A_40, %dma_wait3A_96] : memref<512x4096xi32, #tpu.memory_space<hbm>> -> memref<1x4096xi32, #tpu.memory_space<hbm>>
      %dma_wait3A_98 = tpu.memref_squeeze %dma_wait3A_97 : memref<1x4096xi32, #tpu.memory_space<hbm>> -> memref<4096xi32, #tpu.memory_space<hbm>>
      %dma_wait3A_99 = arith.constant 0 : i32
      %dma_wait3A_100 = tpu.memref_slice %arg4[%add3A_40, %dma_wait3A_99] : memref<512x4096xi32, #tpu.memory_space<hbm>> -> memref<1x4096xi32, #tpu.memory_space<hbm>>
      %dma_wait3A_101 = tpu.memref_squeeze %dma_wait3A_100 : memref<1x4096xi32, #tpu.memory_space<hbm>> -> memref<4096xi32, #tpu.memory_space<hbm>>
      %dma_wait3A_102 = arith.constant 16384 : i32
      %dma_wait3A_103 = tpu.memref_slice %arg7[%dma_wait3A_102] : memref<65536xi32, #tpu.memory_space<vmem>> -> memref<4096xi32, #tpu.memory_space<vmem>>
      tpu.wait_dma2 semaphore(%run_scoped3A : memref<!tpu.dma_semaphore, #tpu.memory_space<semaphore_mem>>) src(%dma_wait3A_103 : memref<4096xi32, #tpu.memory_space<vmem>>) dst(%dma_wait3A_101 : memref<4096xi32, #tpu.memory_space<hbm>>)
      tpu.yield
    }) : () -> ()
    %mul3A_41 = arith.constant 16 : i32
    %mul3A_42 = arith.muli %add3A, %mul3A_41 : i32
    %add3A_43 = arith.constant 5 : i32
    %add3A_44 = arith.addi %mul3A_42, %add3A_43 : i32
    "tpu.region"() ({
      %run_scoped3A = tpu.sem_alloc : memref<!tpu.dma_semaphore, #tpu.memory_space<semaphore_mem>>
      %dma_start3A_85 = arith.constant 20480 : i32
      %dma_start3A_86 = tpu.memref_slice %arg7[%dma_start3A_85] : memref<65536xi32, #tpu.memory_space<vmem>> -> memref<4096xi32, #tpu.memory_space<vmem>>
      %dma_start3A_87 = arith.constant 0 : i32
      %dma_start3A_88 = tpu.memref_slice %arg4[%add3A_44, %dma_start3A_87] : memref<512x4096xi32, #tpu.memory_space<hbm>> -> memref<1x4096xi32, #tpu.memory_space<hbm>>
      %dma_start3A_89 = tpu.memref_squeeze %dma_start3A_88 : memref<1x4096xi32, #tpu.memory_space<hbm>> -> memref<4096xi32, #tpu.memory_space<hbm>>
      %dma_start3A_90 = arith.constant 0 : i32
      %dma_start3A_91 = tpu.memref_slice %arg4[%add3A_44, %dma_start3A_90] : memref<512x4096xi32, #tpu.memory_space<hbm>> -> memref<1x4096xi32, #tpu.memory_space<hbm>>
      %dma_start3A_92 = tpu.memref_squeeze %dma_start3A_91 : memref<1x4096xi32, #tpu.memory_space<hbm>> -> memref<4096xi32, #tpu.memory_space<hbm>>
      %dma_start3A_93 = arith.constant 20480 : i32
      %dma_start3A_94 = tpu.memref_slice %arg7[%dma_start3A_93] : memref<65536xi32, #tpu.memory_space<vmem>> -> memref<4096xi32, #tpu.memory_space<vmem>>
      tpu.enqueue_dma source(%dma_start3A_94 : memref<4096xi32, #tpu.memory_space<vmem>>) target(%dma_start3A_92 : memref<4096xi32, #tpu.memory_space<hbm>>) target_semaphore(%run_scoped3A : memref<!tpu.dma_semaphore, #tpu.memory_space<semaphore_mem>>)
      %dma_wait3A = arith.constant 20480 : i32
      %dma_wait3A_95 = tpu.memref_slice %arg7[%dma_wait3A] : memref<65536xi32, #tpu.memory_space<vmem>> -> memref<4096xi32, #tpu.memory_space<vmem>>
      %dma_wait3A_96 = arith.constant 0 : i32
      %dma_wait3A_97 = tpu.memref_slice %arg4[%add3A_44, %dma_wait3A_96] : memref<512x4096xi32, #tpu.memory_space<hbm>> -> memref<1x4096xi32, #tpu.memory_space<hbm>>
      %dma_wait3A_98 = tpu.memref_squeeze %dma_wait3A_97 : memref<1x4096xi32, #tpu.memory_space<hbm>> -> memref<4096xi32, #tpu.memory_space<hbm>>
      %dma_wait3A_99 = arith.constant 0 : i32
      %dma_wait3A_100 = tpu.memref_slice %arg4[%add3A_44, %dma_wait3A_99] : memref<512x4096xi32, #tpu.memory_space<hbm>> -> memref<1x4096xi32, #tpu.memory_space<hbm>>
      %dma_wait3A_101 = tpu.memref_squeeze %dma_wait3A_100 : memref<1x4096xi32, #tpu.memory_space<hbm>> -> memref<4096xi32, #tpu.memory_space<hbm>>
      %dma_wait3A_102 = arith.constant 20480 : i32
      %dma_wait3A_103 = tpu.memref_slice %arg7[%dma_wait3A_102] : memref<65536xi32, #tpu.memory_space<vmem>> -> memref<4096xi32, #tpu.memory_space<vmem>>
      tpu.wait_dma2 semaphore(%run_scoped3A : memref<!tpu.dma_semaphore, #tpu.memory_space<semaphore_mem>>) src(%dma_wait3A_103 : memref<4096xi32, #tpu.memory_space<vmem>>) dst(%dma_wait3A_101 : memref<4096xi32, #tpu.memory_space<hbm>>)
      tpu.yield
    }) : () -> ()
    %mul3A_45 = arith.constant 16 : i32
    %mul3A_46 = arith.muli %add3A, %mul3A_45 : i32
    %add3A_47 = arith.constant 6 : i32
    %add3A_48 = arith.addi %mul3A_46, %add3A_47 : i32
    "tpu.region"() ({
      %run_scoped3A = tpu.sem_alloc : memref<!tpu.dma_semaphore, #tpu.memory_space<semaphore_mem>>
      %dma_start3A_85 = arith.constant 24576 : i32
      %dma_start3A_86 = tpu.memref_slice %arg7[%dma_start3A_85] : memref<65536xi32, #tpu.memory_space<vmem>> -> memref<4096xi32, #tpu.memory_space<vmem>>
      %dma_start3A_87 = arith.constant 0 : i32
      %dma_start3A_88 = tpu.memref_slice %arg4[%add3A_48, %dma_start3A_87] : memref<512x4096xi32, #tpu.memory_space<hbm>> -> memref<1x4096xi32, #tpu.memory_space<hbm>>
      %dma_start3A_89 = tpu.memref_squeeze %dma_start3A_88 : memref<1x4096xi32, #tpu.memory_space<hbm>> -> memref<4096xi32, #tpu.memory_space<hbm>>
      %dma_start3A_90 = arith.constant 0 : i32
      %dma_start3A_91 = tpu.memref_slice %arg4[%add3A_48, %dma_start3A_90] : memref<512x4096xi32, #tpu.memory_space<hbm>> -> memref<1x4096xi32, #tpu.memory_space<hbm>>
      %dma_start3A_92 = tpu.memref_squeeze %dma_start3A_91 : memref<1x4096xi32, #tpu.memory_space<hbm>> -> memref<4096xi32, #tpu.memory_space<hbm>>
      %dma_start3A_93 = arith.constant 24576 : i32
      %dma_start3A_94 = tpu.memref_slice %arg7[%dma_start3A_93] : memref<65536xi32, #tpu.memory_space<vmem>> -> memref<4096xi32, #tpu.memory_space<vmem>>
      tpu.enqueue_dma source(%dma_start3A_94 : memref<4096xi32, #tpu.memory_space<vmem>>) target(%dma_start3A_92 : memref<4096xi32, #tpu.memory_space<hbm>>) target_semaphore(%run_scoped3A : memref<!tpu.dma_semaphore, #tpu.memory_space<semaphore_mem>>)
      %dma_wait3A = arith.constant 24576 : i32
      %dma_wait3A_95 = tpu.memref_slice %arg7[%dma_wait3A] : memref<65536xi32, #tpu.memory_space<vmem>> -> memref<4096xi32, #tpu.memory_space<vmem>>
      %dma_wait3A_96 = arith.constant 0 : i32
      %dma_wait3A_97 = tpu.memref_slice %arg4[%add3A_48, %dma_wait3A_96] : memref<512x4096xi32, #tpu.memory_space<hbm>> -> memref<1x4096xi32, #tpu.memory_space<hbm>>
      %dma_wait3A_98 = tpu.memref_squeeze %dma_wait3A_97 : memref<1x4096xi32, #tpu.memory_space<hbm>> -> memref<4096xi32, #tpu.memory_space<hbm>>
      %dma_wait3A_99 = arith.constant 0 : i32
      %dma_wait3A_100 = tpu.memref_slice %arg4[%add3A_48, %dma_wait3A_99] : memref<512x4096xi32, #tpu.memory_space<hbm>> -> memref<1x4096xi32, #tpu.memory_space<hbm>>
      %dma_wait3A_101 = tpu.memref_squeeze %dma_wait3A_100 : memref<1x4096xi32, #tpu.memory_space<hbm>> -> memref<4096xi32, #tpu.memory_space<hbm>>
      %dma_wait3A_102 = arith.constant 24576 : i32
      %dma_wait3A_103 = tpu.memref_slice %arg7[%dma_wait3A_102] : memref<65536xi32, #tpu.memory_space<vmem>> -> memref<4096xi32, #tpu.memory_space<vmem>>
      tpu.wait_dma2 semaphore(%run_scoped3A : memref<!tpu.dma_semaphore, #tpu.memory_space<semaphore_mem>>) src(%dma_wait3A_103 : memref<4096xi32, #tpu.memory_space<vmem>>) dst(%dma_wait3A_101 : memref<4096xi32, #tpu.memory_space<hbm>>)
      tpu.yield
    }) : () -> ()
    %mul3A_49 = arith.constant 16 : i32
    %mul3A_50 = arith.muli %add3A, %mul3A_49 : i32
    %add3A_51 = arith.constant 7 : i32
    %add3A_52 = arith.addi %mul3A_50, %add3A_51 : i32
    "tpu.region"() ({
      %run_scoped3A = tpu.sem_alloc : memref<!tpu.dma_semaphore, #tpu.memory_space<semaphore_mem>>
      %dma_start3A_85 = arith.constant 28672 : i32
      %dma_start3A_86 = tpu.memref_slice %arg7[%dma_start3A_85] : memref<65536xi32, #tpu.memory_space<vmem>> -> memref<4096xi32, #tpu.memory_space<vmem>>
      %dma_start3A_87 = arith.constant 0 : i32
      %dma_start3A_88 = tpu.memref_slice %arg4[%add3A_52, %dma_start3A_87] : memref<512x4096xi32, #tpu.memory_space<hbm>> -> memref<1x4096xi32, #tpu.memory_space<hbm>>
      %dma_start3A_89 = tpu.memref_squeeze %dma_start3A_88 : memref<1x4096xi32, #tpu.memory_space<hbm>> -> memref<4096xi32, #tpu.memory_space<hbm>>
      %dma_start3A_90 = arith.constant 0 : i32
      %dma_start3A_91 = tpu.memref_slice %arg4[%add3A_52, %dma_start3A_90] : memref<512x4096xi32, #tpu.memory_space<hbm>> -> memref<1x4096xi32, #tpu.memory_space<hbm>>
      %dma_start3A_92 = tpu.memref_squeeze %dma_start3A_91 : memref<1x4096xi32, #tpu.memory_space<hbm>> -> memref<4096xi32, #tpu.memory_space<hbm>>
      %dma_start3A_93 = arith.constant 28672 : i32
      %dma_start3A_94 = tpu.memref_slice %arg7[%dma_start3A_93] : memref<65536xi32, #tpu.memory_space<vmem>> -> memref<4096xi32, #tpu.memory_space<vmem>>
      tpu.enqueue_dma source(%dma_start3A_94 : memref<4096xi32, #tpu.memory_space<vmem>>) target(%dma_start3A_92 : memref<4096xi32, #tpu.memory_space<hbm>>) target_semaphore(%run_scoped3A : memref<!tpu.dma_semaphore, #tpu.memory_space<semaphore_mem>>)
      %dma_wait3A = arith.constant 28672 : i32
      %dma_wait3A_95 = tpu.memref_slice %arg7[%dma_wait3A] : memref<65536xi32, #tpu.memory_space<vmem>> -> memref<4096xi32, #tpu.memory_space<vmem>>
      %dma_wait3A_96 = arith.constant 0 : i32
      %dma_wait3A_97 = tpu.memref_slice %arg4[%add3A_52, %dma_wait3A_96] : memref<512x4096xi32, #tpu.memory_space<hbm>> -> memref<1x4096xi32, #tpu.memory_space<hbm>>
      %dma_wait3A_98 = tpu.memref_squeeze %dma_wait3A_97 : memref<1x4096xi32, #tpu.memory_space<hbm>> -> memref<4096xi32, #tpu.memory_space<hbm>>
      %dma_wait3A_99 = arith.constant 0 : i32
      %dma_wait3A_100 = tpu.memref_slice %arg4[%add3A_52, %dma_wait3A_99] : memref<512x4096xi32, #tpu.memory_space<hbm>> -> memref<1x4096xi32, #tpu.memory_space<hbm>>
      %dma_wait3A_101 = tpu.memref_squeeze %dma_wait3A_100 : memref<1x4096xi32, #tpu.memory_space<hbm>> -> memref<4096xi32, #tpu.memory_space<hbm>>
      %dma_wait3A_102 = arith.constant 28672 : i32
      %dma_wait3A_103 = tpu.memref_slice %arg7[%dma_wait3A_102] : memref<65536xi32, #tpu.memory_space<vmem>> -> memref<4096xi32, #tpu.memory_space<vmem>>
      tpu.wait_dma2 semaphore(%run_scoped3A : memref<!tpu.dma_semaphore, #tpu.memory_space<semaphore_mem>>) src(%dma_wait3A_103 : memref<4096xi32, #tpu.memory_space<vmem>>) dst(%dma_wait3A_101 : memref<4096xi32, #tpu.memory_space<hbm>>)
      tpu.yield
    }) : () -> ()
    %mul3A_53 = arith.constant 16 : i32
    %mul3A_54 = arith.muli %add3A, %mul3A_53 : i32
    %add3A_55 = arith.constant 8 : i32
    %add3A_56 = arith.addi %mul3A_54, %add3A_55 : i32
    "tpu.region"() ({
      %run_scoped3A = tpu.sem_alloc : memref<!tpu.dma_semaphore, #tpu.memory_space<semaphore_mem>>
      %dma_start3A_85 = arith.constant 32768 : i32
      %dma_start3A_86 = tpu.memref_slice %arg7[%dma_start3A_85] : memref<65536xi32, #tpu.memory_space<vmem>> -> memref<4096xi32, #tpu.memory_space<vmem>>
      %dma_start3A_87 = arith.constant 0 : i32
      %dma_start3A_88 = tpu.memref_slice %arg4[%add3A_56, %dma_start3A_87] : memref<512x4096xi32, #tpu.memory_space<hbm>> -> memref<1x4096xi32, #tpu.memory_space<hbm>>
      %dma_start3A_89 = tpu.memref_squeeze %dma_start3A_88 : memref<1x4096xi32, #tpu.memory_space<hbm>> -> memref<4096xi32, #tpu.memory_space<hbm>>
      %dma_start3A_90 = arith.constant 0 : i32
      %dma_start3A_91 = tpu.memref_slice %arg4[%add3A_56, %dma_start3A_90] : memref<512x4096xi32, #tpu.memory_space<hbm>> -> memref<1x4096xi32, #tpu.memory_space<hbm>>
      %dma_start3A_92 = tpu.memref_squeeze %dma_start3A_91 : memref<1x4096xi32, #tpu.memory_space<hbm>> -> memref<4096xi32, #tpu.memory_space<hbm>>
      %dma_start3A_93 = arith.constant 32768 : i32
      %dma_start3A_94 = tpu.memref_slice %arg7[%dma_start3A_93] : memref<65536xi32, #tpu.memory_space<vmem>> -> memref<4096xi32, #tpu.memory_space<vmem>>
      tpu.enqueue_dma source(%dma_start3A_94 : memref<4096xi32, #tpu.memory_space<vmem>>) target(%dma_start3A_92 : memref<4096xi32, #tpu.memory_space<hbm>>) target_semaphore(%run_scoped3A : memref<!tpu.dma_semaphore, #tpu.memory_space<semaphore_mem>>)
      %dma_wait3A = arith.constant 32768 : i32
      %dma_wait3A_95 = tpu.memref_slice %arg7[%dma_wait3A] : memref<65536xi32, #tpu.memory_space<vmem>> -> memref<4096xi32, #tpu.memory_space<vmem>>
      %dma_wait3A_96 = arith.constant 0 : i32
      %dma_wait3A_97 = tpu.memref_slice %arg4[%add3A_56, %dma_wait3A_96] : memref<512x4096xi32, #tpu.memory_space<hbm>> -> memref<1x4096xi32, #tpu.memory_space<hbm>>
      %dma_wait3A_98 = tpu.memref_squeeze %dma_wait3A_97 : memref<1x4096xi32, #tpu.memory_space<hbm>> -> memref<4096xi32, #tpu.memory_space<hbm>>
      %dma_wait3A_99 = arith.constant 0 : i32
      %dma_wait3A_100 = tpu.memref_slice %arg4[%add3A_56, %dma_wait3A_99] : memref<512x4096xi32, #tpu.memory_space<hbm>> -> memref<1x4096xi32, #tpu.memory_space<hbm>>
      %dma_wait3A_101 = tpu.memref_squeeze %dma_wait3A_100 : memref<1x4096xi32, #tpu.memory_space<hbm>> -> memref<4096xi32, #tpu.memory_space<hbm>>
      %dma_wait3A_102 = arith.constant 32768 : i32
      %dma_wait3A_103 = tpu.memref_slice %arg7[%dma_wait3A_102] : memref<65536xi32, #tpu.memory_space<vmem>> -> memref<4096xi32, #tpu.memory_space<vmem>>
      tpu.wait_dma2 semaphore(%run_scoped3A : memref<!tpu.dma_semaphore, #tpu.memory_space<semaphore_mem>>) src(%dma_wait3A_103 : memref<4096xi32, #tpu.memory_space<vmem>>) dst(%dma_wait3A_101 : memref<4096xi32, #tpu.memory_space<hbm>>)
      tpu.yield
    }) : () -> ()
    %mul3A_57 = arith.constant 16 : i32
    %mul3A_58 = arith.muli %add3A, %mul3A_57 : i32
    %add3A_59 = arith.constant 9 : i32
    %add3A_60 = arith.addi %mul3A_58, %add3A_59 : i32
    "tpu.region"() ({
      %run_scoped3A = tpu.sem_alloc : memref<!tpu.dma_semaphore, #tpu.memory_space<semaphore_mem>>
      %dma_start3A_85 = arith.constant 36864 : i32
      %dma_start3A_86 = tpu.memref_slice %arg7[%dma_start3A_85] : memref<65536xi32, #tpu.memory_space<vmem>> -> memref<4096xi32, #tpu.memory_space<vmem>>
      %dma_start3A_87 = arith.constant 0 : i32
      %dma_start3A_88 = tpu.memref_slice %arg4[%add3A_60, %dma_start3A_87] : memref<512x4096xi32, #tpu.memory_space<hbm>> -> memref<1x4096xi32, #tpu.memory_space<hbm>>
      %dma_start3A_89 = tpu.memref_squeeze %dma_start3A_88 : memref<1x4096xi32, #tpu.memory_space<hbm>> -> memref<4096xi32, #tpu.memory_space<hbm>>
      %dma_start3A_90 = arith.constant 0 : i32
      %dma_start3A_91 = tpu.memref_slice %arg4[%add3A_60, %dma_start3A_90] : memref<512x4096xi32, #tpu.memory_space<hbm>> -> memref<1x4096xi32, #tpu.memory_space<hbm>>
      %dma_start3A_92 = tpu.memref_squeeze %dma_start3A_91 : memref<1x4096xi32, #tpu.memory_space<hbm>> -> memref<4096xi32, #tpu.memory_space<hbm>>
      %dma_start3A_93 = arith.constant 36864 : i32
      %dma_start3A_94 = tpu.memref_slice %arg7[%dma_start3A_93] : memref<65536xi32, #tpu.memory_space<vmem>> -> memref<4096xi32, #tpu.memory_space<vmem>>
      tpu.enqueue_dma source(%dma_start3A_94 : memref<4096xi32, #tpu.memory_space<vmem>>) target(%dma_start3A_92 : memref<4096xi32, #tpu.memory_space<hbm>>) target_semaphore(%run_scoped3A : memref<!tpu.dma_semaphore, #tpu.memory_space<semaphore_mem>>)
      %dma_wait3A = arith.constant 36864 : i32
      %dma_wait3A_95 = tpu.memref_slice %arg7[%dma_wait3A] : memref<65536xi32, #tpu.memory_space<vmem>> -> memref<4096xi32, #tpu.memory_space<vmem>>
      %dma_wait3A_96 = arith.constant 0 : i32
      %dma_wait3A_97 = tpu.memref_slice %arg4[%add3A_60, %dma_wait3A_96] : memref<512x4096xi32, #tpu.memory_space<hbm>> -> memref<1x4096xi32, #tpu.memory_space<hbm>>
      %dma_wait3A_98 = tpu.memref_squeeze %dma_wait3A_97 : memref<1x4096xi32, #tpu.memory_space<hbm>> -> memref<4096xi32, #tpu.memory_space<hbm>>
      %dma_wait3A_99 = arith.constant 0 : i32
      %dma_wait3A_100 = tpu.memref_slice %arg4[%add3A_60, %dma_wait3A_99] : memref<512x4096xi32, #tpu.memory_space<hbm>> -> memref<1x4096xi32, #tpu.memory_space<hbm>>
      %dma_wait3A_101 = tpu.memref_squeeze %dma_wait3A_100 : memref<1x4096xi32, #tpu.memory_space<hbm>> -> memref<4096xi32, #tpu.memory_space<hbm>>
      %dma_wait3A_102 = arith.constant 36864 : i32
      %dma_wait3A_103 = tpu.memref_slice %arg7[%dma_wait3A_102] : memref<65536xi32, #tpu.memory_space<vmem>> -> memref<4096xi32, #tpu.memory_space<vmem>>
      tpu.wait_dma2 semaphore(%run_scoped3A : memref<!tpu.dma_semaphore, #tpu.memory_space<semaphore_mem>>) src(%dma_wait3A_103 : memref<4096xi32, #tpu.memory_space<vmem>>) dst(%dma_wait3A_101 : memref<4096xi32, #tpu.memory_space<hbm>>)
      tpu.yield
    }) : () -> ()
    %mul3A_61 = arith.constant 16 : i32
    %mul3A_62 = arith.muli %add3A, %mul3A_61 : i32
    %add3A_63 = arith.constant 10 : i32
    %add3A_64 = arith.addi %mul3A_62, %add3A_63 : i32
    "tpu.region"() ({
      %run_scoped3A = tpu.sem_alloc : memref<!tpu.dma_semaphore, #tpu.memory_space<semaphore_mem>>
      %dma_start3A_85 = arith.constant 40960 : i32
      %dma_start3A_86 = tpu.memref_slice %arg7[%dma_start3A_85] : memref<65536xi32, #tpu.memory_space<vmem>> -> memref<4096xi32, #tpu.memory_space<vmem>>
      %dma_start3A_87 = arith.constant 0 : i32
      %dma_start3A_88 = tpu.memref_slice %arg4[%add3A_64, %dma_start3A_87] : memref<512x4096xi32, #tpu.memory_space<hbm>> -> memref<1x4096xi32, #tpu.memory_space<hbm>>
      %dma_start3A_89 = tpu.memref_squeeze %dma_start3A_88 : memref<1x4096xi32, #tpu.memory_space<hbm>> -> memref<4096xi32, #tpu.memory_space<hbm>>
      %dma_start3A_90 = arith.constant 0 : i32
      %dma_start3A_91 = tpu.memref_slice %arg4[%add3A_64, %dma_start3A_90] : memref<512x4096xi32, #tpu.memory_space<hbm>> -> memref<1x4096xi32, #tpu.memory_space<hbm>>
      %dma_start3A_92 = tpu.memref_squeeze %dma_start3A_91 : memref<1x4096xi32, #tpu.memory_space<hbm>> -> memref<4096xi32, #tpu.memory_space<hbm>>
      %dma_start3A_93 = arith.constant 40960 : i32
      %dma_start3A_94 = tpu.memref_slice %arg7[%dma_start3A_93] : memref<65536xi32, #tpu.memory_space<vmem>> -> memref<4096xi32, #tpu.memory_space<vmem>>
      tpu.enqueue_dma source(%dma_start3A_94 : memref<4096xi32, #tpu.memory_space<vmem>>) target(%dma_start3A_92 : memref<4096xi32, #tpu.memory_space<hbm>>) target_semaphore(%run_scoped3A : memref<!tpu.dma_semaphore, #tpu.memory_space<semaphore_mem>>)
      %dma_wait3A = arith.constant 40960 : i32
      %dma_wait3A_95 = tpu.memref_slice %arg7[%dma_wait3A] : memref<65536xi32, #tpu.memory_space<vmem>> -> memref<4096xi32, #tpu.memory_space<vmem>>
      %dma_wait3A_96 = arith.constant 0 : i32
      %dma_wait3A_97 = tpu.memref_slice %arg4[%add3A_64, %dma_wait3A_96] : memref<512x4096xi32, #tpu.memory_space<hbm>> -> memref<1x4096xi32, #tpu.memory_space<hbm>>
      %dma_wait3A_98 = tpu.memref_squeeze %dma_wait3A_97 : memref<1x4096xi32, #tpu.memory_space<hbm>> -> memref<4096xi32, #tpu.memory_space<hbm>>
      %dma_wait3A_99 = arith.constant 0 : i32
      %dma_wait3A_100 = tpu.memref_slice %arg4[%add3A_64, %dma_wait3A_99] : memref<512x4096xi32, #tpu.memory_space<hbm>> -> memref<1x4096xi32, #tpu.memory_space<hbm>>
      %dma_wait3A_101 = tpu.memref_squeeze %dma_wait3A_100 : memref<1x4096xi32, #tpu.memory_space<hbm>> -> memref<4096xi32, #tpu.memory_space<hbm>>
      %dma_wait3A_102 = arith.constant 40960 : i32
      %dma_wait3A_103 = tpu.memref_slice %arg7[%dma_wait3A_102] : memref<65536xi32, #tpu.memory_space<vmem>> -> memref<4096xi32, #tpu.memory_space<vmem>>
      tpu.wait_dma2 semaphore(%run_scoped3A : memref<!tpu.dma_semaphore, #tpu.memory_space<semaphore_mem>>) src(%dma_wait3A_103 : memref<4096xi32, #tpu.memory_space<vmem>>) dst(%dma_wait3A_101 : memref<4096xi32, #tpu.memory_space<hbm>>)
      tpu.yield
    }) : () -> ()
    %mul3A_65 = arith.constant 16 : i32
    %mul3A_66 = arith.muli %add3A, %mul3A_65 : i32
    %add3A_67 = arith.constant 11 : i32
    %add3A_68 = arith.addi %mul3A_66, %add3A_67 : i32
    "tpu.region"() ({
      %run_scoped3A = tpu.sem_alloc : memref<!tpu.dma_semaphore, #tpu.memory_space<semaphore_mem>>
      %dma_start3A_85 = arith.constant 45056 : i32
      %dma_start3A_86 = tpu.memref_slice %arg7[%dma_start3A_85] : memref<65536xi32, #tpu.memory_space<vmem>> -> memref<4096xi32, #tpu.memory_space<vmem>>
      %dma_start3A_87 = arith.constant 0 : i32
      %dma_start3A_88 = tpu.memref_slice %arg4[%add3A_68, %dma_start3A_87] : memref<512x4096xi32, #tpu.memory_space<hbm>> -> memref<1x4096xi32, #tpu.memory_space<hbm>>
      %dma_start3A_89 = tpu.memref_squeeze %dma_start3A_88 : memref<1x4096xi32, #tpu.memory_space<hbm>> -> memref<4096xi32, #tpu.memory_space<hbm>>
      %dma_start3A_90 = arith.constant 0 : i32
      %dma_start3A_91 = tpu.memref_slice %arg4[%add3A_68, %dma_start3A_90] : memref<512x4096xi32, #tpu.memory_space<hbm>> -> memref<1x4096xi32, #tpu.memory_space<hbm>>
      %dma_start3A_92 = tpu.memref_squeeze %dma_start3A_91 : memref<1x4096xi32, #tpu.memory_space<hbm>> -> memref<4096xi32, #tpu.memory_space<hbm>>
      %dma_start3A_93 = arith.constant 45056 : i32
      %dma_start3A_94 = tpu.memref_slice %arg7[%dma_start3A_93] : memref<65536xi32, #tpu.memory_space<vmem>> -> memref<4096xi32, #tpu.memory_space<vmem>>
      tpu.enqueue_dma source(%dma_start3A_94 : memref<4096xi32, #tpu.memory_space<vmem>>) target(%dma_start3A_92 : memref<4096xi32, #tpu.memory_space<hbm>>) target_semaphore(%run_scoped3A : memref<!tpu.dma_semaphore, #tpu.memory_space<semaphore_mem>>)
      %dma_wait3A = arith.constant 45056 : i32
      %dma_wait3A_95 = tpu.memref_slice %arg7[%dma_wait3A] : memref<65536xi32, #tpu.memory_space<vmem>> -> memref<4096xi32, #tpu.memory_space<vmem>>
      %dma_wait3A_96 = arith.constant 0 : i32
      %dma_wait3A_97 = tpu.memref_slice %arg4[%add3A_68, %dma_wait3A_96] : memref<512x4096xi32, #tpu.memory_space<hbm>> -> memref<1x4096xi32, #tpu.memory_space<hbm>>
      %dma_wait3A_98 = tpu.memref_squeeze %dma_wait3A_97 : memref<1x4096xi32, #tpu.memory_space<hbm>> -> memref<4096xi32, #tpu.memory_space<hbm>>
      %dma_wait3A_99 = arith.constant 0 : i32
      %dma_wait3A_100 = tpu.memref_slice %arg4[%add3A_68, %dma_wait3A_99] : memref<512x4096xi32, #tpu.memory_space<hbm>> -> memref<1x4096xi32, #tpu.memory_space<hbm>>
      %dma_wait3A_101 = tpu.memref_squeeze %dma_wait3A_100 : memref<1x4096xi32, #tpu.memory_space<hbm>> -> memref<4096xi32, #tpu.memory_space<hbm>>
      %dma_wait3A_102 = arith.constant 45056 : i32
      %dma_wait3A_103 = tpu.memref_slice %arg7[%dma_wait3A_102] : memref<65536xi32, #tpu.memory_space<vmem>> -> memref<4096xi32, #tpu.memory_space<vmem>>
      tpu.wait_dma2 semaphore(%run_scoped3A : memref<!tpu.dma_semaphore, #tpu.memory_space<semaphore_mem>>) src(%dma_wait3A_103 : memref<4096xi32, #tpu.memory_space<vmem>>) dst(%dma_wait3A_101 : memref<4096xi32, #tpu.memory_space<hbm>>)
      tpu.yield
    }) : () -> ()
    %mul3A_69 = arith.constant 16 : i32
    %mul3A_70 = arith.muli %add3A, %mul3A_69 : i32
    %add3A_71 = arith.constant 12 : i32
    %add3A_72 = arith.addi %mul3A_70, %add3A_71 : i32
    "tpu.region"() ({
      %run_scoped3A = tpu.sem_alloc : memref<!tpu.dma_semaphore, #tpu.memory_space<semaphore_mem>>
      %dma_start3A_85 = arith.constant 49152 : i32
      %dma_start3A_86 = tpu.memref_slice %arg7[%dma_start3A_85] : memref<65536xi32, #tpu.memory_space<vmem>> -> memref<4096xi32, #tpu.memory_space<vmem>>
      %dma_start3A_87 = arith.constant 0 : i32
      %dma_start3A_88 = tpu.memref_slice %arg4[%add3A_72, %dma_start3A_87] : memref<512x4096xi32, #tpu.memory_space<hbm>> -> memref<1x4096xi32, #tpu.memory_space<hbm>>
      %dma_start3A_89 = tpu.memref_squeeze %dma_start3A_88 : memref<1x4096xi32, #tpu.memory_space<hbm>> -> memref<4096xi32, #tpu.memory_space<hbm>>
      %dma_start3A_90 = arith.constant 0 : i32
      %dma_start3A_91 = tpu.memref_slice %arg4[%add3A_72, %dma_start3A_90] : memref<512x4096xi32, #tpu.memory_space<hbm>> -> memref<1x4096xi32, #tpu.memory_space<hbm>>
      %dma_start3A_92 = tpu.memref_squeeze %dma_start3A_91 : memref<1x4096xi32, #tpu.memory_space<hbm>> -> memref<4096xi32, #tpu.memory_space<hbm>>
      %dma_start3A_93 = arith.constant 49152 : i32
      %dma_start3A_94 = tpu.memref_slice %arg7[%dma_start3A_93] : memref<65536xi32, #tpu.memory_space<vmem>> -> memref<4096xi32, #tpu.memory_space<vmem>>
      tpu.enqueue_dma source(%dma_start3A_94 : memref<4096xi32, #tpu.memory_space<vmem>>) target(%dma_start3A_92 : memref<4096xi32, #tpu.memory_space<hbm>>) target_semaphore(%run_scoped3A : memref<!tpu.dma_semaphore, #tpu.memory_space<semaphore_mem>>)
      %dma_wait3A = arith.constant 49152 : i32
      %dma_wait3A_95 = tpu.memref_slice %arg7[%dma_wait3A] : memref<65536xi32, #tpu.memory_space<vmem>> -> memref<4096xi32, #tpu.memory_space<vmem>>
      %dma_wait3A_96 = arith.constant 0 : i32
      %dma_wait3A_97 = tpu.memref_slice %arg4[%add3A_72, %dma_wait3A_96] : memref<512x4096xi32, #tpu.memory_space<hbm>> -> memref<1x4096xi32, #tpu.memory_space<hbm>>
      %dma_wait3A_98 = tpu.memref_squeeze %dma_wait3A_97 : memref<1x4096xi32, #tpu.memory_space<hbm>> -> memref<4096xi32, #tpu.memory_space<hbm>>
      %dma_wait3A_99 = arith.constant 0 : i32
      %dma_wait3A_100 = tpu.memref_slice %arg4[%add3A_72, %dma_wait3A_99] : memref<512x4096xi32, #tpu.memory_space<hbm>> -> memref<1x4096xi32, #tpu.memory_space<hbm>>
      %dma_wait3A_101 = tpu.memref_squeeze %dma_wait3A_100 : memref<1x4096xi32, #tpu.memory_space<hbm>> -> memref<4096xi32, #tpu.memory_space<hbm>>
      %dma_wait3A_102 = arith.constant 49152 : i32
      %dma_wait3A_103 = tpu.memref_slice %arg7[%dma_wait3A_102] : memref<65536xi32, #tpu.memory_space<vmem>> -> memref<4096xi32, #tpu.memory_space<vmem>>
      tpu.wait_dma2 semaphore(%run_scoped3A : memref<!tpu.dma_semaphore, #tpu.memory_space<semaphore_mem>>) src(%dma_wait3A_103 : memref<4096xi32, #tpu.memory_space<vmem>>) dst(%dma_wait3A_101 : memref<4096xi32, #tpu.memory_space<hbm>>)
      tpu.yield
    }) : () -> ()
    %mul3A_73 = arith.constant 16 : i32
    %mul3A_74 = arith.muli %add3A, %mul3A_73 : i32
    %add3A_75 = arith.constant 13 : i32
    %add3A_76 = arith.addi %mul3A_74, %add3A_75 : i32
    "tpu.region"() ({
      %run_scoped3A = tpu.sem_alloc : memref<!tpu.dma_semaphore, #tpu.memory_space<semaphore_mem>>
      %dma_start3A_85 = arith.constant 53248 : i32
      %dma_start3A_86 = tpu.memref_slice %arg7[%dma_start3A_85] : memref<65536xi32, #tpu.memory_space<vmem>> -> memref<4096xi32, #tpu.memory_space<vmem>>
      %dma_start3A_87 = arith.constant 0 : i32
      %dma_start3A_88 = tpu.memref_slice %arg4[%add3A_76, %dma_start3A_87] : memref<512x4096xi32, #tpu.memory_space<hbm>> -> memref<1x4096xi32, #tpu.memory_space<hbm>>
      %dma_start3A_89 = tpu.memref_squeeze %dma_start3A_88 : memref<1x4096xi32, #tpu.memory_space<hbm>> -> memref<4096xi32, #tpu.memory_space<hbm>>
      %dma_start3A_90 = arith.constant 0 : i32
      %dma_start3A_91 = tpu.memref_slice %arg4[%add3A_76, %dma_start3A_90] : memref<512x4096xi32, #tpu.memory_space<hbm>> -> memref<1x4096xi32, #tpu.memory_space<hbm>>
      %dma_start3A_92 = tpu.memref_squeeze %dma_start3A_91 : memref<1x4096xi32, #tpu.memory_space<hbm>> -> memref<4096xi32, #tpu.memory_space<hbm>>
      %dma_start3A_93 = arith.constant 53248 : i32
      %dma_start3A_94 = tpu.memref_slice %arg7[%dma_start3A_93] : memref<65536xi32, #tpu.memory_space<vmem>> -> memref<4096xi32, #tpu.memory_space<vmem>>
      tpu.enqueue_dma source(%dma_start3A_94 : memref<4096xi32, #tpu.memory_space<vmem>>) target(%dma_start3A_92 : memref<4096xi32, #tpu.memory_space<hbm>>) target_semaphore(%run_scoped3A : memref<!tpu.dma_semaphore, #tpu.memory_space<semaphore_mem>>)
      %dma_wait3A = arith.constant 53248 : i32
      %dma_wait3A_95 = tpu.memref_slice %arg7[%dma_wait3A] : memref<65536xi32, #tpu.memory_space<vmem>> -> memref<4096xi32, #tpu.memory_space<vmem>>
      %dma_wait3A_96 = arith.constant 0 : i32
      %dma_wait3A_97 = tpu.memref_slice %arg4[%add3A_76, %dma_wait3A_96] : memref<512x4096xi32, #tpu.memory_space<hbm>> -> memref<1x4096xi32, #tpu.memory_space<hbm>>
      %dma_wait3A_98 = tpu.memref_squeeze %dma_wait3A_97 : memref<1x4096xi32, #tpu.memory_space<hbm>> -> memref<4096xi32, #tpu.memory_space<hbm>>
      %dma_wait3A_99 = arith.constant 0 : i32
      %dma_wait3A_100 = tpu.memref_slice %arg4[%add3A_76, %dma_wait3A_99] : memref<512x4096xi32, #tpu.memory_space<hbm>> -> memref<1x4096xi32, #tpu.memory_space<hbm>>
      %dma_wait3A_101 = tpu.memref_squeeze %dma_wait3A_100 : memref<1x4096xi32, #tpu.memory_space<hbm>> -> memref<4096xi32, #tpu.memory_space<hbm>>
      %dma_wait3A_102 = arith.constant 53248 : i32
      %dma_wait3A_103 = tpu.memref_slice %arg7[%dma_wait3A_102] : memref<65536xi32, #tpu.memory_space<vmem>> -> memref<4096xi32, #tpu.memory_space<vmem>>
      tpu.wait_dma2 semaphore(%run_scoped3A : memref<!tpu.dma_semaphore, #tpu.memory_space<semaphore_mem>>) src(%dma_wait3A_103 : memref<4096xi32, #tpu.memory_space<vmem>>) dst(%dma_wait3A_101 : memref<4096xi32, #tpu.memory_space<hbm>>)
      tpu.yield
    }) : () -> ()
    %mul3A_77 = arith.constant 16 : i32
    %mul3A_78 = arith.muli %add3A, %mul3A_77 : i32
    %add3A_79 = arith.constant 14 : i32
    %add3A_80 = arith.addi %mul3A_78, %add3A_79 : i32
    "tpu.region"() ({
      %run_scoped3A = tpu.sem_alloc : memref<!tpu.dma_semaphore, #tpu.memory_space<semaphore_mem>>
      %dma_start3A_85 = arith.constant 57344 : i32
      %dma_start3A_86 = tpu.memref_slice %arg7[%dma_start3A_85] : memref<65536xi32, #tpu.memory_space<vmem>> -> memref<4096xi32, #tpu.memory_space<vmem>>
      %dma_start3A_87 = arith.constant 0 : i32
      %dma_start3A_88 = tpu.memref_slice %arg4[%add3A_80, %dma_start3A_87] : memref<512x4096xi32, #tpu.memory_space<hbm>> -> memref<1x4096xi32, #tpu.memory_space<hbm>>
      %dma_start3A_89 = tpu.memref_squeeze %dma_start3A_88 : memref<1x4096xi32, #tpu.memory_space<hbm>> -> memref<4096xi32, #tpu.memory_space<hbm>>
      %dma_start3A_90 = arith.constant 0 : i32
      %dma_start3A_91 = tpu.memref_slice %arg4[%add3A_80, %dma_start3A_90] : memref<512x4096xi32, #tpu.memory_space<hbm>> -> memref<1x4096xi32, #tpu.memory_space<hbm>>
      %dma_start3A_92 = tpu.memref_squeeze %dma_start3A_91 : memref<1x4096xi32, #tpu.memory_space<hbm>> -> memref<4096xi32, #tpu.memory_space<hbm>>
      %dma_start3A_93 = arith.constant 57344 : i32
      %dma_start3A_94 = tpu.memref_slice %arg7[%dma_start3A_93] : memref<65536xi32, #tpu.memory_space<vmem>> -> memref<4096xi32, #tpu.memory_space<vmem>>
      tpu.enqueue_dma source(%dma_start3A_94 : memref<4096xi32, #tpu.memory_space<vmem>>) target(%dma_start3A_92 : memref<4096xi32, #tpu.memory_space<hbm>>) target_semaphore(%run_scoped3A : memref<!tpu.dma_semaphore, #tpu.memory_space<semaphore_mem>>)
      %dma_wait3A = arith.constant 57344 : i32
      %dma_wait3A_95 = tpu.memref_slice %arg7[%dma_wait3A] : memref<65536xi32, #tpu.memory_space<vmem>> -> memref<4096xi32, #tpu.memory_space<vmem>>
      %dma_wait3A_96 = arith.constant 0 : i32
      %dma_wait3A_97 = tpu.memref_slice %arg4[%add3A_80, %dma_wait3A_96] : memref<512x4096xi32, #tpu.memory_space<hbm>> -> memref<1x4096xi32, #tpu.memory_space<hbm>>
      %dma_wait3A_98 = tpu.memref_squeeze %dma_wait3A_97 : memref<1x4096xi32, #tpu.memory_space<hbm>> -> memref<4096xi32, #tpu.memory_space<hbm>>
      %dma_wait3A_99 = arith.constant 0 : i32
      %dma_wait3A_100 = tpu.memref_slice %arg4[%add3A_80, %dma_wait3A_99] : memref<512x4096xi32, #tpu.memory_space<hbm>> -> memref<1x4096xi32, #tpu.memory_space<hbm>>
      %dma_wait3A_101 = tpu.memref_squeeze %dma_wait3A_100 : memref<1x4096xi32, #tpu.memory_space<hbm>> -> memref<4096xi32, #tpu.memory_space<hbm>>
      %dma_wait3A_102 = arith.constant 57344 : i32
      %dma_wait3A_103 = tpu.memref_slice %arg7[%dma_wait3A_102] : memref<65536xi32, #tpu.memory_space<vmem>> -> memref<4096xi32, #tpu.memory_space<vmem>>
      tpu.wait_dma2 semaphore(%run_scoped3A : memref<!tpu.dma_semaphore, #tpu.memory_space<semaphore_mem>>) src(%dma_wait3A_103 : memref<4096xi32, #tpu.memory_space<vmem>>) dst(%dma_wait3A_101 : memref<4096xi32, #tpu.memory_space<hbm>>)
      tpu.yield
    }) : () -> ()
    %mul3A_81 = arith.constant 16 : i32
    %mul3A_82 = arith.muli %add3A, %mul3A_81 : i32
    %add3A_83 = arith.constant 15 : i32
    %add3A_84 = arith.addi %mul3A_82, %add3A_83 : i32
    "tpu.region"() ({
      %run_scoped3A = tpu.sem_alloc : memref<!tpu.dma_semaphore, #tpu.memory_space<semaphore_mem>>
      %dma_start3A_85 = arith.constant 61440 : i32
      %dma_start3A_86 = tpu.memref_slice %arg7[%dma_start3A_85] : memref<65536xi32, #tpu.memory_space<vmem>> -> memref<4096xi32, #tpu.memory_space<vmem>>
      %dma_start3A_87 = arith.constant 0 : i32
      %dma_start3A_88 = tpu.memref_slice %arg4[%add3A_84, %dma_start3A_87] : memref<512x4096xi32, #tpu.memory_space<hbm>> -> memref<1x4096xi32, #tpu.memory_space<hbm>>
      %dma_start3A_89 = tpu.memref_squeeze %dma_start3A_88 : memref<1x4096xi32, #tpu.memory_space<hbm>> -> memref<4096xi32, #tpu.memory_space<hbm>>
      %dma_start3A_90 = arith.constant 0 : i32
      %dma_start3A_91 = tpu.memref_slice %arg4[%add3A_84, %dma_start3A_90] : memref<512x4096xi32, #tpu.memory_space<hbm>> -> memref<1x4096xi32, #tpu.memory_space<hbm>>
      %dma_start3A_92 = tpu.memref_squeeze %dma_start3A_91 : memref<1x4096xi32, #tpu.memory_space<hbm>> -> memref<4096xi32, #tpu.memory_space<hbm>>
      %dma_start3A_93 = arith.constant 61440 : i32
      %dma_start3A_94 = tpu.memref_slice %arg7[%dma_start3A_93] : memref<65536xi32, #tpu.memory_space<vmem>> -> memref<4096xi32, #tpu.memory_space<vmem>>
      tpu.enqueue_dma source(%dma_start3A_94 : memref<4096xi32, #tpu.memory_space<vmem>>) target(%dma_start3A_92 : memref<4096xi32, #tpu.memory_space<hbm>>) target_semaphore(%run_scoped3A : memref<!tpu.dma_semaphore, #tpu.memory_space<semaphore_mem>>)
      %dma_wait3A = arith.constant 61440 : i32
      %dma_wait3A_95 = tpu.memref_slice %arg7[%dma_wait3A] : memref<65536xi32, #tpu.memory_space<vmem>> -> memref<4096xi32, #tpu.memory_space<vmem>>
      %dma_wait3A_96 = arith.constant 0 : i32
      %dma_wait3A_97 = tpu.memref_slice %arg4[%add3A_84, %dma_wait3A_96] : memref<512x4096xi32, #tpu.memory_space<hbm>> -> memref<1x4096xi32, #tpu.memory_space<hbm>>
      %dma_wait3A_98 = tpu.memref_squeeze %dma_wait3A_97 : memref<1x4096xi32, #tpu.memory_space<hbm>> -> memref<4096xi32, #tpu.memory_space<hbm>>
      %dma_wait3A_99 = arith.constant 0 : i32
      %dma_wait3A_100 = tpu.memref_slice %arg4[%add3A_84, %dma_wait3A_99] : memref<512x4096xi32, #tpu.memory_space<hbm>> -> memref<1x4096xi32, #tpu.memory_space<hbm>>
      %dma_wait3A_101 = tpu.memref_squeeze %dma_wait3A_100 : memref<1x4096xi32, #tpu.memory_space<hbm>> -> memref<4096xi32, #tpu.memory_space<hbm>>
      %dma_wait3A_102 = arith.constant 61440 : i32
      %dma_wait3A_103 = tpu.memref_slice %arg7[%dma_wait3A_102] : memref<65536xi32, #tpu.memory_space<vmem>> -> memref<4096xi32, #tpu.memory_space<vmem>>
      tpu.wait_dma2 semaphore(%run_scoped3A : memref<!tpu.dma_semaphore, #tpu.memory_space<semaphore_mem>>) src(%dma_wait3A_103 : memref<4096xi32, #tpu.memory_space<vmem>>) dst(%dma_wait3A_101 : memref<4096xi32, #tpu.memory_space<hbm>>)
      tpu.yield
    }) : () -> ()
    return
  }
}

#map = affine_map<(d0, d1) -> (0)>
#map1 = affine_map<(d0, d1) -> (0, 0)>
module attributes {stable_mosaic.version = 14 : i64} {
  func.func @body(%arg0: i32, %arg1: i32, %arg2: memref<16777216xi32, #tpu.memory_space<hbm>>, %arg3: memref<16xi32, #tpu.memory_space<hbm>>, %arg4: memref<512x256xi32, #tpu.memory_space<hbm>>, %arg5: memref<16384xi32, #tpu.memory_space<vmem>>, %arg6: memref<16384xi32, #tpu.memory_space<vmem>>, %arg7: memref<4096xi32, #tpu.memory_space<vmem>>, %arg8: memref<16xi32, #tpu.memory_space<vmem>>, %arg9: memref<!tpu.dma_semaphore, #tpu.memory_space<semaphore_mem>>, %arg10: memref<!tpu.dma_semaphore, #tpu.memory_space<semaphore_mem>>) attributes {dimension_semantics = [#tpu.dimension_semantics<core_parallel>, #tpu.dimension_semantics<subcore_parallel>], iteration_bounds = array<i64: 2, 16>, scalar_prefetch = 0 : i64, scratch_operands = 6 : i64, tpu.core_type = #tpu.core_type<sc_vector_subcore>, window_params = [{transform_indices = #map}, {transform_indices = #map}, {transform_indices = #map1}]} {
    %mul3A = arith.constant 2 : i32
    %mul3A_0 = arith.muli %arg1, %mul3A : i32
    %add3A = arith.addi %mul3A_0, %arg0 : i32
    %mul3A_1 = arith.constant 524288 : i32
    %mul3A_2 = arith.muli %add3A, %mul3A_1 : i32
    %broadcast_in_dim3A = arith.constant 0 : i32
    %broadcast_in_dim3A_3 = vector.broadcast %broadcast_in_dim3A : i32 to vector<16xi32>
    %parallel_loop3A = arith.constant 0 : i32
    %parallel_loop3A_4 = arith.constant 4096 : i32
    %parallel_loop3A_5 = arith.constant 16 : i32
    scf.for %parallel_loop3A_85 = %parallel_loop3A to %parallel_loop3A_4 step %parallel_loop3A_5  : i32 {
      %parallel_loop3A_86 = arith.index_cast %parallel_loop3A_85 : i32 to index
      %parallel_loop3A_87 = tpu.vector_load %arg7[%parallel_loop3A_86] {strides = array<i32>} : memref<4096xi32, #tpu.memory_space<vmem>>, vector<16xi32>,
      tpu.vector_store %arg7[%parallel_loop3A_86], %broadcast_in_dim3A_3 {strides = array<i32>} : memref<4096xi32, #tpu.memory_space<vmem>>, vector<16xi32>,
    } {sc.loop_unroll_factor = 8 : i64, sc.parallel_access}
    %iota3A = tpu.iota {dimensions = array<i32: 0>} : vector<16xi32>
    %mul3A_6 = arith.constant 256 : i32
    %mul3A_7 = vector.broadcast %mul3A_6 : i32 to vector<16xi32>
    %mul3A_8 = arith.muli %iota3A, %mul3A_7 : vector<16xi32>
    %broadcast_in_dim3A_9 = arith.constant 1 : i32
    %broadcast_in_dim3A_10 = vector.broadcast %broadcast_in_dim3A_9 : i32 to vector<16xi32>
    "tpu.region"() ({
      %run_scoped3A = tpu.sem_alloc : memref<!tpu.dma_semaphore, #tpu.memory_space<semaphore_mem>>
      tpu.enqueue_dma source(%arg3 : memref<16xi32, #tpu.memory_space<hbm>>) target(%arg8 : memref<16xi32, #tpu.memory_space<vmem>>) target_semaphore(%run_scoped3A : memref<!tpu.dma_semaphore, #tpu.memory_space<semaphore_mem>>)
      tpu.wait_dma2 semaphore(%run_scoped3A : memref<!tpu.dma_semaphore, #tpu.memory_space<semaphore_mem>>) src(%arg3 : memref<16xi32, #tpu.memory_space<hbm>>) dst(%arg8 : memref<16xi32, #tpu.memory_space<vmem>>)
      tpu.yield
    }) : () -> ()
    %get3A = arith.constant 0 : index
    %get3A_11 = tpu.vector_load %arg8[%get3A] {strides = array<i32>} : memref<16xi32, #tpu.memory_space<vmem>>, vector<16xi32>,
    %bitcast3A = vector.bitcast %get3A_11 : vector<16xi32> to vector<16xi32>
    %dma_start3A = tpu.memref_slice %arg2[%mul3A_2] : memref<16777216xi32, #tpu.memory_space<hbm>> -> memref<16384xi32, #tpu.memory_space<hbm>>
    %dma_start3A_12 = tpu.memref_slice %arg2[%mul3A_2] : memref<16777216xi32, #tpu.memory_space<hbm>> -> memref<16384xi32, #tpu.memory_space<hbm>>
    tpu.enqueue_dma source(%dma_start3A_12 : memref<16384xi32, #tpu.memory_space<hbm>>) target(%arg5 : memref<16384xi32, #tpu.memory_space<vmem>>) target_semaphore(%arg9 : memref<!tpu.dma_semaphore, #tpu.memory_space<semaphore_mem>>)
    %add3A_13 = arith.constant 16384 : i32
    %add3A_14 = arith.addi %mul3A_2, %add3A_13 : i32
    %dma_start3A_15 = tpu.memref_slice %arg2[%add3A_14] : memref<16777216xi32, #tpu.memory_space<hbm>> -> memref<16384xi32, #tpu.memory_space<hbm>>
    %dma_start3A_16 = tpu.memref_slice %arg2[%add3A_14] : memref<16777216xi32, #tpu.memory_space<hbm>> -> memref<16384xi32, #tpu.memory_space<hbm>>
    tpu.enqueue_dma source(%dma_start3A_16 : memref<16384xi32, #tpu.memory_space<hbm>>) target(%arg6 : memref<16384xi32, #tpu.memory_space<vmem>>) target_semaphore(%arg10 : memref<!tpu.dma_semaphore, #tpu.memory_space<semaphore_mem>>)
    %scan3A = arith.constant 0 : i32
    %scan3A_17 = arith.constant 16 : i32
    %scan3A_18 = arith.addi %scan3A, %scan3A_17 : i32
    %scan3A_19 = arith.constant 1 : i32
    scf.for %scan3A_85 = %scan3A to %scan3A_18 step %scan3A_19  : i32 {
      %mul3A_86 = arith.constant 2 : i32
      %mul3A_87 = arith.muli %scan3A_85, %mul3A_86 : i32
      %add3A_88 = arith.constant 0 : i32
      %add3A_89 = arith.addi %add3A_88, %mul3A_87 : i32
      %dma_wait3A = tpu.memref_slice %arg2[%mul3A_2] : memref<16777216xi32, #tpu.memory_space<hbm>> -> memref<16384xi32, #tpu.memory_space<hbm>>
      %dma_wait3A_90 = tpu.memref_slice %arg2[%mul3A_2] : memref<16777216xi32, #tpu.memory_space<hbm>> -> memref<16384xi32, #tpu.memory_space<hbm>>
      tpu.wait_dma2 semaphore(%arg9 : memref<!tpu.dma_semaphore, #tpu.memory_space<semaphore_mem>>) src(%dma_wait3A_90 : memref<16384xi32, #tpu.memory_space<hbm>>) dst(%arg5 : memref<16384xi32, #tpu.memory_space<vmem>>)
      %parallel_loop3A_91 = arith.constant 0 : i32
      %parallel_loop3A_92 = arith.constant 16384 : i32
      %parallel_loop3A_93 = arith.constant 16 : i32
      scf.for %parallel_loop3A_110 = %parallel_loop3A_91 to %parallel_loop3A_92 step %parallel_loop3A_93  : i32 {
        %parallel_loop3A_111 = arith.index_cast %parallel_loop3A_110 : i32 to index
        %parallel_loop3A_112 = tpu.vector_load %arg5[%parallel_loop3A_111] {strides = array<i32>} : memref<16384xi32, #tpu.memory_space<vmem>>, vector<16xi32>,
        %parallel_loop3A_113 = arith.constant 0 : i32
        %parallel_loop3A_114 = vector.broadcast %parallel_loop3A_113 : i32 to vector<16xi32>
        %parallel_loop3A_115 = arith.shrui %parallel_loop3A_112, %parallel_loop3A_114 : vector<16xi32>
        %parallel_loop3A_116 = arith.constant 255 : i32
        %parallel_loop3A_117 = vector.broadcast %parallel_loop3A_116 : i32 to vector<16xi32>
        %parallel_loop3A_118 = arith.andi %parallel_loop3A_115, %parallel_loop3A_117 : vector<16xi32>
        %parallel_loop3A_119 = arith.addi %mul3A_8, %parallel_loop3A_118 : vector<16xi32>
        %parallel_loop3A_120 = arith.constant 8 : i32
        %parallel_loop3A_121 = vector.broadcast %parallel_loop3A_120 : i32 to vector<16xi32>
        %parallel_loop3A_122 = arith.shrui %parallel_loop3A_112, %parallel_loop3A_121 : vector<16xi32>
        %parallel_loop3A_123 = arith.cmpi eq, %parallel_loop3A_122, %bitcast3A : vector<16xi32>
        tpu.vector_store_idx %arg7[%parallel_loop3A_119], %broadcast_in_dim3A_10 masked %parallel_loop3A_123 {add = true} : memref<4096xi32, #tpu.memory_space<vmem>>[vector<16xi32>], vector<16xi32>, vector<16xi1>
      } {sc.loop_unroll_factor = 16 : i64, sc.parallel_access}
      %add3A_94 = arith.constant 2 : i32
      %add3A_95 = arith.addi %add3A_89, %add3A_94 : i32
      %lt3A = arith.constant 32 : i32
      %lt3A_96 = arith.cmpi slt, %add3A_95, %lt3A : i32
      %convert_element_type3A = arith.extui %lt3A_96 : i1 to i32
      %cond3A = arith.constant 0 : i32
      %cond3A_97 = arith.cmpi ne, %convert_element_type3A, %cond3A : i32
      scf.if %cond3A_97 {
        %add3A_110 = arith.constant 2 : i32
        %add3A_111 = arith.addi %add3A_89, %add3A_110 : i32
        %mul3A_112 = arith.constant 16384 : i32
        %mul3A_113 = arith.muli %add3A_111, %mul3A_112 : i32
        %add3A_114 = arith.addi %mul3A_2, %mul3A_113 : i32
        %multiple_of3A = tpu.assume_multiple %add3A_114, 16384 : i32
        %dma_start3A_115 = tpu.memref_slice %arg2[%multiple_of3A] : memref<16777216xi32, #tpu.memory_space<hbm>> -> memref<16384xi32, #tpu.memory_space<hbm>>
        %dma_start3A_116 = tpu.memref_slice %arg2[%multiple_of3A] : memref<16777216xi32, #tpu.memory_space<hbm>> -> memref<16384xi32, #tpu.memory_space<hbm>>
        tpu.enqueue_dma source(%dma_start3A_116 : memref<16384xi32, #tpu.memory_space<hbm>>) target(%arg5 : memref<16384xi32, #tpu.memory_space<vmem>>) target_semaphore(%arg9 : memref<!tpu.dma_semaphore, #tpu.memory_space<semaphore_mem>>)
      } else {
      }
      %dma_wait3A_98 = tpu.memref_slice %arg2[%mul3A_2] : memref<16777216xi32, #tpu.memory_space<hbm>> -> memref<16384xi32, #tpu.memory_space<hbm>>
      %dma_wait3A_99 = tpu.memref_slice %arg2[%mul3A_2] : memref<16777216xi32, #tpu.memory_space<hbm>> -> memref<16384xi32, #tpu.memory_space<hbm>>
      tpu.wait_dma2 semaphore(%arg10 : memref<!tpu.dma_semaphore, #tpu.memory_space<semaphore_mem>>) src(%dma_wait3A_99 : memref<16384xi32, #tpu.memory_space<hbm>>) dst(%arg6 : memref<16384xi32, #tpu.memory_space<vmem>>)
      %parallel_loop3A_100 = arith.constant 0 : i32
      %parallel_loop3A_101 = arith.constant 16384 : i32
      %parallel_loop3A_102 = arith.constant 16 : i32
      scf.for %parallel_loop3A_110 = %parallel_loop3A_100 to %parallel_loop3A_101 step %parallel_loop3A_102  : i32 {
        %parallel_loop3A_111 = arith.index_cast %parallel_loop3A_110 : i32 to index
        %parallel_loop3A_112 = tpu.vector_load %arg6[%parallel_loop3A_111] {strides = array<i32>} : memref<16384xi32, #tpu.memory_space<vmem>>, vector<16xi32>,
        %parallel_loop3A_113 = arith.constant 0 : i32
        %parallel_loop3A_114 = vector.broadcast %parallel_loop3A_113 : i32 to vector<16xi32>
        %parallel_loop3A_115 = arith.shrui %parallel_loop3A_112, %parallel_loop3A_114 : vector<16xi32>
        %parallel_loop3A_116 = arith.constant 255 : i32
        %parallel_loop3A_117 = vector.broadcast %parallel_loop3A_116 : i32 to vector<16xi32>
        %parallel_loop3A_118 = arith.andi %parallel_loop3A_115, %parallel_loop3A_117 : vector<16xi32>
        %parallel_loop3A_119 = arith.addi %mul3A_8, %parallel_loop3A_118 : vector<16xi32>
        %parallel_loop3A_120 = arith.constant 8 : i32
        %parallel_loop3A_121 = vector.broadcast %parallel_loop3A_120 : i32 to vector<16xi32>
        %parallel_loop3A_122 = arith.shrui %parallel_loop3A_112, %parallel_loop3A_121 : vector<16xi32>
        %parallel_loop3A_123 = arith.cmpi eq, %parallel_loop3A_122, %bitcast3A : vector<16xi32>
        tpu.vector_store_idx %arg7[%parallel_loop3A_119], %broadcast_in_dim3A_10 masked %parallel_loop3A_123 {add = true} : memref<4096xi32, #tpu.memory_space<vmem>>[vector<16xi32>], vector<16xi32>, vector<16xi1>
      } {sc.loop_unroll_factor = 16 : i64, sc.parallel_access}
      %add3A_103 = arith.constant 3 : i32
      %add3A_104 = arith.addi %add3A_89, %add3A_103 : i32
      %lt3A_105 = arith.constant 32 : i32
      %lt3A_106 = arith.cmpi slt, %add3A_104, %lt3A_105 : i32
      %convert_element_type3A_107 = arith.extui %lt3A_106 : i1 to i32
      %cond3A_108 = arith.constant 0 : i32
      %cond3A_109 = arith.cmpi ne, %convert_element_type3A_107, %cond3A_108 : i32
      scf.if %cond3A_109 {
        %add3A_110 = arith.constant 3 : i32
        %add3A_111 = arith.addi %add3A_89, %add3A_110 : i32
        %mul3A_112 = arith.constant 16384 : i32
        %mul3A_113 = arith.muli %add3A_111, %mul3A_112 : i32
        %add3A_114 = arith.addi %mul3A_2, %mul3A_113 : i32
        %multiple_of3A = tpu.assume_multiple %add3A_114, 16384 : i32
        %dma_start3A_115 = tpu.memref_slice %arg2[%multiple_of3A] : memref<16777216xi32, #tpu.memory_space<hbm>> -> memref<16384xi32, #tpu.memory_space<hbm>>
        %dma_start3A_116 = tpu.memref_slice %arg2[%multiple_of3A] : memref<16777216xi32, #tpu.memory_space<hbm>> -> memref<16384xi32, #tpu.memory_space<hbm>>
        tpu.enqueue_dma source(%dma_start3A_116 : memref<16384xi32, #tpu.memory_space<hbm>>) target(%arg6 : memref<16384xi32, #tpu.memory_space<vmem>>) target_semaphore(%arg10 : memref<!tpu.dma_semaphore, #tpu.memory_space<semaphore_mem>>)
      } else {
      }
    }
    %scan3A_20 = arith.constant 16 : i32
    %mul3A_21 = arith.constant 16 : i32
    %mul3A_22 = arith.muli %add3A, %mul3A_21 : i32
    %add3A_23 = arith.constant 0 : i32
    %add3A_24 = arith.addi %mul3A_22, %add3A_23 : i32
    "tpu.region"() ({
      %run_scoped3A = tpu.sem_alloc : memref<!tpu.dma_semaphore, #tpu.memory_space<semaphore_mem>>
      %dma_start3A_85 = arith.constant 0 : i32
      %dma_start3A_86 = tpu.memref_slice %arg7[%dma_start3A_85] : memref<4096xi32, #tpu.memory_space<vmem>> -> memref<256xi32, #tpu.memory_space<vmem>>
      %dma_start3A_87 = arith.constant 0 : i32
      %dma_start3A_88 = tpu.memref_slice %arg4[%add3A_24, %dma_start3A_87] : memref<512x256xi32, #tpu.memory_space<hbm>> -> memref<1x256xi32, #tpu.memory_space<hbm>>
      %dma_start3A_89 = tpu.memref_squeeze %dma_start3A_88 : memref<1x256xi32, #tpu.memory_space<hbm>> -> memref<256xi32, #tpu.memory_space<hbm>>
      %dma_start3A_90 = arith.constant 0 : i32
      %dma_start3A_91 = tpu.memref_slice %arg4[%add3A_24, %dma_start3A_90] : memref<512x256xi32, #tpu.memory_space<hbm>> -> memref<1x256xi32, #tpu.memory_space<hbm>>
      %dma_start3A_92 = tpu.memref_squeeze %dma_start3A_91 : memref<1x256xi32, #tpu.memory_space<hbm>> -> memref<256xi32, #tpu.memory_space<hbm>>
      %dma_start3A_93 = arith.constant 0 : i32
      %dma_start3A_94 = tpu.memref_slice %arg7[%dma_start3A_93] : memref<4096xi32, #tpu.memory_space<vmem>> -> memref<256xi32, #tpu.memory_space<vmem>>
      tpu.enqueue_dma source(%dma_start3A_94 : memref<256xi32, #tpu.memory_space<vmem>>) target(%dma_start3A_92 : memref<256xi32, #tpu.memory_space<hbm>>) target_semaphore(%run_scoped3A : memref<!tpu.dma_semaphore, #tpu.memory_space<semaphore_mem>>)
      %dma_wait3A = arith.constant 0 : i32
      %dma_wait3A_95 = tpu.memref_slice %arg7[%dma_wait3A] : memref<4096xi32, #tpu.memory_space<vmem>> -> memref<256xi32, #tpu.memory_space<vmem>>
      %dma_wait3A_96 = arith.constant 0 : i32
      %dma_wait3A_97 = tpu.memref_slice %arg4[%add3A_24, %dma_wait3A_96] : memref<512x256xi32, #tpu.memory_space<hbm>> -> memref<1x256xi32, #tpu.memory_space<hbm>>
      %dma_wait3A_98 = tpu.memref_squeeze %dma_wait3A_97 : memref<1x256xi32, #tpu.memory_space<hbm>> -> memref<256xi32, #tpu.memory_space<hbm>>
      %dma_wait3A_99 = arith.constant 0 : i32
      %dma_wait3A_100 = tpu.memref_slice %arg4[%add3A_24, %dma_wait3A_99] : memref<512x256xi32, #tpu.memory_space<hbm>> -> memref<1x256xi32, #tpu.memory_space<hbm>>
      %dma_wait3A_101 = tpu.memref_squeeze %dma_wait3A_100 : memref<1x256xi32, #tpu.memory_space<hbm>> -> memref<256xi32, #tpu.memory_space<hbm>>
      %dma_wait3A_102 = arith.constant 0 : i32
      %dma_wait3A_103 = tpu.memref_slice %arg7[%dma_wait3A_102] : memref<4096xi32, #tpu.memory_space<vmem>> -> memref<256xi32, #tpu.memory_space<vmem>>
      tpu.wait_dma2 semaphore(%run_scoped3A : memref<!tpu.dma_semaphore, #tpu.memory_space<semaphore_mem>>) src(%dma_wait3A_103 : memref<256xi32, #tpu.memory_space<vmem>>) dst(%dma_wait3A_101 : memref<256xi32, #tpu.memory_space<hbm>>)
      tpu.yield
    }) : () -> ()
    %mul3A_25 = arith.constant 16 : i32
    %mul3A_26 = arith.muli %add3A, %mul3A_25 : i32
    %add3A_27 = arith.constant 1 : i32
    %add3A_28 = arith.addi %mul3A_26, %add3A_27 : i32
    "tpu.region"() ({
      %run_scoped3A = tpu.sem_alloc : memref<!tpu.dma_semaphore, #tpu.memory_space<semaphore_mem>>
      %dma_start3A_85 = arith.constant 256 : i32
      %dma_start3A_86 = tpu.memref_slice %arg7[%dma_start3A_85] : memref<4096xi32, #tpu.memory_space<vmem>> -> memref<256xi32, #tpu.memory_space<vmem>>
      %dma_start3A_87 = arith.constant 0 : i32
      %dma_start3A_88 = tpu.memref_slice %arg4[%add3A_28, %dma_start3A_87] : memref<512x256xi32, #tpu.memory_space<hbm>> -> memref<1x256xi32, #tpu.memory_space<hbm>>
      %dma_start3A_89 = tpu.memref_squeeze %dma_start3A_88 : memref<1x256xi32, #tpu.memory_space<hbm>> -> memref<256xi32, #tpu.memory_space<hbm>>
      %dma_start3A_90 = arith.constant 0 : i32
      %dma_start3A_91 = tpu.memref_slice %arg4[%add3A_28, %dma_start3A_90] : memref<512x256xi32, #tpu.memory_space<hbm>> -> memref<1x256xi32, #tpu.memory_space<hbm>>
      %dma_start3A_92 = tpu.memref_squeeze %dma_start3A_91 : memref<1x256xi32, #tpu.memory_space<hbm>> -> memref<256xi32, #tpu.memory_space<hbm>>
      %dma_start3A_93 = arith.constant 256 : i32
      %dma_start3A_94 = tpu.memref_slice %arg7[%dma_start3A_93] : memref<4096xi32, #tpu.memory_space<vmem>> -> memref<256xi32, #tpu.memory_space<vmem>>
      tpu.enqueue_dma source(%dma_start3A_94 : memref<256xi32, #tpu.memory_space<vmem>>) target(%dma_start3A_92 : memref<256xi32, #tpu.memory_space<hbm>>) target_semaphore(%run_scoped3A : memref<!tpu.dma_semaphore, #tpu.memory_space<semaphore_mem>>)
      %dma_wait3A = arith.constant 256 : i32
      %dma_wait3A_95 = tpu.memref_slice %arg7[%dma_wait3A] : memref<4096xi32, #tpu.memory_space<vmem>> -> memref<256xi32, #tpu.memory_space<vmem>>
      %dma_wait3A_96 = arith.constant 0 : i32
      %dma_wait3A_97 = tpu.memref_slice %arg4[%add3A_28, %dma_wait3A_96] : memref<512x256xi32, #tpu.memory_space<hbm>> -> memref<1x256xi32, #tpu.memory_space<hbm>>
      %dma_wait3A_98 = tpu.memref_squeeze %dma_wait3A_97 : memref<1x256xi32, #tpu.memory_space<hbm>> -> memref<256xi32, #tpu.memory_space<hbm>>
      %dma_wait3A_99 = arith.constant 0 : i32
      %dma_wait3A_100 = tpu.memref_slice %arg4[%add3A_28, %dma_wait3A_99] : memref<512x256xi32, #tpu.memory_space<hbm>> -> memref<1x256xi32, #tpu.memory_space<hbm>>
      %dma_wait3A_101 = tpu.memref_squeeze %dma_wait3A_100 : memref<1x256xi32, #tpu.memory_space<hbm>> -> memref<256xi32, #tpu.memory_space<hbm>>
      %dma_wait3A_102 = arith.constant 256 : i32
      %dma_wait3A_103 = tpu.memref_slice %arg7[%dma_wait3A_102] : memref<4096xi32, #tpu.memory_space<vmem>> -> memref<256xi32, #tpu.memory_space<vmem>>
      tpu.wait_dma2 semaphore(%run_scoped3A : memref<!tpu.dma_semaphore, #tpu.memory_space<semaphore_mem>>) src(%dma_wait3A_103 : memref<256xi32, #tpu.memory_space<vmem>>) dst(%dma_wait3A_101 : memref<256xi32, #tpu.memory_space<hbm>>)
      tpu.yield
    }) : () -> ()
    %mul3A_29 = arith.constant 16 : i32
    %mul3A_30 = arith.muli %add3A, %mul3A_29 : i32
    %add3A_31 = arith.constant 2 : i32
    %add3A_32 = arith.addi %mul3A_30, %add3A_31 : i32
    "tpu.region"() ({
      %run_scoped3A = tpu.sem_alloc : memref<!tpu.dma_semaphore, #tpu.memory_space<semaphore_mem>>
      %dma_start3A_85 = arith.constant 512 : i32
      %dma_start3A_86 = tpu.memref_slice %arg7[%dma_start3A_85] : memref<4096xi32, #tpu.memory_space<vmem>> -> memref<256xi32, #tpu.memory_space<vmem>>
      %dma_start3A_87 = arith.constant 0 : i32
      %dma_start3A_88 = tpu.memref_slice %arg4[%add3A_32, %dma_start3A_87] : memref<512x256xi32, #tpu.memory_space<hbm>> -> memref<1x256xi32, #tpu.memory_space<hbm>>
      %dma_start3A_89 = tpu.memref_squeeze %dma_start3A_88 : memref<1x256xi32, #tpu.memory_space<hbm>> -> memref<256xi32, #tpu.memory_space<hbm>>
      %dma_start3A_90 = arith.constant 0 : i32
      %dma_start3A_91 = tpu.memref_slice %arg4[%add3A_32, %dma_start3A_90] : memref<512x256xi32, #tpu.memory_space<hbm>> -> memref<1x256xi32, #tpu.memory_space<hbm>>
      %dma_start3A_92 = tpu.memref_squeeze %dma_start3A_91 : memref<1x256xi32, #tpu.memory_space<hbm>> -> memref<256xi32, #tpu.memory_space<hbm>>
      %dma_start3A_93 = arith.constant 512 : i32
      %dma_start3A_94 = tpu.memref_slice %arg7[%dma_start3A_93] : memref<4096xi32, #tpu.memory_space<vmem>> -> memref<256xi32, #tpu.memory_space<vmem>>
      tpu.enqueue_dma source(%dma_start3A_94 : memref<256xi32, #tpu.memory_space<vmem>>) target(%dma_start3A_92 : memref<256xi32, #tpu.memory_space<hbm>>) target_semaphore(%run_scoped3A : memref<!tpu.dma_semaphore, #tpu.memory_space<semaphore_mem>>)
      %dma_wait3A = arith.constant 512 : i32
      %dma_wait3A_95 = tpu.memref_slice %arg7[%dma_wait3A] : memref<4096xi32, #tpu.memory_space<vmem>> -> memref<256xi32, #tpu.memory_space<vmem>>
      %dma_wait3A_96 = arith.constant 0 : i32
      %dma_wait3A_97 = tpu.memref_slice %arg4[%add3A_32, %dma_wait3A_96] : memref<512x256xi32, #tpu.memory_space<hbm>> -> memref<1x256xi32, #tpu.memory_space<hbm>>
      %dma_wait3A_98 = tpu.memref_squeeze %dma_wait3A_97 : memref<1x256xi32, #tpu.memory_space<hbm>> -> memref<256xi32, #tpu.memory_space<hbm>>
      %dma_wait3A_99 = arith.constant 0 : i32
      %dma_wait3A_100 = tpu.memref_slice %arg4[%add3A_32, %dma_wait3A_99] : memref<512x256xi32, #tpu.memory_space<hbm>> -> memref<1x256xi32, #tpu.memory_space<hbm>>
      %dma_wait3A_101 = tpu.memref_squeeze %dma_wait3A_100 : memref<1x256xi32, #tpu.memory_space<hbm>> -> memref<256xi32, #tpu.memory_space<hbm>>
      %dma_wait3A_102 = arith.constant 512 : i32
      %dma_wait3A_103 = tpu.memref_slice %arg7[%dma_wait3A_102] : memref<4096xi32, #tpu.memory_space<vmem>> -> memref<256xi32, #tpu.memory_space<vmem>>
      tpu.wait_dma2 semaphore(%run_scoped3A : memref<!tpu.dma_semaphore, #tpu.memory_space<semaphore_mem>>) src(%dma_wait3A_103 : memref<256xi32, #tpu.memory_space<vmem>>) dst(%dma_wait3A_101 : memref<256xi32, #tpu.memory_space<hbm>>)
      tpu.yield
    }) : () -> ()
    %mul3A_33 = arith.constant 16 : i32
    %mul3A_34 = arith.muli %add3A, %mul3A_33 : i32
    %add3A_35 = arith.constant 3 : i32
    %add3A_36 = arith.addi %mul3A_34, %add3A_35 : i32
    "tpu.region"() ({
      %run_scoped3A = tpu.sem_alloc : memref<!tpu.dma_semaphore, #tpu.memory_space<semaphore_mem>>
      %dma_start3A_85 = arith.constant 768 : i32
      %dma_start3A_86 = tpu.memref_slice %arg7[%dma_start3A_85] : memref<4096xi32, #tpu.memory_space<vmem>> -> memref<256xi32, #tpu.memory_space<vmem>>
      %dma_start3A_87 = arith.constant 0 : i32
      %dma_start3A_88 = tpu.memref_slice %arg4[%add3A_36, %dma_start3A_87] : memref<512x256xi32, #tpu.memory_space<hbm>> -> memref<1x256xi32, #tpu.memory_space<hbm>>
      %dma_start3A_89 = tpu.memref_squeeze %dma_start3A_88 : memref<1x256xi32, #tpu.memory_space<hbm>> -> memref<256xi32, #tpu.memory_space<hbm>>
      %dma_start3A_90 = arith.constant 0 : i32
      %dma_start3A_91 = tpu.memref_slice %arg4[%add3A_36, %dma_start3A_90] : memref<512x256xi32, #tpu.memory_space<hbm>> -> memref<1x256xi32, #tpu.memory_space<hbm>>
      %dma_start3A_92 = tpu.memref_squeeze %dma_start3A_91 : memref<1x256xi32, #tpu.memory_space<hbm>> -> memref<256xi32, #tpu.memory_space<hbm>>
      %dma_start3A_93 = arith.constant 768 : i32
      %dma_start3A_94 = tpu.memref_slice %arg7[%dma_start3A_93] : memref<4096xi32, #tpu.memory_space<vmem>> -> memref<256xi32, #tpu.memory_space<vmem>>
      tpu.enqueue_dma source(%dma_start3A_94 : memref<256xi32, #tpu.memory_space<vmem>>) target(%dma_start3A_92 : memref<256xi32, #tpu.memory_space<hbm>>) target_semaphore(%run_scoped3A : memref<!tpu.dma_semaphore, #tpu.memory_space<semaphore_mem>>)
      %dma_wait3A = arith.constant 768 : i32
      %dma_wait3A_95 = tpu.memref_slice %arg7[%dma_wait3A] : memref<4096xi32, #tpu.memory_space<vmem>> -> memref<256xi32, #tpu.memory_space<vmem>>
      %dma_wait3A_96 = arith.constant 0 : i32
      %dma_wait3A_97 = tpu.memref_slice %arg4[%add3A_36, %dma_wait3A_96] : memref<512x256xi32, #tpu.memory_space<hbm>> -> memref<1x256xi32, #tpu.memory_space<hbm>>
      %dma_wait3A_98 = tpu.memref_squeeze %dma_wait3A_97 : memref<1x256xi32, #tpu.memory_space<hbm>> -> memref<256xi32, #tpu.memory_space<hbm>>
      %dma_wait3A_99 = arith.constant 0 : i32
      %dma_wait3A_100 = tpu.memref_slice %arg4[%add3A_36, %dma_wait3A_99] : memref<512x256xi32, #tpu.memory_space<hbm>> -> memref<1x256xi32, #tpu.memory_space<hbm>>
      %dma_wait3A_101 = tpu.memref_squeeze %dma_wait3A_100 : memref<1x256xi32, #tpu.memory_space<hbm>> -> memref<256xi32, #tpu.memory_space<hbm>>
      %dma_wait3A_102 = arith.constant 768 : i32
      %dma_wait3A_103 = tpu.memref_slice %arg7[%dma_wait3A_102] : memref<4096xi32, #tpu.memory_space<vmem>> -> memref<256xi32, #tpu.memory_space<vmem>>
      tpu.wait_dma2 semaphore(%run_scoped3A : memref<!tpu.dma_semaphore, #tpu.memory_space<semaphore_mem>>) src(%dma_wait3A_103 : memref<256xi32, #tpu.memory_space<vmem>>) dst(%dma_wait3A_101 : memref<256xi32, #tpu.memory_space<hbm>>)
      tpu.yield
    }) : () -> ()
    %mul3A_37 = arith.constant 16 : i32
    %mul3A_38 = arith.muli %add3A, %mul3A_37 : i32
    %add3A_39 = arith.constant 4 : i32
    %add3A_40 = arith.addi %mul3A_38, %add3A_39 : i32
    "tpu.region"() ({
      %run_scoped3A = tpu.sem_alloc : memref<!tpu.dma_semaphore, #tpu.memory_space<semaphore_mem>>
      %dma_start3A_85 = arith.constant 1024 : i32
      %dma_start3A_86 = tpu.memref_slice %arg7[%dma_start3A_85] : memref<4096xi32, #tpu.memory_space<vmem>> -> memref<256xi32, #tpu.memory_space<vmem>>
      %dma_start3A_87 = arith.constant 0 : i32
      %dma_start3A_88 = tpu.memref_slice %arg4[%add3A_40, %dma_start3A_87] : memref<512x256xi32, #tpu.memory_space<hbm>> -> memref<1x256xi32, #tpu.memory_space<hbm>>
      %dma_start3A_89 = tpu.memref_squeeze %dma_start3A_88 : memref<1x256xi32, #tpu.memory_space<hbm>> -> memref<256xi32, #tpu.memory_space<hbm>>
      %dma_start3A_90 = arith.constant 0 : i32
      %dma_start3A_91 = tpu.memref_slice %arg4[%add3A_40, %dma_start3A_90] : memref<512x256xi32, #tpu.memory_space<hbm>> -> memref<1x256xi32, #tpu.memory_space<hbm>>
      %dma_start3A_92 = tpu.memref_squeeze %dma_start3A_91 : memref<1x256xi32, #tpu.memory_space<hbm>> -> memref<256xi32, #tpu.memory_space<hbm>>
      %dma_start3A_93 = arith.constant 1024 : i32
      %dma_start3A_94 = tpu.memref_slice %arg7[%dma_start3A_93] : memref<4096xi32, #tpu.memory_space<vmem>> -> memref<256xi32, #tpu.memory_space<vmem>>
      tpu.enqueue_dma source(%dma_start3A_94 : memref<256xi32, #tpu.memory_space<vmem>>) target(%dma_start3A_92 : memref<256xi32, #tpu.memory_space<hbm>>) target_semaphore(%run_scoped3A : memref<!tpu.dma_semaphore, #tpu.memory_space<semaphore_mem>>)
      %dma_wait3A = arith.constant 1024 : i32
      %dma_wait3A_95 = tpu.memref_slice %arg7[%dma_wait3A] : memref<4096xi32, #tpu.memory_space<vmem>> -> memref<256xi32, #tpu.memory_space<vmem>>
      %dma_wait3A_96 = arith.constant 0 : i32
      %dma_wait3A_97 = tpu.memref_slice %arg4[%add3A_40, %dma_wait3A_96] : memref<512x256xi32, #tpu.memory_space<hbm>> -> memref<1x256xi32, #tpu.memory_space<hbm>>
      %dma_wait3A_98 = tpu.memref_squeeze %dma_wait3A_97 : memref<1x256xi32, #tpu.memory_space<hbm>> -> memref<256xi32, #tpu.memory_space<hbm>>
      %dma_wait3A_99 = arith.constant 0 : i32
      %dma_wait3A_100 = tpu.memref_slice %arg4[%add3A_40, %dma_wait3A_99] : memref<512x256xi32, #tpu.memory_space<hbm>> -> memref<1x256xi32, #tpu.memory_space<hbm>>
      %dma_wait3A_101 = tpu.memref_squeeze %dma_wait3A_100 : memref<1x256xi32, #tpu.memory_space<hbm>> -> memref<256xi32, #tpu.memory_space<hbm>>
      %dma_wait3A_102 = arith.constant 1024 : i32
      %dma_wait3A_103 = tpu.memref_slice %arg7[%dma_wait3A_102] : memref<4096xi32, #tpu.memory_space<vmem>> -> memref<256xi32, #tpu.memory_space<vmem>>
      tpu.wait_dma2 semaphore(%run_scoped3A : memref<!tpu.dma_semaphore, #tpu.memory_space<semaphore_mem>>) src(%dma_wait3A_103 : memref<256xi32, #tpu.memory_space<vmem>>) dst(%dma_wait3A_101 : memref<256xi32, #tpu.memory_space<hbm>>)
      tpu.yield
    }) : () -> ()
    %mul3A_41 = arith.constant 16 : i32
    %mul3A_42 = arith.muli %add3A, %mul3A_41 : i32
    %add3A_43 = arith.constant 5 : i32
    %add3A_44 = arith.addi %mul3A_42, %add3A_43 : i32
    "tpu.region"() ({
      %run_scoped3A = tpu.sem_alloc : memref<!tpu.dma_semaphore, #tpu.memory_space<semaphore_mem>>
      %dma_start3A_85 = arith.constant 1280 : i32
      %dma_start3A_86 = tpu.memref_slice %arg7[%dma_start3A_85] : memref<4096xi32, #tpu.memory_space<vmem>> -> memref<256xi32, #tpu.memory_space<vmem>>
      %dma_start3A_87 = arith.constant 0 : i32
      %dma_start3A_88 = tpu.memref_slice %arg4[%add3A_44, %dma_start3A_87] : memref<512x256xi32, #tpu.memory_space<hbm>> -> memref<1x256xi32, #tpu.memory_space<hbm>>
      %dma_start3A_89 = tpu.memref_squeeze %dma_start3A_88 : memref<1x256xi32, #tpu.memory_space<hbm>> -> memref<256xi32, #tpu.memory_space<hbm>>
      %dma_start3A_90 = arith.constant 0 : i32
      %dma_start3A_91 = tpu.memref_slice %arg4[%add3A_44, %dma_start3A_90] : memref<512x256xi32, #tpu.memory_space<hbm>> -> memref<1x256xi32, #tpu.memory_space<hbm>>
      %dma_start3A_92 = tpu.memref_squeeze %dma_start3A_91 : memref<1x256xi32, #tpu.memory_space<hbm>> -> memref<256xi32, #tpu.memory_space<hbm>>
      %dma_start3A_93 = arith.constant 1280 : i32
      %dma_start3A_94 = tpu.memref_slice %arg7[%dma_start3A_93] : memref<4096xi32, #tpu.memory_space<vmem>> -> memref<256xi32, #tpu.memory_space<vmem>>
      tpu.enqueue_dma source(%dma_start3A_94 : memref<256xi32, #tpu.memory_space<vmem>>) target(%dma_start3A_92 : memref<256xi32, #tpu.memory_space<hbm>>) target_semaphore(%run_scoped3A : memref<!tpu.dma_semaphore, #tpu.memory_space<semaphore_mem>>)
      %dma_wait3A = arith.constant 1280 : i32
      %dma_wait3A_95 = tpu.memref_slice %arg7[%dma_wait3A] : memref<4096xi32, #tpu.memory_space<vmem>> -> memref<256xi32, #tpu.memory_space<vmem>>
      %dma_wait3A_96 = arith.constant 0 : i32
      %dma_wait3A_97 = tpu.memref_slice %arg4[%add3A_44, %dma_wait3A_96] : memref<512x256xi32, #tpu.memory_space<hbm>> -> memref<1x256xi32, #tpu.memory_space<hbm>>
      %dma_wait3A_98 = tpu.memref_squeeze %dma_wait3A_97 : memref<1x256xi32, #tpu.memory_space<hbm>> -> memref<256xi32, #tpu.memory_space<hbm>>
      %dma_wait3A_99 = arith.constant 0 : i32
      %dma_wait3A_100 = tpu.memref_slice %arg4[%add3A_44, %dma_wait3A_99] : memref<512x256xi32, #tpu.memory_space<hbm>> -> memref<1x256xi32, #tpu.memory_space<hbm>>
      %dma_wait3A_101 = tpu.memref_squeeze %dma_wait3A_100 : memref<1x256xi32, #tpu.memory_space<hbm>> -> memref<256xi32, #tpu.memory_space<hbm>>
      %dma_wait3A_102 = arith.constant 1280 : i32
      %dma_wait3A_103 = tpu.memref_slice %arg7[%dma_wait3A_102] : memref<4096xi32, #tpu.memory_space<vmem>> -> memref<256xi32, #tpu.memory_space<vmem>>
      tpu.wait_dma2 semaphore(%run_scoped3A : memref<!tpu.dma_semaphore, #tpu.memory_space<semaphore_mem>>) src(%dma_wait3A_103 : memref<256xi32, #tpu.memory_space<vmem>>) dst(%dma_wait3A_101 : memref<256xi32, #tpu.memory_space<hbm>>)
      tpu.yield
    }) : () -> ()
    %mul3A_45 = arith.constant 16 : i32
    %mul3A_46 = arith.muli %add3A, %mul3A_45 : i32
    %add3A_47 = arith.constant 6 : i32
    %add3A_48 = arith.addi %mul3A_46, %add3A_47 : i32
    "tpu.region"() ({
      %run_scoped3A = tpu.sem_alloc : memref<!tpu.dma_semaphore, #tpu.memory_space<semaphore_mem>>
      %dma_start3A_85 = arith.constant 1536 : i32
      %dma_start3A_86 = tpu.memref_slice %arg7[%dma_start3A_85] : memref<4096xi32, #tpu.memory_space<vmem>> -> memref<256xi32, #tpu.memory_space<vmem>>
      %dma_start3A_87 = arith.constant 0 : i32
      %dma_start3A_88 = tpu.memref_slice %arg4[%add3A_48, %dma_start3A_87] : memref<512x256xi32, #tpu.memory_space<hbm>> -> memref<1x256xi32, #tpu.memory_space<hbm>>
      %dma_start3A_89 = tpu.memref_squeeze %dma_start3A_88 : memref<1x256xi32, #tpu.memory_space<hbm>> -> memref<256xi32, #tpu.memory_space<hbm>>
      %dma_start3A_90 = arith.constant 0 : i32
      %dma_start3A_91 = tpu.memref_slice %arg4[%add3A_48, %dma_start3A_90] : memref<512x256xi32, #tpu.memory_space<hbm>> -> memref<1x256xi32, #tpu.memory_space<hbm>>
      %dma_start3A_92 = tpu.memref_squeeze %dma_start3A_91 : memref<1x256xi32, #tpu.memory_space<hbm>> -> memref<256xi32, #tpu.memory_space<hbm>>
      %dma_start3A_93 = arith.constant 1536 : i32
      %dma_start3A_94 = tpu.memref_slice %arg7[%dma_start3A_93] : memref<4096xi32, #tpu.memory_space<vmem>> -> memref<256xi32, #tpu.memory_space<vmem>>
      tpu.enqueue_dma source(%dma_start3A_94 : memref<256xi32, #tpu.memory_space<vmem>>) target(%dma_start3A_92 : memref<256xi32, #tpu.memory_space<hbm>>) target_semaphore(%run_scoped3A : memref<!tpu.dma_semaphore, #tpu.memory_space<semaphore_mem>>)
      %dma_wait3A = arith.constant 1536 : i32
      %dma_wait3A_95 = tpu.memref_slice %arg7[%dma_wait3A] : memref<4096xi32, #tpu.memory_space<vmem>> -> memref<256xi32, #tpu.memory_space<vmem>>
      %dma_wait3A_96 = arith.constant 0 : i32
      %dma_wait3A_97 = tpu.memref_slice %arg4[%add3A_48, %dma_wait3A_96] : memref<512x256xi32, #tpu.memory_space<hbm>> -> memref<1x256xi32, #tpu.memory_space<hbm>>
      %dma_wait3A_98 = tpu.memref_squeeze %dma_wait3A_97 : memref<1x256xi32, #tpu.memory_space<hbm>> -> memref<256xi32, #tpu.memory_space<hbm>>
      %dma_wait3A_99 = arith.constant 0 : i32
      %dma_wait3A_100 = tpu.memref_slice %arg4[%add3A_48, %dma_wait3A_99] : memref<512x256xi32, #tpu.memory_space<hbm>> -> memref<1x256xi32, #tpu.memory_space<hbm>>
      %dma_wait3A_101 = tpu.memref_squeeze %dma_wait3A_100 : memref<1x256xi32, #tpu.memory_space<hbm>> -> memref<256xi32, #tpu.memory_space<hbm>>
      %dma_wait3A_102 = arith.constant 1536 : i32
      %dma_wait3A_103 = tpu.memref_slice %arg7[%dma_wait3A_102] : memref<4096xi32, #tpu.memory_space<vmem>> -> memref<256xi32, #tpu.memory_space<vmem>>
      tpu.wait_dma2 semaphore(%run_scoped3A : memref<!tpu.dma_semaphore, #tpu.memory_space<semaphore_mem>>) src(%dma_wait3A_103 : memref<256xi32, #tpu.memory_space<vmem>>) dst(%dma_wait3A_101 : memref<256xi32, #tpu.memory_space<hbm>>)
      tpu.yield
    }) : () -> ()
    %mul3A_49 = arith.constant 16 : i32
    %mul3A_50 = arith.muli %add3A, %mul3A_49 : i32
    %add3A_51 = arith.constant 7 : i32
    %add3A_52 = arith.addi %mul3A_50, %add3A_51 : i32
    "tpu.region"() ({
      %run_scoped3A = tpu.sem_alloc : memref<!tpu.dma_semaphore, #tpu.memory_space<semaphore_mem>>
      %dma_start3A_85 = arith.constant 1792 : i32
      %dma_start3A_86 = tpu.memref_slice %arg7[%dma_start3A_85] : memref<4096xi32, #tpu.memory_space<vmem>> -> memref<256xi32, #tpu.memory_space<vmem>>
      %dma_start3A_87 = arith.constant 0 : i32
      %dma_start3A_88 = tpu.memref_slice %arg4[%add3A_52, %dma_start3A_87] : memref<512x256xi32, #tpu.memory_space<hbm>> -> memref<1x256xi32, #tpu.memory_space<hbm>>
      %dma_start3A_89 = tpu.memref_squeeze %dma_start3A_88 : memref<1x256xi32, #tpu.memory_space<hbm>> -> memref<256xi32, #tpu.memory_space<hbm>>
      %dma_start3A_90 = arith.constant 0 : i32
      %dma_start3A_91 = tpu.memref_slice %arg4[%add3A_52, %dma_start3A_90] : memref<512x256xi32, #tpu.memory_space<hbm>> -> memref<1x256xi32, #tpu.memory_space<hbm>>
      %dma_start3A_92 = tpu.memref_squeeze %dma_start3A_91 : memref<1x256xi32, #tpu.memory_space<hbm>> -> memref<256xi32, #tpu.memory_space<hbm>>
      %dma_start3A_93 = arith.constant 1792 : i32
      %dma_start3A_94 = tpu.memref_slice %arg7[%dma_start3A_93] : memref<4096xi32, #tpu.memory_space<vmem>> -> memref<256xi32, #tpu.memory_space<vmem>>
      tpu.enqueue_dma source(%dma_start3A_94 : memref<256xi32, #tpu.memory_space<vmem>>) target(%dma_start3A_92 : memref<256xi32, #tpu.memory_space<hbm>>) target_semaphore(%run_scoped3A : memref<!tpu.dma_semaphore, #tpu.memory_space<semaphore_mem>>)
      %dma_wait3A = arith.constant 1792 : i32
      %dma_wait3A_95 = tpu.memref_slice %arg7[%dma_wait3A] : memref<4096xi32, #tpu.memory_space<vmem>> -> memref<256xi32, #tpu.memory_space<vmem>>
      %dma_wait3A_96 = arith.constant 0 : i32
      %dma_wait3A_97 = tpu.memref_slice %arg4[%add3A_52, %dma_wait3A_96] : memref<512x256xi32, #tpu.memory_space<hbm>> -> memref<1x256xi32, #tpu.memory_space<hbm>>
      %dma_wait3A_98 = tpu.memref_squeeze %dma_wait3A_97 : memref<1x256xi32, #tpu.memory_space<hbm>> -> memref<256xi32, #tpu.memory_space<hbm>>
      %dma_wait3A_99 = arith.constant 0 : i32
      %dma_wait3A_100 = tpu.memref_slice %arg4[%add3A_52, %dma_wait3A_99] : memref<512x256xi32, #tpu.memory_space<hbm>> -> memref<1x256xi32, #tpu.memory_space<hbm>>
      %dma_wait3A_101 = tpu.memref_squeeze %dma_wait3A_100 : memref<1x256xi32, #tpu.memory_space<hbm>> -> memref<256xi32, #tpu.memory_space<hbm>>
      %dma_wait3A_102 = arith.constant 1792 : i32
      %dma_wait3A_103 = tpu.memref_slice %arg7[%dma_wait3A_102] : memref<4096xi32, #tpu.memory_space<vmem>> -> memref<256xi32, #tpu.memory_space<vmem>>
      tpu.wait_dma2 semaphore(%run_scoped3A : memref<!tpu.dma_semaphore, #tpu.memory_space<semaphore_mem>>) src(%dma_wait3A_103 : memref<256xi32, #tpu.memory_space<vmem>>) dst(%dma_wait3A_101 : memref<256xi32, #tpu.memory_space<hbm>>)
      tpu.yield
    }) : () -> ()
    %mul3A_53 = arith.constant 16 : i32
    %mul3A_54 = arith.muli %add3A, %mul3A_53 : i32
    %add3A_55 = arith.constant 8 : i32
    %add3A_56 = arith.addi %mul3A_54, %add3A_55 : i32
    "tpu.region"() ({
      %run_scoped3A = tpu.sem_alloc : memref<!tpu.dma_semaphore, #tpu.memory_space<semaphore_mem>>
      %dma_start3A_85 = arith.constant 2048 : i32
      %dma_start3A_86 = tpu.memref_slice %arg7[%dma_start3A_85] : memref<4096xi32, #tpu.memory_space<vmem>> -> memref<256xi32, #tpu.memory_space<vmem>>
      %dma_start3A_87 = arith.constant 0 : i32
      %dma_start3A_88 = tpu.memref_slice %arg4[%add3A_56, %dma_start3A_87] : memref<512x256xi32, #tpu.memory_space<hbm>> -> memref<1x256xi32, #tpu.memory_space<hbm>>
      %dma_start3A_89 = tpu.memref_squeeze %dma_start3A_88 : memref<1x256xi32, #tpu.memory_space<hbm>> -> memref<256xi32, #tpu.memory_space<hbm>>
      %dma_start3A_90 = arith.constant 0 : i32
      %dma_start3A_91 = tpu.memref_slice %arg4[%add3A_56, %dma_start3A_90] : memref<512x256xi32, #tpu.memory_space<hbm>> -> memref<1x256xi32, #tpu.memory_space<hbm>>
      %dma_start3A_92 = tpu.memref_squeeze %dma_start3A_91 : memref<1x256xi32, #tpu.memory_space<hbm>> -> memref<256xi32, #tpu.memory_space<hbm>>
      %dma_start3A_93 = arith.constant 2048 : i32
      %dma_start3A_94 = tpu.memref_slice %arg7[%dma_start3A_93] : memref<4096xi32, #tpu.memory_space<vmem>> -> memref<256xi32, #tpu.memory_space<vmem>>
      tpu.enqueue_dma source(%dma_start3A_94 : memref<256xi32, #tpu.memory_space<vmem>>) target(%dma_start3A_92 : memref<256xi32, #tpu.memory_space<hbm>>) target_semaphore(%run_scoped3A : memref<!tpu.dma_semaphore, #tpu.memory_space<semaphore_mem>>)
      %dma_wait3A = arith.constant 2048 : i32
      %dma_wait3A_95 = tpu.memref_slice %arg7[%dma_wait3A] : memref<4096xi32, #tpu.memory_space<vmem>> -> memref<256xi32, #tpu.memory_space<vmem>>
      %dma_wait3A_96 = arith.constant 0 : i32
      %dma_wait3A_97 = tpu.memref_slice %arg4[%add3A_56, %dma_wait3A_96] : memref<512x256xi32, #tpu.memory_space<hbm>> -> memref<1x256xi32, #tpu.memory_space<hbm>>
      %dma_wait3A_98 = tpu.memref_squeeze %dma_wait3A_97 : memref<1x256xi32, #tpu.memory_space<hbm>> -> memref<256xi32, #tpu.memory_space<hbm>>
      %dma_wait3A_99 = arith.constant 0 : i32
      %dma_wait3A_100 = tpu.memref_slice %arg4[%add3A_56, %dma_wait3A_99] : memref<512x256xi32, #tpu.memory_space<hbm>> -> memref<1x256xi32, #tpu.memory_space<hbm>>
      %dma_wait3A_101 = tpu.memref_squeeze %dma_wait3A_100 : memref<1x256xi32, #tpu.memory_space<hbm>> -> memref<256xi32, #tpu.memory_space<hbm>>
      %dma_wait3A_102 = arith.constant 2048 : i32
      %dma_wait3A_103 = tpu.memref_slice %arg7[%dma_wait3A_102] : memref<4096xi32, #tpu.memory_space<vmem>> -> memref<256xi32, #tpu.memory_space<vmem>>
      tpu.wait_dma2 semaphore(%run_scoped3A : memref<!tpu.dma_semaphore, #tpu.memory_space<semaphore_mem>>) src(%dma_wait3A_103 : memref<256xi32, #tpu.memory_space<vmem>>) dst(%dma_wait3A_101 : memref<256xi32, #tpu.memory_space<hbm>>)
      tpu.yield
    }) : () -> ()
    %mul3A_57 = arith.constant 16 : i32
    %mul3A_58 = arith.muli %add3A, %mul3A_57 : i32
    %add3A_59 = arith.constant 9 : i32
    %add3A_60 = arith.addi %mul3A_58, %add3A_59 : i32
    "tpu.region"() ({
      %run_scoped3A = tpu.sem_alloc : memref<!tpu.dma_semaphore, #tpu.memory_space<semaphore_mem>>
      %dma_start3A_85 = arith.constant 2304 : i32
      %dma_start3A_86 = tpu.memref_slice %arg7[%dma_start3A_85] : memref<4096xi32, #tpu.memory_space<vmem>> -> memref<256xi32, #tpu.memory_space<vmem>>
      %dma_start3A_87 = arith.constant 0 : i32
      %dma_start3A_88 = tpu.memref_slice %arg4[%add3A_60, %dma_start3A_87] : memref<512x256xi32, #tpu.memory_space<hbm>> -> memref<1x256xi32, #tpu.memory_space<hbm>>
      %dma_start3A_89 = tpu.memref_squeeze %dma_start3A_88 : memref<1x256xi32, #tpu.memory_space<hbm>> -> memref<256xi32, #tpu.memory_space<hbm>>
      %dma_start3A_90 = arith.constant 0 : i32
      %dma_start3A_91 = tpu.memref_slice %arg4[%add3A_60, %dma_start3A_90] : memref<512x256xi32, #tpu.memory_space<hbm>> -> memref<1x256xi32, #tpu.memory_space<hbm>>
      %dma_start3A_92 = tpu.memref_squeeze %dma_start3A_91 : memref<1x256xi32, #tpu.memory_space<hbm>> -> memref<256xi32, #tpu.memory_space<hbm>>
      %dma_start3A_93 = arith.constant 2304 : i32
      %dma_start3A_94 = tpu.memref_slice %arg7[%dma_start3A_93] : memref<4096xi32, #tpu.memory_space<vmem>> -> memref<256xi32, #tpu.memory_space<vmem>>
      tpu.enqueue_dma source(%dma_start3A_94 : memref<256xi32, #tpu.memory_space<vmem>>) target(%dma_start3A_92 : memref<256xi32, #tpu.memory_space<hbm>>) target_semaphore(%run_scoped3A : memref<!tpu.dma_semaphore, #tpu.memory_space<semaphore_mem>>)
      %dma_wait3A = arith.constant 2304 : i32
      %dma_wait3A_95 = tpu.memref_slice %arg7[%dma_wait3A] : memref<4096xi32, #tpu.memory_space<vmem>> -> memref<256xi32, #tpu.memory_space<vmem>>
      %dma_wait3A_96 = arith.constant 0 : i32
      %dma_wait3A_97 = tpu.memref_slice %arg4[%add3A_60, %dma_wait3A_96] : memref<512x256xi32, #tpu.memory_space<hbm>> -> memref<1x256xi32, #tpu.memory_space<hbm>>
      %dma_wait3A_98 = tpu.memref_squeeze %dma_wait3A_97 : memref<1x256xi32, #tpu.memory_space<hbm>> -> memref<256xi32, #tpu.memory_space<hbm>>
      %dma_wait3A_99 = arith.constant 0 : i32
      %dma_wait3A_100 = tpu.memref_slice %arg4[%add3A_60, %dma_wait3A_99] : memref<512x256xi32, #tpu.memory_space<hbm>> -> memref<1x256xi32, #tpu.memory_space<hbm>>
      %dma_wait3A_101 = tpu.memref_squeeze %dma_wait3A_100 : memref<1x256xi32, #tpu.memory_space<hbm>> -> memref<256xi32, #tpu.memory_space<hbm>>
      %dma_wait3A_102 = arith.constant 2304 : i32
      %dma_wait3A_103 = tpu.memref_slice %arg7[%dma_wait3A_102] : memref<4096xi32, #tpu.memory_space<vmem>> -> memref<256xi32, #tpu.memory_space<vmem>>
      tpu.wait_dma2 semaphore(%run_scoped3A : memref<!tpu.dma_semaphore, #tpu.memory_space<semaphore_mem>>) src(%dma_wait3A_103 : memref<256xi32, #tpu.memory_space<vmem>>) dst(%dma_wait3A_101 : memref<256xi32, #tpu.memory_space<hbm>>)
      tpu.yield
    }) : () -> ()
    %mul3A_61 = arith.constant 16 : i32
    %mul3A_62 = arith.muli %add3A, %mul3A_61 : i32
    %add3A_63 = arith.constant 10 : i32
    %add3A_64 = arith.addi %mul3A_62, %add3A_63 : i32
    "tpu.region"() ({
      %run_scoped3A = tpu.sem_alloc : memref<!tpu.dma_semaphore, #tpu.memory_space<semaphore_mem>>
      %dma_start3A_85 = arith.constant 2560 : i32
      %dma_start3A_86 = tpu.memref_slice %arg7[%dma_start3A_85] : memref<4096xi32, #tpu.memory_space<vmem>> -> memref<256xi32, #tpu.memory_space<vmem>>
      %dma_start3A_87 = arith.constant 0 : i32
      %dma_start3A_88 = tpu.memref_slice %arg4[%add3A_64, %dma_start3A_87] : memref<512x256xi32, #tpu.memory_space<hbm>> -> memref<1x256xi32, #tpu.memory_space<hbm>>
      %dma_start3A_89 = tpu.memref_squeeze %dma_start3A_88 : memref<1x256xi32, #tpu.memory_space<hbm>> -> memref<256xi32, #tpu.memory_space<hbm>>
      %dma_start3A_90 = arith.constant 0 : i32
      %dma_start3A_91 = tpu.memref_slice %arg4[%add3A_64, %dma_start3A_90] : memref<512x256xi32, #tpu.memory_space<hbm>> -> memref<1x256xi32, #tpu.memory_space<hbm>>
      %dma_start3A_92 = tpu.memref_squeeze %dma_start3A_91 : memref<1x256xi32, #tpu.memory_space<hbm>> -> memref<256xi32, #tpu.memory_space<hbm>>
      %dma_start3A_93 = arith.constant 2560 : i32
      %dma_start3A_94 = tpu.memref_slice %arg7[%dma_start3A_93] : memref<4096xi32, #tpu.memory_space<vmem>> -> memref<256xi32, #tpu.memory_space<vmem>>
      tpu.enqueue_dma source(%dma_start3A_94 : memref<256xi32, #tpu.memory_space<vmem>>) target(%dma_start3A_92 : memref<256xi32, #tpu.memory_space<hbm>>) target_semaphore(%run_scoped3A : memref<!tpu.dma_semaphore, #tpu.memory_space<semaphore_mem>>)
      %dma_wait3A = arith.constant 2560 : i32
      %dma_wait3A_95 = tpu.memref_slice %arg7[%dma_wait3A] : memref<4096xi32, #tpu.memory_space<vmem>> -> memref<256xi32, #tpu.memory_space<vmem>>
      %dma_wait3A_96 = arith.constant 0 : i32
      %dma_wait3A_97 = tpu.memref_slice %arg4[%add3A_64, %dma_wait3A_96] : memref<512x256xi32, #tpu.memory_space<hbm>> -> memref<1x256xi32, #tpu.memory_space<hbm>>
      %dma_wait3A_98 = tpu.memref_squeeze %dma_wait3A_97 : memref<1x256xi32, #tpu.memory_space<hbm>> -> memref<256xi32, #tpu.memory_space<hbm>>
      %dma_wait3A_99 = arith.constant 0 : i32
      %dma_wait3A_100 = tpu.memref_slice %arg4[%add3A_64, %dma_wait3A_99] : memref<512x256xi32, #tpu.memory_space<hbm>> -> memref<1x256xi32, #tpu.memory_space<hbm>>
      %dma_wait3A_101 = tpu.memref_squeeze %dma_wait3A_100 : memref<1x256xi32, #tpu.memory_space<hbm>> -> memref<256xi32, #tpu.memory_space<hbm>>
      %dma_wait3A_102 = arith.constant 2560 : i32
      %dma_wait3A_103 = tpu.memref_slice %arg7[%dma_wait3A_102] : memref<4096xi32, #tpu.memory_space<vmem>> -> memref<256xi32, #tpu.memory_space<vmem>>
      tpu.wait_dma2 semaphore(%run_scoped3A : memref<!tpu.dma_semaphore, #tpu.memory_space<semaphore_mem>>) src(%dma_wait3A_103 : memref<256xi32, #tpu.memory_space<vmem>>) dst(%dma_wait3A_101 : memref<256xi32, #tpu.memory_space<hbm>>)
      tpu.yield
    }) : () -> ()
    %mul3A_65 = arith.constant 16 : i32
    %mul3A_66 = arith.muli %add3A, %mul3A_65 : i32
    %add3A_67 = arith.constant 11 : i32
    %add3A_68 = arith.addi %mul3A_66, %add3A_67 : i32
    "tpu.region"() ({
      %run_scoped3A = tpu.sem_alloc : memref<!tpu.dma_semaphore, #tpu.memory_space<semaphore_mem>>
      %dma_start3A_85 = arith.constant 2816 : i32
      %dma_start3A_86 = tpu.memref_slice %arg7[%dma_start3A_85] : memref<4096xi32, #tpu.memory_space<vmem>> -> memref<256xi32, #tpu.memory_space<vmem>>
      %dma_start3A_87 = arith.constant 0 : i32
      %dma_start3A_88 = tpu.memref_slice %arg4[%add3A_68, %dma_start3A_87] : memref<512x256xi32, #tpu.memory_space<hbm>> -> memref<1x256xi32, #tpu.memory_space<hbm>>
      %dma_start3A_89 = tpu.memref_squeeze %dma_start3A_88 : memref<1x256xi32, #tpu.memory_space<hbm>> -> memref<256xi32, #tpu.memory_space<hbm>>
      %dma_start3A_90 = arith.constant 0 : i32
      %dma_start3A_91 = tpu.memref_slice %arg4[%add3A_68, %dma_start3A_90] : memref<512x256xi32, #tpu.memory_space<hbm>> -> memref<1x256xi32, #tpu.memory_space<hbm>>
      %dma_start3A_92 = tpu.memref_squeeze %dma_start3A_91 : memref<1x256xi32, #tpu.memory_space<hbm>> -> memref<256xi32, #tpu.memory_space<hbm>>
      %dma_start3A_93 = arith.constant 2816 : i32
      %dma_start3A_94 = tpu.memref_slice %arg7[%dma_start3A_93] : memref<4096xi32, #tpu.memory_space<vmem>> -> memref<256xi32, #tpu.memory_space<vmem>>
      tpu.enqueue_dma source(%dma_start3A_94 : memref<256xi32, #tpu.memory_space<vmem>>) target(%dma_start3A_92 : memref<256xi32, #tpu.memory_space<hbm>>) target_semaphore(%run_scoped3A : memref<!tpu.dma_semaphore, #tpu.memory_space<semaphore_mem>>)
      %dma_wait3A = arith.constant 2816 : i32
      %dma_wait3A_95 = tpu.memref_slice %arg7[%dma_wait3A] : memref<4096xi32, #tpu.memory_space<vmem>> -> memref<256xi32, #tpu.memory_space<vmem>>
      %dma_wait3A_96 = arith.constant 0 : i32
      %dma_wait3A_97 = tpu.memref_slice %arg4[%add3A_68, %dma_wait3A_96] : memref<512x256xi32, #tpu.memory_space<hbm>> -> memref<1x256xi32, #tpu.memory_space<hbm>>
      %dma_wait3A_98 = tpu.memref_squeeze %dma_wait3A_97 : memref<1x256xi32, #tpu.memory_space<hbm>> -> memref<256xi32, #tpu.memory_space<hbm>>
      %dma_wait3A_99 = arith.constant 0 : i32
      %dma_wait3A_100 = tpu.memref_slice %arg4[%add3A_68, %dma_wait3A_99] : memref<512x256xi32, #tpu.memory_space<hbm>> -> memref<1x256xi32, #tpu.memory_space<hbm>>
      %dma_wait3A_101 = tpu.memref_squeeze %dma_wait3A_100 : memref<1x256xi32, #tpu.memory_space<hbm>> -> memref<256xi32, #tpu.memory_space<hbm>>
      %dma_wait3A_102 = arith.constant 2816 : i32
      %dma_wait3A_103 = tpu.memref_slice %arg7[%dma_wait3A_102] : memref<4096xi32, #tpu.memory_space<vmem>> -> memref<256xi32, #tpu.memory_space<vmem>>
      tpu.wait_dma2 semaphore(%run_scoped3A : memref<!tpu.dma_semaphore, #tpu.memory_space<semaphore_mem>>) src(%dma_wait3A_103 : memref<256xi32, #tpu.memory_space<vmem>>) dst(%dma_wait3A_101 : memref<256xi32, #tpu.memory_space<hbm>>)
      tpu.yield
    }) : () -> ()
    %mul3A_69 = arith.constant 16 : i32
    %mul3A_70 = arith.muli %add3A, %mul3A_69 : i32
    %add3A_71 = arith.constant 12 : i32
    %add3A_72 = arith.addi %mul3A_70, %add3A_71 : i32
    "tpu.region"() ({
      %run_scoped3A = tpu.sem_alloc : memref<!tpu.dma_semaphore, #tpu.memory_space<semaphore_mem>>
      %dma_start3A_85 = arith.constant 3072 : i32
      %dma_start3A_86 = tpu.memref_slice %arg7[%dma_start3A_85] : memref<4096xi32, #tpu.memory_space<vmem>> -> memref<256xi32, #tpu.memory_space<vmem>>
      %dma_start3A_87 = arith.constant 0 : i32
      %dma_start3A_88 = tpu.memref_slice %arg4[%add3A_72, %dma_start3A_87] : memref<512x256xi32, #tpu.memory_space<hbm>> -> memref<1x256xi32, #tpu.memory_space<hbm>>
      %dma_start3A_89 = tpu.memref_squeeze %dma_start3A_88 : memref<1x256xi32, #tpu.memory_space<hbm>> -> memref<256xi32, #tpu.memory_space<hbm>>
      %dma_start3A_90 = arith.constant 0 : i32
      %dma_start3A_91 = tpu.memref_slice %arg4[%add3A_72, %dma_start3A_90] : memref<512x256xi32, #tpu.memory_space<hbm>> -> memref<1x256xi32, #tpu.memory_space<hbm>>
      %dma_start3A_92 = tpu.memref_squeeze %dma_start3A_91 : memref<1x256xi32, #tpu.memory_space<hbm>> -> memref<256xi32, #tpu.memory_space<hbm>>
      %dma_start3A_93 = arith.constant 3072 : i32
      %dma_start3A_94 = tpu.memref_slice %arg7[%dma_start3A_93] : memref<4096xi32, #tpu.memory_space<vmem>> -> memref<256xi32, #tpu.memory_space<vmem>>
      tpu.enqueue_dma source(%dma_start3A_94 : memref<256xi32, #tpu.memory_space<vmem>>) target(%dma_start3A_92 : memref<256xi32, #tpu.memory_space<hbm>>) target_semaphore(%run_scoped3A : memref<!tpu.dma_semaphore, #tpu.memory_space<semaphore_mem>>)
      %dma_wait3A = arith.constant 3072 : i32
      %dma_wait3A_95 = tpu.memref_slice %arg7[%dma_wait3A] : memref<4096xi32, #tpu.memory_space<vmem>> -> memref<256xi32, #tpu.memory_space<vmem>>
      %dma_wait3A_96 = arith.constant 0 : i32
      %dma_wait3A_97 = tpu.memref_slice %arg4[%add3A_72, %dma_wait3A_96] : memref<512x256xi32, #tpu.memory_space<hbm>> -> memref<1x256xi32, #tpu.memory_space<hbm>>
      %dma_wait3A_98 = tpu.memref_squeeze %dma_wait3A_97 : memref<1x256xi32, #tpu.memory_space<hbm>> -> memref<256xi32, #tpu.memory_space<hbm>>
      %dma_wait3A_99 = arith.constant 0 : i32
      %dma_wait3A_100 = tpu.memref_slice %arg4[%add3A_72, %dma_wait3A_99] : memref<512x256xi32, #tpu.memory_space<hbm>> -> memref<1x256xi32, #tpu.memory_space<hbm>>
      %dma_wait3A_101 = tpu.memref_squeeze %dma_wait3A_100 : memref<1x256xi32, #tpu.memory_space<hbm>> -> memref<256xi32, #tpu.memory_space<hbm>>
      %dma_wait3A_102 = arith.constant 3072 : i32
      %dma_wait3A_103 = tpu.memref_slice %arg7[%dma_wait3A_102] : memref<4096xi32, #tpu.memory_space<vmem>> -> memref<256xi32, #tpu.memory_space<vmem>>
      tpu.wait_dma2 semaphore(%run_scoped3A : memref<!tpu.dma_semaphore, #tpu.memory_space<semaphore_mem>>) src(%dma_wait3A_103 : memref<256xi32, #tpu.memory_space<vmem>>) dst(%dma_wait3A_101 : memref<256xi32, #tpu.memory_space<hbm>>)
      tpu.yield
    }) : () -> ()
    %mul3A_73 = arith.constant 16 : i32
    %mul3A_74 = arith.muli %add3A, %mul3A_73 : i32
    %add3A_75 = arith.constant 13 : i32
    %add3A_76 = arith.addi %mul3A_74, %add3A_75 : i32
    "tpu.region"() ({
      %run_scoped3A = tpu.sem_alloc : memref<!tpu.dma_semaphore, #tpu.memory_space<semaphore_mem>>
      %dma_start3A_85 = arith.constant 3328 : i32
      %dma_start3A_86 = tpu.memref_slice %arg7[%dma_start3A_85] : memref<4096xi32, #tpu.memory_space<vmem>> -> memref<256xi32, #tpu.memory_space<vmem>>
      %dma_start3A_87 = arith.constant 0 : i32
      %dma_start3A_88 = tpu.memref_slice %arg4[%add3A_76, %dma_start3A_87] : memref<512x256xi32, #tpu.memory_space<hbm>> -> memref<1x256xi32, #tpu.memory_space<hbm>>
      %dma_start3A_89 = tpu.memref_squeeze %dma_start3A_88 : memref<1x256xi32, #tpu.memory_space<hbm>> -> memref<256xi32, #tpu.memory_space<hbm>>
      %dma_start3A_90 = arith.constant 0 : i32
      %dma_start3A_91 = tpu.memref_slice %arg4[%add3A_76, %dma_start3A_90] : memref<512x256xi32, #tpu.memory_space<hbm>> -> memref<1x256xi32, #tpu.memory_space<hbm>>
      %dma_start3A_92 = tpu.memref_squeeze %dma_start3A_91 : memref<1x256xi32, #tpu.memory_space<hbm>> -> memref<256xi32, #tpu.memory_space<hbm>>
      %dma_start3A_93 = arith.constant 3328 : i32
      %dma_start3A_94 = tpu.memref_slice %arg7[%dma_start3A_93] : memref<4096xi32, #tpu.memory_space<vmem>> -> memref<256xi32, #tpu.memory_space<vmem>>
      tpu.enqueue_dma source(%dma_start3A_94 : memref<256xi32, #tpu.memory_space<vmem>>) target(%dma_start3A_92 : memref<256xi32, #tpu.memory_space<hbm>>) target_semaphore(%run_scoped3A : memref<!tpu.dma_semaphore, #tpu.memory_space<semaphore_mem>>)
      %dma_wait3A = arith.constant 3328 : i32
      %dma_wait3A_95 = tpu.memref_slice %arg7[%dma_wait3A] : memref<4096xi32, #tpu.memory_space<vmem>> -> memref<256xi32, #tpu.memory_space<vmem>>
      %dma_wait3A_96 = arith.constant 0 : i32
      %dma_wait3A_97 = tpu.memref_slice %arg4[%add3A_76, %dma_wait3A_96] : memref<512x256xi32, #tpu.memory_space<hbm>> -> memref<1x256xi32, #tpu.memory_space<hbm>>
      %dma_wait3A_98 = tpu.memref_squeeze %dma_wait3A_97 : memref<1x256xi32, #tpu.memory_space<hbm>> -> memref<256xi32, #tpu.memory_space<hbm>>
      %dma_wait3A_99 = arith.constant 0 : i32
      %dma_wait3A_100 = tpu.memref_slice %arg4[%add3A_76, %dma_wait3A_99] : memref<512x256xi32, #tpu.memory_space<hbm>> -> memref<1x256xi32, #tpu.memory_space<hbm>>
      %dma_wait3A_101 = tpu.memref_squeeze %dma_wait3A_100 : memref<1x256xi32, #tpu.memory_space<hbm>> -> memref<256xi32, #tpu.memory_space<hbm>>
      %dma_wait3A_102 = arith.constant 3328 : i32
      %dma_wait3A_103 = tpu.memref_slice %arg7[%dma_wait3A_102] : memref<4096xi32, #tpu.memory_space<vmem>> -> memref<256xi32, #tpu.memory_space<vmem>>
      tpu.wait_dma2 semaphore(%run_scoped3A : memref<!tpu.dma_semaphore, #tpu.memory_space<semaphore_mem>>) src(%dma_wait3A_103 : memref<256xi32, #tpu.memory_space<vmem>>) dst(%dma_wait3A_101 : memref<256xi32, #tpu.memory_space<hbm>>)
      tpu.yield
    }) : () -> ()
    %mul3A_77 = arith.constant 16 : i32
    %mul3A_78 = arith.muli %add3A, %mul3A_77 : i32
    %add3A_79 = arith.constant 14 : i32
    %add3A_80 = arith.addi %mul3A_78, %add3A_79 : i32
    "tpu.region"() ({
      %run_scoped3A = tpu.sem_alloc : memref<!tpu.dma_semaphore, #tpu.memory_space<semaphore_mem>>
      %dma_start3A_85 = arith.constant 3584 : i32
      %dma_start3A_86 = tpu.memref_slice %arg7[%dma_start3A_85] : memref<4096xi32, #tpu.memory_space<vmem>> -> memref<256xi32, #tpu.memory_space<vmem>>
      %dma_start3A_87 = arith.constant 0 : i32
      %dma_start3A_88 = tpu.memref_slice %arg4[%add3A_80, %dma_start3A_87] : memref<512x256xi32, #tpu.memory_space<hbm>> -> memref<1x256xi32, #tpu.memory_space<hbm>>
      %dma_start3A_89 = tpu.memref_squeeze %dma_start3A_88 : memref<1x256xi32, #tpu.memory_space<hbm>> -> memref<256xi32, #tpu.memory_space<hbm>>
      %dma_start3A_90 = arith.constant 0 : i32
      %dma_start3A_91 = tpu.memref_slice %arg4[%add3A_80, %dma_start3A_90] : memref<512x256xi32, #tpu.memory_space<hbm>> -> memref<1x256xi32, #tpu.memory_space<hbm>>
      %dma_start3A_92 = tpu.memref_squeeze %dma_start3A_91 : memref<1x256xi32, #tpu.memory_space<hbm>> -> memref<256xi32, #tpu.memory_space<hbm>>
      %dma_start3A_93 = arith.constant 3584 : i32
      %dma_start3A_94 = tpu.memref_slice %arg7[%dma_start3A_93] : memref<4096xi32, #tpu.memory_space<vmem>> -> memref<256xi32, #tpu.memory_space<vmem>>
      tpu.enqueue_dma source(%dma_start3A_94 : memref<256xi32, #tpu.memory_space<vmem>>) target(%dma_start3A_92 : memref<256xi32, #tpu.memory_space<hbm>>) target_semaphore(%run_scoped3A : memref<!tpu.dma_semaphore, #tpu.memory_space<semaphore_mem>>)
      %dma_wait3A = arith.constant 3584 : i32
      %dma_wait3A_95 = tpu.memref_slice %arg7[%dma_wait3A] : memref<4096xi32, #tpu.memory_space<vmem>> -> memref<256xi32, #tpu.memory_space<vmem>>
      %dma_wait3A_96 = arith.constant 0 : i32
      %dma_wait3A_97 = tpu.memref_slice %arg4[%add3A_80, %dma_wait3A_96] : memref<512x256xi32, #tpu.memory_space<hbm>> -> memref<1x256xi32, #tpu.memory_space<hbm>>
      %dma_wait3A_98 = tpu.memref_squeeze %dma_wait3A_97 : memref<1x256xi32, #tpu.memory_space<hbm>> -> memref<256xi32, #tpu.memory_space<hbm>>
      %dma_wait3A_99 = arith.constant 0 : i32
      %dma_wait3A_100 = tpu.memref_slice %arg4[%add3A_80, %dma_wait3A_99] : memref<512x256xi32, #tpu.memory_space<hbm>> -> memref<1x256xi32, #tpu.memory_space<hbm>>
      %dma_wait3A_101 = tpu.memref_squeeze %dma_wait3A_100 : memref<1x256xi32, #tpu.memory_space<hbm>> -> memref<256xi32, #tpu.memory_space<hbm>>
      %dma_wait3A_102 = arith.constant 3584 : i32
      %dma_wait3A_103 = tpu.memref_slice %arg7[%dma_wait3A_102] : memref<4096xi32, #tpu.memory_space<vmem>> -> memref<256xi32, #tpu.memory_space<vmem>>
      tpu.wait_dma2 semaphore(%run_scoped3A : memref<!tpu.dma_semaphore, #tpu.memory_space<semaphore_mem>>) src(%dma_wait3A_103 : memref<256xi32, #tpu.memory_space<vmem>>) dst(%dma_wait3A_101 : memref<256xi32, #tpu.memory_space<hbm>>)
      tpu.yield
    }) : () -> ()
    %mul3A_81 = arith.constant 16 : i32
    %mul3A_82 = arith.muli %add3A, %mul3A_81 : i32
    %add3A_83 = arith.constant 15 : i32
    %add3A_84 = arith.addi %mul3A_82, %add3A_83 : i32
    "tpu.region"() ({
      %run_scoped3A = tpu.sem_alloc : memref<!tpu.dma_semaphore, #tpu.memory_space<semaphore_mem>>
      %dma_start3A_85 = arith.constant 3840 : i32
      %dma_start3A_86 = tpu.memref_slice %arg7[%dma_start3A_85] : memref<4096xi32, #tpu.memory_space<vmem>> -> memref<256xi32, #tpu.memory_space<vmem>>
      %dma_start3A_87 = arith.constant 0 : i32
      %dma_start3A_88 = tpu.memref_slice %arg4[%add3A_84, %dma_start3A_87] : memref<512x256xi32, #tpu.memory_space<hbm>> -> memref<1x256xi32, #tpu.memory_space<hbm>>
      %dma_start3A_89 = tpu.memref_squeeze %dma_start3A_88 : memref<1x256xi32, #tpu.memory_space<hbm>> -> memref<256xi32, #tpu.memory_space<hbm>>
      %dma_start3A_90 = arith.constant 0 : i32
      %dma_start3A_91 = tpu.memref_slice %arg4[%add3A_84, %dma_start3A_90] : memref<512x256xi32, #tpu.memory_space<hbm>> -> memref<1x256xi32, #tpu.memory_space<hbm>>
      %dma_start3A_92 = tpu.memref_squeeze %dma_start3A_91 : memref<1x256xi32, #tpu.memory_space<hbm>> -> memref<256xi32, #tpu.memory_space<hbm>>
      %dma_start3A_93 = arith.constant 3840 : i32
      %dma_start3A_94 = tpu.memref_slice %arg7[%dma_start3A_93] : memref<4096xi32, #tpu.memory_space<vmem>> -> memref<256xi32, #tpu.memory_space<vmem>>
      tpu.enqueue_dma source(%dma_start3A_94 : memref<256xi32, #tpu.memory_space<vmem>>) target(%dma_start3A_92 : memref<256xi32, #tpu.memory_space<hbm>>) target_semaphore(%run_scoped3A : memref<!tpu.dma_semaphore, #tpu.memory_space<semaphore_mem>>)
      %dma_wait3A = arith.constant 3840 : i32
      %dma_wait3A_95 = tpu.memref_slice %arg7[%dma_wait3A] : memref<4096xi32, #tpu.memory_space<vmem>> -> memref<256xi32, #tpu.memory_space<vmem>>
      %dma_wait3A_96 = arith.constant 0 : i32
      %dma_wait3A_97 = tpu.memref_slice %arg4[%add3A_84, %dma_wait3A_96] : memref<512x256xi32, #tpu.memory_space<hbm>> -> memref<1x256xi32, #tpu.memory_space<hbm>>
      %dma_wait3A_98 = tpu.memref_squeeze %dma_wait3A_97 : memref<1x256xi32, #tpu.memory_space<hbm>> -> memref<256xi32, #tpu.memory_space<hbm>>
      %dma_wait3A_99 = arith.constant 0 : i32
      %dma_wait3A_100 = tpu.memref_slice %arg4[%add3A_84, %dma_wait3A_99] : memref<512x256xi32, #tpu.memory_space<hbm>> -> memref<1x256xi32, #tpu.memory_space<hbm>>
      %dma_wait3A_101 = tpu.memref_squeeze %dma_wait3A_100 : memref<1x256xi32, #tpu.memory_space<hbm>> -> memref<256xi32, #tpu.memory_space<hbm>>
      %dma_wait3A_102 = arith.constant 3840 : i32
      %dma_wait3A_103 = tpu.memref_slice %arg7[%dma_wait3A_102] : memref<4096xi32, #tpu.memory_space<vmem>> -> memref<256xi32, #tpu.memory_space<vmem>>
      tpu.wait_dma2 semaphore(%run_scoped3A : memref<!tpu.dma_semaphore, #tpu.memory_space<semaphore_mem>>) src(%dma_wait3A_103 : memref<256xi32, #tpu.memory_space<vmem>>) dst(%dma_wait3A_101 : memref<256xi32, #tpu.memory_space<hbm>>)
      tpu.yield
    }) : () -> ()
    return
  }
}

#map = affine_map<(d0, d1) -> (0)>
#map1 = affine_map<(d0, d1) -> (0, 0)>
module attributes {stable_mosaic.version = 14 : i64} {
  func.func @body(%arg0: i32, %arg1: i32, %arg2: memref<16777216xi32, #tpu.memory_space<hbm>>, %arg3: memref<16xi32, #tpu.memory_space<hbm>>, %arg4: memref<512x4096xi32, #tpu.memory_space<hbm>>, %arg5: memref<16384xi32, #tpu.memory_space<vmem>>, %arg6: memref<16384xi32, #tpu.memory_space<vmem>>, %arg7: memref<65536xi32, #tpu.memory_space<vmem>>, %arg8: memref<16xi32, #tpu.memory_space<vmem>>, %arg9: memref<!tpu.dma_semaphore, #tpu.memory_space<semaphore_mem>>, %arg10: memref<!tpu.dma_semaphore, #tpu.memory_space<semaphore_mem>>) attributes {dimension_semantics = [#tpu.dimension_semantics<core_parallel>, #tpu.dimension_semantics<subcore_parallel>], iteration_bounds = array<i64: 2, 16>, scalar_prefetch = 0 : i64, scratch_operands = 6 : i64, tpu.core_type = #tpu.core_type<sc_vector_subcore>, window_params = [{transform_indices = #map}, {transform_indices = #map}, {transform_indices = #map1}]} {
    %mul3A = arith.constant 2 : i32
    %mul3A_0 = arith.muli %arg1, %mul3A : i32
    %add3A = arith.addi %mul3A_0, %arg0 : i32
    %mul3A_1 = arith.constant 524288 : i32
    %mul3A_2 = arith.muli %add3A, %mul3A_1 : i32
    %broadcast_in_dim3A = arith.constant 0 : i32
    %broadcast_in_dim3A_3 = vector.broadcast %broadcast_in_dim3A : i32 to vector<16xi32>
    %parallel_loop3A = arith.constant 0 : i32
    %parallel_loop3A_4 = arith.constant 65536 : i32
    %parallel_loop3A_5 = arith.constant 16 : i32
    scf.for %parallel_loop3A_84 = %parallel_loop3A to %parallel_loop3A_4 step %parallel_loop3A_5  : i32 {
      %parallel_loop3A_85 = arith.index_cast %parallel_loop3A_84 : i32 to index
      %parallel_loop3A_86 = tpu.vector_load %arg7[%parallel_loop3A_85] {strides = array<i32>} : memref<65536xi32, #tpu.memory_space<vmem>>, vector<16xi32>,
      tpu.vector_store %arg7[%parallel_loop3A_85], %broadcast_in_dim3A_3 {strides = array<i32>} : memref<65536xi32, #tpu.memory_space<vmem>>, vector<16xi32>,
    } {sc.loop_unroll_factor = 8 : i64, sc.parallel_access}
    %iota3A = tpu.iota {dimensions = array<i32: 0>} : vector<16xi32>
    %mul3A_6 = arith.constant 4096 : i32
    %mul3A_7 = vector.broadcast %mul3A_6 : i32 to vector<16xi32>
    %mul3A_8 = arith.muli %iota3A, %mul3A_7 : vector<16xi32>
    %broadcast_in_dim3A_9 = arith.constant 1 : i32
    %broadcast_in_dim3A_10 = vector.broadcast %broadcast_in_dim3A_9 : i32 to vector<16xi32>
    %dma_start3A = tpu.memref_slice %arg2[%mul3A_2] : memref<16777216xi32, #tpu.memory_space<hbm>> -> memref<16384xi32, #tpu.memory_space<hbm>>
    %dma_start3A_11 = tpu.memref_slice %arg2[%mul3A_2] : memref<16777216xi32, #tpu.memory_space<hbm>> -> memref<16384xi32, #tpu.memory_space<hbm>>
    tpu.enqueue_dma source(%dma_start3A_11 : memref<16384xi32, #tpu.memory_space<hbm>>) target(%arg5 : memref<16384xi32, #tpu.memory_space<vmem>>) target_semaphore(%arg9 : memref<!tpu.dma_semaphore, #tpu.memory_space<semaphore_mem>>)
    %add3A_12 = arith.constant 16384 : i32
    %add3A_13 = arith.addi %mul3A_2, %add3A_12 : i32
    %dma_start3A_14 = tpu.memref_slice %arg2[%add3A_13] : memref<16777216xi32, #tpu.memory_space<hbm>> -> memref<16384xi32, #tpu.memory_space<hbm>>
    %dma_start3A_15 = tpu.memref_slice %arg2[%add3A_13] : memref<16777216xi32, #tpu.memory_space<hbm>> -> memref<16384xi32, #tpu.memory_space<hbm>>
    tpu.enqueue_dma source(%dma_start3A_15 : memref<16384xi32, #tpu.memory_space<hbm>>) target(%arg6 : memref<16384xi32, #tpu.memory_space<vmem>>) target_semaphore(%arg10 : memref<!tpu.dma_semaphore, #tpu.memory_space<semaphore_mem>>)
    %scan3A = arith.constant 0 : i32
    %scan3A_16 = arith.constant 16 : i32
    %scan3A_17 = arith.addi %scan3A, %scan3A_16 : i32
    %scan3A_18 = arith.constant 1 : i32
    scf.for %scan3A_84 = %scan3A to %scan3A_17 step %scan3A_18  : i32 {
      %mul3A_85 = arith.constant 2 : i32
      %mul3A_86 = arith.muli %scan3A_84, %mul3A_85 : i32
      %add3A_87 = arith.constant 0 : i32
      %add3A_88 = arith.addi %add3A_87, %mul3A_86 : i32
      %dma_wait3A = tpu.memref_slice %arg2[%mul3A_2] : memref<16777216xi32, #tpu.memory_space<hbm>> -> memref<16384xi32, #tpu.memory_space<hbm>>
      %dma_wait3A_89 = tpu.memref_slice %arg2[%mul3A_2] : memref<16777216xi32, #tpu.memory_space<hbm>> -> memref<16384xi32, #tpu.memory_space<hbm>>
      tpu.wait_dma2 semaphore(%arg9 : memref<!tpu.dma_semaphore, #tpu.memory_space<semaphore_mem>>) src(%dma_wait3A_89 : memref<16384xi32, #tpu.memory_space<hbm>>) dst(%arg5 : memref<16384xi32, #tpu.memory_space<vmem>>)
      %parallel_loop3A_90 = arith.constant 0 : i32
      %parallel_loop3A_91 = arith.constant 16384 : i32
      %parallel_loop3A_92 = arith.constant 16 : i32
      scf.for %parallel_loop3A_109 = %parallel_loop3A_90 to %parallel_loop3A_91 step %parallel_loop3A_92  : i32 {
        %parallel_loop3A_110 = arith.index_cast %parallel_loop3A_109 : i32 to index
        %parallel_loop3A_111 = tpu.vector_load %arg5[%parallel_loop3A_110] {strides = array<i32>} : memref<16384xi32, #tpu.memory_space<vmem>>, vector<16xi32>,
        %parallel_loop3A_112 = arith.constant 20 : i32
        %parallel_loop3A_113 = vector.broadcast %parallel_loop3A_112 : i32 to vector<16xi32>
        %parallel_loop3A_114 = arith.shrui %parallel_loop3A_111, %parallel_loop3A_113 : vector<16xi32>
        %parallel_loop3A_115 = arith.constant 4095 : i32
        %parallel_loop3A_116 = vector.broadcast %parallel_loop3A_115 : i32 to vector<16xi32>
        %parallel_loop3A_117 = arith.andi %parallel_loop3A_114, %parallel_loop3A_116 : vector<16xi32>
        %parallel_loop3A_118 = arith.addi %mul3A_8, %parallel_loop3A_117 : vector<16xi32>
        tpu.vector_store_idx %arg7[%parallel_loop3A_118], %broadcast_in_dim3A_10 {add = true} : memref<65536xi32, #tpu.memory_space<vmem>>[vector<16xi32>], vector<16xi32>,
      } {sc.loop_unroll_factor = 16 : i64, sc.parallel_access}
      %add3A_93 = arith.constant 2 : i32
      %add3A_94 = arith.addi %add3A_88, %add3A_93 : i32
      %lt3A = arith.constant 32 : i32
      %lt3A_95 = arith.cmpi slt, %add3A_94, %lt3A : i32
      %convert_element_type3A = arith.extui %lt3A_95 : i1 to i32
      %cond3A = arith.constant 0 : i32
      %cond3A_96 = arith.cmpi ne, %convert_element_type3A, %cond3A : i32
      scf.if %cond3A_96 {
        %add3A_109 = arith.constant 2 : i32
        %add3A_110 = arith.addi %add3A_88, %add3A_109 : i32
        %mul3A_111 = arith.constant 16384 : i32
        %mul3A_112 = arith.muli %add3A_110, %mul3A_111 : i32
        %add3A_113 = arith.addi %mul3A_2, %mul3A_112 : i32
        %multiple_of3A = tpu.assume_multiple %add3A_113, 16384 : i32
        %dma_start3A_114 = tpu.memref_slice %arg2[%multiple_of3A] : memref<16777216xi32, #tpu.memory_space<hbm>> -> memref<16384xi32, #tpu.memory_space<hbm>>
        %dma_start3A_115 = tpu.memref_slice %arg2[%multiple_of3A] : memref<16777216xi32, #tpu.memory_space<hbm>> -> memref<16384xi32, #tpu.memory_space<hbm>>
        tpu.enqueue_dma source(%dma_start3A_115 : memref<16384xi32, #tpu.memory_space<hbm>>) target(%arg5 : memref<16384xi32, #tpu.memory_space<vmem>>) target_semaphore(%arg9 : memref<!tpu.dma_semaphore, #tpu.memory_space<semaphore_mem>>)
      } else {
      }
      %dma_wait3A_97 = tpu.memref_slice %arg2[%mul3A_2] : memref<16777216xi32, #tpu.memory_space<hbm>> -> memref<16384xi32, #tpu.memory_space<hbm>>
      %dma_wait3A_98 = tpu.memref_slice %arg2[%mul3A_2] : memref<16777216xi32, #tpu.memory_space<hbm>> -> memref<16384xi32, #tpu.memory_space<hbm>>
      tpu.wait_dma2 semaphore(%arg10 : memref<!tpu.dma_semaphore, #tpu.memory_space<semaphore_mem>>) src(%dma_wait3A_98 : memref<16384xi32, #tpu.memory_space<hbm>>) dst(%arg6 : memref<16384xi32, #tpu.memory_space<vmem>>)
      %parallel_loop3A_99 = arith.constant 0 : i32
      %parallel_loop3A_100 = arith.constant 16384 : i32
      %parallel_loop3A_101 = arith.constant 16 : i32
      scf.for %parallel_loop3A_109 = %parallel_loop3A_99 to %parallel_loop3A_100 step %parallel_loop3A_101  : i32 {
        %parallel_loop3A_110 = arith.index_cast %parallel_loop3A_109 : i32 to index
        %parallel_loop3A_111 = tpu.vector_load %arg6[%parallel_loop3A_110] {strides = array<i32>} : memref<16384xi32, #tpu.memory_space<vmem>>, vector<16xi32>,
        %parallel_loop3A_112 = arith.constant 20 : i32
        %parallel_loop3A_113 = vector.broadcast %parallel_loop3A_112 : i32 to vector<16xi32>
        %parallel_loop3A_114 = arith.shrui %parallel_loop3A_111, %parallel_loop3A_113 : vector<16xi32>
        %parallel_loop3A_115 = arith.constant 4095 : i32
        %parallel_loop3A_116 = vector.broadcast %parallel_loop3A_115 : i32 to vector<16xi32>
        %parallel_loop3A_117 = arith.andi %parallel_loop3A_114, %parallel_loop3A_116 : vector<16xi32>
        %parallel_loop3A_118 = arith.addi %mul3A_8, %parallel_loop3A_117 : vector<16xi32>
        tpu.vector_store_idx %arg7[%parallel_loop3A_118], %broadcast_in_dim3A_10 {add = true} : memref<65536xi32, #tpu.memory_space<vmem>>[vector<16xi32>], vector<16xi32>,
      } {sc.loop_unroll_factor = 16 : i64, sc.parallel_access}
      %add3A_102 = arith.constant 3 : i32
      %add3A_103 = arith.addi %add3A_88, %add3A_102 : i32
      %lt3A_104 = arith.constant 32 : i32
      %lt3A_105 = arith.cmpi slt, %add3A_103, %lt3A_104 : i32
      %convert_element_type3A_106 = arith.extui %lt3A_105 : i1 to i32
      %cond3A_107 = arith.constant 0 : i32
      %cond3A_108 = arith.cmpi ne, %convert_element_type3A_106, %cond3A_107 : i32
      scf.if %cond3A_108 {
        %add3A_109 = arith.constant 3 : i32
        %add3A_110 = arith.addi %add3A_88, %add3A_109 : i32
        %mul3A_111 = arith.constant 16384 : i32
        %mul3A_112 = arith.muli %add3A_110, %mul3A_111 : i32
        %add3A_113 = arith.addi %mul3A_2, %mul3A_112 : i32
        %multiple_of3A = tpu.assume_multiple %add3A_113, 16384 : i32
        %dma_start3A_114 = tpu.memref_slice %arg2[%multiple_of3A] : memref<16777216xi32, #tpu.memory_space<hbm>> -> memref<16384xi32, #tpu.memory_space<hbm>>
        %dma_start3A_115 = tpu.memref_slice %arg2[%multiple_of3A] : memref<16777216xi32, #tpu.memory_space<hbm>> -> memref<16384xi32, #tpu.memory_space<hbm>>
        tpu.enqueue_dma source(%dma_start3A_115 : memref<16384xi32, #tpu.memory_space<hbm>>) target(%arg6 : memref<16384xi32, #tpu.memory_space<vmem>>) target_semaphore(%arg10 : memref<!tpu.dma_semaphore, #tpu.memory_space<semaphore_mem>>)
      } else {
      }
    }
    %scan3A_19 = arith.constant 16 : i32
    %mul3A_20 = arith.constant 16 : i32
    %mul3A_21 = arith.muli %add3A, %mul3A_20 : i32
    %add3A_22 = arith.constant 0 : i32
    %add3A_23 = arith.addi %mul3A_21, %add3A_22 : i32
    "tpu.region"() ({
      %run_scoped3A = tpu.sem_alloc : memref<!tpu.dma_semaphore, #tpu.memory_space<semaphore_mem>>
      %dma_start3A_84 = arith.constant 0 : i32
      %dma_start3A_85 = tpu.memref_slice %arg7[%dma_start3A_84] : memref<65536xi32, #tpu.memory_space<vmem>> -> memref<4096xi32, #tpu.memory_space<vmem>>
      %dma_start3A_86 = arith.constant 0 : i32
      %dma_start3A_87 = tpu.memref_slice %arg4[%add3A_23, %dma_start3A_86] : memref<512x4096xi32, #tpu.memory_space<hbm>> -> memref<1x4096xi32, #tpu.memory_space<hbm>>
      %dma_start3A_88 = tpu.memref_squeeze %dma_start3A_87 : memref<1x4096xi32, #tpu.memory_space<hbm>> -> memref<4096xi32, #tpu.memory_space<hbm>>
      %dma_start3A_89 = arith.constant 0 : i32
      %dma_start3A_90 = tpu.memref_slice %arg4[%add3A_23, %dma_start3A_89] : memref<512x4096xi32, #tpu.memory_space<hbm>> -> memref<1x4096xi32, #tpu.memory_space<hbm>>
      %dma_start3A_91 = tpu.memref_squeeze %dma_start3A_90 : memref<1x4096xi32, #tpu.memory_space<hbm>> -> memref<4096xi32, #tpu.memory_space<hbm>>
      %dma_start3A_92 = arith.constant 0 : i32
      %dma_start3A_93 = tpu.memref_slice %arg7[%dma_start3A_92] : memref<65536xi32, #tpu.memory_space<vmem>> -> memref<4096xi32, #tpu.memory_space<vmem>>
      tpu.enqueue_dma source(%dma_start3A_93 : memref<4096xi32, #tpu.memory_space<vmem>>) target(%dma_start3A_91 : memref<4096xi32, #tpu.memory_space<hbm>>) target_semaphore(%run_scoped3A : memref<!tpu.dma_semaphore, #tpu.memory_space<semaphore_mem>>)
      %dma_wait3A = arith.constant 0 : i32
      %dma_wait3A_94 = tpu.memref_slice %arg7[%dma_wait3A] : memref<65536xi32, #tpu.memory_space<vmem>> -> memref<4096xi32, #tpu.memory_space<vmem>>
      %dma_wait3A_95 = arith.constant 0 : i32
      %dma_wait3A_96 = tpu.memref_slice %arg4[%add3A_23, %dma_wait3A_95] : memref<512x4096xi32, #tpu.memory_space<hbm>> -> memref<1x4096xi32, #tpu.memory_space<hbm>>
      %dma_wait3A_97 = tpu.memref_squeeze %dma_wait3A_96 : memref<1x4096xi32, #tpu.memory_space<hbm>> -> memref<4096xi32, #tpu.memory_space<hbm>>
      %dma_wait3A_98 = arith.constant 0 : i32
      %dma_wait3A_99 = tpu.memref_slice %arg4[%add3A_23, %dma_wait3A_98] : memref<512x4096xi32, #tpu.memory_space<hbm>> -> memref<1x4096xi32, #tpu.memory_space<hbm>>
      %dma_wait3A_100 = tpu.memref_squeeze %dma_wait3A_99 : memref<1x4096xi32, #tpu.memory_space<hbm>> -> memref<4096xi32, #tpu.memory_space<hbm>>
      %dma_wait3A_101 = arith.constant 0 : i32
      %dma_wait3A_102 = tpu.memref_slice %arg7[%dma_wait3A_101] : memref<65536xi32, #tpu.memory_space<vmem>> -> memref<4096xi32, #tpu.memory_space<vmem>>
      tpu.wait_dma2 semaphore(%run_scoped3A : memref<!tpu.dma_semaphore, #tpu.memory_space<semaphore_mem>>) src(%dma_wait3A_102 : memref<4096xi32, #tpu.memory_space<vmem>>) dst(%dma_wait3A_100 : memref<4096xi32, #tpu.memory_space<hbm>>)
      tpu.yield
    }) : () -> ()
    %mul3A_24 = arith.constant 16 : i32
    %mul3A_25 = arith.muli %add3A, %mul3A_24 : i32
    %add3A_26 = arith.constant 1 : i32
    %add3A_27 = arith.addi %mul3A_25, %add3A_26 : i32
    "tpu.region"() ({
      %run_scoped3A = tpu.sem_alloc : memref<!tpu.dma_semaphore, #tpu.memory_space<semaphore_mem>>
      %dma_start3A_84 = arith.constant 4096 : i32
      %dma_start3A_85 = tpu.memref_slice %arg7[%dma_start3A_84] : memref<65536xi32, #tpu.memory_space<vmem>> -> memref<4096xi32, #tpu.memory_space<vmem>>
      %dma_start3A_86 = arith.constant 0 : i32
      %dma_start3A_87 = tpu.memref_slice %arg4[%add3A_27, %dma_start3A_86] : memref<512x4096xi32, #tpu.memory_space<hbm>> -> memref<1x4096xi32, #tpu.memory_space<hbm>>
      %dma_start3A_88 = tpu.memref_squeeze %dma_start3A_87 : memref<1x4096xi32, #tpu.memory_space<hbm>> -> memref<4096xi32, #tpu.memory_space<hbm>>
      %dma_start3A_89 = arith.constant 0 : i32
      %dma_start3A_90 = tpu.memref_slice %arg4[%add3A_27, %dma_start3A_89] : memref<512x4096xi32, #tpu.memory_space<hbm>> -> memref<1x4096xi32, #tpu.memory_space<hbm>>
      %dma_start3A_91 = tpu.memref_squeeze %dma_start3A_90 : memref<1x4096xi32, #tpu.memory_space<hbm>> -> memref<4096xi32, #tpu.memory_space<hbm>>
      %dma_start3A_92 = arith.constant 4096 : i32
      %dma_start3A_93 = tpu.memref_slice %arg7[%dma_start3A_92] : memref<65536xi32, #tpu.memory_space<vmem>> -> memref<4096xi32, #tpu.memory_space<vmem>>
      tpu.enqueue_dma source(%dma_start3A_93 : memref<4096xi32, #tpu.memory_space<vmem>>) target(%dma_start3A_91 : memref<4096xi32, #tpu.memory_space<hbm>>) target_semaphore(%run_scoped3A : memref<!tpu.dma_semaphore, #tpu.memory_space<semaphore_mem>>)
      %dma_wait3A = arith.constant 4096 : i32
      %dma_wait3A_94 = tpu.memref_slice %arg7[%dma_wait3A] : memref<65536xi32, #tpu.memory_space<vmem>> -> memref<4096xi32, #tpu.memory_space<vmem>>
      %dma_wait3A_95 = arith.constant 0 : i32
      %dma_wait3A_96 = tpu.memref_slice %arg4[%add3A_27, %dma_wait3A_95] : memref<512x4096xi32, #tpu.memory_space<hbm>> -> memref<1x4096xi32, #tpu.memory_space<hbm>>
      %dma_wait3A_97 = tpu.memref_squeeze %dma_wait3A_96 : memref<1x4096xi32, #tpu.memory_space<hbm>> -> memref<4096xi32, #tpu.memory_space<hbm>>
      %dma_wait3A_98 = arith.constant 0 : i32
      %dma_wait3A_99 = tpu.memref_slice %arg4[%add3A_27, %dma_wait3A_98] : memref<512x4096xi32, #tpu.memory_space<hbm>> -> memref<1x4096xi32, #tpu.memory_space<hbm>>
      %dma_wait3A_100 = tpu.memref_squeeze %dma_wait3A_99 : memref<1x4096xi32, #tpu.memory_space<hbm>> -> memref<4096xi32, #tpu.memory_space<hbm>>
      %dma_wait3A_101 = arith.constant 4096 : i32
      %dma_wait3A_102 = tpu.memref_slice %arg7[%dma_wait3A_101] : memref<65536xi32, #tpu.memory_space<vmem>> -> memref<4096xi32, #tpu.memory_space<vmem>>
      tpu.wait_dma2 semaphore(%run_scoped3A : memref<!tpu.dma_semaphore, #tpu.memory_space<semaphore_mem>>) src(%dma_wait3A_102 : memref<4096xi32, #tpu.memory_space<vmem>>) dst(%dma_wait3A_100 : memref<4096xi32, #tpu.memory_space<hbm>>)
      tpu.yield
    }) : () -> ()
    %mul3A_28 = arith.constant 16 : i32
    %mul3A_29 = arith.muli %add3A, %mul3A_28 : i32
    %add3A_30 = arith.constant 2 : i32
    %add3A_31 = arith.addi %mul3A_29, %add3A_30 : i32
    "tpu.region"() ({
      %run_scoped3A = tpu.sem_alloc : memref<!tpu.dma_semaphore, #tpu.memory_space<semaphore_mem>>
      %dma_start3A_84 = arith.constant 8192 : i32
      %dma_start3A_85 = tpu.memref_slice %arg7[%dma_start3A_84] : memref<65536xi32, #tpu.memory_space<vmem>> -> memref<4096xi32, #tpu.memory_space<vmem>>
      %dma_start3A_86 = arith.constant 0 : i32
      %dma_start3A_87 = tpu.memref_slice %arg4[%add3A_31, %dma_start3A_86] : memref<512x4096xi32, #tpu.memory_space<hbm>> -> memref<1x4096xi32, #tpu.memory_space<hbm>>
      %dma_start3A_88 = tpu.memref_squeeze %dma_start3A_87 : memref<1x4096xi32, #tpu.memory_space<hbm>> -> memref<4096xi32, #tpu.memory_space<hbm>>
      %dma_start3A_89 = arith.constant 0 : i32
      %dma_start3A_90 = tpu.memref_slice %arg4[%add3A_31, %dma_start3A_89] : memref<512x4096xi32, #tpu.memory_space<hbm>> -> memref<1x4096xi32, #tpu.memory_space<hbm>>
      %dma_start3A_91 = tpu.memref_squeeze %dma_start3A_90 : memref<1x4096xi32, #tpu.memory_space<hbm>> -> memref<4096xi32, #tpu.memory_space<hbm>>
      %dma_start3A_92 = arith.constant 8192 : i32
      %dma_start3A_93 = tpu.memref_slice %arg7[%dma_start3A_92] : memref<65536xi32, #tpu.memory_space<vmem>> -> memref<4096xi32, #tpu.memory_space<vmem>>
      tpu.enqueue_dma source(%dma_start3A_93 : memref<4096xi32, #tpu.memory_space<vmem>>) target(%dma_start3A_91 : memref<4096xi32, #tpu.memory_space<hbm>>) target_semaphore(%run_scoped3A : memref<!tpu.dma_semaphore, #tpu.memory_space<semaphore_mem>>)
      %dma_wait3A = arith.constant 8192 : i32
      %dma_wait3A_94 = tpu.memref_slice %arg7[%dma_wait3A] : memref<65536xi32, #tpu.memory_space<vmem>> -> memref<4096xi32, #tpu.memory_space<vmem>>
      %dma_wait3A_95 = arith.constant 0 : i32
      %dma_wait3A_96 = tpu.memref_slice %arg4[%add3A_31, %dma_wait3A_95] : memref<512x4096xi32, #tpu.memory_space<hbm>> -> memref<1x4096xi32, #tpu.memory_space<hbm>>
      %dma_wait3A_97 = tpu.memref_squeeze %dma_wait3A_96 : memref<1x4096xi32, #tpu.memory_space<hbm>> -> memref<4096xi32, #tpu.memory_space<hbm>>
      %dma_wait3A_98 = arith.constant 0 : i32
      %dma_wait3A_99 = tpu.memref_slice %arg4[%add3A_31, %dma_wait3A_98] : memref<512x4096xi32, #tpu.memory_space<hbm>> -> memref<1x4096xi32, #tpu.memory_space<hbm>>
      %dma_wait3A_100 = tpu.memref_squeeze %dma_wait3A_99 : memref<1x4096xi32, #tpu.memory_space<hbm>> -> memref<4096xi32, #tpu.memory_space<hbm>>
      %dma_wait3A_101 = arith.constant 8192 : i32
      %dma_wait3A_102 = tpu.memref_slice %arg7[%dma_wait3A_101] : memref<65536xi32, #tpu.memory_space<vmem>> -> memref<4096xi32, #tpu.memory_space<vmem>>
      tpu.wait_dma2 semaphore(%run_scoped3A : memref<!tpu.dma_semaphore, #tpu.memory_space<semaphore_mem>>) src(%dma_wait3A_102 : memref<4096xi32, #tpu.memory_space<vmem>>) dst(%dma_wait3A_100 : memref<4096xi32, #tpu.memory_space<hbm>>)
      tpu.yield
    }) : () -> ()
    %mul3A_32 = arith.constant 16 : i32
    %mul3A_33 = arith.muli %add3A, %mul3A_32 : i32
    %add3A_34 = arith.constant 3 : i32
    %add3A_35 = arith.addi %mul3A_33, %add3A_34 : i32
    "tpu.region"() ({
      %run_scoped3A = tpu.sem_alloc : memref<!tpu.dma_semaphore, #tpu.memory_space<semaphore_mem>>
      %dma_start3A_84 = arith.constant 12288 : i32
      %dma_start3A_85 = tpu.memref_slice %arg7[%dma_start3A_84] : memref<65536xi32, #tpu.memory_space<vmem>> -> memref<4096xi32, #tpu.memory_space<vmem>>
      %dma_start3A_86 = arith.constant 0 : i32
      %dma_start3A_87 = tpu.memref_slice %arg4[%add3A_35, %dma_start3A_86] : memref<512x4096xi32, #tpu.memory_space<hbm>> -> memref<1x4096xi32, #tpu.memory_space<hbm>>
      %dma_start3A_88 = tpu.memref_squeeze %dma_start3A_87 : memref<1x4096xi32, #tpu.memory_space<hbm>> -> memref<4096xi32, #tpu.memory_space<hbm>>
      %dma_start3A_89 = arith.constant 0 : i32
      %dma_start3A_90 = tpu.memref_slice %arg4[%add3A_35, %dma_start3A_89] : memref<512x4096xi32, #tpu.memory_space<hbm>> -> memref<1x4096xi32, #tpu.memory_space<hbm>>
      %dma_start3A_91 = tpu.memref_squeeze %dma_start3A_90 : memref<1x4096xi32, #tpu.memory_space<hbm>> -> memref<4096xi32, #tpu.memory_space<hbm>>
      %dma_start3A_92 = arith.constant 12288 : i32
      %dma_start3A_93 = tpu.memref_slice %arg7[%dma_start3A_92] : memref<65536xi32, #tpu.memory_space<vmem>> -> memref<4096xi32, #tpu.memory_space<vmem>>
      tpu.enqueue_dma source(%dma_start3A_93 : memref<4096xi32, #tpu.memory_space<vmem>>) target(%dma_start3A_91 : memref<4096xi32, #tpu.memory_space<hbm>>) target_semaphore(%run_scoped3A : memref<!tpu.dma_semaphore, #tpu.memory_space<semaphore_mem>>)
      %dma_wait3A = arith.constant 12288 : i32
      %dma_wait3A_94 = tpu.memref_slice %arg7[%dma_wait3A] : memref<65536xi32, #tpu.memory_space<vmem>> -> memref<4096xi32, #tpu.memory_space<vmem>>
      %dma_wait3A_95 = arith.constant 0 : i32
      %dma_wait3A_96 = tpu.memref_slice %arg4[%add3A_35, %dma_wait3A_95] : memref<512x4096xi32, #tpu.memory_space<hbm>> -> memref<1x4096xi32, #tpu.memory_space<hbm>>
      %dma_wait3A_97 = tpu.memref_squeeze %dma_wait3A_96 : memref<1x4096xi32, #tpu.memory_space<hbm>> -> memref<4096xi32, #tpu.memory_space<hbm>>
      %dma_wait3A_98 = arith.constant 0 : i32
      %dma_wait3A_99 = tpu.memref_slice %arg4[%add3A_35, %dma_wait3A_98] : memref<512x4096xi32, #tpu.memory_space<hbm>> -> memref<1x4096xi32, #tpu.memory_space<hbm>>
      %dma_wait3A_100 = tpu.memref_squeeze %dma_wait3A_99 : memref<1x4096xi32, #tpu.memory_space<hbm>> -> memref<4096xi32, #tpu.memory_space<hbm>>
      %dma_wait3A_101 = arith.constant 12288 : i32
      %dma_wait3A_102 = tpu.memref_slice %arg7[%dma_wait3A_101] : memref<65536xi32, #tpu.memory_space<vmem>> -> memref<4096xi32, #tpu.memory_space<vmem>>
      tpu.wait_dma2 semaphore(%run_scoped3A : memref<!tpu.dma_semaphore, #tpu.memory_space<semaphore_mem>>) src(%dma_wait3A_102 : memref<4096xi32, #tpu.memory_space<vmem>>) dst(%dma_wait3A_100 : memref<4096xi32, #tpu.memory_space<hbm>>)
      tpu.yield
    }) : () -> ()
    %mul3A_36 = arith.constant 16 : i32
    %mul3A_37 = arith.muli %add3A, %mul3A_36 : i32
    %add3A_38 = arith.constant 4 : i32
    %add3A_39 = arith.addi %mul3A_37, %add3A_38 : i32
    "tpu.region"() ({
      %run_scoped3A = tpu.sem_alloc : memref<!tpu.dma_semaphore, #tpu.memory_space<semaphore_mem>>
      %dma_start3A_84 = arith.constant 16384 : i32
      %dma_start3A_85 = tpu.memref_slice %arg7[%dma_start3A_84] : memref<65536xi32, #tpu.memory_space<vmem>> -> memref<4096xi32, #tpu.memory_space<vmem>>
      %dma_start3A_86 = arith.constant 0 : i32
      %dma_start3A_87 = tpu.memref_slice %arg4[%add3A_39, %dma_start3A_86] : memref<512x4096xi32, #tpu.memory_space<hbm>> -> memref<1x4096xi32, #tpu.memory_space<hbm>>
      %dma_start3A_88 = tpu.memref_squeeze %dma_start3A_87 : memref<1x4096xi32, #tpu.memory_space<hbm>> -> memref<4096xi32, #tpu.memory_space<hbm>>
      %dma_start3A_89 = arith.constant 0 : i32
      %dma_start3A_90 = tpu.memref_slice %arg4[%add3A_39, %dma_start3A_89] : memref<512x4096xi32, #tpu.memory_space<hbm>> -> memref<1x4096xi32, #tpu.memory_space<hbm>>
      %dma_start3A_91 = tpu.memref_squeeze %dma_start3A_90 : memref<1x4096xi32, #tpu.memory_space<hbm>> -> memref<4096xi32, #tpu.memory_space<hbm>>
      %dma_start3A_92 = arith.constant 16384 : i32
      %dma_start3A_93 = tpu.memref_slice %arg7[%dma_start3A_92] : memref<65536xi32, #tpu.memory_space<vmem>> -> memref<4096xi32, #tpu.memory_space<vmem>>
      tpu.enqueue_dma source(%dma_start3A_93 : memref<4096xi32, #tpu.memory_space<vmem>>) target(%dma_start3A_91 : memref<4096xi32, #tpu.memory_space<hbm>>) target_semaphore(%run_scoped3A : memref<!tpu.dma_semaphore, #tpu.memory_space<semaphore_mem>>)
      %dma_wait3A = arith.constant 16384 : i32
      %dma_wait3A_94 = tpu.memref_slice %arg7[%dma_wait3A] : memref<65536xi32, #tpu.memory_space<vmem>> -> memref<4096xi32, #tpu.memory_space<vmem>>
      %dma_wait3A_95 = arith.constant 0 : i32
      %dma_wait3A_96 = tpu.memref_slice %arg4[%add3A_39, %dma_wait3A_95] : memref<512x4096xi32, #tpu.memory_space<hbm>> -> memref<1x4096xi32, #tpu.memory_space<hbm>>
      %dma_wait3A_97 = tpu.memref_squeeze %dma_wait3A_96 : memref<1x4096xi32, #tpu.memory_space<hbm>> -> memref<4096xi32, #tpu.memory_space<hbm>>
      %dma_wait3A_98 = arith.constant 0 : i32
      %dma_wait3A_99 = tpu.memref_slice %arg4[%add3A_39, %dma_wait3A_98] : memref<512x4096xi32, #tpu.memory_space<hbm>> -> memref<1x4096xi32, #tpu.memory_space<hbm>>
      %dma_wait3A_100 = tpu.memref_squeeze %dma_wait3A_99 : memref<1x4096xi32, #tpu.memory_space<hbm>> -> memref<4096xi32, #tpu.memory_space<hbm>>
      %dma_wait3A_101 = arith.constant 16384 : i32
      %dma_wait3A_102 = tpu.memref_slice %arg7[%dma_wait3A_101] : memref<65536xi32, #tpu.memory_space<vmem>> -> memref<4096xi32, #tpu.memory_space<vmem>>
      tpu.wait_dma2 semaphore(%run_scoped3A : memref<!tpu.dma_semaphore, #tpu.memory_space<semaphore_mem>>) src(%dma_wait3A_102 : memref<4096xi32, #tpu.memory_space<vmem>>) dst(%dma_wait3A_100 : memref<4096xi32, #tpu.memory_space<hbm>>)
      tpu.yield
    }) : () -> ()
    %mul3A_40 = arith.constant 16 : i32
    %mul3A_41 = arith.muli %add3A, %mul3A_40 : i32
    %add3A_42 = arith.constant 5 : i32
    %add3A_43 = arith.addi %mul3A_41, %add3A_42 : i32
    "tpu.region"() ({
      %run_scoped3A = tpu.sem_alloc : memref<!tpu.dma_semaphore, #tpu.memory_space<semaphore_mem>>
      %dma_start3A_84 = arith.constant 20480 : i32
      %dma_start3A_85 = tpu.memref_slice %arg7[%dma_start3A_84] : memref<65536xi32, #tpu.memory_space<vmem>> -> memref<4096xi32, #tpu.memory_space<vmem>>
      %dma_start3A_86 = arith.constant 0 : i32
      %dma_start3A_87 = tpu.memref_slice %arg4[%add3A_43, %dma_start3A_86] : memref<512x4096xi32, #tpu.memory_space<hbm>> -> memref<1x4096xi32, #tpu.memory_space<hbm>>
      %dma_start3A_88 = tpu.memref_squeeze %dma_start3A_87 : memref<1x4096xi32, #tpu.memory_space<hbm>> -> memref<4096xi32, #tpu.memory_space<hbm>>
      %dma_start3A_89 = arith.constant 0 : i32
      %dma_start3A_90 = tpu.memref_slice %arg4[%add3A_43, %dma_start3A_89] : memref<512x4096xi32, #tpu.memory_space<hbm>> -> memref<1x4096xi32, #tpu.memory_space<hbm>>
      %dma_start3A_91 = tpu.memref_squeeze %dma_start3A_90 : memref<1x4096xi32, #tpu.memory_space<hbm>> -> memref<4096xi32, #tpu.memory_space<hbm>>
      %dma_start3A_92 = arith.constant 20480 : i32
      %dma_start3A_93 = tpu.memref_slice %arg7[%dma_start3A_92] : memref<65536xi32, #tpu.memory_space<vmem>> -> memref<4096xi32, #tpu.memory_space<vmem>>
      tpu.enqueue_dma source(%dma_start3A_93 : memref<4096xi32, #tpu.memory_space<vmem>>) target(%dma_start3A_91 : memref<4096xi32, #tpu.memory_space<hbm>>) target_semaphore(%run_scoped3A : memref<!tpu.dma_semaphore, #tpu.memory_space<semaphore_mem>>)
      %dma_wait3A = arith.constant 20480 : i32
      %dma_wait3A_94 = tpu.memref_slice %arg7[%dma_wait3A] : memref<65536xi32, #tpu.memory_space<vmem>> -> memref<4096xi32, #tpu.memory_space<vmem>>
      %dma_wait3A_95 = arith.constant 0 : i32
      %dma_wait3A_96 = tpu.memref_slice %arg4[%add3A_43, %dma_wait3A_95] : memref<512x4096xi32, #tpu.memory_space<hbm>> -> memref<1x4096xi32, #tpu.memory_space<hbm>>
      %dma_wait3A_97 = tpu.memref_squeeze %dma_wait3A_96 : memref<1x4096xi32, #tpu.memory_space<hbm>> -> memref<4096xi32, #tpu.memory_space<hbm>>
      %dma_wait3A_98 = arith.constant 0 : i32
      %dma_wait3A_99 = tpu.memref_slice %arg4[%add3A_43, %dma_wait3A_98] : memref<512x4096xi32, #tpu.memory_space<hbm>> -> memref<1x4096xi32, #tpu.memory_space<hbm>>
      %dma_wait3A_100 = tpu.memref_squeeze %dma_wait3A_99 : memref<1x4096xi32, #tpu.memory_space<hbm>> -> memref<4096xi32, #tpu.memory_space<hbm>>
      %dma_wait3A_101 = arith.constant 20480 : i32
      %dma_wait3A_102 = tpu.memref_slice %arg7[%dma_wait3A_101] : memref<65536xi32, #tpu.memory_space<vmem>> -> memref<4096xi32, #tpu.memory_space<vmem>>
      tpu.wait_dma2 semaphore(%run_scoped3A : memref<!tpu.dma_semaphore, #tpu.memory_space<semaphore_mem>>) src(%dma_wait3A_102 : memref<4096xi32, #tpu.memory_space<vmem>>) dst(%dma_wait3A_100 : memref<4096xi32, #tpu.memory_space<hbm>>)
      tpu.yield
    }) : () -> ()
    %mul3A_44 = arith.constant 16 : i32
    %mul3A_45 = arith.muli %add3A, %mul3A_44 : i32
    %add3A_46 = arith.constant 6 : i32
    %add3A_47 = arith.addi %mul3A_45, %add3A_46 : i32
    "tpu.region"() ({
      %run_scoped3A = tpu.sem_alloc : memref<!tpu.dma_semaphore, #tpu.memory_space<semaphore_mem>>
      %dma_start3A_84 = arith.constant 24576 : i32
      %dma_start3A_85 = tpu.memref_slice %arg7[%dma_start3A_84] : memref<65536xi32, #tpu.memory_space<vmem>> -> memref<4096xi32, #tpu.memory_space<vmem>>
      %dma_start3A_86 = arith.constant 0 : i32
      %dma_start3A_87 = tpu.memref_slice %arg4[%add3A_47, %dma_start3A_86] : memref<512x4096xi32, #tpu.memory_space<hbm>> -> memref<1x4096xi32, #tpu.memory_space<hbm>>
      %dma_start3A_88 = tpu.memref_squeeze %dma_start3A_87 : memref<1x4096xi32, #tpu.memory_space<hbm>> -> memref<4096xi32, #tpu.memory_space<hbm>>
      %dma_start3A_89 = arith.constant 0 : i32
      %dma_start3A_90 = tpu.memref_slice %arg4[%add3A_47, %dma_start3A_89] : memref<512x4096xi32, #tpu.memory_space<hbm>> -> memref<1x4096xi32, #tpu.memory_space<hbm>>
      %dma_start3A_91 = tpu.memref_squeeze %dma_start3A_90 : memref<1x4096xi32, #tpu.memory_space<hbm>> -> memref<4096xi32, #tpu.memory_space<hbm>>
      %dma_start3A_92 = arith.constant 24576 : i32
      %dma_start3A_93 = tpu.memref_slice %arg7[%dma_start3A_92] : memref<65536xi32, #tpu.memory_space<vmem>> -> memref<4096xi32, #tpu.memory_space<vmem>>
      tpu.enqueue_dma source(%dma_start3A_93 : memref<4096xi32, #tpu.memory_space<vmem>>) target(%dma_start3A_91 : memref<4096xi32, #tpu.memory_space<hbm>>) target_semaphore(%run_scoped3A : memref<!tpu.dma_semaphore, #tpu.memory_space<semaphore_mem>>)
      %dma_wait3A = arith.constant 24576 : i32
      %dma_wait3A_94 = tpu.memref_slice %arg7[%dma_wait3A] : memref<65536xi32, #tpu.memory_space<vmem>> -> memref<4096xi32, #tpu.memory_space<vmem>>
      %dma_wait3A_95 = arith.constant 0 : i32
      %dma_wait3A_96 = tpu.memref_slice %arg4[%add3A_47, %dma_wait3A_95] : memref<512x4096xi32, #tpu.memory_space<hbm>> -> memref<1x4096xi32, #tpu.memory_space<hbm>>
      %dma_wait3A_97 = tpu.memref_squeeze %dma_wait3A_96 : memref<1x4096xi32, #tpu.memory_space<hbm>> -> memref<4096xi32, #tpu.memory_space<hbm>>
      %dma_wait3A_98 = arith.constant 0 : i32
      %dma_wait3A_99 = tpu.memref_slice %arg4[%add3A_47, %dma_wait3A_98] : memref<512x4096xi32, #tpu.memory_space<hbm>> -> memref<1x4096xi32, #tpu.memory_space<hbm>>
      %dma_wait3A_100 = tpu.memref_squeeze %dma_wait3A_99 : memref<1x4096xi32, #tpu.memory_space<hbm>> -> memref<4096xi32, #tpu.memory_space<hbm>>
      %dma_wait3A_101 = arith.constant 24576 : i32
      %dma_wait3A_102 = tpu.memref_slice %arg7[%dma_wait3A_101] : memref<65536xi32, #tpu.memory_space<vmem>> -> memref<4096xi32, #tpu.memory_space<vmem>>
      tpu.wait_dma2 semaphore(%run_scoped3A : memref<!tpu.dma_semaphore, #tpu.memory_space<semaphore_mem>>) src(%dma_wait3A_102 : memref<4096xi32, #tpu.memory_space<vmem>>) dst(%dma_wait3A_100 : memref<4096xi32, #tpu.memory_space<hbm>>)
      tpu.yield
    }) : () -> ()
    %mul3A_48 = arith.constant 16 : i32
    %mul3A_49 = arith.muli %add3A, %mul3A_48 : i32
    %add3A_50 = arith.constant 7 : i32
    %add3A_51 = arith.addi %mul3A_49, %add3A_50 : i32
    "tpu.region"() ({
      %run_scoped3A = tpu.sem_alloc : memref<!tpu.dma_semaphore, #tpu.memory_space<semaphore_mem>>
      %dma_start3A_84 = arith.constant 28672 : i32
      %dma_start3A_85 = tpu.memref_slice %arg7[%dma_start3A_84] : memref<65536xi32, #tpu.memory_space<vmem>> -> memref<4096xi32, #tpu.memory_space<vmem>>
      %dma_start3A_86 = arith.constant 0 : i32
      %dma_start3A_87 = tpu.memref_slice %arg4[%add3A_51, %dma_start3A_86] : memref<512x4096xi32, #tpu.memory_space<hbm>> -> memref<1x4096xi32, #tpu.memory_space<hbm>>
      %dma_start3A_88 = tpu.memref_squeeze %dma_start3A_87 : memref<1x4096xi32, #tpu.memory_space<hbm>> -> memref<4096xi32, #tpu.memory_space<hbm>>
      %dma_start3A_89 = arith.constant 0 : i32
      %dma_start3A_90 = tpu.memref_slice %arg4[%add3A_51, %dma_start3A_89] : memref<512x4096xi32, #tpu.memory_space<hbm>> -> memref<1x4096xi32, #tpu.memory_space<hbm>>
      %dma_start3A_91 = tpu.memref_squeeze %dma_start3A_90 : memref<1x4096xi32, #tpu.memory_space<hbm>> -> memref<4096xi32, #tpu.memory_space<hbm>>
      %dma_start3A_92 = arith.constant 28672 : i32
      %dma_start3A_93 = tpu.memref_slice %arg7[%dma_start3A_92] : memref<65536xi32, #tpu.memory_space<vmem>> -> memref<4096xi32, #tpu.memory_space<vmem>>
      tpu.enqueue_dma source(%dma_start3A_93 : memref<4096xi32, #tpu.memory_space<vmem>>) target(%dma_start3A_91 : memref<4096xi32, #tpu.memory_space<hbm>>) target_semaphore(%run_scoped3A : memref<!tpu.dma_semaphore, #tpu.memory_space<semaphore_mem>>)
      %dma_wait3A = arith.constant 28672 : i32
      %dma_wait3A_94 = tpu.memref_slice %arg7[%dma_wait3A] : memref<65536xi32, #tpu.memory_space<vmem>> -> memref<4096xi32, #tpu.memory_space<vmem>>
      %dma_wait3A_95 = arith.constant 0 : i32
      %dma_wait3A_96 = tpu.memref_slice %arg4[%add3A_51, %dma_wait3A_95] : memref<512x4096xi32, #tpu.memory_space<hbm>> -> memref<1x4096xi32, #tpu.memory_space<hbm>>
      %dma_wait3A_97 = tpu.memref_squeeze %dma_wait3A_96 : memref<1x4096xi32, #tpu.memory_space<hbm>> -> memref<4096xi32, #tpu.memory_space<hbm>>
      %dma_wait3A_98 = arith.constant 0 : i32
      %dma_wait3A_99 = tpu.memref_slice %arg4[%add3A_51, %dma_wait3A_98] : memref<512x4096xi32, #tpu.memory_space<hbm>> -> memref<1x4096xi32, #tpu.memory_space<hbm>>
      %dma_wait3A_100 = tpu.memref_squeeze %dma_wait3A_99 : memref<1x4096xi32, #tpu.memory_space<hbm>> -> memref<4096xi32, #tpu.memory_space<hbm>>
      %dma_wait3A_101 = arith.constant 28672 : i32
      %dma_wait3A_102 = tpu.memref_slice %arg7[%dma_wait3A_101] : memref<65536xi32, #tpu.memory_space<vmem>> -> memref<4096xi32, #tpu.memory_space<vmem>>
      tpu.wait_dma2 semaphore(%run_scoped3A : memref<!tpu.dma_semaphore, #tpu.memory_space<semaphore_mem>>) src(%dma_wait3A_102 : memref<4096xi32, #tpu.memory_space<vmem>>) dst(%dma_wait3A_100 : memref<4096xi32, #tpu.memory_space<hbm>>)
      tpu.yield
    }) : () -> ()
    %mul3A_52 = arith.constant 16 : i32
    %mul3A_53 = arith.muli %add3A, %mul3A_52 : i32
    %add3A_54 = arith.constant 8 : i32
    %add3A_55 = arith.addi %mul3A_53, %add3A_54 : i32
    "tpu.region"() ({
      %run_scoped3A = tpu.sem_alloc : memref<!tpu.dma_semaphore, #tpu.memory_space<semaphore_mem>>
      %dma_start3A_84 = arith.constant 32768 : i32
      %dma_start3A_85 = tpu.memref_slice %arg7[%dma_start3A_84] : memref<65536xi32, #tpu.memory_space<vmem>> -> memref<4096xi32, #tpu.memory_space<vmem>>
      %dma_start3A_86 = arith.constant 0 : i32
      %dma_start3A_87 = tpu.memref_slice %arg4[%add3A_55, %dma_start3A_86] : memref<512x4096xi32, #tpu.memory_space<hbm>> -> memref<1x4096xi32, #tpu.memory_space<hbm>>
      %dma_start3A_88 = tpu.memref_squeeze %dma_start3A_87 : memref<1x4096xi32, #tpu.memory_space<hbm>> -> memref<4096xi32, #tpu.memory_space<hbm>>
      %dma_start3A_89 = arith.constant 0 : i32
      %dma_start3A_90 = tpu.memref_slice %arg4[%add3A_55, %dma_start3A_89] : memref<512x4096xi32, #tpu.memory_space<hbm>> -> memref<1x4096xi32, #tpu.memory_space<hbm>>
      %dma_start3A_91 = tpu.memref_squeeze %dma_start3A_90 : memref<1x4096xi32, #tpu.memory_space<hbm>> -> memref<4096xi32, #tpu.memory_space<hbm>>
      %dma_start3A_92 = arith.constant 32768 : i32
      %dma_start3A_93 = tpu.memref_slice %arg7[%dma_start3A_92] : memref<65536xi32, #tpu.memory_space<vmem>> -> memref<4096xi32, #tpu.memory_space<vmem>>
      tpu.enqueue_dma source(%dma_start3A_93 : memref<4096xi32, #tpu.memory_space<vmem>>) target(%dma_start3A_91 : memref<4096xi32, #tpu.memory_space<hbm>>) target_semaphore(%run_scoped3A : memref<!tpu.dma_semaphore, #tpu.memory_space<semaphore_mem>>)
      %dma_wait3A = arith.constant 32768 : i32
      %dma_wait3A_94 = tpu.memref_slice %arg7[%dma_wait3A] : memref<65536xi32, #tpu.memory_space<vmem>> -> memref<4096xi32, #tpu.memory_space<vmem>>
      %dma_wait3A_95 = arith.constant 0 : i32
      %dma_wait3A_96 = tpu.memref_slice %arg4[%add3A_55, %dma_wait3A_95] : memref<512x4096xi32, #tpu.memory_space<hbm>> -> memref<1x4096xi32, #tpu.memory_space<hbm>>
      %dma_wait3A_97 = tpu.memref_squeeze %dma_wait3A_96 : memref<1x4096xi32, #tpu.memory_space<hbm>> -> memref<4096xi32, #tpu.memory_space<hbm>>
      %dma_wait3A_98 = arith.constant 0 : i32
      %dma_wait3A_99 = tpu.memref_slice %arg4[%add3A_55, %dma_wait3A_98] : memref<512x4096xi32, #tpu.memory_space<hbm>> -> memref<1x4096xi32, #tpu.memory_space<hbm>>
      %dma_wait3A_100 = tpu.memref_squeeze %dma_wait3A_99 : memref<1x4096xi32, #tpu.memory_space<hbm>> -> memref<4096xi32, #tpu.memory_space<hbm>>
      %dma_wait3A_101 = arith.constant 32768 : i32
      %dma_wait3A_102 = tpu.memref_slice %arg7[%dma_wait3A_101] : memref<65536xi32, #tpu.memory_space<vmem>> -> memref<4096xi32, #tpu.memory_space<vmem>>
      tpu.wait_dma2 semaphore(%run_scoped3A : memref<!tpu.dma_semaphore, #tpu.memory_space<semaphore_mem>>) src(%dma_wait3A_102 : memref<4096xi32, #tpu.memory_space<vmem>>) dst(%dma_wait3A_100 : memref<4096xi32, #tpu.memory_space<hbm>>)
      tpu.yield
    }) : () -> ()
    %mul3A_56 = arith.constant 16 : i32
    %mul3A_57 = arith.muli %add3A, %mul3A_56 : i32
    %add3A_58 = arith.constant 9 : i32
    %add3A_59 = arith.addi %mul3A_57, %add3A_58 : i32
    "tpu.region"() ({
      %run_scoped3A = tpu.sem_alloc : memref<!tpu.dma_semaphore, #tpu.memory_space<semaphore_mem>>
      %dma_start3A_84 = arith.constant 36864 : i32
      %dma_start3A_85 = tpu.memref_slice %arg7[%dma_start3A_84] : memref<65536xi32, #tpu.memory_space<vmem>> -> memref<4096xi32, #tpu.memory_space<vmem>>
      %dma_start3A_86 = arith.constant 0 : i32
      %dma_start3A_87 = tpu.memref_slice %arg4[%add3A_59, %dma_start3A_86] : memref<512x4096xi32, #tpu.memory_space<hbm>> -> memref<1x4096xi32, #tpu.memory_space<hbm>>
      %dma_start3A_88 = tpu.memref_squeeze %dma_start3A_87 : memref<1x4096xi32, #tpu.memory_space<hbm>> -> memref<4096xi32, #tpu.memory_space<hbm>>
      %dma_start3A_89 = arith.constant 0 : i32
      %dma_start3A_90 = tpu.memref_slice %arg4[%add3A_59, %dma_start3A_89] : memref<512x4096xi32, #tpu.memory_space<hbm>> -> memref<1x4096xi32, #tpu.memory_space<hbm>>
      %dma_start3A_91 = tpu.memref_squeeze %dma_start3A_90 : memref<1x4096xi32, #tpu.memory_space<hbm>> -> memref<4096xi32, #tpu.memory_space<hbm>>
      %dma_start3A_92 = arith.constant 36864 : i32
      %dma_start3A_93 = tpu.memref_slice %arg7[%dma_start3A_92] : memref<65536xi32, #tpu.memory_space<vmem>> -> memref<4096xi32, #tpu.memory_space<vmem>>
      tpu.enqueue_dma source(%dma_start3A_93 : memref<4096xi32, #tpu.memory_space<vmem>>) target(%dma_start3A_91 : memref<4096xi32, #tpu.memory_space<hbm>>) target_semaphore(%run_scoped3A : memref<!tpu.dma_semaphore, #tpu.memory_space<semaphore_mem>>)
      %dma_wait3A = arith.constant 36864 : i32
      %dma_wait3A_94 = tpu.memref_slice %arg7[%dma_wait3A] : memref<65536xi32, #tpu.memory_space<vmem>> -> memref<4096xi32, #tpu.memory_space<vmem>>
      %dma_wait3A_95 = arith.constant 0 : i32
      %dma_wait3A_96 = tpu.memref_slice %arg4[%add3A_59, %dma_wait3A_95] : memref<512x4096xi32, #tpu.memory_space<hbm>> -> memref<1x4096xi32, #tpu.memory_space<hbm>>
      %dma_wait3A_97 = tpu.memref_squeeze %dma_wait3A_96 : memref<1x4096xi32, #tpu.memory_space<hbm>> -> memref<4096xi32, #tpu.memory_space<hbm>>
      %dma_wait3A_98 = arith.constant 0 : i32
      %dma_wait3A_99 = tpu.memref_slice %arg4[%add3A_59, %dma_wait3A_98] : memref<512x4096xi32, #tpu.memory_space<hbm>> -> memref<1x4096xi32, #tpu.memory_space<hbm>>
      %dma_wait3A_100 = tpu.memref_squeeze %dma_wait3A_99 : memref<1x4096xi32, #tpu.memory_space<hbm>> -> memref<4096xi32, #tpu.memory_space<hbm>>
      %dma_wait3A_101 = arith.constant 36864 : i32
      %dma_wait3A_102 = tpu.memref_slice %arg7[%dma_wait3A_101] : memref<65536xi32, #tpu.memory_space<vmem>> -> memref<4096xi32, #tpu.memory_space<vmem>>
      tpu.wait_dma2 semaphore(%run_scoped3A : memref<!tpu.dma_semaphore, #tpu.memory_space<semaphore_mem>>) src(%dma_wait3A_102 : memref<4096xi32, #tpu.memory_space<vmem>>) dst(%dma_wait3A_100 : memref<4096xi32, #tpu.memory_space<hbm>>)
      tpu.yield
    }) : () -> ()
    %mul3A_60 = arith.constant 16 : i32
    %mul3A_61 = arith.muli %add3A, %mul3A_60 : i32
    %add3A_62 = arith.constant 10 : i32
    %add3A_63 = arith.addi %mul3A_61, %add3A_62 : i32
    "tpu.region"() ({
      %run_scoped3A = tpu.sem_alloc : memref<!tpu.dma_semaphore, #tpu.memory_space<semaphore_mem>>
      %dma_start3A_84 = arith.constant 40960 : i32
      %dma_start3A_85 = tpu.memref_slice %arg7[%dma_start3A_84] : memref<65536xi32, #tpu.memory_space<vmem>> -> memref<4096xi32, #tpu.memory_space<vmem>>
      %dma_start3A_86 = arith.constant 0 : i32
      %dma_start3A_87 = tpu.memref_slice %arg4[%add3A_63, %dma_start3A_86] : memref<512x4096xi32, #tpu.memory_space<hbm>> -> memref<1x4096xi32, #tpu.memory_space<hbm>>
      %dma_start3A_88 = tpu.memref_squeeze %dma_start3A_87 : memref<1x4096xi32, #tpu.memory_space<hbm>> -> memref<4096xi32, #tpu.memory_space<hbm>>
      %dma_start3A_89 = arith.constant 0 : i32
      %dma_start3A_90 = tpu.memref_slice %arg4[%add3A_63, %dma_start3A_89] : memref<512x4096xi32, #tpu.memory_space<hbm>> -> memref<1x4096xi32, #tpu.memory_space<hbm>>
      %dma_start3A_91 = tpu.memref_squeeze %dma_start3A_90 : memref<1x4096xi32, #tpu.memory_space<hbm>> -> memref<4096xi32, #tpu.memory_space<hbm>>
      %dma_start3A_92 = arith.constant 40960 : i32
      %dma_start3A_93 = tpu.memref_slice %arg7[%dma_start3A_92] : memref<65536xi32, #tpu.memory_space<vmem>> -> memref<4096xi32, #tpu.memory_space<vmem>>
      tpu.enqueue_dma source(%dma_start3A_93 : memref<4096xi32, #tpu.memory_space<vmem>>) target(%dma_start3A_91 : memref<4096xi32, #tpu.memory_space<hbm>>) target_semaphore(%run_scoped3A : memref<!tpu.dma_semaphore, #tpu.memory_space<semaphore_mem>>)
      %dma_wait3A = arith.constant 40960 : i32
      %dma_wait3A_94 = tpu.memref_slice %arg7[%dma_wait3A] : memref<65536xi32, #tpu.memory_space<vmem>> -> memref<4096xi32, #tpu.memory_space<vmem>>
      %dma_wait3A_95 = arith.constant 0 : i32
      %dma_wait3A_96 = tpu.memref_slice %arg4[%add3A_63, %dma_wait3A_95] : memref<512x4096xi32, #tpu.memory_space<hbm>> -> memref<1x4096xi32, #tpu.memory_space<hbm>>
      %dma_wait3A_97 = tpu.memref_squeeze %dma_wait3A_96 : memref<1x4096xi32, #tpu.memory_space<hbm>> -> memref<4096xi32, #tpu.memory_space<hbm>>
      %dma_wait3A_98 = arith.constant 0 : i32
      %dma_wait3A_99 = tpu.memref_slice %arg4[%add3A_63, %dma_wait3A_98] : memref<512x4096xi32, #tpu.memory_space<hbm>> -> memref<1x4096xi32, #tpu.memory_space<hbm>>
      %dma_wait3A_100 = tpu.memref_squeeze %dma_wait3A_99 : memref<1x4096xi32, #tpu.memory_space<hbm>> -> memref<4096xi32, #tpu.memory_space<hbm>>
      %dma_wait3A_101 = arith.constant 40960 : i32
      %dma_wait3A_102 = tpu.memref_slice %arg7[%dma_wait3A_101] : memref<65536xi32, #tpu.memory_space<vmem>> -> memref<4096xi32, #tpu.memory_space<vmem>>
      tpu.wait_dma2 semaphore(%run_scoped3A : memref<!tpu.dma_semaphore, #tpu.memory_space<semaphore_mem>>) src(%dma_wait3A_102 : memref<4096xi32, #tpu.memory_space<vmem>>) dst(%dma_wait3A_100 : memref<4096xi32, #tpu.memory_space<hbm>>)
      tpu.yield
    }) : () -> ()
    %mul3A_64 = arith.constant 16 : i32
    %mul3A_65 = arith.muli %add3A, %mul3A_64 : i32
    %add3A_66 = arith.constant 11 : i32
    %add3A_67 = arith.addi %mul3A_65, %add3A_66 : i32
    "tpu.region"() ({
      %run_scoped3A = tpu.sem_alloc : memref<!tpu.dma_semaphore, #tpu.memory_space<semaphore_mem>>
      %dma_start3A_84 = arith.constant 45056 : i32
      %dma_start3A_85 = tpu.memref_slice %arg7[%dma_start3A_84] : memref<65536xi32, #tpu.memory_space<vmem>> -> memref<4096xi32, #tpu.memory_space<vmem>>
      %dma_start3A_86 = arith.constant 0 : i32
      %dma_start3A_87 = tpu.memref_slice %arg4[%add3A_67, %dma_start3A_86] : memref<512x4096xi32, #tpu.memory_space<hbm>> -> memref<1x4096xi32, #tpu.memory_space<hbm>>
      %dma_start3A_88 = tpu.memref_squeeze %dma_start3A_87 : memref<1x4096xi32, #tpu.memory_space<hbm>> -> memref<4096xi32, #tpu.memory_space<hbm>>
      %dma_start3A_89 = arith.constant 0 : i32
      %dma_start3A_90 = tpu.memref_slice %arg4[%add3A_67, %dma_start3A_89] : memref<512x4096xi32, #tpu.memory_space<hbm>> -> memref<1x4096xi32, #tpu.memory_space<hbm>>
      %dma_start3A_91 = tpu.memref_squeeze %dma_start3A_90 : memref<1x4096xi32, #tpu.memory_space<hbm>> -> memref<4096xi32, #tpu.memory_space<hbm>>
      %dma_start3A_92 = arith.constant 45056 : i32
      %dma_start3A_93 = tpu.memref_slice %arg7[%dma_start3A_92] : memref<65536xi32, #tpu.memory_space<vmem>> -> memref<4096xi32, #tpu.memory_space<vmem>>
      tpu.enqueue_dma source(%dma_start3A_93 : memref<4096xi32, #tpu.memory_space<vmem>>) target(%dma_start3A_91 : memref<4096xi32, #tpu.memory_space<hbm>>) target_semaphore(%run_scoped3A : memref<!tpu.dma_semaphore, #tpu.memory_space<semaphore_mem>>)
      %dma_wait3A = arith.constant 45056 : i32
      %dma_wait3A_94 = tpu.memref_slice %arg7[%dma_wait3A] : memref<65536xi32, #tpu.memory_space<vmem>> -> memref<4096xi32, #tpu.memory_space<vmem>>
      %dma_wait3A_95 = arith.constant 0 : i32
      %dma_wait3A_96 = tpu.memref_slice %arg4[%add3A_67, %dma_wait3A_95] : memref<512x4096xi32, #tpu.memory_space<hbm>> -> memref<1x4096xi32, #tpu.memory_space<hbm>>
      %dma_wait3A_97 = tpu.memref_squeeze %dma_wait3A_96 : memref<1x4096xi32, #tpu.memory_space<hbm>> -> memref<4096xi32, #tpu.memory_space<hbm>>
      %dma_wait3A_98 = arith.constant 0 : i32
      %dma_wait3A_99 = tpu.memref_slice %arg4[%add3A_67, %dma_wait3A_98] : memref<512x4096xi32, #tpu.memory_space<hbm>> -> memref<1x4096xi32, #tpu.memory_space<hbm>>
      %dma_wait3A_100 = tpu.memref_squeeze %dma_wait3A_99 : memref<1x4096xi32, #tpu.memory_space<hbm>> -> memref<4096xi32, #tpu.memory_space<hbm>>
      %dma_wait3A_101 = arith.constant 45056 : i32
      %dma_wait3A_102 = tpu.memref_slice %arg7[%dma_wait3A_101] : memref<65536xi32, #tpu.memory_space<vmem>> -> memref<4096xi32, #tpu.memory_space<vmem>>
      tpu.wait_dma2 semaphore(%run_scoped3A : memref<!tpu.dma_semaphore, #tpu.memory_space<semaphore_mem>>) src(%dma_wait3A_102 : memref<4096xi32, #tpu.memory_space<vmem>>) dst(%dma_wait3A_100 : memref<4096xi32, #tpu.memory_space<hbm>>)
      tpu.yield
    }) : () -> ()
    %mul3A_68 = arith.constant 16 : i32
    %mul3A_69 = arith.muli %add3A, %mul3A_68 : i32
    %add3A_70 = arith.constant 12 : i32
    %add3A_71 = arith.addi %mul3A_69, %add3A_70 : i32
    "tpu.region"() ({
      %run_scoped3A = tpu.sem_alloc : memref<!tpu.dma_semaphore, #tpu.memory_space<semaphore_mem>>
      %dma_start3A_84 = arith.constant 49152 : i32
      %dma_start3A_85 = tpu.memref_slice %arg7[%dma_start3A_84] : memref<65536xi32, #tpu.memory_space<vmem>> -> memref<4096xi32, #tpu.memory_space<vmem>>
      %dma_start3A_86 = arith.constant 0 : i32
      %dma_start3A_87 = tpu.memref_slice %arg4[%add3A_71, %dma_start3A_86] : memref<512x4096xi32, #tpu.memory_space<hbm>> -> memref<1x4096xi32, #tpu.memory_space<hbm>>
      %dma_start3A_88 = tpu.memref_squeeze %dma_start3A_87 : memref<1x4096xi32, #tpu.memory_space<hbm>> -> memref<4096xi32, #tpu.memory_space<hbm>>
      %dma_start3A_89 = arith.constant 0 : i32
      %dma_start3A_90 = tpu.memref_slice %arg4[%add3A_71, %dma_start3A_89] : memref<512x4096xi32, #tpu.memory_space<hbm>> -> memref<1x4096xi32, #tpu.memory_space<hbm>>
      %dma_start3A_91 = tpu.memref_squeeze %dma_start3A_90 : memref<1x4096xi32, #tpu.memory_space<hbm>> -> memref<4096xi32, #tpu.memory_space<hbm>>
      %dma_start3A_92 = arith.constant 49152 : i32
      %dma_start3A_93 = tpu.memref_slice %arg7[%dma_start3A_92] : memref<65536xi32, #tpu.memory_space<vmem>> -> memref<4096xi32, #tpu.memory_space<vmem>>
      tpu.enqueue_dma source(%dma_start3A_93 : memref<4096xi32, #tpu.memory_space<vmem>>) target(%dma_start3A_91 : memref<4096xi32, #tpu.memory_space<hbm>>) target_semaphore(%run_scoped3A : memref<!tpu.dma_semaphore, #tpu.memory_space<semaphore_mem>>)
      %dma_wait3A = arith.constant 49152 : i32
      %dma_wait3A_94 = tpu.memref_slice %arg7[%dma_wait3A] : memref<65536xi32, #tpu.memory_space<vmem>> -> memref<4096xi32, #tpu.memory_space<vmem>>
      %dma_wait3A_95 = arith.constant 0 : i32
      %dma_wait3A_96 = tpu.memref_slice %arg4[%add3A_71, %dma_wait3A_95] : memref<512x4096xi32, #tpu.memory_space<hbm>> -> memref<1x4096xi32, #tpu.memory_space<hbm>>
      %dma_wait3A_97 = tpu.memref_squeeze %dma_wait3A_96 : memref<1x4096xi32, #tpu.memory_space<hbm>> -> memref<4096xi32, #tpu.memory_space<hbm>>
      %dma_wait3A_98 = arith.constant 0 : i32
      %dma_wait3A_99 = tpu.memref_slice %arg4[%add3A_71, %dma_wait3A_98] : memref<512x4096xi32, #tpu.memory_space<hbm>> -> memref<1x4096xi32, #tpu.memory_space<hbm>>
      %dma_wait3A_100 = tpu.memref_squeeze %dma_wait3A_99 : memref<1x4096xi32, #tpu.memory_space<hbm>> -> memref<4096xi32, #tpu.memory_space<hbm>>
      %dma_wait3A_101 = arith.constant 49152 : i32
      %dma_wait3A_102 = tpu.memref_slice %arg7[%dma_wait3A_101] : memref<65536xi32, #tpu.memory_space<vmem>> -> memref<4096xi32, #tpu.memory_space<vmem>>
      tpu.wait_dma2 semaphore(%run_scoped3A : memref<!tpu.dma_semaphore, #tpu.memory_space<semaphore_mem>>) src(%dma_wait3A_102 : memref<4096xi32, #tpu.memory_space<vmem>>) dst(%dma_wait3A_100 : memref<4096xi32, #tpu.memory_space<hbm>>)
      tpu.yield
    }) : () -> ()
    %mul3A_72 = arith.constant 16 : i32
    %mul3A_73 = arith.muli %add3A, %mul3A_72 : i32
    %add3A_74 = arith.constant 13 : i32
    %add3A_75 = arith.addi %mul3A_73, %add3A_74 : i32
    "tpu.region"() ({
      %run_scoped3A = tpu.sem_alloc : memref<!tpu.dma_semaphore, #tpu.memory_space<semaphore_mem>>
      %dma_start3A_84 = arith.constant 53248 : i32
      %dma_start3A_85 = tpu.memref_slice %arg7[%dma_start3A_84] : memref<65536xi32, #tpu.memory_space<vmem>> -> memref<4096xi32, #tpu.memory_space<vmem>>
      %dma_start3A_86 = arith.constant 0 : i32
      %dma_start3A_87 = tpu.memref_slice %arg4[%add3A_75, %dma_start3A_86] : memref<512x4096xi32, #tpu.memory_space<hbm>> -> memref<1x4096xi32, #tpu.memory_space<hbm>>
      %dma_start3A_88 = tpu.memref_squeeze %dma_start3A_87 : memref<1x4096xi32, #tpu.memory_space<hbm>> -> memref<4096xi32, #tpu.memory_space<hbm>>
      %dma_start3A_89 = arith.constant 0 : i32
      %dma_start3A_90 = tpu.memref_slice %arg4[%add3A_75, %dma_start3A_89] : memref<512x4096xi32, #tpu.memory_space<hbm>> -> memref<1x4096xi32, #tpu.memory_space<hbm>>
      %dma_start3A_91 = tpu.memref_squeeze %dma_start3A_90 : memref<1x4096xi32, #tpu.memory_space<hbm>> -> memref<4096xi32, #tpu.memory_space<hbm>>
      %dma_start3A_92 = arith.constant 53248 : i32
      %dma_start3A_93 = tpu.memref_slice %arg7[%dma_start3A_92] : memref<65536xi32, #tpu.memory_space<vmem>> -> memref<4096xi32, #tpu.memory_space<vmem>>
      tpu.enqueue_dma source(%dma_start3A_93 : memref<4096xi32, #tpu.memory_space<vmem>>) target(%dma_start3A_91 : memref<4096xi32, #tpu.memory_space<hbm>>) target_semaphore(%run_scoped3A : memref<!tpu.dma_semaphore, #tpu.memory_space<semaphore_mem>>)
      %dma_wait3A = arith.constant 53248 : i32
      %dma_wait3A_94 = tpu.memref_slice %arg7[%dma_wait3A] : memref<65536xi32, #tpu.memory_space<vmem>> -> memref<4096xi32, #tpu.memory_space<vmem>>
      %dma_wait3A_95 = arith.constant 0 : i32
      %dma_wait3A_96 = tpu.memref_slice %arg4[%add3A_75, %dma_wait3A_95] : memref<512x4096xi32, #tpu.memory_space<hbm>> -> memref<1x4096xi32, #tpu.memory_space<hbm>>
      %dma_wait3A_97 = tpu.memref_squeeze %dma_wait3A_96 : memref<1x4096xi32, #tpu.memory_space<hbm>> -> memref<4096xi32, #tpu.memory_space<hbm>>
      %dma_wait3A_98 = arith.constant 0 : i32
      %dma_wait3A_99 = tpu.memref_slice %arg4[%add3A_75, %dma_wait3A_98] : memref<512x4096xi32, #tpu.memory_space<hbm>> -> memref<1x4096xi32, #tpu.memory_space<hbm>>
      %dma_wait3A_100 = tpu.memref_squeeze %dma_wait3A_99 : memref<1x4096xi32, #tpu.memory_space<hbm>> -> memref<4096xi32, #tpu.memory_space<hbm>>
      %dma_wait3A_101 = arith.constant 53248 : i32
      %dma_wait3A_102 = tpu.memref_slice %arg7[%dma_wait3A_101] : memref<65536xi32, #tpu.memory_space<vmem>> -> memref<4096xi32, #tpu.memory_space<vmem>>
      tpu.wait_dma2 semaphore(%run_scoped3A : memref<!tpu.dma_semaphore, #tpu.memory_space<semaphore_mem>>) src(%dma_wait3A_102 : memref<4096xi32, #tpu.memory_space<vmem>>) dst(%dma_wait3A_100 : memref<4096xi32, #tpu.memory_space<hbm>>)
      tpu.yield
    }) : () -> ()
    %mul3A_76 = arith.constant 16 : i32
    %mul3A_77 = arith.muli %add3A, %mul3A_76 : i32
    %add3A_78 = arith.constant 14 : i32
    %add3A_79 = arith.addi %mul3A_77, %add3A_78 : i32
    "tpu.region"() ({
      %run_scoped3A = tpu.sem_alloc : memref<!tpu.dma_semaphore, #tpu.memory_space<semaphore_mem>>
      %dma_start3A_84 = arith.constant 57344 : i32
      %dma_start3A_85 = tpu.memref_slice %arg7[%dma_start3A_84] : memref<65536xi32, #tpu.memory_space<vmem>> -> memref<4096xi32, #tpu.memory_space<vmem>>
      %dma_start3A_86 = arith.constant 0 : i32
      %dma_start3A_87 = tpu.memref_slice %arg4[%add3A_79, %dma_start3A_86] : memref<512x4096xi32, #tpu.memory_space<hbm>> -> memref<1x4096xi32, #tpu.memory_space<hbm>>
      %dma_start3A_88 = tpu.memref_squeeze %dma_start3A_87 : memref<1x4096xi32, #tpu.memory_space<hbm>> -> memref<4096xi32, #tpu.memory_space<hbm>>
      %dma_start3A_89 = arith.constant 0 : i32
      %dma_start3A_90 = tpu.memref_slice %arg4[%add3A_79, %dma_start3A_89] : memref<512x4096xi32, #tpu.memory_space<hbm>> -> memref<1x4096xi32, #tpu.memory_space<hbm>>
      %dma_start3A_91 = tpu.memref_squeeze %dma_start3A_90 : memref<1x4096xi32, #tpu.memory_space<hbm>> -> memref<4096xi32, #tpu.memory_space<hbm>>
      %dma_start3A_92 = arith.constant 57344 : i32
      %dma_start3A_93 = tpu.memref_slice %arg7[%dma_start3A_92] : memref<65536xi32, #tpu.memory_space<vmem>> -> memref<4096xi32, #tpu.memory_space<vmem>>
      tpu.enqueue_dma source(%dma_start3A_93 : memref<4096xi32, #tpu.memory_space<vmem>>) target(%dma_start3A_91 : memref<4096xi32, #tpu.memory_space<hbm>>) target_semaphore(%run_scoped3A : memref<!tpu.dma_semaphore, #tpu.memory_space<semaphore_mem>>)
      %dma_wait3A = arith.constant 57344 : i32
      %dma_wait3A_94 = tpu.memref_slice %arg7[%dma_wait3A] : memref<65536xi32, #tpu.memory_space<vmem>> -> memref<4096xi32, #tpu.memory_space<vmem>>
      %dma_wait3A_95 = arith.constant 0 : i32
      %dma_wait3A_96 = tpu.memref_slice %arg4[%add3A_79, %dma_wait3A_95] : memref<512x4096xi32, #tpu.memory_space<hbm>> -> memref<1x4096xi32, #tpu.memory_space<hbm>>
      %dma_wait3A_97 = tpu.memref_squeeze %dma_wait3A_96 : memref<1x4096xi32, #tpu.memory_space<hbm>> -> memref<4096xi32, #tpu.memory_space<hbm>>
      %dma_wait3A_98 = arith.constant 0 : i32
      %dma_wait3A_99 = tpu.memref_slice %arg4[%add3A_79, %dma_wait3A_98] : memref<512x4096xi32, #tpu.memory_space<hbm>> -> memref<1x4096xi32, #tpu.memory_space<hbm>>
      %dma_wait3A_100 = tpu.memref_squeeze %dma_wait3A_99 : memref<1x4096xi32, #tpu.memory_space<hbm>> -> memref<4096xi32, #tpu.memory_space<hbm>>
      %dma_wait3A_101 = arith.constant 57344 : i32
      %dma_wait3A_102 = tpu.memref_slice %arg7[%dma_wait3A_101] : memref<65536xi32, #tpu.memory_space<vmem>> -> memref<4096xi32, #tpu.memory_space<vmem>>
      tpu.wait_dma2 semaphore(%run_scoped3A : memref<!tpu.dma_semaphore, #tpu.memory_space<semaphore_mem>>) src(%dma_wait3A_102 : memref<4096xi32, #tpu.memory_space<vmem>>) dst(%dma_wait3A_100 : memref<4096xi32, #tpu.memory_space<hbm>>)
      tpu.yield
    }) : () -> ()
    %mul3A_80 = arith.constant 16 : i32
    %mul3A_81 = arith.muli %add3A, %mul3A_80 : i32
    %add3A_82 = arith.constant 15 : i32
    %add3A_83 = arith.addi %mul3A_81, %add3A_82 : i32
    "tpu.region"() ({
      %run_scoped3A = tpu.sem_alloc : memref<!tpu.dma_semaphore, #tpu.memory_space<semaphore_mem>>
      %dma_start3A_84 = arith.constant 61440 : i32
      %dma_start3A_85 = tpu.memref_slice %arg7[%dma_start3A_84] : memref<65536xi32, #tpu.memory_space<vmem>> -> memref<4096xi32, #tpu.memory_space<vmem>>
      %dma_start3A_86 = arith.constant 0 : i32
      %dma_start3A_87 = tpu.memref_slice %arg4[%add3A_83, %dma_start3A_86] : memref<512x4096xi32, #tpu.memory_space<hbm>> -> memref<1x4096xi32, #tpu.memory_space<hbm>>
      %dma_start3A_88 = tpu.memref_squeeze %dma_start3A_87 : memref<1x4096xi32, #tpu.memory_space<hbm>> -> memref<4096xi32, #tpu.memory_space<hbm>>
      %dma_start3A_89 = arith.constant 0 : i32
      %dma_start3A_90 = tpu.memref_slice %arg4[%add3A_83, %dma_start3A_89] : memref<512x4096xi32, #tpu.memory_space<hbm>> -> memref<1x4096xi32, #tpu.memory_space<hbm>>
      %dma_start3A_91 = tpu.memref_squeeze %dma_start3A_90 : memref<1x4096xi32, #tpu.memory_space<hbm>> -> memref<4096xi32, #tpu.memory_space<hbm>>
      %dma_start3A_92 = arith.constant 61440 : i32
      %dma_start3A_93 = tpu.memref_slice %arg7[%dma_start3A_92] : memref<65536xi32, #tpu.memory_space<vmem>> -> memref<4096xi32, #tpu.memory_space<vmem>>
      tpu.enqueue_dma source(%dma_start3A_93 : memref<4096xi32, #tpu.memory_space<vmem>>) target(%dma_start3A_91 : memref<4096xi32, #tpu.memory_space<hbm>>) target_semaphore(%run_scoped3A : memref<!tpu.dma_semaphore, #tpu.memory_space<semaphore_mem>>)
      %dma_wait3A = arith.constant 61440 : i32
      %dma_wait3A_94 = tpu.memref_slice %arg7[%dma_wait3A] : memref<65536xi32, #tpu.memory_space<vmem>> -> memref<4096xi32, #tpu.memory_space<vmem>>
      %dma_wait3A_95 = arith.constant 0 : i32
      %dma_wait3A_96 = tpu.memref_slice %arg4[%add3A_83, %dma_wait3A_95] : memref<512x4096xi32, #tpu.memory_space<hbm>> -> memref<1x4096xi32, #tpu.memory_space<hbm>>
      %dma_wait3A_97 = tpu.memref_squeeze %dma_wait3A_96 : memref<1x4096xi32, #tpu.memory_space<hbm>> -> memref<4096xi32, #tpu.memory_space<hbm>>
      %dma_wait3A_98 = arith.constant 0 : i32
      %dma_wait3A_99 = tpu.memref_slice %arg4[%add3A_83, %dma_wait3A_98] : memref<512x4096xi32, #tpu.memory_space<hbm>> -> memref<1x4096xi32, #tpu.memory_space<hbm>>
      %dma_wait3A_100 = tpu.memref_squeeze %dma_wait3A_99 : memref<1x4096xi32, #tpu.memory_space<hbm>> -> memref<4096xi32, #tpu.memory_space<hbm>>
      %dma_wait3A_101 = arith.constant 61440 : i32
      %dma_wait3A_102 = tpu.memref_slice %arg7[%dma_wait3A_101] : memref<65536xi32, #tpu.memory_space<vmem>> -> memref<4096xi32, #tpu.memory_space<vmem>>
      tpu.wait_dma2 semaphore(%run_scoped3A : memref<!tpu.dma_semaphore, #tpu.memory_space<semaphore_mem>>) src(%dma_wait3A_102 : memref<4096xi32, #tpu.memory_space<vmem>>) dst(%dma_wait3A_100 : memref<4096xi32, #tpu.memory_space<hbm>>)
      tpu.yield
    }) : () -> ()
    return
  }
}

module attributes {stable_mosaic.version = 14 : i64} {
  func.func @_select_body(%arg0: memref<512x4096xi32, #tpu.memory_space<vmem>>, %arg1: memref<1x1xi32, #tpu.memory_space<smem>>, %arg2: memref<1x1xi32, #tpu.memory_space<smem>>, %arg3: memref<16xi32, #tpu.memory_space<vmem>>, %arg4: memref<1x1xi32, #tpu.memory_space<smem>>, %arg5: memref<1x1xi32, #tpu.memory_space<smem>>) attributes {dimension_semantics = [], scalar_prefetch = 0 : i64, scratch_operands = 0 : i64, tpu.core_type = #tpu.core_type<tc>} {
    %get3A = arith.constant 0 : index
    %get3A_0 = arith.constant 0 : index
    %get3A_1 = vector.load %arg0[%get3A, %get3A_0] : memref<512x4096xi32, #tpu.memory_space<vmem>>, vector<512x4096xi32>
    %reduce_sum3A = arith.constant dense<0> : vector<4096xi32>
    %reduce_sum3A_2 = vector.multi_reduction <add>, %get3A_1, %reduce_sum3A [0] : vector<512x4096xi32> to vector<4096xi32>
    %reshape3A = vector.shape_cast %reduce_sum3A_2 : vector<4096xi32> to vector<1x4096xi32>
    %broadcast_in_dim3A = arith.constant 0 : i32
    %broadcast_in_dim3A_3 = vector.broadcast %broadcast_in_dim3A : i32 to vector<1x1xi32>
    %slice3A = vector.extract_strided_slice %reshape3A {offsets = [0, 0], sizes = [1, 4095], strides = [1, 1]} : vector<1x4096xi32> to vector<1x4095xi32>
    %concatenate3A = tpu.concatenate %broadcast_in_dim3A_3, %slice3A in 1 : vector<1x1xi32>, vector<1x4095xi32> -> vector<1x4096xi32>
    %add3A = arith.addi %reshape3A, %concatenate3A : vector<1x4096xi32>
    %broadcast_in_dim3A_4 = arith.constant 0 : i32
    %broadcast_in_dim3A_5 = vector.broadcast %broadcast_in_dim3A_4 : i32 to vector<1x2xi32>
    %slice3A_6 = vector.extract_strided_slice %add3A {offsets = [0, 0], sizes = [1, 4094], strides = [1, 1]} : vector<1x4096xi32> to vector<1x4094xi32>
    %concatenate3A_7 = tpu.concatenate %broadcast_in_dim3A_5, %slice3A_6 in 1 : vector<1x2xi32>, vector<1x4094xi32> -> vector<1x4096xi32>
    %add3A_8 = arith.addi %add3A, %concatenate3A_7 : vector<1x4096xi32>
    %broadcast_in_dim3A_9 = arith.constant 0 : i32
    %broadcast_in_dim3A_10 = vector.broadcast %broadcast_in_dim3A_9 : i32 to vector<1x4xi32>
    %slice3A_11 = vector.extract_strided_slice %add3A_8 {offsets = [0, 0], sizes = [1, 4092], strides = [1, 1]} : vector<1x4096xi32> to vector<1x4092xi32>
    %concatenate3A_12 = tpu.concatenate %broadcast_in_dim3A_10, %slice3A_11 in 1 : vector<1x4xi32>, vector<1x4092xi32> -> vector<1x4096xi32>
    %add3A_13 = arith.addi %add3A_8, %concatenate3A_12 : vector<1x4096xi32>
    %broadcast_in_dim3A_14 = arith.constant 0 : i32
    %broadcast_in_dim3A_15 = vector.broadcast %broadcast_in_dim3A_14 : i32 to vector<1x8xi32>
    %slice3A_16 = vector.extract_strided_slice %add3A_13 {offsets = [0, 0], sizes = [1, 4088], strides = [1, 1]} : vector<1x4096xi32> to vector<1x4088xi32>
    %concatenate3A_17 = tpu.concatenate %broadcast_in_dim3A_15, %slice3A_16 in 1 : vector<1x8xi32>, vector<1x4088xi32> -> vector<1x4096xi32>
    %add3A_18 = arith.addi %add3A_13, %concatenate3A_17 : vector<1x4096xi32>
    %broadcast_in_dim3A_19 = arith.constant 0 : i32
    %broadcast_in_dim3A_20 = vector.broadcast %broadcast_in_dim3A_19 : i32 to vector<1x16xi32>
    %slice3A_21 = vector.extract_strided_slice %add3A_18 {offsets = [0, 0], sizes = [1, 4080], strides = [1, 1]} : vector<1x4096xi32> to vector<1x4080xi32>
    %concatenate3A_22 = tpu.concatenate %broadcast_in_dim3A_20, %slice3A_21 in 1 : vector<1x16xi32>, vector<1x4080xi32> -> vector<1x4096xi32>
    %add3A_23 = arith.addi %add3A_18, %concatenate3A_22 : vector<1x4096xi32>
    %broadcast_in_dim3A_24 = arith.constant 0 : i32
    %broadcast_in_dim3A_25 = vector.broadcast %broadcast_in_dim3A_24 : i32 to vector<1x32xi32>
    %slice3A_26 = vector.extract_strided_slice %add3A_23 {offsets = [0, 0], sizes = [1, 4064], strides = [1, 1]} : vector<1x4096xi32> to vector<1x4064xi32>
    %concatenate3A_27 = tpu.concatenate %broadcast_in_dim3A_25, %slice3A_26 in 1 : vector<1x32xi32>, vector<1x4064xi32> -> vector<1x4096xi32>
    %add3A_28 = arith.addi %add3A_23, %concatenate3A_27 : vector<1x4096xi32>
    %broadcast_in_dim3A_29 = arith.constant 0 : i32
    %broadcast_in_dim3A_30 = vector.broadcast %broadcast_in_dim3A_29 : i32 to vector<1x64xi32>
    %slice3A_31 = vector.extract_strided_slice %add3A_28 {offsets = [0, 0], sizes = [1, 4032], strides = [1, 1]} : vector<1x4096xi32> to vector<1x4032xi32>
    %concatenate3A_32 = tpu.concatenate %broadcast_in_dim3A_30, %slice3A_31 in 1 : vector<1x64xi32>, vector<1x4032xi32> -> vector<1x4096xi32>
    %add3A_33 = arith.addi %add3A_28, %concatenate3A_32 : vector<1x4096xi32>
    %broadcast_in_dim3A_34 = arith.constant 0 : i32
    %broadcast_in_dim3A_35 = vector.broadcast %broadcast_in_dim3A_34 : i32 to vector<1x128xi32>
    %slice3A_36 = vector.extract_strided_slice %add3A_33 {offsets = [0, 0], sizes = [1, 3968], strides = [1, 1]} : vector<1x4096xi32> to vector<1x3968xi32>
    %concatenate3A_37 = tpu.concatenate %broadcast_in_dim3A_35, %slice3A_36 in 1 : vector<1x128xi32>, vector<1x3968xi32> -> vector<1x4096xi32>
    %add3A_38 = arith.addi %add3A_33, %concatenate3A_37 : vector<1x4096xi32>
    %broadcast_in_dim3A_39 = arith.constant 0 : i32
    %broadcast_in_dim3A_40 = vector.broadcast %broadcast_in_dim3A_39 : i32 to vector<1x256xi32>
    %slice3A_41 = vector.extract_strided_slice %add3A_38 {offsets = [0, 0], sizes = [1, 3840], strides = [1, 1]} : vector<1x4096xi32> to vector<1x3840xi32>
    %concatenate3A_42 = tpu.concatenate %broadcast_in_dim3A_40, %slice3A_41 in 1 : vector<1x256xi32>, vector<1x3840xi32> -> vector<1x4096xi32>
    %add3A_43 = arith.addi %add3A_38, %concatenate3A_42 : vector<1x4096xi32>
    %broadcast_in_dim3A_44 = arith.constant 0 : i32
    %broadcast_in_dim3A_45 = vector.broadcast %broadcast_in_dim3A_44 : i32 to vector<1x512xi32>
    %slice3A_46 = vector.extract_strided_slice %add3A_43 {offsets = [0, 0], sizes = [1, 3584], strides = [1, 1]} : vector<1x4096xi32> to vector<1x3584xi32>
    %concatenate3A_47 = tpu.concatenate %broadcast_in_dim3A_45, %slice3A_46 in 1 : vector<1x512xi32>, vector<1x3584xi32> -> vector<1x4096xi32>
    %add3A_48 = arith.addi %add3A_43, %concatenate3A_47 : vector<1x4096xi32>
    %broadcast_in_dim3A_49 = arith.constant 0 : i32
    %broadcast_in_dim3A_50 = vector.broadcast %broadcast_in_dim3A_49 : i32 to vector<1x1024xi32>
    %slice3A_51 = vector.extract_strided_slice %add3A_48 {offsets = [0, 0], sizes = [1, 3072], strides = [1, 1]} : vector<1x4096xi32> to vector<1x3072xi32>
    %concatenate3A_52 = tpu.concatenate %broadcast_in_dim3A_50, %slice3A_51 in 1 : vector<1x1024xi32>, vector<1x3072xi32> -> vector<1x4096xi32>
    %add3A_53 = arith.addi %add3A_48, %concatenate3A_52 : vector<1x4096xi32>
    %broadcast_in_dim3A_54 = arith.constant 0 : i32
    %broadcast_in_dim3A_55 = vector.broadcast %broadcast_in_dim3A_54 : i32 to vector<1x2048xi32>
    %slice3A_56 = vector.extract_strided_slice %add3A_53 {offsets = [0, 0], sizes = [1, 2048], strides = [1, 1]} : vector<1x4096xi32> to vector<1x2048xi32>
    %concatenate3A_57 = tpu.concatenate %broadcast_in_dim3A_55, %slice3A_56 in 1 : vector<1x2048xi32>, vector<1x2048xi32> -> vector<1x4096xi32>
    %add3A_58 = arith.addi %add3A_53, %concatenate3A_57 : vector<1x4096xi32>
    %get3A_59 = arith.constant 0 : index
    %get3A_60 = arith.constant 0 : index
    %get3A_61 = memref.load %arg1[%get3A_59, %get3A_60] : memref<1x1xi32, #tpu.memory_space<smem>>
    %le3A = vector.broadcast %get3A_61 : i32 to vector<1x4096xi32>
    %le3A_62 = arith.cmpi sle, %add3A_58, %le3A : vector<1x4096xi32>
    %convert_element_type3A = arith.extui %le3A_62 : vector<1x4096xi1> to vector<1x4096xi32>
    %reduce_sum3A_63 = vector.shape_cast %convert_element_type3A : vector<1x4096xi32> to vector<1x1x4096xi32>
    %reduce_sum3A_64 = arith.constant dense<0> : vector<1xi32>
    %reduce_sum3A_65 = vector.multi_reduction <add>, %reduce_sum3A_63, %reduce_sum3A_64 [1, 2] : vector<1x1x4096xi32> to vector<1xi32>
    %reduce_sum3A_66 = vector.shape_cast %reduce_sum3A_65 : vector<1xi32> to vector<1x1x1xi32>
    %reduce_sum3A_67 = vector.extract %reduce_sum3A_66[0, 0, 0] : i32 from vector<1x1x1xi32>
    %jit3A = arith.constant 0 : i32
    %broadcast_in_dim3A_68 = vector.broadcast %jit3A : i32 to vector<1x4096xi32>
    %select_n3A = arith.select %le3A_62, %add3A_58, %broadcast_in_dim3A_68 : vector<1x4096xi1>, vector<1x4096xi32>
    %reduce_max3A = vector.shape_cast %select_n3A : vector<1x4096xi32> to vector<1x1x4096xi32>
    %reduce_max3A_69 = arith.constant dense<-2147483648> : vector<1xi32>
    %reduce_max3A_70 = vector.multi_reduction <maxsi>, %reduce_max3A, %reduce_max3A_69 [1, 2] : vector<1x1x4096xi32> to vector<1xi32>
    %reduce_max3A_71 = vector.shape_cast %reduce_max3A_70 : vector<1xi32> to vector<1x1x1xi32>
    %reduce_max3A_72 = vector.extract %reduce_max3A_71[0, 0, 0] : i32 from vector<1x1x1xi32>
    %get3A_73 = arith.constant 0 : index
    %get3A_74 = arith.constant 0 : index
    %get3A_75 = memref.load %arg2[%get3A_73, %get3A_74] : memref<1x1xi32, #tpu.memory_space<smem>>
    %mul3A = arith.constant 4096 : i32
    %mul3A_76 = arith.muli %get3A_75, %mul3A : i32
    %add3A_77 = arith.addi %mul3A_76, %reduce_sum3A_67 : i32
    %sub3A = arith.subi %get3A_61, %reduce_max3A_72 : i32
    %swap3A = arith.constant 0 : index
    %swap3A_78 = arith.constant 0 : index
    %swap3A_79 = memref.load %arg4[%swap3A, %swap3A_78] : memref<1x1xi32, #tpu.memory_space<smem>>
    memref.store %sub3A, %arg4[%swap3A, %swap3A_78] : memref<1x1xi32, #tpu.memory_space<smem>>
    %swap3A_80 = arith.constant 0 : index
    %swap3A_81 = arith.constant 0 : index
    %swap3A_82 = memref.load %arg5[%swap3A_80, %swap3A_81] : memref<1x1xi32, #tpu.memory_space<smem>>
    memref.store %add3A_77, %arg5[%swap3A_80, %swap3A_81] : memref<1x1xi32, #tpu.memory_space<smem>>
    %broadcast_in_dim3A_83 = vector.broadcast %add3A_77 : i32 to vector<16xi32>
    %swap3A_84 = arith.constant 0 : index
    %swap3A_85 = vector.load %arg3[%swap3A_84] : memref<16xi32, #tpu.memory_space<vmem>>, vector<16xi32>
    tpu.vector_store %arg3[%swap3A_84], %broadcast_in_dim3A_83 {strides = array<i32>} : memref<16xi32, #tpu.memory_space<vmem>>, vector<16xi32>,
    return
  }
}

module attributes {stable_mosaic.version = 14 : i64} {
  func.func @_prep_body(%arg0: i32, %arg1: memref<256x4096xf32, #tpu.memory_space<vmem>>, %arg2: memref<256x64xf32, #tpu.memory_space<vmem>>, %arg3: memref<4096x64xf32, #tpu.memory_space<vmem>>, %arg4: memref<1x1xf32, #tpu.memory_space<smem>>, %arg5: memref<8192x128xi32, #tpu.memory_space<vmem>>, %arg6: memref<1x1x256xf32, #tpu.memory_space<vmem>>, %arg7: memref<1x1xf32, #tpu.memory_space<smem>>) attributes {dimension_semantics = [#tpu.dimension_semantics<arbitrary>], iteration_bounds = array<i64: 16>, scalar_prefetch = 0 : i64, scratch_operands = 0 : i64, tpu.core_type = #tpu.core_type<tc>, window_params = [{transform_indices = @transform_0, window_bounds = array<i64: 256, 4096>}, {transform_indices = @transform_1, window_bounds = array<i64: 256, 64>}, {pipeline_mode = #tpu.pipeline_mode<synchronous>, transform_indices = @transform_2, window_bounds = array<i64: 4096, 64>}, {transform_indices = @transform_3, window_bounds = array<i64: 1, 1>}, {transform_indices = @transform_4, window_bounds = array<i64: 8192, 128>}, {transform_indices = @transform_5, window_bounds = array<i64: 1, 1, 256>}, {transform_indices = @transform_6, window_bounds = array<i64: 1, 1>}]} {
    %get3A = arith.constant 0 : index
    %get3A_0 = arith.constant 0 : index
    %get3A_1 = vector.load %arg1[%get3A, %get3A_0] : memref<256x4096xf32, #tpu.memory_space<vmem>>, vector<256x4096xf32>
    %get3A_2 = arith.constant 0 : index
    %get3A_3 = arith.constant 0 : index
    %get3A_4 = vector.load %arg2[%get3A_2, %get3A_3] : memref<256x64xf32, #tpu.memory_space<vmem>>, vector<256x64xf32>
    %get3A_5 = arith.constant 0 : index
    %get3A_6 = arith.constant 0 : index
    %get3A_7 = vector.load %arg3[%get3A_5, %get3A_6] : memref<4096x64xf32, #tpu.memory_space<vmem>>, vector<4096x64xf32>
    %get3A_8 = arith.constant 0 : index
    %get3A_9 = arith.constant 0 : index
    %get3A_10 = memref.load %arg4[%get3A_8, %get3A_9] : memref<1x1xf32, #tpu.memory_space<smem>>
    %dot_general3A = arith.constant dense<0.000000e+00> : vector<256x4096xf32>
    %dot_general3A_11 = tpu.matmul %get3A_4, %get3A_7, %dot_general3A {dimension_numbers = #tpu.dot_dimension_numbers<[1], [1], [0], [0], [0, 0, 1, 0], [], []>, transpose_lhs_hint = false} : vector<256x64xf32>, vector<4096x64xf32>, vector<256x4096xf32> -> vector<256x4096xf32>
    %mul3A = arith.constant 256 : i32
    %mul3A_12 = arith.muli %arg0, %mul3A : i32
    %iota3A = tpu.iota {dimensions = array<i32: 0>} : vector<256x4096xi32>
    %add3A = vector.broadcast %mul3A_12 : i32 to vector<256x4096xi32>
    %add3A_13 = arith.addi %add3A, %iota3A : vector<256x4096xi32>
    %iota3A_14 = tpu.iota {dimensions = array<i32: 1>} : vector<256x4096xi32>
    %eq3A = arith.cmpi eq, %add3A_13, %iota3A_14 : vector<256x4096xi32>
    %add3A_15 = vector.broadcast %get3A_10 : f32 to vector<256x4096xf32>
    %add3A_16 = arith.addf %get3A_1, %add3A_15 : vector<256x4096xf32>
    %neg3A = arith.constant 0.000000e+00 : f32
    %neg3A_17 = vector.broadcast %neg3A : f32 to vector<256x4096xf32>
    %neg3A_18 = arith.subf %neg3A_17, %add3A_16 : vector<256x4096xf32>
    %select_n3A = arith.select %eq3A, %add3A_16, %neg3A_18 : vector<256x4096xi1>, vector<256x4096xf32>
    %eq3A_19 = arith.constant 0 : i32
    %eq3A_20 = arith.cmpi eq, %arg0, %eq3A_19 : i32
    %convert_element_type3A = arith.extui %eq3A_20 : i1 to i32
    %cond3A = arith.constant 0 : i32
    %cond3A_21 = arith.cmpi ne, %convert_element_type3A, %cond3A : i32
    scf.if %cond3A_21 {
      %swap3A_66 = arith.constant 0.000000e+00 : f32
      %swap3A_67 = arith.constant 0 : index
      %swap3A_68 = arith.constant 0 : index
      %swap3A_69 = memref.load %arg7[%swap3A_67, %swap3A_68] : memref<1x1xf32, #tpu.memory_space<smem>>
      memref.store %swap3A_66, %arg7[%swap3A_67, %swap3A_68] : memref<1x1xf32, #tpu.memory_space<smem>>
    } else {
    }
    %get3A_22 = arith.constant 0 : index
    %get3A_23 = arith.constant 0 : index
    %get3A_24 = memref.load %arg7[%get3A_22, %get3A_23] : memref<1x1xf32, #tpu.memory_space<smem>>
    %min3A = arith.constant 0.000000e+00 : f32
    %min3A_25 = vector.broadcast %min3A : f32 to vector<256x4096xf32>
    %min3A_26 = arith.minimumf %select_n3A, %min3A_25 : vector<256x4096xf32>
    %abs3A = math.absf %select_n3A : vector<256x4096xf32>
    %neg3A_27 = arith.constant 0.000000e+00 : f32
    %neg3A_28 = vector.broadcast %neg3A_27 : f32 to vector<256x4096xf32>
    %neg3A_29 = arith.subf %neg3A_28, %abs3A : vector<256x4096xf32>
    %exp3A = math.exp %neg3A_29 : vector<256x4096xf32>
    %add3A_30 = arith.constant 1.000000e+00 : f32
    %add3A_31 = vector.broadcast %add3A_30 : f32 to vector<256x4096xf32>
    %add3A_32 = arith.addf %add3A_31, %exp3A : vector<256x4096xf32>
    %log3A = math.log %add3A_32 : vector<256x4096xf32>
    %sub3A = arith.subf %min3A_26, %log3A : vector<256x4096xf32>
    %reduce_sum3A = vector.shape_cast %sub3A : vector<256x4096xf32> to vector<1x256x4096xf32>
    %reduce_sum3A_33 = arith.constant dense<0.000000e+00> : vector<1xf32>
    %reduce_sum3A_34 = vector.multi_reduction <add>, %reduce_sum3A, %reduce_sum3A_33 [1, 2] : vector<1x256x4096xf32> to vector<1xf32>
    %reduce_sum3A_35 = vector.shape_cast %reduce_sum3A_34 : vector<1xf32> to vector<1x1x1xf32>
    %reduce_sum3A_36 = vector.extract %reduce_sum3A_35[0, 0, 0] : f32 from vector<1x1x1xf32>
    %add3A_37 = arith.addf %get3A_24, %reduce_sum3A_36 : f32
    %swap3A = arith.constant 0 : index
    %swap3A_38 = arith.constant 0 : index
    %swap3A_39 = memref.load %arg7[%swap3A, %swap3A_38] : memref<1x1xf32, #tpu.memory_space<smem>>
    memref.store %add3A_37, %arg7[%swap3A, %swap3A_38] : memref<1x1xf32, #tpu.memory_space<smem>>
    %jit3A = arith.constant 0xFF800000 : f32
    %broadcast_in_dim3A = vector.broadcast %jit3A : f32 to vector<256x4096xf32>
    %select_n3A_40 = arith.select %eq3A, %broadcast_in_dim3A, %dot_general3A_11 : vector<256x4096xi1>, vector<256x4096xf32>
    %reduce_max3A = arith.constant dense<0xFF800000> : vector<256xf32>
    %reduce_max3A_41 = vector.multi_reduction <maximumf>, %select_n3A_40, %reduce_max3A [1] : vector<256x4096xf32> to vector<256xf32>
    %swap3A_42 = arith.constant 0 : index
    %swap3A_43 = arith.constant 0 : index
    %swap3A_44 = arith.constant 0 : index
    %swap3A_45 = vector.load %arg6[%swap3A_42, %swap3A_43, %swap3A_44] : memref<1x1x256xf32, #tpu.memory_space<vmem>>, vector<1x1x256xf32>
    %swap3A_46 = vector.shape_cast %swap3A_45 : vector<1x1x256xf32> to vector<256xf32>
    %swap3A_47 = vector.shape_cast %reduce_max3A_41 : vector<256xf32> to vector<1x1x256xf32>
    tpu.vector_store %arg6[%swap3A_42, %swap3A_43, %swap3A_44], %swap3A_47 {strides = array<i32>} : memref<1x1x256xf32, #tpu.memory_space<vmem>>, vector<1x1x256xf32>,
    %add3A_48 = arith.constant 9.99999993E-9 : f32
    %add3A_49 = vector.broadcast %add3A_48 : f32 to vector<256x4096xf32>
    %add3A_50 = arith.addf %dot_general3A_11, %add3A_49 : vector<256x4096xf32>
    %div3A = arith.divf %get3A_1, %add3A_50 : vector<256x4096xf32>
    %bitcast_convert_type3A = tpu.bitcast %div3A : vector<256x4096xf32> -> vector<256x4096xi32>
    %shift_right_logical3A = arith.constant 31 : i32
    %shift_right_logical3A_51 = vector.broadcast %shift_right_logical3A : i32 to vector<256x4096xi32>
    %shift_right_logical3A_52 = arith.shrui %bitcast_convert_type3A, %shift_right_logical3A_51 : vector<256x4096xi32>
    %eq3A_53 = arith.constant 0 : i32
    %eq3A_54 = vector.broadcast %eq3A_53 : i32 to vector<256x4096xi32>
    %eq3A_55 = arith.cmpi eq, %shift_right_logical3A_52, %eq3A_54 : vector<256x4096xi32>
    %or3A = arith.constant -2147483648 : i32
    %or3A_56 = vector.broadcast %or3A : i32 to vector<256x4096xi32>
    %or3A_57 = arith.ori %bitcast_convert_type3A, %or3A_56 : vector<256x4096xi32>
    %not3A = arith.constant dense<-1> : vector<256x4096xi32>
    %not3A_58 = arith.xori %bitcast_convert_type3A, %not3A : vector<256x4096xi32>
    %select_n3A_59 = arith.select %eq3A_55, %or3A_57, %not3A_58 : vector<256x4096xi1>, vector<256x4096xi32>
    %jit3A_60 = arith.constant -8388608 : i32
    %broadcast_in_dim3A_61 = vector.broadcast %jit3A_60 : i32 to vector<256x4096xi32>
    %select_n3A_62 = arith.select %eq3A, %broadcast_in_dim3A_61, %select_n3A_59 : vector<256x4096xi1>, vector<256x4096xi32>
    %reshape3A = vector.shape_cast %select_n3A_62 : vector<256x4096xi32> to vector<8192x128xi32>
    %swap3A_63 = arith.constant 0 : index
    %swap3A_64 = arith.constant 0 : index
    %swap3A_65 = vector.load %arg5[%swap3A_63, %swap3A_64] : memref<8192x128xi32, #tpu.memory_space<vmem>>, vector<8192x128xi32>
    tpu.vector_store %arg5[%swap3A_63, %swap3A_64], %reshape3A {strides = array<i32>} : memref<8192x128xi32, #tpu.memory_space<vmem>>, vector<8192x128xi32>,
    return
  }
  func.func @transform_0(%arg0: i32) -> (i32, i32) {
    %c0_i32 = arith.constant 0 : i32
    %c0_i32_0 = arith.constant 0 : i32
    return %arg0, %c0_i32 : i32, i32
  }
  func.func @transform_1(%arg0: i32) -> (i32, i32) {
    %c0_i32 = arith.constant 0 : i32
    %c0_i32_0 = arith.constant 0 : i32
    return %arg0, %c0_i32 : i32, i32
  }
  func.func @transform_2(%arg0: i32) -> (i32, i32) {
    %c0_i32 = arith.constant 0 : i32
    %c0_i32_0 = arith.constant 0 : i32
    %c0_i32_1 = arith.constant 0 : i32
    return %c0_i32, %c0_i32_0 : i32, i32
  }
  func.func @transform_3(%arg0: i32) -> (i32, i32) {
    %c0_i32 = arith.constant 0 : i32
    %c0_i32_0 = arith.constant 0 : i32
    %c0_i32_1 = arith.constant 0 : i32
    return %c0_i32, %c0_i32_0 : i32, i32
  }
  func.func @transform_4(%arg0: i32) -> (i32, i32) {
    %c0_i32 = arith.constant 0 : i32
    %c0_i32_0 = arith.constant 0 : i32
    return %arg0, %c0_i32 : i32, i32
  }
  func.func @transform_5(%arg0: i32) -> (i32, i32, i32) {
    %c0_i32 = arith.constant 0 : i32
    %c0_i32_0 = arith.constant 0 : i32
    %c0_i32_1 = arith.constant 0 : i32
    return %arg0, %c0_i32, %c0_i32_0 : i32, i32, i32
  }
  func.func @transform_6(%arg0: i32) -> (i32, i32) {
    %c0_i32 = arith.constant 0 : i32
    %c0_i32_0 = arith.constant 0 : i32
    %c0_i32_1 = arith.constant 0 : i32
    return %c0_i32, %c0_i32_0 : i32, i32
  }
}

module attributes {stable_mosaic.version = 14 : i64} {
  func.func @_final_body(%arg0: memref<512x256xi32, #tpu.memory_space<vmem>>, %arg1: memref<1x1xi32, #tpu.memory_space<smem>>, %arg2: memref<1x1xi32, #tpu.memory_space<smem>>, %arg3: memref<1x1xf32, #tpu.memory_space<smem>>, %arg4: memref<16x1x256xf32, #tpu.memory_space<vmem>>, %arg5: memref<1x1xf32, #tpu.memory_space<smem>>) attributes {dimension_semantics = [], scalar_prefetch = 0 : i64, scratch_operands = 0 : i64, tpu.core_type = #tpu.core_type<tc>} {
    %get3A = arith.constant 0 : index
    %get3A_0 = arith.constant 0 : index
    %get3A_1 = vector.load %arg0[%get3A, %get3A_0] : memref<512x256xi32, #tpu.memory_space<vmem>>, vector<512x256xi32>
    %reduce_sum3A = arith.constant dense<0> : vector<256xi32>
    %reduce_sum3A_2 = vector.multi_reduction <add>, %get3A_1, %reduce_sum3A [0] : vector<512x256xi32> to vector<256xi32>
    %reshape3A = vector.shape_cast %reduce_sum3A_2 : vector<256xi32> to vector<1x256xi32>
    %broadcast_in_dim3A = arith.constant 0 : i32
    %broadcast_in_dim3A_3 = vector.broadcast %broadcast_in_dim3A : i32 to vector<1x1xi32>
    %slice3A = vector.extract_strided_slice %reshape3A {offsets = [0, 0], sizes = [1, 255], strides = [1, 1]} : vector<1x256xi32> to vector<1x255xi32>
    %concatenate3A = tpu.concatenate %broadcast_in_dim3A_3, %slice3A in 1 : vector<1x1xi32>, vector<1x255xi32> -> vector<1x256xi32>
    %add3A = arith.addi %reshape3A, %concatenate3A : vector<1x256xi32>
    %broadcast_in_dim3A_4 = arith.constant 0 : i32
    %broadcast_in_dim3A_5 = vector.broadcast %broadcast_in_dim3A_4 : i32 to vector<1x2xi32>
    %slice3A_6 = vector.extract_strided_slice %add3A {offsets = [0, 0], sizes = [1, 254], strides = [1, 1]} : vector<1x256xi32> to vector<1x254xi32>
    %concatenate3A_7 = tpu.concatenate %broadcast_in_dim3A_5, %slice3A_6 in 1 : vector<1x2xi32>, vector<1x254xi32> -> vector<1x256xi32>
    %add3A_8 = arith.addi %add3A, %concatenate3A_7 : vector<1x256xi32>
    %broadcast_in_dim3A_9 = arith.constant 0 : i32
    %broadcast_in_dim3A_10 = vector.broadcast %broadcast_in_dim3A_9 : i32 to vector<1x4xi32>
    %slice3A_11 = vector.extract_strided_slice %add3A_8 {offsets = [0, 0], sizes = [1, 252], strides = [1, 1]} : vector<1x256xi32> to vector<1x252xi32>
    %concatenate3A_12 = tpu.concatenate %broadcast_in_dim3A_10, %slice3A_11 in 1 : vector<1x4xi32>, vector<1x252xi32> -> vector<1x256xi32>
    %add3A_13 = arith.addi %add3A_8, %concatenate3A_12 : vector<1x256xi32>
    %broadcast_in_dim3A_14 = arith.constant 0 : i32
    %broadcast_in_dim3A_15 = vector.broadcast %broadcast_in_dim3A_14 : i32 to vector<1x8xi32>
    %slice3A_16 = vector.extract_strided_slice %add3A_13 {offsets = [0, 0], sizes = [1, 248], strides = [1, 1]} : vector<1x256xi32> to vector<1x248xi32>
    %concatenate3A_17 = tpu.concatenate %broadcast_in_dim3A_15, %slice3A_16 in 1 : vector<1x8xi32>, vector<1x248xi32> -> vector<1x256xi32>
    %add3A_18 = arith.addi %add3A_13, %concatenate3A_17 : vector<1x256xi32>
    %broadcast_in_dim3A_19 = arith.constant 0 : i32
    %broadcast_in_dim3A_20 = vector.broadcast %broadcast_in_dim3A_19 : i32 to vector<1x16xi32>
    %slice3A_21 = vector.extract_strided_slice %add3A_18 {offsets = [0, 0], sizes = [1, 240], strides = [1, 1]} : vector<1x256xi32> to vector<1x240xi32>
    %concatenate3A_22 = tpu.concatenate %broadcast_in_dim3A_20, %slice3A_21 in 1 : vector<1x16xi32>, vector<1x240xi32> -> vector<1x256xi32>
    %add3A_23 = arith.addi %add3A_18, %concatenate3A_22 : vector<1x256xi32>
    %broadcast_in_dim3A_24 = arith.constant 0 : i32
    %broadcast_in_dim3A_25 = vector.broadcast %broadcast_in_dim3A_24 : i32 to vector<1x32xi32>
    %slice3A_26 = vector.extract_strided_slice %add3A_23 {offsets = [0, 0], sizes = [1, 224], strides = [1, 1]} : vector<1x256xi32> to vector<1x224xi32>
    %concatenate3A_27 = tpu.concatenate %broadcast_in_dim3A_25, %slice3A_26 in 1 : vector<1x32xi32>, vector<1x224xi32> -> vector<1x256xi32>
    %add3A_28 = arith.addi %add3A_23, %concatenate3A_27 : vector<1x256xi32>
    %broadcast_in_dim3A_29 = arith.constant 0 : i32
    %broadcast_in_dim3A_30 = vector.broadcast %broadcast_in_dim3A_29 : i32 to vector<1x64xi32>
    %slice3A_31 = vector.extract_strided_slice %add3A_28 {offsets = [0, 0], sizes = [1, 192], strides = [1, 1]} : vector<1x256xi32> to vector<1x192xi32>
    %concatenate3A_32 = tpu.concatenate %broadcast_in_dim3A_30, %slice3A_31 in 1 : vector<1x64xi32>, vector<1x192xi32> -> vector<1x256xi32>
    %add3A_33 = arith.addi %add3A_28, %concatenate3A_32 : vector<1x256xi32>
    %broadcast_in_dim3A_34 = arith.constant 0 : i32
    %broadcast_in_dim3A_35 = vector.broadcast %broadcast_in_dim3A_34 : i32 to vector<1x128xi32>
    %slice3A_36 = vector.extract_strided_slice %add3A_33 {offsets = [0, 0], sizes = [1, 128], strides = [1, 1]} : vector<1x256xi32> to vector<1x128xi32>
    %concatenate3A_37 = tpu.concatenate %broadcast_in_dim3A_35, %slice3A_36 in 1 : vector<1x128xi32>, vector<1x128xi32> -> vector<1x256xi32>
    %add3A_38 = arith.addi %add3A_33, %concatenate3A_37 : vector<1x256xi32>
    %get3A_39 = arith.constant 0 : index
    %get3A_40 = arith.constant 0 : index
    %get3A_41 = memref.load %arg1[%get3A_39, %get3A_40] : memref<1x1xi32, #tpu.memory_space<smem>>
    %le3A = vector.broadcast %get3A_41 : i32 to vector<1x256xi32>
    %le3A_42 = arith.cmpi sle, %add3A_38, %le3A : vector<1x256xi32>
    %convert_element_type3A = arith.extui %le3A_42 : vector<1x256xi1> to vector<1x256xi32>
    %reduce_sum3A_43 = vector.shape_cast %convert_element_type3A : vector<1x256xi32> to vector<1x1x256xi32>
    %reduce_sum3A_44 = arith.constant dense<0> : vector<1xi32>
    %reduce_sum3A_45 = vector.multi_reduction <add>, %reduce_sum3A_43, %reduce_sum3A_44 [1, 2] : vector<1x1x256xi32> to vector<1xi32>
    %reduce_sum3A_46 = vector.shape_cast %reduce_sum3A_45 : vector<1xi32> to vector<1x1x1xi32>
    %reduce_sum3A_47 = vector.extract %reduce_sum3A_46[0, 0, 0] : i32 from vector<1x1x1xi32>
    %get3A_48 = arith.constant 0 : index
    %get3A_49 = arith.constant 0 : index
    %get3A_50 = memref.load %arg2[%get3A_48, %get3A_49] : memref<1x1xi32, #tpu.memory_space<smem>>
    %mul3A = arith.constant 256 : i32
    %mul3A_51 = arith.muli %get3A_50, %mul3A : i32
    %add3A_52 = arith.addi %mul3A_51, %reduce_sum3A_47 : i32
    %ge3A = arith.constant 0 : i32
    %ge3A_53 = arith.cmpi sge, %add3A_52, %ge3A : i32
    %not3A = arith.constant -1 : i32
    %not3A_54 = arith.xori %add3A_52, %not3A : i32
    %and3A = arith.constant 2147483647 : i32
    %and3A_55 = arith.andi %add3A_52, %and3A : i32
    %select_n3A = arith.select %ge3A_53, %not3A_54, %and3A_55 : i32
    %bitcast_convert_type3A = arith.bitcast %select_n3A : i32 to f32
    %get3A_56 = arith.constant 0 : index
    %get3A_57 = arith.constant 0 : index
    %get3A_58 = arith.constant 0 : index
    %get3A_59 = vector.load %arg4[%get3A_56, %get3A_57, %get3A_58] : memref<16x1x256xf32, #tpu.memory_space<vmem>>, vector<16x1x256xf32>
    %neg3A = arith.constant 0.000000e+00 : f32
    %neg3A_60 = arith.subf %neg3A, %bitcast_convert_type3A : f32
    %mul3A_61 = vector.broadcast %neg3A_60 : f32 to vector<16x1x256xf32>
    %mul3A_62 = arith.mulf %mul3A_61, %get3A_59 : vector<16x1x256xf32>
    %min3A = arith.constant 0.000000e+00 : f32
    %min3A_63 = vector.broadcast %min3A : f32 to vector<16x1x256xf32>
    %min3A_64 = arith.minimumf %mul3A_62, %min3A_63 : vector<16x1x256xf32>
    %abs3A = math.absf %mul3A_62 : vector<16x1x256xf32>
    %neg3A_65 = arith.constant 0.000000e+00 : f32
    %neg3A_66 = vector.broadcast %neg3A_65 : f32 to vector<16x1x256xf32>
    %neg3A_67 = arith.subf %neg3A_66, %abs3A : vector<16x1x256xf32>
    %exp3A = math.exp %neg3A_67 : vector<16x1x256xf32>
    %add3A_68 = arith.constant 1.000000e+00 : f32
    %add3A_69 = vector.broadcast %add3A_68 : f32 to vector<16x1x256xf32>
    %add3A_70 = arith.addf %add3A_69, %exp3A : vector<16x1x256xf32>
    %log3A = math.log %add3A_70 : vector<16x1x256xf32>
    %sub3A = arith.subf %min3A_64, %log3A : vector<16x1x256xf32>
    %reduce_sum3A_71 = vector.shape_cast %sub3A : vector<16x1x256xf32> to vector<1x16x1x256xf32>
    %reduce_sum3A_72 = arith.constant dense<0.000000e+00> : vector<1xf32>
    %reduce_sum3A_73 = vector.multi_reduction <add>, %reduce_sum3A_71, %reduce_sum3A_72 [1, 2, 3] : vector<1x16x1x256xf32> to vector<1xf32>
    %reduce_sum3A_74 = vector.shape_cast %reduce_sum3A_73 : vector<1xf32> to vector<1x1x1x1xf32>
    %reduce_sum3A_75 = vector.extract %reduce_sum3A_74[0, 0, 0, 0] : f32 from vector<1x1x1x1xf32>
    %neg3A_76 = arith.constant 0.000000e+00 : f32
    %neg3A_77 = arith.subf %neg3A_76, %reduce_sum3A_75 : f32
    %div3A = arith.constant 4.096000e+03 : f32
    %div3A_78 = arith.divf %neg3A_77, %div3A : f32
    %get3A_79 = arith.constant 0 : index
    %get3A_80 = arith.constant 0 : index
    %get3A_81 = memref.load %arg3[%get3A_79, %get3A_80] : memref<1x1xf32, #tpu.memory_space<smem>>
    %neg3A_82 = arith.constant 0.000000e+00 : f32
    %neg3A_83 = arith.subf %neg3A_82, %get3A_81 : f32
    %div3A_84 = arith.constant 0x4B800000 : f32
    %div3A_85 = arith.divf %neg3A_83, %div3A_84 : f32
    %mul3A_86 = arith.constant 1.000000e-01 : f32
    %mul3A_87 = arith.mulf %mul3A_86, %div3A_78 : f32
    %add3A_88 = arith.addf %div3A_85, %mul3A_87 : f32
    %swap3A = arith.constant 0 : index
    %swap3A_89 = arith.constant 0 : index
    %swap3A_90 = memref.load %arg5[%swap3A, %swap3A_89] : memref<1x1xf32, #tpu.memory_space<smem>>
    memref.store %add3A_88, %arg5[%swap3A, %swap3A_89] : memref<1x1xf32, #tpu.memory_space<smem>>
    return
  }
}

</mosaic_0001>

<sc_bundles>
// kernel: kernel.12.cloned.1.call-start
scs
__scs_entry_jumppad:
0x0: {  	(pc) =	sbr.rel $0x88, $3  }
0x1: {  	(tag) =	ssettag $0x0;
	lr =	simm.s32 $0x1  }
0x2: {  	[smem:$0x3F9D] =	sst lr;
	_ =	strace $0xD0000000  }
0x3: {  	_ = 	snop  }
0x4: {  	_ = 	snop  }
0x5: {  	_ = 	snop  }
0x6: {  	_ = 	snop  }
0x7: {  	_ = 	snop  }
__scs_overlays_trampoline_lowered:
0x8: {  	[smem:$0x3FAC] =	sst s0  }
0x9: {  	[smem:$0x3FAD] =	sst s1  }
0xa: {  	[smem:$0x3FAE] =	sst s2  }
0xb: {  	[smem:$0x3FAF] =	sst s3  }
0xc: {  	[smem:$0x3FB0] =	sst s4  }
0xd: {  	[smem:$0x3FB1] =	sst s5  }
0xe: {  	[smem:$0x3FB2] =	sst s6  }
0xf: {  	[smem:$0x3FB3] =	sst s7  }
0x10: {  	[smem:$0x3FB4] =	sst s8  }
0x11: {  	[smem:$0x3FB5] =	sst s9;
	s0 =	simm.s32 @!p0 $0x0  }
0x12: {  	s1 =	sld [smem:$0x3F9B];
	s0 =	simm.s32 @p0 $0x1  }
0x13: {  	[smem:$0x3FB6] =	sst s0;
	s0 =	simm.s32 @!p1 $0x0  }
0x14: {  	s2 =	sld [smem:$0x3F9A];
	s0 =	simm.s32 @p1 $0x1  }
0x15: {  	[smem:$0x3FB7] =	sst s0;
	s0 =	simm.s32 @!p2 $0x0  }
0x16: {  	s3 =	sld [smem:$0x3FDB];
	s0 =	simm.s32 @p2 $0x1  }
0x17: {  	s4 =	simm.s32 $0x1BF5;
	[smem:$0x3FB9] =	sst s0  }
0x18: {  	s0 =	sld [smem:$0x3F9C];
	_ =	swait.ge [sflag:s4], $0x0  }
0x19: {  	s7 =	sld [smem:$0x3F9D]  }
0x1a: {  	s8 =	sadd.s32 $0xFFFFE003, lr  }
0x1b: {  	s9 =	sadd.s32 $0xFFFFFEF7, lr;
	s5 =	simm.s32 $0xFFFFFFFF;
	p2 =	slt.u32 s8, $0xFFFFF086  }
0x1c: {  	p1 =	slt.u32 s9, $0xF7A;
	s5 =	simm.s32 @!p2 $0x0  }
0x1d: {  	s5 =	simm.s32 @p1 $0x1;
	p0 =	seq.s32 s7, s2  }
0x1e: {  	s7 =	smul.u32 @!p0 $0xF7A, s2;
	p2 =	seq.s32 @!p0 s5, $0x0  }
0x1f: {  	s9 =	smul.u32 $0xF7A, s1;
	s8 =	simm.s32 @!p0 $0x1BF5;
	p2 =	por !p2, p0  }
0x20: {  	[sflag:s8] =	ssyncset.s32 @!p0 $0xFFFFF086;
	s6 =	sadd.s32 @!p0 s3, s7;
	s7 =	simm.s32 @!p0 $0x108  }
0x21: {  	s3 =	sadd.s32 s3, s9;
	s6 =	sadd.s32 @!p0 $0x88, s6;
	s7 =	simm.s32 @p2 $0x1082  }
0x22: {  	[simem:s7], [sflag:s8] =	dma.local @!p0 [hbm:s6], $0xF7A  }
0x23: {  	s9 =	sor.u32 $0xD0000000, s2;
	s6 =	simm.s32 $0x108;
	_ =	swait.ge @!p0 [sflag:s8], $0x0  }
0x24: {  	s3 =	sadd.s32 $0x88, s3;
	s6 =	simm.s32 @!p1 $0x1082;
	[sflag:s4] =	ssyncset.s32 $0xFFFFF086  }
0x25: {  	[simem:s6], [sflag:s4] =	dma.local [hbm:s3], $0xF7A  }
0x26: {  	[smem:$0x3F9D] =	sst s1;
	(tag) =	ssettag s2;
	_ =	strace s9  }
0x27: {  	s1 =	sld [smem:$0x3FAD]  }
0x28: {  	s2 =	sld [smem:$0x3FAE]  }
0x29: {  	s4 =	sld [smem:$0x3FB0]  }
0x2a: {  	p0 =	seq.s32 s5, $0x0;
	s5 =	sld [smem:$0x3FB1]  }
0x2b: {  	s6 =	sld [smem:$0x3FB2]  }
0x2c: {  	s7 =	sld [smem:$0x3FB3]  }
0x2d: {  	s3 =	simm.s32 $0x108;
	s8 =	sld [smem:$0x3FB4]  }
0x2e: {  	s3 =	simm.s32 @!p0 $0x1082;
	s9 =	sld [smem:$0x3FB5]  }
0x2f: {  	lr =	sadd.s32 s0, s3;
	s0 =	sld [smem:$0x3FAC]  }
0x30: {  	s3 =	sld [smem:$0x3FAF]  }
0x31: {  	[smem:$0x3FB8] =	sst s10  }
0x32: {  	s10 =	sld [smem:$0x3FB6];
	_ =	sdelay $0x3  }
0x33: {  	p0 =	seq.s32 s10, $0x1;
	s10 =	sld [smem:$0x3FB8];
	_ =	sdelay $0x3  }
0x34: {  	[smem:$0x3FB8] =	sst s10  }
0x35: {  	s10 =	sld [smem:$0x3FB7];
	_ =	sdelay $0x3  }
0x36: {  	p1 =	seq.s32 s10, $0x1;
	s10 =	sld [smem:$0x3FB8];
	_ =	sdelay $0x3  }
0x37: {  	[smem:$0x3FB8] =	sst s10  }
0x38: {  	s10 =	sld [smem:$0x3FB9]  }
0x39: {  	_ = 	snop;
	(pc) =	sbr.ind lr, $3  }
0x3a: {  	_ = 	snop  }
0x3b: {  	_ = 	snop  }
0x3c: {  	p2 =	seq.s32 s10, $0x1;
	s10 =	sld [smem:$0x3FB8]  }
0x3d: {  	_ =	shalt  }
0x3e: {  	_ =	shalt  }
0x3f: {  	_ =	shalt  }
0x40: {  	_ =	shalt  }
0x41: {  	_ =	shalt  }
0x42: {  	_ =	shalt  }
0x43: {  	_ =	shalt  }
0x44: {  	_ =	shalt  }
0x45: {  	_ =	shalt  }
0x46: {  	_ =	shalt  }
0x47: {  	_ =	shalt  }
0x48: {  	_ =	shalt  }
0x49: {  	_ =	shalt  }
0x4a: {  	_ =	shalt  }
0x4b: {  	_ =	shalt  }
0x4c: {  	_ =	shalt  }
0x4d: {  	_ =	shalt  }
0x4e: {  	_ =	shalt  }
0x4f: {  	_ =	shalt  }
0x50: {  	_ =	shalt  }
0x51: {  	_ =	shalt  }
0x52: {  	_ =	shalt  }
0x53: {  	_ =	shalt  }
0x54: {  	_ =	shalt  }
0x55: {  	_ =	shalt  }
0x56: {  	_ =	shalt  }
0x57: {  	_ =	shalt  }
0x58: {  	_ =	shalt  }
0x59: {  	_ =	shalt  }
0x5a: {  	_ =	shalt  }
0x5b: {  	_ =	shalt  }
0x5c: {  	_ =	shalt  }
0x5d: {  	_ =	shalt  }
0x5e: {  	_ =	shalt  }
0x5f: {  	_ =	shalt  }
0x60: {  	_ =	shalt  }
0x61: {  	_ =	shalt  }
0x62: {  	_ =	shalt  }
0x63: {  	_ =	shalt  }
0x64: {  	_ =	shalt  }
0x65: {  	_ =	shalt  }
0x66: {  	_ =	shalt  }
0x67: {  	_ =	shalt  }
0x68: {  	_ =	shalt  }
0x69: {  	_ =	shalt  }
0x6a: {  	_ =	shalt  }
0x6b: {  	_ =	shalt  }
0x6c: {  	_ =	shalt  }
0x6d: {  	_ =	shalt  }
0x6e: {  	_ =	shalt  }
0x6f: {  	_ =	shalt  }
0x70: {  	_ =	shalt  }
0x71: {  	_ =	shalt  }
0x72: {  	_ =	shalt  }
0x73: {  	_ =	shalt  }
0x74: {  	_ =	shalt  }
0x75: {  	_ =	shalt  }
0x76: {  	_ =	shalt  }
0x77: {  	_ =	shalt  }
0x78: {  	_ =	shalt  }
0x79: {  	_ =	shalt  }
0x7a: {  	_ =	shalt  }
0x7b: {  	_ =	shalt  }
0x7c: {  	_ =	shalt  }
0x7d: {  	_ =	shalt  }
0x7e: {  	_ =	shalt  }
0x7f: {  	_ =	shalt  }
0x80: {  	_ =	shalt  }
0x81: {  	_ =	shalt  }
0x82: {  	_ =	shalt  }
0x83: {  	_ =	shalt  }
0x84: {  	_ =	shalt  }
0x85: {  	_ =	shalt  }
0x86: {  	_ =	shalt  }
0x87: {  	_ =	shalt  }
.Lfunc_end0:
.L_simem_size_0:
called_computation.1_lowered:
.L_overlay_start_0:
0x88: {  	s2 =	sld [smem:$0x3FD9]  }
0x89: {  	s3 =	sld [smem:$0x3FFE];
	_ =	sdelay $0x1  }
0x8a: {  	s1 =	srdreg.scid  }
0x8b: {  	s0 =	sand.u32 $0x1, s1  }
0x8c: {  	s16 =	sshll.u32 s0, $0xA;
	s2 =	sadd.s32 s3, s2  }
0x8d: {  	s2 =	sadd.s32 s2, s16  }
0x8e: {  	[smem:$0x3FC4] =	sst s2  }
0x8f: {  	_ = 	snop  }
0x90: {  	(tm) =	ssettm $0x1  }
0x91: {  	s17 =	sld [smem:$0x3FFB];
	_ =	sdelay $0x3  }
0x92: {  	_ =	strace s17  }
0x93: {  	s2 =	sld [smem:$0x3FFC];
	_ =	sdelay $0x3  }
0x94: {  	_ =	strace s2  }
0x95: {  	s2 =	sld [smem:$0x3FFD];
	_ =	sdelay $0x3  }
0x96: {  	_ =	strace s2  }
0x97: {  	_ =	strace $0x8FFFFFFF  }
0x98: {  	s18 =	sld [smem:$0x3FDB];
	_ =	sdelay $0x1  }
0x99: {  	s19 =	simm.s32 $_scs_section_size  }
0x9a: {  	s4 =	simm.s32 $_size__tile_overlayer_lowered;
	s5 =	simm.s32 $_tile_overlayer_lowered  }
0x9b: {  	s22 =	simm.s32 $0x1BFF;
	s21 =	sshll.u32 s5, $0x1;
	s2 =	sadd.s32 s19, s18  }
0x9c: {  	s6 =	simm.s32 $0x0;
	s20 =	sshll.u32 s4, $0x1;
	s4 =	sadd.s32 s21, s2  }
0x9d: {  	[timem:s6], [sflag:s22] =	dma.local [hbm:s4], s20  }
0x9e: {  	_ =	swait.ge [sflag:s22], s20  }
0x9f: {  	s3 =	ssub.s32 $0x0, s20;
	[sflag:s22] =	ssyncset.done $0x0  }
0xa0: {  	[sflag:s22] =	ssyncadd.s32 s3;
	_ =	sdelay $0x1  }
0xa1: {  	s23 =	simm.s32 $0x1B8B  }
0xa2: {  	_ =	swait.ge [sflag:s23], $0x1  }
0xa3: {  	[sflag:s23] =	ssyncset.done $0x0  }
0xa4: {  	s25 =	simm.s32 $0x1B8E;
	s24 =	sld [smem:$0x3FFE];
	[sflag:s23] =	ssyncadd.s32 $0xFFFFFFFF  }
0xa5: {  	s26 =	simm.s32 $execute0_lowered;
	[smem:$0x3FD2] =	sst s25  }
0xa6: {  	s4 =	sshll.u32 s26, $0x1;
	_ =	strace $0x80000049;
	[dreg:$0x1] =	wrdreg $0xFFFFFFFF  }
0xa7: {  	s28 =	simm.s32 $_size_execute0_lowered;
	s2 =	sadd.s32 s2, s4;
	[dreg:$0x0] =	wrdreg $0x0  }
0xa8: {  	s4 =	sshll.u32 s28, $0x1;
	[dreg:$0x2] =	wrdreg s2  }
0xa9: {  	[dreg:$0x3] =	wrdreg s4  }
0xaa: {  	[dreg:$0x4] =	wrdreg $0xC0  }
0xab: {  	_ =	task [dreg:s6], $0x5FFFF  }
0xac: {  	[dreg:$0x1] =	wrdreg $0xFFFFFFFF  }
0xad: {  	[dreg:$0x0] =	wrdreg $0x60  }
0xae: {  	[dreg:$0x2] =	wrdreg s24  }
0xaf: {  	[dreg:$0x3] =	wrdreg $0x9  }
0xb0: {  	_ =	task.clear_ibuf [dreg:s6], $0x4FFFF;
	_ =	strace $0x90000049  }
0xb1: {  	s29 =	simm.s32 $0x9;
	_ =	strace $0x8000004B  }
0xb2: {  	_ =	swait.ge [sflag:s29], $0x1  }
0xb3: {  	[sflag:s29] =	ssyncadd.s32 $0xFFFFFFFF  }
0xb4: {  	_ =	strace $0x9000004B  }
0xb5: {  	_ =	sfence  }
0xb6: {  	s30 =	sld [smem:$0x0];
	_ =	sdelay $0x2  }
0xb7: {  	s31 =	sshll.u32 s1, $0xD;
	s1 =	sshrl.u32 s1, $0x2  }
0xb8: {  	s3 =	sand.u32 $0x4000, s31;
	s1 =	sadd.s32 s1, s30  }
0xb9: {  	s0 =	sor.u32 s3, s0;
	s1 =	sshll.u32 s1, $0x11  }
0xba: {  	s0 =	sor.u32 s1, s0  }
0xbb: {  	s0 =	sadd.s32 $0x8F2B, s0  }
0xbc: {  	[sflag:s0] =	ssyncadd.remote.s32 $0x1  }
0xbd: {  	_ =	sfence.sel $0xFFFF  }
0xbe: {  	[dreg:$0x0] =	wrdreg $0xFFFFFFFF;
	(pc) =	sbr.abs _section_cstart, $3  }
0xbf: {  	[dreg:$0x1] =	wrdreg $0xFFFFFFFF  }
0xc0: {  	_ =	task.clear_ibuf [dreg:s6], $0x2FFFF;
	_ =	strace $0x9FFFFFFF  }
0xc1: {  	(tm) =	ssettm $0x7FFFFFFF  }
tec
execute0_lowered:
.L_overlay_start_1:
0x0: {  	(tag) =	ssettag $0x1  }
0x1: {  	s0 =	rddreg [dreg:$0x0];
	s2 =	simm.s32 $0x0;
	s1 =	srdreg.scid  }
0x2: {  	s3 =	stileid.u32;
	s29 =	simm.s32 $0x4000;
	s31 =	simm.s32 $0x8000  }
0x3: {  	[smem:$0x7FF] =	sst s2;
	s4 =	sshll.u32 s3, $0x1;
	s3 =	sadd.s32 $0x2000, s0  }
0x4: {  	s1 =	sand.u32 $0x1, s1;
	s5 =	sadd.s32 $0x202600, s0;
	_ =	strace $0x8000004A  }
0x5: {  	s4 =	sor.u32 s1, s4;
	[dreg:$0x2] =	wrdreg s5;
	s1 =	ssub.s32 $0x2, s1  }
0x6: {  	s22 =	sshll.u32 s4, $0xD;
	s6 =	sshll.u32 s4, $0x10;
	s4 =	sshll.u32 s4, $0x13  }
0x7: {  	s26 =	sshrl.u32 s1, $0x1;
	s0 =	sadd.s32 s22, s0;
	s5 =	sadd.s32 s3, s6  }
0x8: {  	s7 =	sor.u32 $0x8000, s4;
	s8 =	sor.u32 $0xC000, s4;
	s1 =	ssub.s32 s1, s26  }
0x9: {  	s26 =	simm.s32 $0x400;
	s6 =	sadd.s32 $0x800, s5;
	s23 =	sadd.s32 $0x202800, s0  }
0xa: {  	s24 =	sadd.s32 $0x202810, s0;
	s25 =	sadd.s32 $0x202820, s0  }
0xb: {  	s28 =	simm.s32 $0x3;
	s12 =	sadd.s32 $0x202830, s0;
	s13 =	sadd.s32 $0x202840, s0  }
0xc: {  	s30 =	simm.s32 $0x1;
	s14 =	sadd.s32 $0x202850, s0;
	s15 =	sadd.s32 $0x202860, s0  }
0xd: {  	s4 =	simm.s32 $0x0;
	s16 =	sadd.s32 $0x202870, s0;
	s17 =	sadd.s32 $0x203800, s0  }
.Ltmp0:
0xe: {  	s18 =	sadd.s32 $0x203810, s0;
	[dreg:$0x3] =	wrdreg s6;
	(pc) =	sbr.rel .LBB2_1-.Ltmp0, $4  }
0xf: {  	s19 =	sadd.s32 $0x203820, s0;
	s20 =	sadd.s32 $0x203830, s0;
	[dreg:$0x4] =	wrdreg s23  }
0x10: {  	v1 =	vlaneseq.u32;
	s21 =	sadd.s32 $0x203840, s0;
	s22 =	sadd.s32 $0x203850, s0;
	[dreg:$0x5] =	wrdreg s24  }
0x11: {  	v1 =	vmul.u32 $0x1000, v1;
	[dreg:$0x6] =	wrdreg s25;
	s23 =	sadd.s32 $0x203860, s0;
	s24 =	sadd.s32 $0x203870, s0  }
0x12: {  	v0 =	vimm.s32 $0x0;
	v2 =	vimm.s32 $0x1;
	s25 =	smax.u32 s1, $0x1;
	s0 =	simm.s32 $0x2;
	s1 =	simm.s32 $0x80  }
.LBB2_10:
0x13: {  	s6 =	rddreg [dreg:$0x4]  }
0x14: {  	[hbm4b:s6+s1] =	stream.strided.scatter [tilespmem:s31], [sflag:$0x3], $0x1000, s26, s1, $0x38;
	[tilespmem:$0x18080] =	vst v63  }
0x15: {  	_ =	swait.ge [sflag:s28], $0x1000  }
0x16: {  	[sflag:s28] =	ssyncset.done $0x0  }
0x17: {  	s9 =	simm.s32 $0x9000;
	s11 =	rddreg [dreg:$0x5];
	[sflag:s28] =	ssyncadd.s32 $0xFFFFF000  }
0x18: {  	[hbm4b:s11+s1] =	stream.strided.scatter [tilespmem:s9], [sflag:$0x3], $0x1000, s26, s1, $0x38;
	[tilespmem:$0x18080] =	vst v63  }
0x19: {  	_ =	swait.ge [sflag:s28], $0x1000  }
0x1a: {  	[sflag:s28] =	ssyncset.done $0x0  }
0x1b: {  	s10 =	simm.s32 $0xA000;
	s9 =	rddreg [dreg:$0x6];
	[sflag:s28] =	ssyncadd.s32 $0xFFFFF000  }
0x1c: {  	[hbm4b:s9+s1] =	stream.strided.scatter [tilespmem:s10], [sflag:$0x3], $0x1000, s26, s1, $0x38;
	[tilespmem:$0x18080] =	vst v63  }
0x1d: {  	_ =	swait.ge [sflag:s28], $0x1000  }
0x1e: {  	[sflag:s28] =	ssyncset.done $0x0  }
0x1f: {  	s11 =	simm.s32 $0xB000;
	[sflag:s28] =	ssyncadd.s32 $0xFFFFF000  }
0x20: {  	[hbm4b:s12+s1] =	stream.strided.scatter [tilespmem:s11], [sflag:$0x3], $0x1000, s26, s1, $0x38;
	[tilespmem:$0x18080] =	vst v63  }
0x21: {  	_ =	swait.ge [sflag:s28], $0x1000  }
0x22: {  	[sflag:s28] =	ssyncset.done $0x0  }
0x23: {  	s9 =	simm.s32 $0xC000;
	[sflag:s28] =	ssyncadd.s32 $0xFFFFF000  }
0x24: {  	[hbm4b:s13+s1] =	stream.strided.scatter [tilespmem:s9], [sflag:$0x3], $0x1000, s26, s1, $0x38;
	[tilespmem:$0x18080] =	vst v63  }
0x25: {  	_ =	swait.ge [sflag:s28], $0x1000  }
0x26: {  	[sflag:s28] =	ssyncset.done $0x0  }
0x27: {  	s10 =	simm.s32 $0xD000;
	[sflag:s28] =	ssyncadd.s32 $0xFFFFF000  }
0x28: {  	[hbm4b:s14+s1] =	stream.strided.scatter [tilespmem:s10], [sflag:$0x3], $0x1000, s26, s1, $0x38;
	[tilespmem:$0x18080] =	vst v63  }
0x29: {  	_ =	swait.ge [sflag:s28], $0x1000  }
0x2a: {  	[sflag:s28] =	ssyncset.done $0x0  }
0x2b: {  	s11 =	simm.s32 $0xE000;
	[sflag:s28] =	ssyncadd.s32 $0xFFFFF000  }
0x2c: {  	[hbm4b:s15+s1] =	stream.strided.scatter [tilespmem:s11], [sflag:$0x3], $0x1000, s26, s1, $0x38;
	[tilespmem:$0x18080] =	vst v63  }
0x2d: {  	_ =	swait.ge [sflag:s28], $0x1000  }
0x2e: {  	[sflag:s28] =	ssyncset.done $0x0  }
0x2f: {  	s9 =	simm.s32 $0xF000;
	[sflag:s28] =	ssyncadd.s32 $0xFFFFF000  }
0x30: {  	[hbm4b:s16+s1] =	stream.strided.scatter [tilespmem:s9], [sflag:$0x3], $0x1000, s26, s1, $0x38;
	[tilespmem:$0x18080] =	vst v63  }
0x31: {  	_ =	swait.ge [sflag:s28], $0x1000  }
0x32: {  	[sflag:s28] =	ssyncset.done $0x0  }
0x33: {  	s10 =	simm.s32 $0x10000;
	[sflag:s28] =	ssyncadd.s32 $0xFFFFF000  }
0x34: {  	[hbm4b:s17+s1] =	stream.strided.scatter [tilespmem:s10], [sflag:$0x3], $0x1000, s26, s1, $0x38;
	[tilespmem:$0x18080] =	vst v63  }
0x35: {  	_ =	swait.ge [sflag:s28], $0x1000  }
0x36: {  	[sflag:s28] =	ssyncset.done $0x0  }
0x37: {  	s11 =	simm.s32 $0x11000;
	[sflag:s28] =	ssyncadd.s32 $0xFFFFF000  }
0x38: {  	[hbm4b:s18+s1] =	stream.strided.scatter [tilespmem:s11], [sflag:$0x3], $0x1000, s26, s1, $0x38;
	[tilespmem:$0x18080] =	vst v63  }
0x39: {  	_ =	swait.ge [sflag:s28], $0x1000  }
0x3a: {  	[sflag:s28] =	ssyncset.done $0x0  }
0x3b: {  	s9 =	simm.s32 $0x12000;
	[sflag:s28] =	ssyncadd.s32 $0xFFFFF000  }
0x3c: {  	[hbm4b:s19+s1] =	stream.strided.scatter [tilespmem:s9], [sflag:$0x3], $0x1000, s26, s1, $0x38;
	[tilespmem:$0x18080] =	vst v63  }
0x3d: {  	_ =	swait.ge [sflag:s28], $0x1000  }
0x3e: {  	[sflag:s28] =	ssyncset.done $0x0  }
0x3f: {  	s10 =	simm.s32 $0x13000;
	[sflag:s28] =	ssyncadd.s32 $0xFFFFF000  }
0x40: {  	[hbm4b:s20+s1] =	stream.strided.scatter [tilespmem:s10], [sflag:$0x3], $0x1000, s26, s1, $0x38;
	[tilespmem:$0x18080] =	vst v63  }
0x41: {  	_ =	swait.ge [sflag:s28], $0x1000  }
0x42: {  	[sflag:s28] =	ssyncset.done $0x0  }
0x43: {  	s11 =	simm.s32 $0x14000;
	[sflag:s28] =	ssyncadd.s32 $0xFFFFF000  }
0x44: {  	[hbm4b:s21+s1] =	stream.strided.scatter [tilespmem:s11], [sflag:$0x3], $0x1000, s26, s1, $0x38;
	[tilespmem:$0x18080] =	vst v63  }
0x45: {  	_ =	swait.ge [sflag:s28], $0x1000  }
0x46: {  	[sflag:s28] =	ssyncset.done $0x0  }
0x47: {  	s9 =	simm.s32 $0x15000;
	[sflag:s28] =	ssyncadd.s32 $0xFFFFF000  }
0x48: {  	[hbm4b:s22+s1] =	stream.strided.scatter [tilespmem:s9], [sflag:$0x3], $0x1000, s26, s1, $0x38;
	[tilespmem:$0x18080] =	vst v63  }
0x49: {  	_ =	swait.ge [sflag:s28], $0x1000  }
0x4a: {  	[sflag:s28] =	ssyncset.done $0x0  }
0x4b: {  	s10 =	simm.s32 $0x16000;
	[sflag:s28] =	ssyncadd.s32 $0xFFFFF000  }
0x4c: {  	[hbm4b:s23+s1] =	stream.strided.scatter [tilespmem:s10], [sflag:$0x3], $0x1000, s26, s1, $0x38;
	[tilespmem:$0x18080] =	vst v63  }
0x4d: {  	s4 =	sadd.s32 $0x1, s4;
	_ =	swait.ge [sflag:s28], $0x1000  }
0x4e: {  	p0 =	sne.s32 s4, s25;
	[sflag:s28] =	ssyncset.done $0x0  }
.Ltmp1:
0x4f: {  	s11 =	simm.s32 $0x17000;
	[sflag:s28] =	ssyncadd.s32 $0xFFFFF000;
	(pc) =	sbr.rel @!p0 .LBB2_11-.Ltmp1, $4  }
0x50: {  	[hbm4b:s24+s1] =	stream.strided.scatter [tilespmem:s11], [sflag:$0x3], $0x1000, s26, s1, $0x38;
	[tilespmem:$0x18080] =	vst v63  }
0x51: {  	_ =	swait.ge [sflag:s28], $0x1000  }
0x52: {  	[sflag:s28] =	ssyncset.done $0x0  }
0x53: {  	[sflag:s28] =	ssyncadd.s32 $0xFFFFF000  }
.LBB2_1:
0x54: {  	s6 =	simm.s32 $0x8040  }
0x55: {  	[tilespmem:s6+$0xFFFFFFC0] =	vst v0  }
0x56: {  	[tilespmem:s6+$0x30] =	vst v0  }
0x57: {  	[tilespmem:s6+$0x20] =	vst v0  }
0x58: {  	[tilespmem:s6+$0x10] =	vst v0  }
0x59: {  	[tilespmem:s6+$0x0] =	vst v0  }
0x5a: {  	[tilespmem:s6+$0xFFFFFFF0] =	vst v0  }
0x5b: {  	s9 =	simm.s32 $0x0;
	[tilespmem:s6+$0xFFFFFFE0] =	vst v0  }
.LBB2_2:
0x5c: {  	s9 =	sadd.s32 $0x80, s9;
	[tilespmem:s6+$0xFFFFFFD0] =	vst v0;
	s6 =	sadd.s32 $0x80, s6  }
0x5d: {  	[tilespmem:s6+$0xFFFFFFC0] =	vst v0;
	p0 =	slt.u32 s9, $0xFF80  }
0x5e: {  	[tilespmem:s6+$0x30] =	vst v0  }
.Ltmp2:
0x5f: {  	[tilespmem:s6+$0x20] =	vst v0;
	(pc) =	sbr.rel @p0 .LBB2_2-.Ltmp2, $4  }
0x60: {  	[tilespmem:s6+$0x10] =	vst v0  }
0x61: {  	[tilespmem:s6+$0x0] =	vst v0  }
0x62: {  	[tilespmem:s6+$0xFFFFFFF0] =	vst v0  }
0x63: {  	[tilespmem:s6+$0xFFFFFFE0] =	vst v0  }
0x64: {  	[tilespmem:s6+$0xFFFFFFD0] =	vst v0  }
0x65: {  	s6 =	simm.s32 $0x0;
	s10 =	simm.s32 $0x18000;
	s9 =	rddreg [dreg:$0x2]  }
0x66: {  	[tilespmem:s10], [sflag:$0x3] =	stream.linear.gather [hbm4b:s9+s6], $0x80, $0x38;
	[tilespmem:$0x18080] =	vst v63  }
0x67: {  	_ =	swait.ge [sflag:s28], $0x80  }
0x68: {  	[sflag:s28] =	ssyncset.done $0x0  }
0x69: {  	[sflag:s28] =	ssyncadd.s32 $0xFFFFFF80  }
0x6a: {  	v3 =	vld [tilespmem:$0x18000];
	_ =	sdelay $0x1  }
0x6b: {  	[tilespmem:s6], [sflag:$0x1] =	stream.linear.gather [hbm4b:s5+s6], $0x4000, $0x38;
	[tilespmem:$0x18080] =	vst v63  }
0x6c: {  	s11 =	rddreg [dreg:$0x3]  }
0x6d: {  	[tilespmem:s29], [sflag:$0x2] =	stream.linear.gather [hbm4b:s11+s6], $0x4000, $0x38;
	[tilespmem:$0x18080] =	vst v63  }
.LBB2_4:
0x6e: {  	_ =	swait.ge [sflag:s30], $0x4000  }
0x6f: {  	[sflag:s30] =	ssyncset.done $0x0  }
0x70: {  	s10 =	simm.s32 $0x80;
	[sflag:s30] =	ssyncadd.s32 $0xFFFFC000  }
0x71: {  	v4 =	vld [tilespmem:s10+$0x50]  }
0x72: {  	v5 =	vld [tilespmem:s10+$0x40]  }
0x73: {  	v7 =	vld [tilespmem:s10+$0xFFFFFFF0]  }
0x74: {  	v12 =	vld [tilespmem:s10+$0x0]  }
0x75: {  	v15 =	vld [tilespmem:s10+$0x30]  }
0x76: {  	v18 =	vld [tilespmem:s10+$0xFFFFFFC0];
	_ =	sdelay $0x1  }
0x77: {  	v6 =	vld [tilespmem:s10+$0x70];
	v8 =	vshrl.u32 v4, $0x8;
	v4 =	vshrl.u32 v4, $0x14  }
0x78: {  	v11 =	vld [tilespmem:s10+$0x20];
	v10 =	vshrl.u32 v5, $0x8;
	v5 =	vshrl.u32 v5, $0x14;
	v16 =	vshrl.u32 v7, $0x8  }
0x79: {  	v9 =	vld [tilespmem:s10+$0x10];
	v21 =	vshrl.u32 v15, $0x8;
	v22 =	vshrl.u32 v12, $0x8;
	v7 =	vshrl.u32 v7, $0x14  }
0x7a: {  	v25 =	vshrl.u32 v18, $0x8;
	v8 =	vand.u32 $0xFFF, v8;
	v10 =	vand.u32 $0xFFF, v10  }
0x7b: {  	vm1 =	veq.s32 v4, v3;
	vm0 =	veq.s32 v5, v3;
	v14 =	vor.u32 v1, v8  }
0x7c: {  	v4 =	vld [tilespmem:s10+$0xFFFFFFE0];
	v8 =	vshrl.u32 v6, $0x8;
	v6 =	vshrl.u32 v6, $0x14;
	v5 =	vor.u32 v1, v10  }
0x7d: {  	v10 =	vld [tilespmem:s10+$0xFFFFFFD0];
	v8 =	vand.u32 $0xFFF, v8;
	vm2 =	veq.s32 v6, v3;
	v6 =	vshrl.u32 v11, $0x8  }
0x7e: {  	v23 =	vld [tilespmem:s10+$0xFFFFFFB0];
	v17 =	vor.u32 v1, v8;
	v8 =	vshrl.u32 v9, $0x8;
	v9 =	vshrl.u32 v9, $0x14  }
0x7f: {  	v20 =	vld [tilespmem:s10+$0xFFFFFF90];
	v19 =	vand.u32 $0xFFF, v8;
	v8 =	vshrl.u32 v11, $0x14;
	vm4 =	veq.s32 v9, v3  }
0x80: {  	v9 =	vand.u32 $0xFFF, v6;
	v6 =	vshrl.u32 v12, $0x14;
	v12 =	vshrl.u32 v18, $0x14  }
0x81: {  	v9 =	vor.u32 v1, v9;
	v13 =	vshrl.u32 v4, $0x14;
	vm3 =	veq.s32 v8, v3  }
0x82: {  	v11 =	vld [tilespmem:s10+$0xFFFFFFA0];
	v18 =	vshrl.u32 v4, $0x8;
	v19 =	vor.u32 v1, v19;
	v8 =	vshrl.u32 v10, $0x8  }
0x83: {  	v24 =	vshrl.u32 v10, $0x14;
	v10 =	vshrl.u32 v15, $0x14;
	[tilespmem:v5+s31+$0x0] =	vst.idx.add.s32.msk vm0, v2;
	v5 =	vshrl.u32 v23, $0x14  }
0x84: {  	[tilespmem:v14+s31+$0x0] =	vst.idx.add.s32.msk vm1, v2;
	v14 =	vshrl.u32 v20, $0x8;
	v20 =	vshrl.u32 v20, $0x14;
	v15 =	vand.u32 $0xFFF, v16  }
0x85: {  	vm5 =	veq.s32 v10, v3;
	v8 =	vand.u32 $0xFFF, v8;
	v10 =	vand.u32 $0xFFF, v21  }
0x86: {  	v16 =	vld [tilespmem:s10+$0x60];
	vm1 =	veq.s32 v5, v3;
	v5 =	vshrl.u32 v23, $0x8;
	v21 =	vor.u32 v1, v10  }
0x87: {  	[tilespmem:v17+s31+$0x0] =	vst.idx.add.s32.msk vm2, v2;
	vm2 =	veq.s32 v20, v3;
	v5 =	vand.u32 $0xFFF, v5;
	v4 =	vshrl.u32 v11, $0x8  }
0x88: {  	v10 =	vand.u32 $0xFFF, v4;
	v4 =	vand.u32 $0xFFF, v14;
	v14 =	vshrl.u32 v11, $0x14;
	v11 =	vld [tilespmem:s10+$0xFFFFFF80]  }
0x89: {  	v17 =	vand.u32 $0xFFF, v22;
	v5 =	vor.u32 v1, v5;
	[tilespmem:v19+s31+$0x0] =	vst.idx.add.s32.msk vm4, v2;
	v4 =	vor.u32 v1, v4  }
0x8a: {  	vm0 =	veq.s32 v14, v3;
	[tilespmem:v9+s31+$0x0] =	vst.idx.add.s32.msk vm3, v2;
	v9 =	vand.u32 $0xFFF, v25;
	v14 =	vor.u32 v1, v17  }
0x8b: {  	s9 =	simm.s32 $0x0;
	s10 =	simm.s32 $0x180;
	vm3 =	veq.s32 v24, v3;
	v17 =	vand.u32 $0xFFF, v18;
	v9 =	vor.u32 v1, v9;
	[tilespmem:v21+s31+$0x0] =	vst.idx.add.s32.msk vm5, v2  }
.LBB2_5:
0x8c: {  	v18 =	vld [tilespmem:s10+$0x50];
	s9 =	sadd.s32 $0x100, s9;
	vm5 =	veq.s32 v13, v3;
	v13 =	vor.u32 v1, v17;
	v15 =	vor.u32 v1, v15  }
0x8d: {  	v17 =	vld [tilespmem:s10+$0xFFFFFF90];
	p0 =	slt.u32 s9, $0x3F00  }
0x8e: {  	vm4 =	veq.s32 v12, v3;
	v19 =	vld [tilespmem:s10+$0xFFFFFFA0]  }
0x8f: {  	v12 =	vshrl.u32 v11, $0x8;
	v11 =	vshrl.u32 v11, $0x14;
	v20 =	vld [tilespmem:s10+$0xFFFFFFB0]  }
0x90: {  	vm6 =	veq.s32 v11, v3;
	v21 =	vld [tilespmem:s10+$0xFFFFFFC0];
	v11 =	vshrl.u32 v16, $0x8;
	v16 =	vshrl.u32 v16, $0x14  }
0x91: {  	v12 =	vand.u32 $0xFFF, v12;
	v22 =	vld [tilespmem:s10+$0xFFFFFFD0];
	v23 =	vshrl.u32 v18, $0x8;
	v18 =	vshrl.u32 v18, $0x14  }
0x92: {  	v12 =	vor.u32 v1, v12;
	v11 =	vand.u32 $0xFFF, v11;
	v24 =	vld [tilespmem:s10+$0x40];
	v23 =	vand.u32 $0xFFF, v23  }
0x93: {  	vm7 =	veq.s32 v16, v3;
	v16 =	vor.u32 v1, v11;
	v25 =	vld [tilespmem:s10+$0xFFFFFFE0]  }
0x94: {  	vm8 =	veq.s32 v6, v3;
	v11 =	vld [tilespmem:s10+$0x70]  }
0x95: {  	v26 =	vld [tilespmem:s10+$0xFFFFFFF0]  }
0x96: {  	vm9 =	veq.s32 v7, v3;
	v6 =	vld [tilespmem:s10+$0x0]  }
0x97: {  	v7 =	vld [tilespmem:s10+$0x10];
	v27 =	vshrl.u32 v24, $0x8;
	v24 =	vshrl.u32 v24, $0x14  }
0x98: {  	v29 =	vor.u32 v1, v10;
	v10 =	vor.u32 v1, v8;
	v28 =	vld [tilespmem:s10+$0x20];
	v27 =	vand.u32 $0xFFF, v27  }
0x99: {  	v23 =	vor.u32 v1, v23;
	v8 =	vld [tilespmem:s10+$0x30];
	v30 =	vshrl.u32 v11, $0x8;
	v31 =	vshrl.u32 v11, $0x14  }
0x9a: {  	vm10 =	veq.s32 v18, v3;
	v32 =	vshrl.u32 v26, $0x8;
	v18 =	vand.u32 $0xFFF, v30;
	[tilespmem:v14+s31+$0x0] =	vst.idx.add.s32.msk vm8, v2  }
0x9b: {  	vm8 =	veq.s32 v24, v3;
	v14 =	vor.u32 v1, v27;
	v11 =	vld [tilespmem:s10+$0xFFFFFF80];
	v18 =	vor.u32 v1, v18  }
0x9c: {  	vm11 =	veq.s32 v31, v3;
	v24 =	vshrl.u32 v7, $0x8;
	v7 =	vshrl.u32 v7, $0x14;
	[tilespmem:v15+s31+$0x0] =	vst.idx.add.s32.msk vm9, v2  }
0x9d: {  	v15 =	vand.u32 $0xFFF, v24;
	v24 =	vshrl.u32 v28, $0x8;
	v27 =	vshrl.u32 v28, $0x14;
	[tilespmem:v12+s31+$0x0] =	vst.idx.add.s32.msk vm6, v2  }
0x9e: {  	vm6 =	veq.s32 v7, v3;
	v7 =	vand.u32 $0xFFF, v24;
	v24 =	vshrl.u32 v8, $0x8;
	[tilespmem:v13+s31+$0x0] =	vst.idx.add.s32.msk vm5, v2  }
0x9f: {  	v28 =	vshrl.u32 v6, $0x8;
	v6 =	vshrl.u32 v6, $0x14;
	v30 =	vor.u32 v1, v7;
	[tilespmem:v16+s31+$0x0] =	vst.idx.add.s32.msk vm7, v2  }
0xa0: {  	v13 =	vshrl.u32 v25, $0x14;
	vm5 =	veq.s32 v27, v3;
	v7 =	vshrl.u32 v26, $0x14;
	[tilespmem:v23+s31+$0x0] =	vst.idx.add.s32.msk vm10, v2  }
0xa1: {  	v8 =	vshrl.u32 v8, $0x14;
	v16 =	vshrl.u32 v22, $0x8;
	v22 =	vshrl.u32 v22, $0x14;
	[tilespmem:v14+s31+$0x0] =	vst.idx.add.s32.msk vm8, v2  }
0xa2: {  	v12 =	vshrl.u32 v21, $0x14;
	vm7 =	veq.s32 v8, v3;
	v14 =	vshrl.u32 v21, $0x8;
	[tilespmem:v18+s31+$0x0] =	vst.idx.add.s32.msk vm11, v2  }
0xa3: {  	v8 =	vand.u32 $0xFFF, v16;
	v16 =	vshrl.u32 v25, $0x8;
	v18 =	vand.u32 $0xFFF, v24;
	[tilespmem:v10+s31+$0x0] =	vst.idx.add.s32.msk vm3, v2  }
0xa4: {  	v21 =	vshrl.u32 v20, $0x14;
	v10 =	vshrl.u32 v19, $0x8;
	v18 =	vor.u32 v1, v18;
	[tilespmem:v9+s31+$0x0] =	vst.idx.add.s32.msk vm4, v2  }
0xa5: {  	v23 =	vor.u32 v1, v15;
	v9 =	vshrl.u32 v17, $0x8;
	v10 =	vand.u32 $0xFFF, v10;
	[tilespmem:v5+s31+$0x0] =	vst.idx.add.s32.msk vm1, v2  }
0xa6: {  	v5 =	vand.u32 $0xFFF, v9;
	v9 =	vshrl.u32 v19, $0x14;
	v19 =	vand.u32 $0xFFF, v28;
	[tilespmem:v4+s31+$0x0] =	vst.idx.add.s32.msk vm2, v2  }
.Ltmp3:
0xa7: {  	v15 =	vand.u32 $0xFFF, v32;
	v17 =	vshrl.u32 v17, $0x14;
	v4 =	vor.u32 v1, v5;
	[tilespmem:v29+s31+$0x0] =	vst.idx.add.s32.msk vm0, v2;
	(pc) =	sbr.rel @p0 .LBB2_5-.Ltmp3, $4  }
0xa8: {  	vm1 =	veq.s32 v21, v3;
	vm0 =	veq.s32 v9, v3;
	[tilespmem:v30+s31+$0x0] =	vst.idx.add.s32.msk vm5, v2  }
0xa9: {  	v5 =	vshrl.u32 v20, $0x8;
	v9 =	vand.u32 $0xFFF, v14;
	v14 =	vor.u32 v1, v19;
	[tilespmem:v18+s31+$0x0] =	vst.idx.add.s32.msk vm7, v2  }
0xaa: {  	vm3 =	veq.s32 v22, v3;
	vm2 =	veq.s32 v17, v3;
	v5 =	vand.u32 $0xFFF, v5;
	[tilespmem:v23+s31+$0x0] =	vst.idx.add.s32.msk vm6, v2  }
0xab: {  	v17 =	vand.u32 $0xFFF, v16;
	v5 =	vor.u32 v1, v5;
	v9 =	vor.u32 v1, v9;
	v16 =	vld [tilespmem:s10+$0x60];
	s10 =	sadd.s32 $0x100, s10  }
0xac: {  	_ = 	snop  }
0xad: {  	vm5 =	veq.s32 v6, v3  }
0xae: {  	v6 =	vshrl.u32 v11, $0x8;
	v11 =	vshrl.u32 v11, $0x14;
	v8 =	vor.u32 v1, v8  }
0xaf: {  	vm7 =	veq.s32 v11, v3;
	v6 =	vand.u32 $0xFFF, v6  }
0xb0: {  	vm4 =	veq.s32 v13, v3;
	vm6 =	veq.s32 v7, v3;
	v6 =	vor.u32 v1, v6  }
0xb1: {  	v7 =	vor.u32 v1, v15;
	v15 =	vor.u32 v1, v17;
	[tilespmem:v5+s31+$0x0] =	vst.idx.add.s32.msk vm1, v2  }
0xb2: {  	vm9 =	veq.s32 v12, v3;
	[tilespmem:v4+s31+$0x0] =	vst.idx.add.s32.msk vm2, v2;
	v11 =	vshrl.u32 v16, $0x8;
	v13 =	vshrl.u32 v16, $0x14  }
0xb3: {  	v11 =	vand.u32 $0xFFF, v11;
	vm8 =	veq.s32 v13, v3;
	[tilespmem:v8+s31+$0x0] =	vst.idx.add.s32.msk vm3, v2  }
0xb4: {  	v11 =	vor.u32 v1, v11;
	[tilespmem:v14+s31+$0x0] =	vst.idx.add.s32.msk vm5, v2  }
0xb5: {  	[tilespmem:v6+s31+$0x0] =	vst.idx.add.s32.msk vm7, v2;
	v6 =	vor.u32 v1, v10  }
0xb6: {  	[tilespmem:v7+s31+$0x0] =	vst.idx.add.s32.msk vm6, v2  }
0xb7: {  	s9 =	sshll.u32 s6, $0xF;
	p0 =	seq.s32 s6, $0xF;
	[tilespmem:v15+s31+$0x0] =	vst.idx.add.s32.msk vm4, v2  }
0xb8: {  	s10 =	sadd.s32 @!p0 s9, s7;
	[tilespmem:v9+s31+$0x0] =	vst.idx.add.s32.msk vm9, v2  }
0xb9: {  	s10 =	sshrl.u32 @!p0 s10, $0x3;
	[tilespmem:v11+s31+$0x0] =	vst.idx.add.s32.msk vm8, v2  }
0xba: {  	s11 =	simm.s32 @!p0 $0x0;
	s10 =	sadd.s32 @!p0 s3, s10;
	[tilespmem:v6+s31+$0x0] =	vst.idx.add.s32.msk vm0, v2  }
0xbb: {  	[tilespmem:s11], [sflag:$0x1] =	stream.linear.gather @!p0 [hbm4b:s10+s11], $0x4000, $0x38;
	[tilespmem:$0x18080] =	vst v63  }
0xbc: {  	_ =	swait.ge [sflag:s0], $0x4000  }
0xbd: {  	[sflag:s0] =	ssyncset.done $0x0  }
0xbe: {  	s11 =	simm.s32 $0x4080;
	[sflag:s0] =	ssyncadd.s32 $0xFFFFC000  }
0xbf: {  	v4 =	vld [tilespmem:s11+$0x50]  }
0xc0: {  	v5 =	vld [tilespmem:s11+$0x40]  }
0xc1: {  	v7 =	vld [tilespmem:s11+$0xFFFFFFF0]  }
0xc2: {  	v12 =	vld [tilespmem:s11+$0x0]  }
0xc3: {  	v15 =	vld [tilespmem:s11+$0x30]  }
0xc4: {  	v18 =	vld [tilespmem:s11+$0xFFFFFFC0];
	_ =	sdelay $0x1  }
0xc5: {  	v6 =	vld [tilespmem:s11+$0x70];
	v8 =	vshrl.u32 v4, $0x8;
	v4 =	vshrl.u32 v4, $0x14  }
0xc6: {  	v11 =	vld [tilespmem:s11+$0x20];
	v10 =	vshrl.u32 v5, $0x8;
	v5 =	vshrl.u32 v5, $0x14;
	v16 =	vshrl.u32 v7, $0x8  }
0xc7: {  	v9 =	vld [tilespmem:s11+$0x10];
	v21 =	vshrl.u32 v15, $0x8;
	v22 =	vshrl.u32 v12, $0x8;
	v7 =	vshrl.u32 v7, $0x14  }
0xc8: {  	v25 =	vshrl.u32 v18, $0x8;
	v8 =	vand.u32 $0xFFF, v8;
	v10 =	vand.u32 $0xFFF, v10  }
0xc9: {  	vm1 =	veq.s32 v4, v3;
	vm0 =	veq.s32 v5, v3;
	v14 =	vor.u32 v1, v8  }
0xca: {  	v4 =	vld [tilespmem:s11+$0xFFFFFFE0];
	v8 =	vshrl.u32 v6, $0x8;
	v6 =	vshrl.u32 v6, $0x14;
	v5 =	vor.u32 v1, v10  }
0xcb: {  	v10 =	vld [tilespmem:s11+$0xFFFFFFD0];
	v8 =	vand.u32 $0xFFF, v8;
	vm2 =	veq.s32 v6, v3;
	v6 =	vshrl.u32 v11, $0x8  }
0xcc: {  	v23 =	vld [tilespmem:s11+$0xFFFFFFB0];
	v17 =	vor.u32 v1, v8;
	v8 =	vshrl.u32 v9, $0x8;
	v9 =	vshrl.u32 v9, $0x14  }
0xcd: {  	v20 =	vld [tilespmem:s11+$0xFFFFFF90];
	v19 =	vand.u32 $0xFFF, v8;
	v8 =	vshrl.u32 v11, $0x14;
	vm4 =	veq.s32 v9, v3  }
0xce: {  	v9 =	vand.u32 $0xFFF, v6;
	v6 =	vshrl.u32 v12, $0x14;
	v12 =	vshrl.u32 v18, $0x14  }
0xcf: {  	v9 =	vor.u32 v1, v9;
	v13 =	vshrl.u32 v4, $0x14;
	vm3 =	veq.s32 v8, v3  }
0xd0: {  	v11 =	vld [tilespmem:s11+$0xFFFFFFA0];
	v18 =	vshrl.u32 v4, $0x8;
	v19 =	vor.u32 v1, v19;
	v8 =	vshrl.u32 v10, $0x8  }
0xd1: {  	v24 =	vshrl.u32 v10, $0x14;
	v10 =	vshrl.u32 v15, $0x14;
	[tilespmem:v5+s31+$0x0] =	vst.idx.add.s32.msk vm0, v2;
	v5 =	vshrl.u32 v23, $0x14  }
0xd2: {  	[tilespmem:v14+s31+$0x0] =	vst.idx.add.s32.msk vm1, v2;
	v14 =	vshrl.u32 v20, $0x8;
	v20 =	vshrl.u32 v20, $0x14;
	v15 =	vand.u32 $0xFFF, v16  }
0xd3: {  	vm5 =	veq.s32 v10, v3;
	v8 =	vand.u32 $0xFFF, v8;
	v10 =	vand.u32 $0xFFF, v21  }
0xd4: {  	v16 =	vld [tilespmem:s11+$0x60];
	vm1 =	veq.s32 v5, v3;
	v5 =	vshrl.u32 v23, $0x8;
	v21 =	vor.u32 v1, v10  }
0xd5: {  	[tilespmem:v17+s31+$0x0] =	vst.idx.add.s32.msk vm2, v2;
	vm2 =	veq.s32 v20, v3;
	v5 =	vand.u32 $0xFFF, v5;
	v4 =	vshrl.u32 v11, $0x8  }
0xd6: {  	v10 =	vand.u32 $0xFFF, v4;
	v4 =	vand.u32 $0xFFF, v14;
	v14 =	vshrl.u32 v11, $0x14;
	v11 =	vld [tilespmem:s11+$0xFFFFFF80]  }
0xd7: {  	v17 =	vand.u32 $0xFFF, v22;
	v5 =	vor.u32 v1, v5;
	[tilespmem:v19+s31+$0x0] =	vst.idx.add.s32.msk vm4, v2;
	v4 =	vor.u32 v1, v4  }
0xd8: {  	vm0 =	veq.s32 v14, v3;
	[tilespmem:v9+s31+$0x0] =	vst.idx.add.s32.msk vm3, v2;
	v9 =	vand.u32 $0xFFF, v25;
	v14 =	vor.u32 v1, v17  }
0xd9: {  	s10 =	simm.s32 $0x0;
	s11 =	simm.s32 $0x4180;
	vm3 =	veq.s32 v24, v3;
	v17 =	vand.u32 $0xFFF, v18;
	v9 =	vor.u32 v1, v9;
	[tilespmem:v21+s31+$0x0] =	vst.idx.add.s32.msk vm5, v2  }
.LBB2_7:
0xda: {  	v18 =	vld [tilespmem:s11+$0x50];
	s10 =	sadd.s32 $0x100, s10;
	vm5 =	veq.s32 v13, v3;
	v13 =	vor.u32 v1, v17;
	v15 =	vor.u32 v1, v15  }
0xdb: {  	v17 =	vld [tilespmem:s11+$0xFFFFFF90];
	p1 =	slt.u32 s10, $0x3F00  }
0xdc: {  	vm4 =	veq.s32 v12, v3;
	v19 =	vld [tilespmem:s11+$0xFFFFFFA0]  }
0xdd: {  	v12 =	vshrl.u32 v11, $0x8;
	v11 =	vshrl.u32 v11, $0x14;
	v20 =	vld [tilespmem:s11+$0xFFFFFFB0]  }
0xde: {  	vm6 =	veq.s32 v11, v3;
	v21 =	vld [tilespmem:s11+$0xFFFFFFC0];
	v11 =	vshrl.u32 v16, $0x8;
	v16 =	vshrl.u32 v16, $0x14  }
0xdf: {  	v12 =	vand.u32 $0xFFF, v12;
	v22 =	vld [tilespmem:s11+$0xFFFFFFD0];
	v23 =	vshrl.u32 v18, $0x8;
	v18 =	vshrl.u32 v18, $0x14  }
0xe0: {  	v12 =	vor.u32 v1, v12;
	v11 =	vand.u32 $0xFFF, v11;
	v24 =	vld [tilespmem:s11+$0x40];
	v23 =	vand.u32 $0xFFF, v23  }
0xe1: {  	vm7 =	veq.s32 v16, v3;
	v16 =	vor.u32 v1, v11;
	v25 =	vld [tilespmem:s11+$0xFFFFFFE0]  }
0xe2: {  	vm8 =	veq.s32 v6, v3;
	v11 =	vld [tilespmem:s11+$0x70]  }
0xe3: {  	v26 =	vld [tilespmem:s11+$0xFFFFFFF0]  }
0xe4: {  	vm9 =	veq.s32 v7, v3;
	v6 =	vld [tilespmem:s11+$0x0]  }
0xe5: {  	v7 =	vld [tilespmem:s11+$0x10];
	v27 =	vshrl.u32 v24, $0x8;
	v24 =	vshrl.u32 v24, $0x14  }
0xe6: {  	v29 =	vor.u32 v1, v10;
	v10 =	vor.u32 v1, v8;
	v28 =	vld [tilespmem:s11+$0x20];
	v27 =	vand.u32 $0xFFF, v27  }
0xe7: {  	v23 =	vor.u32 v1, v23;
	v8 =	vld [tilespmem:s11+$0x30];
	v30 =	vshrl.u32 v11, $0x8;
	v31 =	vshrl.u32 v11, $0x14  }
0xe8: {  	vm10 =	veq.s32 v18, v3;
	v32 =	vshrl.u32 v26, $0x8;
	v18 =	vand.u32 $0xFFF, v30;
	[tilespmem:v14+s31+$0x0] =	vst.idx.add.s32.msk vm8, v2  }
0xe9: {  	vm8 =	veq.s32 v24, v3;
	v14 =	vor.u32 v1, v27;
	v11 =	vld [tilespmem:s11+$0xFFFFFF80];
	v18 =	vor.u32 v1, v18  }
0xea: {  	vm11 =	veq.s32 v31, v3;
	v24 =	vshrl.u32 v7, $0x8;
	v7 =	vshrl.u32 v7, $0x14;
	[tilespmem:v15+s31+$0x0] =	vst.idx.add.s32.msk vm9, v2  }
0xeb: {  	v15 =	vand.u32 $0xFFF, v24;
	v24 =	vshrl.u32 v28, $0x8;
	v27 =	vshrl.u32 v28, $0x14;
	[tilespmem:v12+s31+$0x0] =	vst.idx.add.s32.msk vm6, v2  }
0xec: {  	vm6 =	veq.s32 v7, v3;
	v7 =	vand.u32 $0xFFF, v24;
	v24 =	vshrl.u32 v8, $0x8;
	[tilespmem:v13+s31+$0x0] =	vst.idx.add.s32.msk vm5, v2  }
0xed: {  	v28 =	vshrl.u32 v6, $0x8;
	v6 =	vshrl.u32 v6, $0x14;
	v30 =	vor.u32 v1, v7;
	[tilespmem:v16+s31+$0x0] =	vst.idx.add.s32.msk vm7, v2  }
0xee: {  	v13 =	vshrl.u32 v25, $0x14;
	vm5 =	veq.s32 v27, v3;
	v7 =	vshrl.u32 v26, $0x14;
	[tilespmem:v23+s31+$0x0] =	vst.idx.add.s32.msk vm10, v2  }
0xef: {  	v8 =	vshrl.u32 v8, $0x14;
	v16 =	vshrl.u32 v22, $0x8;
	v22 =	vshrl.u32 v22, $0x14;
	[tilespmem:v14+s31+$0x0] =	vst.idx.add.s32.msk vm8, v2  }
0xf0: {  	v12 =	vshrl.u32 v21, $0x14;
	vm7 =	veq.s32 v8, v3;
	v14 =	vshrl.u32 v21, $0x8;
	[tilespmem:v18+s31+$0x0] =	vst.idx.add.s32.msk vm11, v2  }
0xf1: {  	v8 =	vand.u32 $0xFFF, v16;
	v16 =	vshrl.u32 v25, $0x8;
	v18 =	vand.u32 $0xFFF, v24;
	[tilespmem:v10+s31+$0x0] =	vst.idx.add.s32.msk vm3, v2  }
0xf2: {  	v21 =	vshrl.u32 v20, $0x14;
	v10 =	vshrl.u32 v19, $0x8;
	v18 =	vor.u32 v1, v18;
	[tilespmem:v9+s31+$0x0] =	vst.idx.add.s32.msk vm4, v2  }
0xf3: {  	v23 =	vor.u32 v1, v15;
	v9 =	vshrl.u32 v17, $0x8;
	v10 =	vand.u32 $0xFFF, v10;
	[tilespmem:v5+s31+$0x0] =	vst.idx.add.s32.msk vm1, v2  }
0xf4: {  	v5 =	vand.u32 $0xFFF, v9;
	v9 =	vshrl.u32 v19, $0x14;
	v19 =	vand.u32 $0xFFF, v28;
	[tilespmem:v4+s31+$0x0] =	vst.idx.add.s32.msk vm2, v2  }
.Ltmp4:
0xf5: {  	v15 =	vand.u32 $0xFFF, v32;
	v17 =	vshrl.u32 v17, $0x14;
	v4 =	vor.u32 v1, v5;
	[tilespmem:v29+s31+$0x0] =	vst.idx.add.s32.msk vm0, v2;
	(pc) =	sbr.rel @p1 .LBB2_7-.Ltmp4, $4  }
0xf6: {  	vm1 =	veq.s32 v21, v3;
	vm0 =	veq.s32 v9, v3;
	[tilespmem:v30+s31+$0x0] =	vst.idx.add.s32.msk vm5, v2  }
0xf7: {  	v5 =	vshrl.u32 v20, $0x8;
	v9 =	vand.u32 $0xFFF, v14;
	v14 =	vor.u32 v1, v19;
	[tilespmem:v18+s31+$0x0] =	vst.idx.add.s32.msk vm7, v2  }
0xf8: {  	vm3 =	veq.s32 v22, v3;
	vm2 =	veq.s32 v17, v3;
	v5 =	vand.u32 $0xFFF, v5;
	[tilespmem:v23+s31+$0x0] =	vst.idx.add.s32.msk vm6, v2  }
0xf9: {  	v17 =	vand.u32 $0xFFF, v16;
	v5 =	vor.u32 v1, v5;
	v9 =	vor.u32 v1, v9;
	v16 =	vld [tilespmem:s11+$0x60];
	s11 =	sadd.s32 $0x100, s11  }
0xfa: {  	_ =	sdelay $0x1  }
0xfb: {  	v8 =	vor.u32 v1, v8  }
0xfc: {  	vm5 =	veq.s32 v6, v3;
	v63 =	vor.u32 v1, v10  }
0xfd: {  	vm4 =	veq.s32 v13, v3;
	vm6 =	veq.s32 v7, v3  }
0xfe: {  	v58 =	vshrl.u32 v11, $0x14;
	v59 =	vor.u32 v1, v15;
	v62 =	vor.u32 v1, v17;
	[tilespmem:v5+s31+$0x0] =	vst.idx.add.s32.msk vm1, v2  }
0xff: {  	v57 =	vshrl.u32 v11, $0x8;
	vm9 =	veq.s32 v12, v3;
	[tilespmem:v4+s31+$0x0] =	vst.idx.add.s32.msk vm2, v2;
	vm7 =	veq.s32 v58, v3  }
0x100: {  	v6 =	vand.u32 $0xFFF, v57;
	v60 =	vshrl.u32 v16, $0x8;
	v61 =	vshrl.u32 v16, $0x14;
	[tilespmem:v8+s31+$0x0] =	vst.idx.add.s32.msk vm3, v2  }
0x101: {  	v6 =	vor.u32 v1, v6;
	v11 =	vand.u32 $0xFFF, v60;
	vm8 =	veq.s32 v61, v3;
	[tilespmem:v63+s31+$0x0] =	vst.idx.add.s32.msk vm0, v2  }
0x102: {  	v11 =	vor.u32 v1, v11;
	[tilespmem:v14+s31+$0x0] =	vst.idx.add.s32.msk vm5, v2  }
.Ltmp5:
0x103: {  	[tilespmem:v59+s31+$0x0] =	vst.idx.add.s32.msk vm6, v2;
	(pc) =	sbr.rel @p0 .LBB2_10-.Ltmp5, $4  }
0x104: {  	[tilespmem:v62+s31+$0x0] =	vst.idx.add.s32.msk vm4, v2  }
0x105: {  	[tilespmem:v9+s31+$0x0] =	vst.idx.add.s32.msk vm9, v2  }
0x106: {  	[tilespmem:v6+s31+$0x0] =	vst.idx.add.s32.msk vm7, v2  }
0x107: {  	[tilespmem:v11+s31+$0x0] =	vst.idx.add.s32.msk vm8, v2  }
.Ltmp6:
0x108: {  	(pc) =	sbr.rel .LBB2_4-.Ltmp6, $4  }
0x109: {  	s9 =	sadd.s32 s9, s8  }
0x10a: {  	s9 =	sshrl.u32 s9, $0x3  }
0x10b: {  	s6 =	sadd.s32 $0x1, s6;
	s9 =	sadd.s32 s3, s9  }
0x10c: {  	[tilespmem:s29], [sflag:$0x2] =	stream.linear.gather [hbm4b:s9+s2], $0x4000, $0x38;
	[tilespmem:$0x18080] =	vst v63  }
.LBB2_11:
0x10d: {  	_ =	sfence.sel $0x180000  }
0x10e: {  	[bflag:$0x0] =	sbarrier.arrive $0xFFFF  }
0x10f: {  	_ =	strace $0x9000004A  }
0x110: {  	s0 =	stileid.u32;
	[bflag:$0x2] =	sbarrier.arrive $0xFFFF  }
0x111: {  	p0 =	sne.s32 s0, $0x0;
	s0 =	rddreg [dreg:$0x1]  }
0x112: {  	s0 =	sadd.s32 @!p0 $0x100000, s0  }
0x113: {  	[sflag:s0] =	ssyncadd.tile.s32 @!p0 $0x1;
	_ =	shalt  }
.Lfunc_end2:
_tile_overlayer_lowered:
.L_overlay_start_2:
0x114: {  	(tag) =	ssettag $0x2  }
0x115: {  	s0 =	rddreg [dreg:$0x0];
	s2 =	stileid.u32  }
0x116: {  	s1 =	rddreg [dreg:$0x1];
	p0 =	sne.s32 s2, $0x0  }
0x117: {  	s3 =	rddreg [dreg:$0x2];
	[bflag:$0x3] =	sbarrier.arrive $0xFFFF;
	s2 =	simm.s32 @!p0 $0x1C03  }
0x118: {  	[timem:s3], [sflag:s2] =	dma.local @!p0 [hbm:s0], s1  }
0x119: {  	s0 =	simm.s32 @!p0 $0x3  }
0x11a: {  	_ =	swait.ge @!p0 [sflag:s0], s1  }
0x11b: {  	s1 =	ssub.s32 @!p0 $0x0, s1;
	[sflag:s0] =	ssyncset.done @!p0 $0x0  }
0x11c: {  	[sflag:s0] =	ssyncadd.s32 @!p0 s1  }
0x11d: {  	[bflag:$0x3] =	sbarrier.arrive $0xFFFF  }
0x11e: {  	_ =	shalt  }

// kernel: kernel.15.cloned.1.call-start
scs
__scs_entry_jumppad:
0x0: {  	(pc) =	sbr.rel $0x88, $3  }
0x1: {  	(tag) =	ssettag $0x0;
	lr =	simm.s32 $0x1  }
0x2: {  	[smem:$0x3F9D] =	sst lr;
	_ =	strace $0xD0000000  }
0x3: {  	_ = 	snop  }
0x4: {  	_ = 	snop  }
0x5: {  	_ = 	snop  }
0x6: {  	_ = 	snop  }
0x7: {  	_ = 	snop  }
__scs_overlays_trampoline_lowered:
0x8: {  	[smem:$0x3FAC] =	sst s0  }
0x9: {  	[smem:$0x3FAD] =	sst s1  }
0xa: {  	[smem:$0x3FAE] =	sst s2  }
0xb: {  	[smem:$0x3FAF] =	sst s3  }
0xc: {  	[smem:$0x3FB0] =	sst s4  }
0xd: {  	[smem:$0x3FB1] =	sst s5  }
0xe: {  	[smem:$0x3FB2] =	sst s6  }
0xf: {  	[smem:$0x3FB3] =	sst s7  }
0x10: {  	[smem:$0x3FB4] =	sst s8  }
0x11: {  	[smem:$0x3FB5] =	sst s9;
	s0 =	simm.s32 @!p0 $0x0  }
0x12: {  	s1 =	sld [smem:$0x3F9B];
	s0 =	simm.s32 @p0 $0x1  }
0x13: {  	[smem:$0x3FB6] =	sst s0;
	s0 =	simm.s32 @!p1 $0x0  }
0x14: {  	s2 =	sld [smem:$0x3F9A];
	s0 =	simm.s32 @p1 $0x1  }
0x15: {  	[smem:$0x3FB7] =	sst s0;
	s0 =	simm.s32 @!p2 $0x0  }
0x16: {  	s3 =	sld [smem:$0x3FDB];
	s0 =	simm.s32 @p2 $0x1  }
0x17: {  	s4 =	simm.s32 $0x1BF5;
	[smem:$0x3FB9] =	sst s0  }
0x18: {  	s0 =	sld [smem:$0x3F9C];
	_ =	swait.ge [sflag:s4], $0x0  }
0x19: {  	s7 =	sld [smem:$0x3F9D]  }
0x1a: {  	s8 =	sadd.s32 $0xFFFFE003, lr  }
0x1b: {  	s9 =	sadd.s32 $0xFFFFFEF7, lr;
	s5 =	simm.s32 $0xFFFFFFFF;
	p2 =	slt.u32 s8, $0xFFFFF086  }
0x1c: {  	p1 =	slt.u32 s9, $0xF7A;
	s5 =	simm.s32 @!p2 $0x0  }
0x1d: {  	s5 =	simm.s32 @p1 $0x1;
	p0 =	seq.s32 s7, s2  }
0x1e: {  	s7 =	smul.u32 @!p0 $0xF7A, s2;
	p2 =	seq.s32 @!p0 s5, $0x0  }
0x1f: {  	s9 =	smul.u32 $0xF7A, s1;
	s8 =	simm.s32 @!p0 $0x1BF5;
	p2 =	por !p2, p0  }
0x20: {  	[sflag:s8] =	ssyncset.s32 @!p0 $0xFFFFF086;
	s6 =	sadd.s32 @!p0 s3, s7;
	s7 =	simm.s32 @!p0 $0x108  }
0x21: {  	s3 =	sadd.s32 s3, s9;
	s6 =	sadd.s32 @!p0 $0x88, s6;
	s7 =	simm.s32 @p2 $0x1082  }
0x22: {  	[simem:s7], [sflag:s8] =	dma.local @!p0 [hbm:s6], $0xF7A  }
0x23: {  	s9 =	sor.u32 $0xD0000000, s2;
	s6 =	simm.s32 $0x108;
	_ =	swait.ge @!p0 [sflag:s8], $0x0  }
0x24: {  	s3 =	sadd.s32 $0x88, s3;
	s6 =	simm.s32 @!p1 $0x1082;
	[sflag:s4] =	ssyncset.s32 $0xFFFFF086  }
0x25: {  	[simem:s6], [sflag:s4] =	dma.local [hbm:s3], $0xF7A  }
0x26: {  	[smem:$0x3F9D] =	sst s1;
	(tag) =	ssettag s2;
	_ =	strace s9  }
0x27: {  	s1 =	sld [smem:$0x3FAD]  }
0x28: {  	s2 =	sld [smem:$0x3FAE]  }
0x29: {  	s4 =	sld [smem:$0x3FB0]  }
0x2a: {  	p0 =	seq.s32 s5, $0x0;
	s5 =	sld [smem:$0x3FB1]  }
0x2b: {  	s6 =	sld [smem:$0x3FB2]  }
0x2c: {  	s7 =	sld [smem:$0x3FB3]  }
0x2d: {  	s3 =	simm.s32 $0x108;
	s8 =	sld [smem:$0x3FB4]  }
0x2e: {  	s3 =	simm.s32 @!p0 $0x1082;
	s9 =	sld [smem:$0x3FB5]  }
0x2f: {  	lr =	sadd.s32 s0, s3;
	s0 =	sld [smem:$0x3FAC]  }
0x30: {  	s3 =	sld [smem:$0x3FAF]  }
0x31: {  	[smem:$0x3FB8] =	sst s10  }
0x32: {  	s10 =	sld [smem:$0x3FB6];
	_ =	sdelay $0x3  }
0x33: {  	p0 =	seq.s32 s10, $0x1;
	s10 =	sld [smem:$0x3FB8];
	_ =	sdelay $0x3  }
0x34: {  	[smem:$0x3FB8] =	sst s10  }
0x35: {  	s10 =	sld [smem:$0x3FB7];
	_ =	sdelay $0x3  }
0x36: {  	p1 =	seq.s32 s10, $0x1;
	s10 =	sld [smem:$0x3FB8];
	_ =	sdelay $0x3  }
0x37: {  	[smem:$0x3FB8] =	sst s10  }
0x38: {  	s10 =	sld [smem:$0x3FB9]  }
0x39: {  	_ = 	snop;
	(pc) =	sbr.ind lr, $3  }
0x3a: {  	_ = 	snop  }
0x3b: {  	_ = 	snop  }
0x3c: {  	p2 =	seq.s32 s10, $0x1;
	s10 =	sld [smem:$0x3FB8]  }
0x3d: {  	_ =	shalt  }
0x3e: {  	_ =	shalt  }
0x3f: {  	_ =	shalt  }
0x40: {  	_ =	shalt  }
0x41: {  	_ =	shalt  }
0x42: {  	_ =	shalt  }
0x43: {  	_ =	shalt  }
0x44: {  	_ =	shalt  }
0x45: {  	_ =	shalt  }
0x46: {  	_ =	shalt  }
0x47: {  	_ =	shalt  }
0x48: {  	_ =	shalt  }
0x49: {  	_ =	shalt  }
0x4a: {  	_ =	shalt  }
0x4b: {  	_ =	shalt  }
0x4c: {  	_ =	shalt  }
0x4d: {  	_ =	shalt  }
0x4e: {  	_ =	shalt  }
0x4f: {  	_ =	shalt  }
0x50: {  	_ =	shalt  }
0x51: {  	_ =	shalt  }
0x52: {  	_ =	shalt  }
0x53: {  	_ =	shalt  }
0x54: {  	_ =	shalt  }
0x55: {  	_ =	shalt  }
0x56: {  	_ =	shalt  }
0x57: {  	_ =	shalt  }
0x58: {  	_ =	shalt  }
0x59: {  	_ =	shalt  }
0x5a: {  	_ =	shalt  }
0x5b: {  	_ =	shalt  }
0x5c: {  	_ =	shalt  }
0x5d: {  	_ =	shalt  }
0x5e: {  	_ =	shalt  }
0x5f: {  	_ =	shalt  }
0x60: {  	_ =	shalt  }
0x61: {  	_ =	shalt  }
0x62: {  	_ =	shalt  }
0x63: {  	_ =	shalt  }
0x64: {  	_ =	shalt  }
0x65: {  	_ =	shalt  }
0x66: {  	_ =	shalt  }
0x67: {  	_ =	shalt  }
0x68: {  	_ =	shalt  }
0x69: {  	_ =	shalt  }
0x6a: {  	_ =	shalt  }
0x6b: {  	_ =	shalt  }
0x6c: {  	_ =	shalt  }
0x6d: {  	_ =	shalt  }
0x6e: {  	_ =	shalt  }
0x6f: {  	_ =	shalt  }
0x70: {  	_ =	shalt  }
0x71: {  	_ =	shalt  }
0x72: {  	_ =	shalt  }
0x73: {  	_ =	shalt  }
0x74: {  	_ =	shalt  }
0x75: {  	_ =	shalt  }
0x76: {  	_ =	shalt  }
0x77: {  	_ =	shalt  }
0x78: {  	_ =	shalt  }
0x79: {  	_ =	shalt  }
0x7a: {  	_ =	shalt  }
0x7b: {  	_ =	shalt  }
0x7c: {  	_ =	shalt  }
0x7d: {  	_ =	shalt  }
0x7e: {  	_ =	shalt  }
0x7f: {  	_ =	shalt  }
0x80: {  	_ =	shalt  }
0x81: {  	_ =	shalt  }
0x82: {  	_ =	shalt  }
0x83: {  	_ =	shalt  }
0x84: {  	_ =	shalt  }
0x85: {  	_ =	shalt  }
0x86: {  	_ =	shalt  }
0x87: {  	_ =	shalt  }
.Lfunc_end0:
.L_simem_size_0:
called_computation.2_lowered:
.L_overlay_start_0:
0x88: {  	s2 =	sld [smem:$0x3FD9]  }
0x89: {  	s3 =	sld [smem:$0x3FFE];
	_ =	sdelay $0x1  }
0x8a: {  	s1 =	srdreg.scid  }
0x8b: {  	s0 =	sand.u32 $0x1, s1  }
0x8c: {  	s17 =	sshll.u32 s0, $0xA;
	s2 =	sadd.s32 s3, s2  }
0x8d: {  	s2 =	sadd.s32 s2, s17  }
0x8e: {  	[smem:$0x3FC4] =	sst s2  }
0x8f: {  	_ = 	snop  }
0x90: {  	s2 =	sld [smem:$0x3FD0];
	(tm) =	ssettm $0x1  }
0x91: {  	s18 =	sld [smem:$0x3FFB];
	_ =	sdelay $0x3  }
0x92: {  	_ =	strace s18  }
0x93: {  	s3 =	sld [smem:$0x3FFC];
	_ =	sdelay $0x3  }
0x94: {  	_ =	strace s3  }
0x95: {  	s3 =	sld [smem:$0x3FFD];
	_ =	sdelay $0x3  }
0x96: {  	_ =	strace s3  }
0x97: {  	_ =	strace $0x8FFFFFFF  }
0x98: {  	s19 =	sld [smem:$0x3FDB];
	_ =	sdelay $0x1  }
0x99: {  	s4 =	simm.s32 $_scs_section_size  }
0x9a: {  	s5 =	simm.s32 $_size__tile_overlayer_lowered;
	s6 =	simm.s32 $_tile_overlayer_lowered  }
0x9b: {  	s22 =	simm.s32 $0x1BFF;
	s21 =	sshll.u32 s6, $0x1;
	s3 =	sadd.s32 s4, s19  }
0x9c: {  	s7 =	simm.s32 $0x0;
	s20 =	sshll.u32 s5, $0x1;
	s5 =	sadd.s32 s21, s3  }
0x9d: {  	[timem:s7], [sflag:s22] =	dma.local [hbm:s5], s20  }
0x9e: {  	_ =	swait.ge [sflag:s22], s20  }
0x9f: {  	s4 =	ssub.s32 $0x0, s20;
	[sflag:s22] =	ssyncset.done $0x0  }
0xa0: {  	[sflag:s22] =	ssyncadd.s32 s4;
	_ =	sdelay $0x1  }
0xa1: {  	s23 =	simm.s32 $0x1B8B  }
0xa2: {  	_ =	swait.ge [sflag:s23], $0x1  }
0xa3: {  	[sflag:s23] =	ssyncset.done $0x0  }
0xa4: {  	s25 =	simm.s32 $0x1B8E;
	s24 =	sld [smem:$0x3FFE];
	[sflag:s23] =	ssyncadd.s32 $0xFFFFFFFF  }
0xa5: {  	s26 =	simm.s32 $execute0_lowered;
	[smem:$0x3FD2] =	sst s25  }
0xa6: {  	s5 =	sshll.u32 s26, $0x1;
	_ =	strace $0x8000004C;
	[dreg:$0x1] =	wrdreg $0xFFFFFFFF  }
0xa7: {  	s28 =	simm.s32 $_size_execute0_lowered;
	s3 =	sadd.s32 s3, s5;
	[dreg:$0x0] =	wrdreg $0x0  }
0xa8: {  	s5 =	sshll.u32 s28, $0x1;
	[dreg:$0x2] =	wrdreg s3  }
0xa9: {  	[dreg:$0x3] =	wrdreg s5  }
0xaa: {  	[dreg:$0x4] =	wrdreg $0xC0  }
0xab: {  	_ =	task [dreg:s7], $0x5FFFF  }
0xac: {  	[dreg:$0x1] =	wrdreg $0xFFFFFFFF  }
0xad: {  	[dreg:$0x0] =	wrdreg $0x60  }
0xae: {  	[dreg:$0x2] =	wrdreg s24  }
0xaf: {  	[dreg:$0x3] =	wrdreg s2  }
0xb0: {  	[dreg:$0x4] =	wrdreg $0x9  }
0xb1: {  	_ =	task.clear_ibuf [dreg:s7], $0x5FFFF;
	_ =	strace $0x9000004C  }
0xb2: {  	s29 =	simm.s32 $0x9;
	_ =	strace $0x8000004E  }
0xb3: {  	_ =	swait.ge [sflag:s29], $0x1  }
0xb4: {  	[sflag:s29] =	ssyncadd.s32 $0xFFFFFFFF  }
0xb5: {  	_ =	strace $0x9000004E  }
0xb6: {  	_ =	sfence  }
0xb7: {  	s30 =	sld [smem:$0x0];
	_ =	sdelay $0x2  }
0xb8: {  	s31 =	sshll.u32 s1, $0xD;
	s1 =	sshrl.u32 s1, $0x2  }
0xb9: {  	s3 =	sand.u32 $0x4000, s31;
	s1 =	sadd.s32 s1, s30  }
0xba: {  	s0 =	sor.u32 s3, s0;
	s1 =	sshll.u32 s1, $0x11  }
0xbb: {  	s0 =	sor.u32 s1, s0  }
0xbc: {  	s0 =	sadd.s32 $0x8F2B, s0  }
0xbd: {  	[sflag:s0] =	ssyncadd.remote.s32 $0x1  }
0xbe: {  	_ =	sfence.sel $0xFFFF  }
0xbf: {  	[dreg:$0x0] =	wrdreg $0xFFFFFFFF;
	(pc) =	sbr.abs _section_cstart, $3  }
0xc0: {  	[dreg:$0x1] =	wrdreg $0xFFFFFFFF  }
0xc1: {  	_ =	task.clear_ibuf [dreg:s7], $0x2FFFF;
	_ =	strace $0x9FFFFFFF  }
0xc2: {  	(tm) =	ssettm $0x7FFFFFFF  }
0xc3: {  	_ =	shalt  }
tec
execute0_lowered:
.L_overlay_start_1:
0x0: {  	(tag) =	ssettag $0x1  }
0x1: {  	s0 =	rddreg [dreg:$0x0];
	s3 =	simm.s32 $0x0;
	s1 =	srdreg.scid  }
0x2: {  	s2 =	stileid.u32;
	s28 =	simm.s32 $0x3;
	s29 =	simm.s32 $0x4000  }
0x3: {  	s30 =	simm.s32 $0x1;
	s1 =	sand.u32 $0x1, s1;
	s2 =	sshll.u32 s2, $0x1  }
0x4: {  	s31 =	simm.s32 $0x8000;
	[smem:$0x7FF] =	sst s3;
	s2 =	sor.u32 s1, s2  }
0x5: {  	s4 =	sadd.s32 $0x2000, s0;
	_ =	strace $0x8000004D;
	s5 =	sshll.u32 s2, $0x9  }
0x6: {  	s6 =	sshll.u32 s2, $0x10;
	s2 =	sshll.u32 s2, $0x13;
	s0 =	sadd.s32 s5, s0  }
0x7: {  	s5 =	sadd.s32 s4, s6;
	s7 =	sor.u32 $0x8000, s2;
	s8 =	sor.u32 $0xC000, s2  }
0x8: {  	s2 =	simm.s32 $0x400;
	s6 =	sadd.s32 $0x800, s5;
	s23 =	sadd.s32 $0x202A00, s0  }
0x9: {  	s1 =	ssub.s32 $0x2, s1;
	s24 =	sadd.s32 $0x202A10, s0;
	s25 =	sadd.s32 $0x202A20, s0  }
0xa: {  	s26 =	sshrl.u32 s1, $0x1;
	s12 =	sadd.s32 $0x202A30, s0;
	s13 =	sadd.s32 $0x202A40, s0  }
0xb: {  	s1 =	ssub.s32 s1, s26;
	s14 =	sadd.s32 $0x202A50, s0;
	s15 =	sadd.s32 $0x202A60, s0  }
0xc: {  	s26 =	simm.s32 $0x0;
	s16 =	sadd.s32 $0x202A70, s0;
	s17 =	sadd.s32 $0x202B00, s0  }
.Ltmp0:
0xd: {  	s18 =	sadd.s32 $0x202B10, s0;
	[dreg:$0x3] =	wrdreg s6;
	(pc) =	sbr.rel .LBB2_1-.Ltmp0, $4  }
0xe: {  	s19 =	sadd.s32 $0x202B20, s0;
	s20 =	sadd.s32 $0x202B30, s0;
	[dreg:$0x4] =	wrdreg s23  }
0xf: {  	v1 =	vlaneseq.u32;
	s21 =	sadd.s32 $0x202B40, s0;
	s22 =	sadd.s32 $0x202B50, s0;
	[dreg:$0x5] =	wrdreg s24  }
0x10: {  	v1 =	vmul.u32 $0x100, v1;
	[dreg:$0x6] =	wrdreg s25;
	s23 =	sadd.s32 $0x202B60, s0;
	s24 =	sadd.s32 $0x202B70, s0  }
0x11: {  	v0 =	vimm.s32 $0x0;
	v2 =	vimm.s32 $0x1;
	s25 =	smax.u32 s1, $0x1;
	s0 =	simm.s32 $0x2;
	s1 =	simm.s32 $0x80  }
.LBB2_10:
0x12: {  	s6 =	rddreg [dreg:$0x4]  }
0x13: {  	[hbm4b:s6+s1] =	stream.strided.scatter [tilespmem:s31], [sflag:$0x3], $0x100, s2, s1, $0x38;
	[tilespmem:$0x9080] =	vst v63  }
0x14: {  	_ =	swait.ge [sflag:s28], $0x100  }
0x15: {  	[sflag:s28] =	ssyncset.done $0x0  }
0x16: {  	s9 =	simm.s32 $0x8100;
	s11 =	rddreg [dreg:$0x5];
	[sflag:s28] =	ssyncadd.s32 $0xFFFFFF00  }
0x17: {  	[hbm4b:s11+s1] =	stream.strided.scatter [tilespmem:s9], [sflag:$0x3], $0x100, s2, s1, $0x38;
	[tilespmem:$0x9080] =	vst v63  }
0x18: {  	_ =	swait.ge [sflag:s28], $0x100  }
0x19: {  	[sflag:s28] =	ssyncset.done $0x0  }
0x1a: {  	s10 =	simm.s32 $0x8200;
	s9 =	rddreg [dreg:$0x6];
	[sflag:s28] =	ssyncadd.s32 $0xFFFFFF00  }
0x1b: {  	[hbm4b:s9+s1] =	stream.strided.scatter [tilespmem:s10], [sflag:$0x3], $0x100, s2, s1, $0x38;
	[tilespmem:$0x9080] =	vst v63  }
0x1c: {  	_ =	swait.ge [sflag:s28], $0x100  }
0x1d: {  	[sflag:s28] =	ssyncset.done $0x0  }
0x1e: {  	s11 =	simm.s32 $0x8300;
	[sflag:s28] =	ssyncadd.s32 $0xFFFFFF00  }
0x1f: {  	[hbm4b:s12+s1] =	stream.strided.scatter [tilespmem:s11], [sflag:$0x3], $0x100, s2, s1, $0x38;
	[tilespmem:$0x9080] =	vst v63  }
0x20: {  	_ =	swait.ge [sflag:s28], $0x100  }
0x21: {  	[sflag:s28] =	ssyncset.done $0x0  }
0x22: {  	s9 =	simm.s32 $0x8400;
	[sflag:s28] =	ssyncadd.s32 $0xFFFFFF00  }
0x23: {  	[hbm4b:s13+s1] =	stream.strided.scatter [tilespmem:s9], [sflag:$0x3], $0x100, s2, s1, $0x38;
	[tilespmem:$0x9080] =	vst v63  }
0x24: {  	_ =	swait.ge [sflag:s28], $0x100  }
0x25: {  	[sflag:s28] =	ssyncset.done $0x0  }
0x26: {  	s10 =	simm.s32 $0x8500;
	[sflag:s28] =	ssyncadd.s32 $0xFFFFFF00  }
0x27: {  	[hbm4b:s14+s1] =	stream.strided.scatter [tilespmem:s10], [sflag:$0x3], $0x100, s2, s1, $0x38;
	[tilespmem:$0x9080] =	vst v63  }
0x28: {  	_ =	swait.ge [sflag:s28], $0x100  }
0x29: {  	[sflag:s28] =	ssyncset.done $0x0  }
0x2a: {  	s11 =	simm.s32 $0x8600;
	[sflag:s28] =	ssyncadd.s32 $0xFFFFFF00  }
0x2b: {  	[hbm4b:s15+s1] =	stream.strided.scatter [tilespmem:s11], [sflag:$0x3], $0x100, s2, s1, $0x38;
	[tilespmem:$0x9080] =	vst v63  }
0x2c: {  	_ =	swait.ge [sflag:s28], $0x100  }
0x2d: {  	[sflag:s28] =	ssyncset.done $0x0  }
0x2e: {  	s9 =	simm.s32 $0x8700;
	[sflag:s28] =	ssyncadd.s32 $0xFFFFFF00  }
0x2f: {  	[hbm4b:s16+s1] =	stream.strided.scatter [tilespmem:s9], [sflag:$0x3], $0x100, s2, s1, $0x38;
	[tilespmem:$0x9080] =	vst v63  }
0x30: {  	_ =	swait.ge [sflag:s28], $0x100  }
0x31: {  	[sflag:s28] =	ssyncset.done $0x0  }
0x32: {  	s10 =	simm.s32 $0x8800;
	[sflag:s28] =	ssyncadd.s32 $0xFFFFFF00  }
0x33: {  	[hbm4b:s17+s1] =	stream.strided.scatter [tilespmem:s10], [sflag:$0x3], $0x100, s2, s1, $0x38;
	[tilespmem:$0x9080] =	vst v63  }
0x34: {  	_ =	swait.ge [sflag:s28], $0x100  }
0x35: {  	[sflag:s28] =	ssyncset.done $0x0  }
0x36: {  	s11 =	simm.s32 $0x8900;
	[sflag:s28] =	ssyncadd.s32 $0xFFFFFF00  }
0x37: {  	[hbm4b:s18+s1] =	stream.strided.scatter [tilespmem:s11], [sflag:$0x3], $0x100, s2, s1, $0x38;
	[tilespmem:$0x9080] =	vst v63  }
0x38: {  	_ =	swait.ge [sflag:s28], $0x100  }
0x39: {  	[sflag:s28] =	ssyncset.done $0x0  }
0x3a: {  	s9 =	simm.s32 $0x8A00;
	[sflag:s28] =	ssyncadd.s32 $0xFFFFFF00  }
0x3b: {  	[hbm4b:s19+s1] =	stream.strided.scatter [tilespmem:s9], [sflag:$0x3], $0x100, s2, s1, $0x38;
	[tilespmem:$0x9080] =	vst v63  }
0x3c: {  	_ =	swait.ge [sflag:s28], $0x100  }
0x3d: {  	[sflag:s28] =	ssyncset.done $0x0  }
0x3e: {  	s10 =	simm.s32 $0x8B00;
	[sflag:s28] =	ssyncadd.s32 $0xFFFFFF00  }
0x3f: {  	[hbm4b:s20+s1] =	stream.strided.scatter [tilespmem:s10], [sflag:$0x3], $0x100, s2, s1, $0x38;
	[tilespmem:$0x9080] =	vst v63  }
0x40: {  	_ =	swait.ge [sflag:s28], $0x100  }
0x41: {  	[sflag:s28] =	ssyncset.done $0x0  }
0x42: {  	s11 =	simm.s32 $0x8C00;
	[sflag:s28] =	ssyncadd.s32 $0xFFFFFF00  }
0x43: {  	[hbm4b:s21+s1] =	stream.strided.scatter [tilespmem:s11], [sflag:$0x3], $0x100, s2, s1, $0x38;
	[tilespmem:$0x9080] =	vst v63  }
0x44: {  	_ =	swait.ge [sflag:s28], $0x100  }
0x45: {  	[sflag:s28] =	ssyncset.done $0x0  }
0x46: {  	s9 =	simm.s32 $0x8D00;
	[sflag:s28] =	ssyncadd.s32 $0xFFFFFF00  }
0x47: {  	[hbm4b:s22+s1] =	stream.strided.scatter [tilespmem:s9], [sflag:$0x3], $0x100, s2, s1, $0x38;
	[tilespmem:$0x9080] =	vst v63  }
0x48: {  	_ =	swait.ge [sflag:s28], $0x100  }
0x49: {  	[sflag:s28] =	ssyncset.done $0x0  }
0x4a: {  	s10 =	simm.s32 $0x8E00;
	[sflag:s28] =	ssyncadd.s32 $0xFFFFFF00  }
0x4b: {  	[hbm4b:s23+s1] =	stream.strided.scatter [tilespmem:s10], [sflag:$0x3], $0x100, s2, s1, $0x38;
	[tilespmem:$0x9080] =	vst v63  }
0x4c: {  	s26 =	sadd.s32 $0x1, s26;
	_ =	swait.ge [sflag:s28], $0x100  }
0x4d: {  	p0 =	sne.s32 s26, s25;
	[sflag:s28] =	ssyncset.done $0x0  }
.Ltmp1:
0x4e: {  	s11 =	simm.s32 $0x8F00;
	[sflag:s28] =	ssyncadd.s32 $0xFFFFFF00;
	(pc) =	sbr.rel @!p0 .LBB2_11-.Ltmp1, $4  }
0x4f: {  	[hbm4b:s24+s1] =	stream.strided.scatter [tilespmem:s11], [sflag:$0x3], $0x100, s2, s1, $0x38;
	[tilespmem:$0x9080] =	vst v63  }
0x50: {  	_ =	swait.ge [sflag:s28], $0x100  }
0x51: {  	[sflag:s28] =	ssyncset.done $0x0  }
0x52: {  	[sflag:s28] =	ssyncadd.s32 $0xFFFFFF00  }
.LBB2_1:
0x53: {  	s6 =	simm.s32 $0x8040  }
0x54: {  	[tilespmem:s6+$0xFFFFFFC0] =	vst v0  }
0x55: {  	[tilespmem:s6+$0x30] =	vst v0  }
0x56: {  	[tilespmem:s6+$0x20] =	vst v0  }
0x57: {  	[tilespmem:s6+$0x10] =	vst v0  }
0x58: {  	[tilespmem:s6+$0x0] =	vst v0  }
0x59: {  	[tilespmem:s6+$0xFFFFFFF0] =	vst v0  }
0x5a: {  	s9 =	simm.s32 $0x0;
	[tilespmem:s6+$0xFFFFFFE0] =	vst v0  }
.LBB2_2:
0x5b: {  	s9 =	sadd.s32 $0x80, s9;
	[tilespmem:s6+$0xFFFFFFD0] =	vst v0;
	s6 =	sadd.s32 $0x80, s6  }
0x5c: {  	[tilespmem:s6+$0xFFFFFFC0] =	vst v0;
	p0 =	slt.u32 s9, $0xF80  }
0x5d: {  	[tilespmem:s6+$0x30] =	vst v0  }
.Ltmp2:
0x5e: {  	[tilespmem:s6+$0x20] =	vst v0;
	(pc) =	sbr.rel @p0 .LBB2_2-.Ltmp2, $4  }
0x5f: {  	[tilespmem:s6+$0x10] =	vst v0  }
0x60: {  	[tilespmem:s6+$0x0] =	vst v0  }
0x61: {  	[tilespmem:s6+$0xFFFFFFF0] =	vst v0  }
0x62: {  	[tilespmem:s6+$0xFFFFFFE0] =	vst v0  }
0x63: {  	[tilespmem:s6+$0xFFFFFFD0] =	vst v0;
	s6 =	simm.s32 $0x0;
	s9 =	rddreg [dreg:$0x1];
	s10 =	simm.s32 $0x9000  }
0x64: {  	[tilespmem:s10], [sflag:$0x3] =	stream.linear.gather [hbm4b:s9+s6], $0x80, $0x38;
	[tilespmem:$0x9080] =	vst v63  }
0x65: {  	_ =	swait.ge [sflag:s28], $0x80  }
0x66: {  	[sflag:s28] =	ssyncset.done $0x0  }
0x67: {  	[sflag:s28] =	ssyncadd.s32 $0xFFFFFF80  }
0x68: {  	v3 =	vld [tilespmem:$0x9000]  }
0x69: {  	[tilespmem:s6], [sflag:$0x1] =	stream.linear.gather [hbm4b:s5+s6], $0x4000, $0x38;
	[tilespmem:$0x9080] =	vst v63  }
0x6a: {  	s11 =	rddreg [dreg:$0x3]  }
0x6b: {  	[tilespmem:s29], [sflag:$0x2] =	stream.linear.gather [hbm4b:s11+s6], $0x4000, $0x38;
	[tilespmem:$0x9080] =	vst v63  }
.LBB2_4:
0x6c: {  	_ =	swait.ge [sflag:s30], $0x4000  }
0x6d: {  	[sflag:s30] =	ssyncset.done $0x0  }
0x6e: {  	s10 =	simm.s32 $0x80;
	[sflag:s30] =	ssyncadd.s32 $0xFFFFC000  }
0x6f: {  	v5 =	vld [tilespmem:s10+$0x10]  }
0x70: {  	v6 =	vld [tilespmem:s10+$0x0]  }
0x71: {  	v7 =	vld [tilespmem:s10+$0xFFFFFFE0]  }
0x72: {  	v8 =	vld [tilespmem:s10+$0xFFFFFFD0]  }
0x73: {  	v9 =	vld [tilespmem:s10+$0xFFFFFFF0]  }
0x74: {  	v10 =	vld [tilespmem:s10+$0x20]  }
0x75: {  	v14 =	vld [tilespmem:s10+$0xFFFFFFB0]  }
0x76: {  	v12 =	vld [tilespmem:s10+$0x30];
	v4 =	vshrl.u32 v7, $0x8;
	v13 =	vshrl.u32 v5, $0x8;
	v5 =	vand.u32 $0xFF, v5  }
0x77: {  	v11 =	vld [tilespmem:s10+$0xFFFFFFC0];
	v17 =	vshrl.u32 v6, $0x8;
	v16 =	vand.u32 $0xFF, v6;
	v19 =	vand.u32 $0xFF, v8  }
0x78: {  	v18 =	vld [tilespmem:s10+$0xFFFFFFA0];
	v6 =	vshrl.u32 v9, $0x8;
	v9 =	vand.u32 $0xFF, v9;
	v15 =	vshrl.u32 v8, $0x8  }
0x79: {  	v8 =	vand.u32 $0xFF, v7;
	v7 =	vand.u32 $0xFF, v10;
	vm2 =	veq.s32 v6, v3  }
0x7a: {  	v20 =	vshrl.u32 v14, $0x8;
	vm6 =	veq.s32 v13, v3;
	v13 =	vld [tilespmem:s10+$0xFFFFFF90];
	v6 =	vor.u32 v1, v9  }
0x7b: {  	v14 =	vand.u32 $0xFF, v14;
	v22 =	vand.u32 $0xFF, v12;
	v9 =	vshrl.u32 v10, $0x8  }
0x7c: {  	v10 =	vshrl.u32 v11, $0x8;
	vm1 =	veq.s32 v15, v3;
	v15 =	vshrl.u32 v12, $0x8  }
0x7d: {  	v21 =	vor.u32 v1, v5;
	v5 =	vshrl.u32 v18, $0x8;
	vm0 =	veq.s32 v20, v3  }
0x7e: {  	v20 =	vld [tilespmem:s10+$0xFFFFFF80];
	v12 =	vor.u32 v1, v7;
	v7 =	vand.u32 $0xFF, v11;
	v11 =	vor.u32 v1, v16  }
0x7f: {  	vm7 =	veq.s32 v17, v3;
	vm5 =	veq.s32 v15, v3;
	v15 =	vshrl.u32 v13, $0x8;
	[tilespmem:v6+s31+$0x0] =	vst.idx.add.s32.msk vm2, v2  }
0x80: {  	vm4 =	veq.s32 v5, v3;
	vm8 =	veq.s32 v9, v3;
	vm3 =	veq.s32 v15, v3;
	v15 =	vld [tilespmem:s10+$0x50]  }
0x81: {  	v9 =	vor.u32 v1, v19;
	v5 =	vand.u32 $0xFF, v13;
	v6 =	vor.u32 v1, v14;
	v14 =	vld [tilespmem:s10+$0x70]  }
0x82: {  	v16 =	vld [tilespmem:s10+$0x60];
	v7 =	vor.u32 v1, v7;
	v13 =	vor.u32 v1, v22;
	v5 =	vor.u32 v1, v5  }
0x83: {  	v17 =	vld [tilespmem:s10+$0x40];
	vm2 =	veq.s32 v10, v3;
	v10 =	vand.u32 $0xFF, v18;
	v18 =	vshrl.u32 v20, $0x8  }
0x84: {  	s9 =	simm.s32 $0x0;
	[tilespmem:v21+s31+$0x0] =	vst.idx.add.s32.msk vm6, v2;
	s10 =	simm.s32 $0x180;
	v10 =	vor.u32 v1, v10;
	vm6 =	veq.s32 v18, v3;
	v18 =	vand.u32 $0xFF, v20  }
.LBB2_5:
0x85: {  	v19 =	vld [tilespmem:s10+$0x10];
	s9 =	sadd.s32 $0x100, s9;
	v18 =	vor.u32 v1, v18;
	v20 =	vshrl.u32 v15, $0x8;
	v15 =	vand.u32 $0xFF, v15  }
0x86: {  	p0 =	slt.u32 s9, $0x3F00;
	[tilespmem:v12+s31+$0x0] =	vst.idx.add.s32.msk vm8, v2;
	vm9 =	veq.s32 v20, v3;
	v12 =	vshrl.u32 v14, $0x8;
	v14 =	vand.u32 $0xFF, v14  }
0x87: {  	vm8 =	veq.s32 v4, v3;
	[tilespmem:v13+s31+$0x0] =	vst.idx.add.s32.msk vm5, v2;
	vm5 =	veq.s32 v12, v3  }
0x88: {  	v8 =	vor.u32 v1, v8;
	v13 =	vor.u32 v1, v14;
	v12 =	vld [tilespmem:s10+$0xFFFFFF90];
	v4 =	vshrl.u32 v16, $0x8  }
0x89: {  	v14 =	vld [tilespmem:s10+$0x0];
	v20 =	vshrl.u32 v17, $0x8;
	vm10 =	veq.s32 v4, v3;
	v4 =	vand.u32 $0xFF, v16  }
0x8a: {  	v17 =	vand.u32 $0xFF, v17;
	v16 =	vld [tilespmem:s10+$0xFFFFFFA0];
	vm11 =	veq.s32 v20, v3;
	v4 =	vor.u32 v1, v4  }
0x8b: {  	v17 =	vor.u32 v1, v17;
	v20 =	vld [tilespmem:s10+$0xFFFFFFB0]  }
0x8c: {  	v21 =	vld [tilespmem:s10+$0xFFFFFFC0]  }
0x8d: {  	v15 =	vor.u32 v1, v15;
	v22 =	vld [tilespmem:s10+$0xFFFFFFD0]  }
0x8e: {  	v23 =	vld [tilespmem:s10+$0xFFFFFFE0]  }
0x8f: {  	v24 =	vld [tilespmem:s10+$0xFFFFFFF0]  }
0x90: {  	[tilespmem:v11+s31+$0x0] =	vst.idx.add.s32.msk vm7, v2  }
0x91: {  	[tilespmem:v17+s31+$0x0] =	vst.idx.add.s32.msk vm11, v2  }
0x92: {  	[tilespmem:v4+s31+$0x0] =	vst.idx.add.s32.msk vm10, v2  }
0x93: {  	[tilespmem:v15+s31+$0x0] =	vst.idx.add.s32.msk vm9, v2  }
0x94: {  	v11 =	vld [tilespmem:s10+$0x20]  }
0x95: {  	v15 =	vld [tilespmem:s10+$0x30]  }
0x96: {  	v17 =	vshrl.u32 v19, $0x8;
	v19 =	vand.u32 $0xFF, v19;
	v4 =	vshrl.u32 v23, $0x8;
	[tilespmem:v18+s31+$0x0] =	vst.idx.add.s32.msk vm6, v2  }
0x97: {  	v25 =	vshrl.u32 v14, $0x8;
	v18 =	vand.u32 $0xFF, v14;
	vm6 =	veq.s32 v17, v3;
	[tilespmem:v13+s31+$0x0] =	vst.idx.add.s32.msk vm5, v2  }
0x98: {  	v17 =	vand.u32 $0xFF, v22;
	v14 =	vand.u32 $0xFF, v24;
	v13 =	vshrl.u32 v24, $0x8;
	[tilespmem:v8+s31+$0x0] =	vst.idx.add.s32.msk vm8, v2  }
0x99: {  	vm7 =	veq.s32 v13, v3;
	v13 =	vor.u32 v1, v14;
	v14 =	vshrl.u32 v11, $0x8;
	[tilespmem:v9+s31+$0x0] =	vst.idx.add.s32.msk vm1, v2  }
0x9a: {  	v8 =	vand.u32 $0xFF, v23;
	v9 =	vshrl.u32 v22, $0x8;
	v11 =	vand.u32 $0xFF, v11;
	[tilespmem:v10+s31+$0x0] =	vst.idx.add.s32.msk vm4, v2  }
0x9b: {  	v10 =	vshrl.u32 v21, $0x8;
	vm1 =	veq.s32 v9, v3;
	v9 =	vshrl.u32 v15, $0x8;
	[tilespmem:v5+s31+$0x0] =	vst.idx.add.s32.msk vm3, v2  }
0x9c: {  	v19 =	vor.u32 v1, v19;
	v5 =	vshrl.u32 v20, $0x8;
	v20 =	vand.u32 $0xFF, v20;
	[tilespmem:v6+s31+$0x0] =	vst.idx.add.s32.msk vm0, v2  }
0x9d: {  	vm5 =	veq.s32 v9, v3;
	v6 =	vshrl.u32 v16, $0x8;
	vm0 =	veq.s32 v5, v3;
	[tilespmem:v7+s31+$0x0] =	vst.idx.add.s32.msk vm2, v2  }
0x9e: {  	v5 =	vshrl.u32 v12, $0x8;
	vm4 =	veq.s32 v6, v3;
	v7 =	vand.u32 $0xFF, v15;
	v22 =	vld [tilespmem:s10+$0xFFFFFF80]  }
0x9f: {  	vm3 =	veq.s32 v5, v3;
	v5 =	vand.u32 $0xFF, v12;
	v12 =	vor.u32 v1, v11;
	[tilespmem:v13+s31+$0x0] =	vst.idx.add.s32.msk vm7, v2  }
.Ltmp3:
0xa0: {  	vm8 =	veq.s32 v14, v3;
	vm2 =	veq.s32 v10, v3;
	v5 =	vor.u32 v1, v5;
	v15 =	vld [tilespmem:s10+$0x50];
	(pc) =	sbr.rel @p0 .LBB2_5-.Ltmp3, $4  }
0xa1: {  	v6 =	vor.u32 v1, v20;
	v20 =	vand.u32 $0xFF, v21;
	v13 =	vor.u32 v1, v7;
	v14 =	vld [tilespmem:s10+$0x70]  }
0xa2: {  	v9 =	vor.u32 v1, v17;
	v11 =	vor.u32 v1, v18;
	v7 =	vand.u32 $0xFF, v16;
	[tilespmem:v19+s31+$0x0] =	vst.idx.add.s32.msk vm6, v2  }
0xa3: {  	v10 =	vor.u32 v1, v7;
	v7 =	vor.u32 v1, v20;
	v17 =	vshrl.u32 v22, $0x8;
	v16 =	vld [tilespmem:s10+$0x60]  }
0xa4: {  	vm7 =	veq.s32 v25, v3;
	v18 =	vand.u32 $0xFF, v22;
	vm6 =	veq.s32 v17, v3;
	v17 =	vld [tilespmem:s10+$0x40];
	s10 =	sadd.s32 $0x100, s10  }
0xa5: {  	_ =	sdelay $0x4  }
0xa6: {  	[tilespmem:v12+s31+$0x0] =	vst.idx.add.s32.msk vm8, v2  }
0xa7: {  	[tilespmem:v13+s31+$0x0] =	vst.idx.add.s32.msk vm5, v2  }
0xa8: {  	v19 =	vshrl.u32 v15, $0x8;
	v13 =	vor.u32 v1, v18;
	vm8 =	veq.s32 v4, v3;
	[tilespmem:v11+s31+$0x0] =	vst.idx.add.s32.msk vm7, v2  }
0xa9: {  	v15 =	vand.u32 $0xFF, v15;
	v8 =	vor.u32 v1, v8;
	[tilespmem:v9+s31+$0x0] =	vst.idx.add.s32.msk vm1, v2;
	vm11 =	veq.s32 v19, v3  }
0xaa: {  	[tilespmem:v10+s31+$0x0] =	vst.idx.add.s32.msk vm4, v2;
	v12 =	vshrl.u32 v14, $0x8;
	v15 =	vor.u32 v1, v15;
	v14 =	vand.u32 $0xFF, v14  }
0xab: {  	[tilespmem:v5+s31+$0x0] =	vst.idx.add.s32.msk vm3, v2;
	vm5 =	veq.s32 v12, v3;
	v4 =	vor.u32 v1, v14;
	v21 =	vshrl.u32 v16, $0x8  }
0xac: {  	[tilespmem:v6+s31+$0x0] =	vst.idx.add.s32.msk vm0, v2;
	v16 =	vand.u32 $0xFF, v16;
	v20 =	vshrl.u32 v17, $0x8;
	vm10 =	veq.s32 v21, v3  }
0xad: {  	[tilespmem:v7+s31+$0x0] =	vst.idx.add.s32.msk vm2, v2;
	v17 =	vand.u32 $0xFF, v17;
	v16 =	vor.u32 v1, v16;
	vm9 =	veq.s32 v20, v3  }
0xae: {  	v17 =	vor.u32 v1, v17;
	[tilespmem:v13+s31+$0x0] =	vst.idx.add.s32.msk vm6, v2  }
0xaf: {  	[tilespmem:v8+s31+$0x0] =	vst.idx.add.s32.msk vm8, v2  }
0xb0: {  	s9 =	sshll.u32 s6, $0xF;
	p0 =	seq.s32 s6, $0xF;
	[tilespmem:v15+s31+$0x0] =	vst.idx.add.s32.msk vm11, v2  }
0xb1: {  	s10 =	sadd.s32 @!p0 s9, s7;
	[tilespmem:v4+s31+$0x0] =	vst.idx.add.s32.msk vm5, v2  }
0xb2: {  	s10 =	sshrl.u32 @!p0 s10, $0x3;
	[tilespmem:v16+s31+$0x0] =	vst.idx.add.s32.msk vm10, v2  }
0xb3: {  	s11 =	simm.s32 @!p0 $0x0;
	s10 =	sadd.s32 @!p0 s4, s10;
	[tilespmem:v17+s31+$0x0] =	vst.idx.add.s32.msk vm9, v2  }
0xb4: {  	[tilespmem:s11], [sflag:$0x1] =	stream.linear.gather @!p0 [hbm4b:s10+s11], $0x4000, $0x38;
	[tilespmem:$0x9080] =	vst v63  }
0xb5: {  	_ =	swait.ge [sflag:s0], $0x4000  }
0xb6: {  	[sflag:s0] =	ssyncset.done $0x0  }
0xb7: {  	s11 =	simm.s32 $0x4080;
	[sflag:s0] =	ssyncadd.s32 $0xFFFFC000  }
0xb8: {  	v5 =	vld [tilespmem:s11+$0x10]  }
0xb9: {  	v6 =	vld [tilespmem:s11+$0x0]  }
0xba: {  	v7 =	vld [tilespmem:s11+$0xFFFFFFE0]  }
0xbb: {  	v8 =	vld [tilespmem:s11+$0xFFFFFFD0]  }
0xbc: {  	v9 =	vld [tilespmem:s11+$0xFFFFFFF0]  }
0xbd: {  	v10 =	vld [tilespmem:s11+$0x20]  }
0xbe: {  	v14 =	vld [tilespmem:s11+$0xFFFFFFB0]  }
0xbf: {  	v12 =	vld [tilespmem:s11+$0x30];
	v4 =	vshrl.u32 v7, $0x8;
	v13 =	vshrl.u32 v5, $0x8;
	v5 =	vand.u32 $0xFF, v5  }
0xc0: {  	v11 =	vld [tilespmem:s11+$0xFFFFFFC0];
	v17 =	vshrl.u32 v6, $0x8;
	v16 =	vand.u32 $0xFF, v6;
	v19 =	vand.u32 $0xFF, v8  }
0xc1: {  	v18 =	vld [tilespmem:s11+$0xFFFFFFA0];
	v6 =	vshrl.u32 v9, $0x8;
	v9 =	vand.u32 $0xFF, v9;
	v15 =	vshrl.u32 v8, $0x8  }
0xc2: {  	v8 =	vand.u32 $0xFF, v7;
	v7 =	vand.u32 $0xFF, v10;
	vm2 =	veq.s32 v6, v3  }
0xc3: {  	v20 =	vshrl.u32 v14, $0x8;
	vm6 =	veq.s32 v13, v3;
	v13 =	vld [tilespmem:s11+$0xFFFFFF90];
	v6 =	vor.u32 v1, v9  }
0xc4: {  	v14 =	vand.u32 $0xFF, v14;
	v22 =	vand.u32 $0xFF, v12;
	v9 =	vshrl.u32 v10, $0x8  }
0xc5: {  	v10 =	vshrl.u32 v11, $0x8;
	vm1 =	veq.s32 v15, v3;
	v15 =	vshrl.u32 v12, $0x8  }
0xc6: {  	v63 =	vor.u32 v1, v5;
	v5 =	vshrl.u32 v18, $0x8;
	vm0 =	veq.s32 v20, v3  }
0xc7: {  	v20 =	vld [tilespmem:s11+$0xFFFFFF80];
	v12 =	vor.u32 v1, v7;
	v7 =	vand.u32 $0xFF, v11;
	v11 =	vor.u32 v1, v16  }
0xc8: {  	vm7 =	veq.s32 v17, v3;
	vm5 =	veq.s32 v15, v3;
	v15 =	vshrl.u32 v13, $0x8;
	[tilespmem:v6+s31+$0x0] =	vst.idx.add.s32.msk vm2, v2  }
0xc9: {  	vm4 =	veq.s32 v5, v3;
	vm8 =	veq.s32 v9, v3;
	vm3 =	veq.s32 v15, v3;
	v15 =	vld [tilespmem:s11+$0x50]  }
0xca: {  	v9 =	vor.u32 v1, v19;
	v5 =	vand.u32 $0xFF, v13;
	v6 =	vor.u32 v1, v14;
	v14 =	vld [tilespmem:s11+$0x70]  }
0xcb: {  	v16 =	vld [tilespmem:s11+$0x60];
	v7 =	vor.u32 v1, v7;
	v13 =	vor.u32 v1, v22;
	v5 =	vor.u32 v1, v5  }
0xcc: {  	v17 =	vld [tilespmem:s11+$0x40];
	vm2 =	veq.s32 v10, v3;
	v10 =	vand.u32 $0xFF, v18;
	v18 =	vshrl.u32 v20, $0x8  }
0xcd: {  	s10 =	simm.s32 $0x0;
	[tilespmem:v63+s31+$0x0] =	vst.idx.add.s32.msk vm6, v2;
	s11 =	simm.s32 $0x4180;
	v10 =	vor.u32 v1, v10;
	vm6 =	veq.s32 v18, v3;
	v18 =	vand.u32 $0xFF, v20  }
.LBB2_7:
0xce: {  	v19 =	vld [tilespmem:s11+$0x10];
	s10 =	sadd.s32 $0x100, s10;
	v18 =	vor.u32 v1, v18;
	v20 =	vshrl.u32 v15, $0x8;
	v15 =	vand.u32 $0xFF, v15  }
0xcf: {  	p1 =	slt.u32 s10, $0x3F00;
	[tilespmem:v12+s31+$0x0] =	vst.idx.add.s32.msk vm8, v2;
	vm9 =	veq.s32 v20, v3;
	v12 =	vshrl.u32 v14, $0x8;
	v14 =	vand.u32 $0xFF, v14  }
0xd0: {  	vm8 =	veq.s32 v4, v3;
	[tilespmem:v13+s31+$0x0] =	vst.idx.add.s32.msk vm5, v2;
	vm5 =	veq.s32 v12, v3  }
0xd1: {  	v8 =	vor.u32 v1, v8;
	v13 =	vor.u32 v1, v14;
	v12 =	vld [tilespmem:s11+$0xFFFFFF90];
	v4 =	vshrl.u32 v16, $0x8  }
0xd2: {  	v14 =	vld [tilespmem:s11+$0x0];
	v20 =	vshrl.u32 v17, $0x8;
	vm10 =	veq.s32 v4, v3;
	v4 =	vand.u32 $0xFF, v16  }
0xd3: {  	v17 =	vand.u32 $0xFF, v17;
	v16 =	vld [tilespmem:s11+$0xFFFFFFA0];
	vm11 =	veq.s32 v20, v3;
	v4 =	vor.u32 v1, v4  }
0xd4: {  	v17 =	vor.u32 v1, v17;
	v20 =	vld [tilespmem:s11+$0xFFFFFFB0]  }
0xd5: {  	v21 =	vld [tilespmem:s11+$0xFFFFFFC0]  }
0xd6: {  	v15 =	vor.u32 v1, v15;
	v22 =	vld [tilespmem:s11+$0xFFFFFFD0]  }
0xd7: {  	v23 =	vld [tilespmem:s11+$0xFFFFFFE0]  }
0xd8: {  	v24 =	vld [tilespmem:s11+$0xFFFFFFF0]  }
0xd9: {  	[tilespmem:v11+s31+$0x0] =	vst.idx.add.s32.msk vm7, v2  }
0xda: {  	[tilespmem:v17+s31+$0x0] =	vst.idx.add.s32.msk vm11, v2  }
0xdb: {  	[tilespmem:v4+s31+$0x0] =	vst.idx.add.s32.msk vm10, v2  }
0xdc: {  	[tilespmem:v15+s31+$0x0] =	vst.idx.add.s32.msk vm9, v2  }
0xdd: {  	v11 =	vld [tilespmem:s11+$0x20]  }
0xde: {  	v15 =	vld [tilespmem:s11+$0x30]  }
0xdf: {  	v17 =	vshrl.u32 v19, $0x8;
	v19 =	vand.u32 $0xFF, v19;
	v4 =	vshrl.u32 v23, $0x8;
	[tilespmem:v18+s31+$0x0] =	vst.idx.add.s32.msk vm6, v2  }
0xe0: {  	v25 =	vshrl.u32 v14, $0x8;
	v18 =	vand.u32 $0xFF, v14;
	vm6 =	veq.s32 v17, v3;
	[tilespmem:v13+s31+$0x0] =	vst.idx.add.s32.msk vm5, v2  }
0xe1: {  	v17 =	vand.u32 $0xFF, v22;
	v14 =	vand.u32 $0xFF, v24;
	v13 =	vshrl.u32 v24, $0x8;
	[tilespmem:v8+s31+$0x0] =	vst.idx.add.s32.msk vm8, v2  }
0xe2: {  	vm7 =	veq.s32 v13, v3;
	v13 =	vor.u32 v1, v14;
	v14 =	vshrl.u32 v11, $0x8;
	[tilespmem:v9+s31+$0x0] =	vst.idx.add.s32.msk vm1, v2  }
0xe3: {  	v8 =	vand.u32 $0xFF, v23;
	v9 =	vshrl.u32 v22, $0x8;
	v11 =	vand.u32 $0xFF, v11;
	[tilespmem:v10+s31+$0x0] =	vst.idx.add.s32.msk vm4, v2  }
0xe4: {  	v10 =	vshrl.u32 v21, $0x8;
	vm1 =	veq.s32 v9, v3;
	v9 =	vshrl.u32 v15, $0x8;
	[tilespmem:v5+s31+$0x0] =	vst.idx.add.s32.msk vm3, v2  }
0xe5: {  	v19 =	vor.u32 v1, v19;
	v5 =	vshrl.u32 v20, $0x8;
	v20 =	vand.u32 $0xFF, v20;
	[tilespmem:v6+s31+$0x0] =	vst.idx.add.s32.msk vm0, v2  }
0xe6: {  	vm5 =	veq.s32 v9, v3;
	v6 =	vshrl.u32 v16, $0x8;
	vm0 =	veq.s32 v5, v3;
	[tilespmem:v7+s31+$0x0] =	vst.idx.add.s32.msk vm2, v2  }
0xe7: {  	v5 =	vshrl.u32 v12, $0x8;
	vm4 =	veq.s32 v6, v3;
	v7 =	vand.u32 $0xFF, v15;
	v22 =	vld [tilespmem:s11+$0xFFFFFF80]  }
0xe8: {  	vm3 =	veq.s32 v5, v3;
	v5 =	vand.u32 $0xFF, v12;
	v12 =	vor.u32 v1, v11;
	[tilespmem:v13+s31+$0x0] =	vst.idx.add.s32.msk vm7, v2  }
.Ltmp4:
0xe9: {  	vm8 =	veq.s32 v14, v3;
	vm2 =	veq.s32 v10, v3;
	v5 =	vor.u32 v1, v5;
	v15 =	vld [tilespmem:s11+$0x50];
	(pc) =	sbr.rel @p1 .LBB2_7-.Ltmp4, $4  }
0xea: {  	v6 =	vor.u32 v1, v20;
	v20 =	vand.u32 $0xFF, v21;
	v13 =	vor.u32 v1, v7;
	v14 =	vld [tilespmem:s11+$0x70]  }
0xeb: {  	v9 =	vor.u32 v1, v17;
	v11 =	vor.u32 v1, v18;
	v7 =	vand.u32 $0xFF, v16;
	[tilespmem:v19+s31+$0x0] =	vst.idx.add.s32.msk vm6, v2  }
0xec: {  	v10 =	vor.u32 v1, v7;
	v7 =	vor.u32 v1, v20;
	v17 =	vshrl.u32 v22, $0x8;
	v16 =	vld [tilespmem:s11+$0x60]  }
0xed: {  	vm7 =	veq.s32 v25, v3;
	v18 =	vand.u32 $0xFF, v22;
	vm6 =	veq.s32 v17, v3;
	v17 =	vld [tilespmem:s11+$0x40];
	s11 =	sadd.s32 $0x100, s11  }
0xee: {  	_ =	sdelay $0x4  }
0xef: {  	[tilespmem:v12+s31+$0x0] =	vst.idx.add.s32.msk vm8, v2  }
0xf0: {  	[tilespmem:v13+s31+$0x0] =	vst.idx.add.s32.msk vm5, v2  }
0xf1: {  	v58 =	vshrl.u32 v15, $0x8;
	v62 =	vor.u32 v1, v18;
	vm15 =	veq.s32 v4, v3;
	[tilespmem:v11+s31+$0x0] =	vst.idx.add.s32.msk vm7, v2  }
0xf2: {  	v60 =	vand.u32 $0xFF, v15;
	v8 =	vor.u32 v1, v8;
	[tilespmem:v9+s31+$0x0] =	vst.idx.add.s32.msk vm1, v2;
	vm11 =	veq.s32 v58, v3  }
0xf3: {  	[tilespmem:v10+s31+$0x0] =	vst.idx.add.s32.msk vm4, v2;
	v61 =	vshrl.u32 v14, $0x8;
	v15 =	vor.u32 v1, v60;
	v63 =	vand.u32 $0xFF, v14  }
0xf4: {  	[tilespmem:v5+s31+$0x0] =	vst.idx.add.s32.msk vm3, v2;
	vm14 =	veq.s32 v61, v3;
	v4 =	vor.u32 v1, v63;
	v19 =	vshrl.u32 v16, $0x8  }
0xf5: {  	[tilespmem:v6+s31+$0x0] =	vst.idx.add.s32.msk vm0, v2;
	v59 =	vand.u32 $0xFF, v16;
	v20 =	vshrl.u32 v17, $0x8;
	vm9 =	veq.s32 v19, v3  }
0xf6: {  	[tilespmem:v7+s31+$0x0] =	vst.idx.add.s32.msk vm2, v2;
	v57 =	vand.u32 $0xFF, v17;
	v16 =	vor.u32 v1, v59;
	vm10 =	veq.s32 v20, v3  }
0xf7: {  	v17 =	vor.u32 v1, v57;
	[tilespmem:v62+s31+$0x0] =	vst.idx.add.s32.msk vm6, v2  }
.Ltmp5:
0xf8: {  	[tilespmem:v8+s31+$0x0] =	vst.idx.add.s32.msk vm15, v2;
	(pc) =	sbr.rel @p0 .LBB2_10-.Ltmp5, $4  }
0xf9: {  	[tilespmem:v15+s31+$0x0] =	vst.idx.add.s32.msk vm11, v2  }
0xfa: {  	[tilespmem:v4+s31+$0x0] =	vst.idx.add.s32.msk vm14, v2  }
0xfb: {  	[tilespmem:v16+s31+$0x0] =	vst.idx.add.s32.msk vm9, v2  }
0xfc: {  	[tilespmem:v17+s31+$0x0] =	vst.idx.add.s32.msk vm10, v2  }
.Ltmp6:
0xfd: {  	(pc) =	sbr.rel .LBB2_4-.Ltmp6, $4  }
0xfe: {  	s9 =	sadd.s32 s9, s8  }
0xff: {  	s9 =	sshrl.u32 s9, $0x3  }
0x100: {  	s6 =	sadd.s32 $0x1, s6;
	s9 =	sadd.s32 s4, s9  }
0x101: {  	[tilespmem:s29], [sflag:$0x2] =	stream.linear.gather [hbm4b:s9+s3], $0x4000, $0x38;
	[tilespmem:$0x9080] =	vst v63  }
.LBB2_11:
0x102: {  	_ =	sfence.sel $0x180000  }
0x103: {  	[bflag:$0x0] =	sbarrier.arrive $0xFFFF  }
0x104: {  	_ =	strace $0x9000004D  }
0x105: {  	s0 =	stileid.u32;
	[bflag:$0x2] =	sbarrier.arrive $0xFFFF  }
0x106: {  	p0 =	sne.s32 s0, $0x0;
	s0 =	rddreg [dreg:$0x2]  }
0x107: {  	s0 =	sadd.s32 @!p0 $0x100000, s0  }
0x108: {  	[sflag:s0] =	ssyncadd.tile.s32 @!p0 $0x1;
	_ =	shalt  }
.Lfunc_end2:
_tile_overlayer_lowered:
.L_overlay_start_2:
0x109: {  	(tag) =	ssettag $0x2  }
0x10a: {  	s0 =	rddreg [dreg:$0x0];
	s2 =	stileid.u32  }
0x10b: {  	s1 =	rddreg [dreg:$0x1];
	p0 =	sne.s32 s2, $0x0  }
0x10c: {  	s3 =	rddreg [dreg:$0x2];
	[bflag:$0x3] =	sbarrier.arrive $0xFFFF;
	s2 =	simm.s32 @!p0 $0x1C03  }
0x10d: {  	[timem:s3], [sflag:s2] =	dma.local @!p0 [hbm:s0], s1  }
0x10e: {  	s0 =	simm.s32 @!p0 $0x3  }
0x10f: {  	_ =	swait.ge @!p0 [sflag:s0], s1  }
0x110: {  	s1 =	ssub.s32 @!p0 $0x0, s1;
	[sflag:s0] =	ssyncset.done @!p0 $0x0  }
0x111: {  	[sflag:s0] =	ssyncadd.s32 @!p0 s1  }
0x112: {  	[bflag:$0x3] =	sbarrier.arrive $0xFFFF  }
0x113: {  	_ =	shalt  }

// kernel: kernel.9.cloned.1.call-start
scs
__scs_entry_jumppad:
0x0: {  	(pc) =	sbr.rel $0x88, $3  }
0x1: {  	(tag) =	ssettag $0x0;
	lr =	simm.s32 $0x1  }
0x2: {  	[smem:$0x3F9D] =	sst lr;
	_ =	strace $0xD0000000  }
0x3: {  	_ = 	snop  }
0x4: {  	_ = 	snop  }
0x5: {  	_ = 	snop  }
0x6: {  	_ = 	snop  }
0x7: {  	_ = 	snop  }
__scs_overlays_trampoline_lowered:
0x8: {  	[smem:$0x3FAC] =	sst s0  }
0x9: {  	[smem:$0x3FAD] =	sst s1  }
0xa: {  	[smem:$0x3FAE] =	sst s2  }
0xb: {  	[smem:$0x3FAF] =	sst s3  }
0xc: {  	[smem:$0x3FB0] =	sst s4  }
0xd: {  	[smem:$0x3FB1] =	sst s5  }
0xe: {  	[smem:$0x3FB2] =	sst s6  }
0xf: {  	[smem:$0x3FB3] =	sst s7  }
0x10: {  	[smem:$0x3FB4] =	sst s8  }
0x11: {  	[smem:$0x3FB5] =	sst s9;
	s0 =	simm.s32 @!p0 $0x0  }
0x12: {  	s1 =	sld [smem:$0x3F9B];
	s0 =	simm.s32 @p0 $0x1  }
0x13: {  	[smem:$0x3FB6] =	sst s0;
	s0 =	simm.s32 @!p1 $0x0  }
0x14: {  	s2 =	sld [smem:$0x3F9A];
	s0 =	simm.s32 @p1 $0x1  }
0x15: {  	[smem:$0x3FB7] =	sst s0;
	s0 =	simm.s32 @!p2 $0x0  }
0x16: {  	s3 =	sld [smem:$0x3FDB];
	s0 =	simm.s32 @p2 $0x1  }
0x17: {  	s4 =	simm.s32 $0x1BF5;
	[smem:$0x3FB9] =	sst s0  }
0x18: {  	s0 =	sld [smem:$0x3F9C];
	_ =	swait.ge [sflag:s4], $0x0  }
0x19: {  	s7 =	sld [smem:$0x3F9D]  }
0x1a: {  	s8 =	sadd.s32 $0xFFFFE003, lr  }
0x1b: {  	s9 =	sadd.s32 $0xFFFFFEF7, lr;
	s5 =	simm.s32 $0xFFFFFFFF;
	p2 =	slt.u32 s8, $0xFFFFF086  }
0x1c: {  	p1 =	slt.u32 s9, $0xF7A;
	s5 =	simm.s32 @!p2 $0x0  }
0x1d: {  	s5 =	simm.s32 @p1 $0x1;
	p0 =	seq.s32 s7, s2  }
0x1e: {  	s7 =	smul.u32 @!p0 $0xF7A, s2;
	p2 =	seq.s32 @!p0 s5, $0x0  }
0x1f: {  	s9 =	smul.u32 $0xF7A, s1;
	s8 =	simm.s32 @!p0 $0x1BF5;
	p2 =	por !p2, p0  }
0x20: {  	[sflag:s8] =	ssyncset.s32 @!p0 $0xFFFFF086;
	s6 =	sadd.s32 @!p0 s3, s7;
	s7 =	simm.s32 @!p0 $0x108  }
0x21: {  	s3 =	sadd.s32 s3, s9;
	s6 =	sadd.s32 @!p0 $0x88, s6;
	s7 =	simm.s32 @p2 $0x1082  }
0x22: {  	[simem:s7], [sflag:s8] =	dma.local @!p0 [hbm:s6], $0xF7A  }
0x23: {  	s9 =	sor.u32 $0xD0000000, s2;
	s6 =	simm.s32 $0x108;
	_ =	swait.ge @!p0 [sflag:s8], $0x0  }
0x24: {  	s3 =	sadd.s32 $0x88, s3;
	s6 =	simm.s32 @!p1 $0x1082;
	[sflag:s4] =	ssyncset.s32 $0xFFFFF086  }
0x25: {  	[simem:s6], [sflag:s4] =	dma.local [hbm:s3], $0xF7A  }
0x26: {  	[smem:$0x3F9D] =	sst s1;
	(tag) =	ssettag s2;
	_ =	strace s9  }
0x27: {  	s1 =	sld [smem:$0x3FAD]  }
0x28: {  	s2 =	sld [smem:$0x3FAE]  }
0x29: {  	s4 =	sld [smem:$0x3FB0]  }
0x2a: {  	p0 =	seq.s32 s5, $0x0;
	s5 =	sld [smem:$0x3FB1]  }
0x2b: {  	s6 =	sld [smem:$0x3FB2]  }
0x2c: {  	s7 =	sld [smem:$0x3FB3]  }
0x2d: {  	s3 =	simm.s32 $0x108;
	s8 =	sld [smem:$0x3FB4]  }
0x2e: {  	s3 =	simm.s32 @!p0 $0x1082;
	s9 =	sld [smem:$0x3FB5]  }
0x2f: {  	lr =	sadd.s32 s0, s3;
	s0 =	sld [smem:$0x3FAC]  }
0x30: {  	s3 =	sld [smem:$0x3FAF]  }
0x31: {  	[smem:$0x3FB8] =	sst s10  }
0x32: {  	s10 =	sld [smem:$0x3FB6];
	_ =	sdelay $0x3  }
0x33: {  	p0 =	seq.s32 s10, $0x1;
	s10 =	sld [smem:$0x3FB8];
	_ =	sdelay $0x3  }
0x34: {  	[smem:$0x3FB8] =	sst s10  }
0x35: {  	s10 =	sld [smem:$0x3FB7];
	_ =	sdelay $0x3  }
0x36: {  	p1 =	seq.s32 s10, $0x1;
	s10 =	sld [smem:$0x3FB8];
	_ =	sdelay $0x3  }
0x37: {  	[smem:$0x3FB8] =	sst s10  }
0x38: {  	s10 =	sld [smem:$0x3FB9]  }
0x39: {  	_ = 	snop;
	(pc) =	sbr.ind lr, $3  }
0x3a: {  	_ = 	snop  }
0x3b: {  	_ = 	snop  }
0x3c: {  	p2 =	seq.s32 s10, $0x1;
	s10 =	sld [smem:$0x3FB8]  }
0x3d: {  	_ =	shalt  }
0x3e: {  	_ =	shalt  }
0x3f: {  	_ =	shalt  }
0x40: {  	_ =	shalt  }
0x41: {  	_ =	shalt  }
0x42: {  	_ =	shalt  }
0x43: {  	_ =	shalt  }
0x44: {  	_ =	shalt  }
0x45: {  	_ =	shalt  }
0x46: {  	_ =	shalt  }
0x47: {  	_ =	shalt  }
0x48: {  	_ =	shalt  }
0x49: {  	_ =	shalt  }
0x4a: {  	_ =	shalt  }
0x4b: {  	_ =	shalt  }
0x4c: {  	_ =	shalt  }
0x4d: {  	_ =	shalt  }
0x4e: {  	_ =	shalt  }
0x4f: {  	_ =	shalt  }
0x50: {  	_ =	shalt  }
0x51: {  	_ =	shalt  }
0x52: {  	_ =	shalt  }
0x53: {  	_ =	shalt  }
0x54: {  	_ =	shalt  }
0x55: {  	_ =	shalt  }
0x56: {  	_ =	shalt  }
0x57: {  	_ =	shalt  }
0x58: {  	_ =	shalt  }
0x59: {  	_ =	shalt  }
0x5a: {  	_ =	shalt  }
0x5b: {  	_ =	shalt  }
0x5c: {  	_ =	shalt  }
0x5d: {  	_ =	shalt  }
0x5e: {  	_ =	shalt  }
0x5f: {  	_ =	shalt  }
0x60: {  	_ =	shalt  }
0x61: {  	_ =	shalt  }
0x62: {  	_ =	shalt  }
0x63: {  	_ =	shalt  }
0x64: {  	_ =	shalt  }
0x65: {  	_ =	shalt  }
0x66: {  	_ =	shalt  }
0x67: {  	_ =	shalt  }
0x68: {  	_ =	shalt  }
0x69: {  	_ =	shalt  }
0x6a: {  	_ =	shalt  }
0x6b: {  	_ =	shalt  }
0x6c: {  	_ =	shalt  }
0x6d: {  	_ =	shalt  }
0x6e: {  	_ =	shalt  }
0x6f: {  	_ =	shalt  }
0x70: {  	_ =	shalt  }
0x71: {  	_ =	shalt  }
0x72: {  	_ =	shalt  }
0x73: {  	_ =	shalt  }
0x74: {  	_ =	shalt  }
0x75: {  	_ =	shalt  }
0x76: {  	_ =	shalt  }
0x77: {  	_ =	shalt  }
0x78: {  	_ =	shalt  }
0x79: {  	_ =	shalt  }
0x7a: {  	_ =	shalt  }
0x7b: {  	_ =	shalt  }
0x7c: {  	_ =	shalt  }
0x7d: {  	_ =	shalt  }
0x7e: {  	_ =	shalt  }
0x7f: {  	_ =	shalt  }
0x80: {  	_ =	shalt  }
0x81: {  	_ =	shalt  }
0x82: {  	_ =	shalt  }
0x83: {  	_ =	shalt  }
0x84: {  	_ =	shalt  }
0x85: {  	_ =	shalt  }
0x86: {  	_ =	shalt  }
0x87: {  	_ =	shalt  }
.Lfunc_end0:
.L_simem_size_0:
called_computation_lowered:
.L_overlay_start_0:
0x88: {  	s2 =	sld [smem:$0x3FD9]  }
0x89: {  	s3 =	sld [smem:$0x3FFE];
	_ =	sdelay $0x1  }
0x8a: {  	s1 =	srdreg.scid  }
0x8b: {  	s0 =	sand.u32 $0x1, s1  }
0x8c: {  	s16 =	sshll.u32 s0, $0xA;
	s2 =	sadd.s32 s3, s2  }
0x8d: {  	s2 =	sadd.s32 s2, s16  }
0x8e: {  	[smem:$0x3FC4] =	sst s2  }
0x8f: {  	_ = 	snop  }
0x90: {  	(tm) =	ssettm $0x1  }
0x91: {  	s17 =	sld [smem:$0x3FFB];
	_ =	sdelay $0x3  }
0x92: {  	_ =	strace s17  }
0x93: {  	s2 =	sld [smem:$0x3FFC];
	_ =	sdelay $0x3  }
0x94: {  	_ =	strace s2  }
0x95: {  	s2 =	sld [smem:$0x3FFD];
	_ =	sdelay $0x3  }
0x96: {  	_ =	strace s2  }
0x97: {  	_ =	strace $0x8FFFFFFF  }
0x98: {  	s18 =	sld [smem:$0x3FDB];
	_ =	sdelay $0x1  }
0x99: {  	s19 =	simm.s32 $_scs_section_size  }
0x9a: {  	s4 =	simm.s32 $_size__tile_overlayer_lowered;
	s5 =	simm.s32 $_tile_overlayer_lowered  }
0x9b: {  	s22 =	simm.s32 $0x1BFF;
	s21 =	sshll.u32 s5, $0x1;
	s2 =	sadd.s32 s19, s18  }
0x9c: {  	s6 =	simm.s32 $0x0;
	s20 =	sshll.u32 s4, $0x1;
	s4 =	sadd.s32 s21, s2  }
0x9d: {  	[timem:s6], [sflag:s22] =	dma.local [hbm:s4], s20  }
0x9e: {  	_ =	swait.ge [sflag:s22], s20  }
0x9f: {  	s3 =	ssub.s32 $0x0, s20;
	[sflag:s22] =	ssyncset.done $0x0  }
0xa0: {  	[sflag:s22] =	ssyncadd.s32 s3;
	_ =	sdelay $0x1  }
0xa1: {  	s23 =	simm.s32 $0x1B8B  }
0xa2: {  	_ =	swait.ge [sflag:s23], $0x1  }
0xa3: {  	[sflag:s23] =	ssyncset.done $0x0  }
0xa4: {  	s25 =	simm.s32 $0x1B8E;
	s24 =	sld [smem:$0x3FFE];
	[sflag:s23] =	ssyncadd.s32 $0xFFFFFFFF  }
0xa5: {  	s26 =	simm.s32 $execute0_lowered;
	[smem:$0x3FD2] =	sst s25  }
0xa6: {  	s4 =	sshll.u32 s26, $0x1;
	_ =	strace $0x80000046;
	[dreg:$0x1] =	wrdreg $0xFFFFFFFF  }
0xa7: {  	s28 =	simm.s32 $_size_execute0_lowered;
	s2 =	sadd.s32 s2, s4;
	[dreg:$0x0] =	wrdreg $0x0  }
0xa8: {  	s4 =	sshll.u32 s28, $0x1;
	[dreg:$0x2] =	wrdreg s2  }
0xa9: {  	[dreg:$0x3] =	wrdreg s4  }
0xaa: {  	[dreg:$0x4] =	wrdreg $0xC0  }
0xab: {  	_ =	task [dreg:s6], $0x5FFFF  }
0xac: {  	[dreg:$0x1] =	wrdreg $0xFFFFFFFF  }
0xad: {  	[dreg:$0x0] =	wrdreg $0x60  }
0xae: {  	[dreg:$0x2] =	wrdreg s24  }
0xaf: {  	[dreg:$0x3] =	wrdreg $0x9  }
0xb0: {  	_ =	task.clear_ibuf [dreg:s6], $0x4FFFF;
	_ =	strace $0x90000046  }
0xb1: {  	s29 =	simm.s32 $0x9;
	_ =	strace $0x80000048  }
0xb2: {  	_ =	swait.ge [sflag:s29], $0x1  }
0xb3: {  	[sflag:s29] =	ssyncadd.s32 $0xFFFFFFFF  }
0xb4: {  	_ =	strace $0x90000048  }
0xb5: {  	_ =	sfence  }
0xb6: {  	s30 =	sld [smem:$0x0];
	_ =	sdelay $0x2  }
0xb7: {  	s31 =	sshll.u32 s1, $0xD;
	s1 =	sshrl.u32 s1, $0x2  }
0xb8: {  	s3 =	sand.u32 $0x4000, s31;
	s1 =	sadd.s32 s1, s30  }
0xb9: {  	s0 =	sor.u32 s3, s0;
	s1 =	sshll.u32 s1, $0x11  }
0xba: {  	s0 =	sor.u32 s1, s0  }
0xbb: {  	s0 =	sadd.s32 $0x8F2B, s0  }
0xbc: {  	[sflag:s0] =	ssyncadd.remote.s32 $0x1  }
0xbd: {  	_ =	sfence.sel $0xFFFF  }
0xbe: {  	[dreg:$0x0] =	wrdreg $0xFFFFFFFF;
	(pc) =	sbr.abs _section_cstart, $3  }
0xbf: {  	[dreg:$0x1] =	wrdreg $0xFFFFFFFF  }
0xc0: {  	_ =	task.clear_ibuf [dreg:s6], $0x2FFFF;
	_ =	strace $0x9FFFFFFF  }
0xc1: {  	(tm) =	ssettm $0x7FFFFFFF  }
tec
execute0_lowered:
.L_overlay_start_1:
0x0: {  	(tag) =	ssettag $0x1  }
0x1: {  	s0 =	rddreg [dreg:$0x0];
	s2 =	simm.s32 $0x0;
	s1 =	srdreg.scid  }
0x2: {  	s3 =	stileid.u32;
	s28 =	simm.s32 $0x8000;
	s29 =	simm.s32 $0x2  }
0x3: {  	s30 =	simm.s32 $0x80;
	s1 =	sand.u32 $0x1, s1;
	s3 =	sshll.u32 s3, $0x1  }
0x4: {  	s31 =	simm.s32 $0x400;
	[smem:$0x7FF] =	sst s2;
	s4 =	sor.u32 s1, s3  }
0x5: {  	_ =	strace $0x80000047;
	s3 =	sadd.s32 $0x2000, s0;
	s6 =	sshll.u32 s4, $0x10  }
0x6: {  	s5 =	sshll.u32 s4, $0xD;
	s22 =	sshll.u32 s4, $0x13;
	s4 =	sadd.s32 s3, s6  }
0x7: {  	s0 =	sadd.s32 s5, s0;
	s7 =	sor.u32 $0xC000, s22;
	s6 =	sadd.s32 $0x800, s4  }
0x8: {  	s1 =	ssub.s32 $0x2, s1;
	s23 =	sadd.s32 $0x202400, s0;
	s24 =	sadd.s32 $0x202410, s0  }
0x9: {  	s26 =	sshrl.u32 s1, $0x1;
	s25 =	sadd.s32 $0x202420, s0;
	s11 =	sadd.s32 $0x202430, s0  }
0xa: {  	s1 =	ssub.s32 s1, s26;
	s12 =	sadd.s32 $0x202440, s0;
	s13 =	sadd.s32 $0x202450, s0  }
0xb: {  	s26 =	simm.s32 $0x1;
	s14 =	sadd.s32 $0x202460, s0;
	s15 =	sadd.s32 $0x202470, s0  }
0xc: {  	s16 =	sadd.s32 $0x203400, s0;
	s17 =	sadd.s32 $0x203410, s0;
	[dreg:$0x2] =	wrdreg s6  }
.Ltmp0:
0xd: {  	s18 =	sadd.s32 $0x203420, s0;
	[dreg:$0x3] =	wrdreg s23;
	(pc) =	sbr.rel .LBB2_1-.Ltmp0, $4  }
0xe: {  	s19 =	sadd.s32 $0x203430, s0;
	s20 =	sadd.s32 $0x203440, s0;
	[dreg:$0x4] =	wrdreg s24  }
0xf: {  	s21 =	sadd.s32 $0x203450, s0;
	s6 =	sor.u32 $0x8000, s22;
	[dreg:$0x5] =	wrdreg s25  }
0x10: {  	v1 =	vlaneseq.u32;
	s22 =	sadd.s32 $0x203460, s0;
	s23 =	sadd.s32 $0x203470, s0;
	s24 =	smax.u32 s1, $0x1  }
0x11: {  	v0 =	vimm.s32 $0x0;
	v2 =	vimm.s32 $0x1;
	v1 =	vmul.u32 $0x1000, v1;
	s25 =	simm.s32 $0x4000;
	s0 =	simm.s32 $0x3;
	s1 =	simm.s32 $0x0  }
.LBB2_10:
0x12: {  	s5 =	rddreg [dreg:$0x3]  }
0x13: {  	[hbm4b:s5+s30] =	stream.strided.scatter [tilespmem:s28], [sflag:$0x3], $0x1000, s31, s30, $0x38;
	[tilespmem:$0x18000] =	vst v63  }
0x14: {  	_ =	swait.ge [sflag:s0], $0x1000  }
0x15: {  	[sflag:s0] =	ssyncset.done $0x0  }
0x16: {  	s8 =	simm.s32 $0x9000;
	s10 =	rddreg [dreg:$0x4];
	[sflag:s0] =	ssyncadd.s32 $0xFFFFF000  }
0x17: {  	[hbm4b:s10+s30] =	stream.strided.scatter [tilespmem:s8], [sflag:$0x3], $0x1000, s31, s30, $0x38;
	[tilespmem:$0x18000] =	vst v63  }
0x18: {  	_ =	swait.ge [sflag:s0], $0x1000  }
0x19: {  	[sflag:s0] =	ssyncset.done $0x0  }
0x1a: {  	s9 =	simm.s32 $0xA000;
	s8 =	rddreg [dreg:$0x5];
	[sflag:s0] =	ssyncadd.s32 $0xFFFFF000  }
0x1b: {  	[hbm4b:s8+s30] =	stream.strided.scatter [tilespmem:s9], [sflag:$0x3], $0x1000, s31, s30, $0x38;
	[tilespmem:$0x18000] =	vst v63  }
0x1c: {  	_ =	swait.ge [sflag:s0], $0x1000  }
0x1d: {  	[sflag:s0] =	ssyncset.done $0x0  }
0x1e: {  	s10 =	simm.s32 $0xB000;
	[sflag:s0] =	ssyncadd.s32 $0xFFFFF000  }
0x1f: {  	[hbm4b:s11+s30] =	stream.strided.scatter [tilespmem:s10], [sflag:$0x3], $0x1000, s31, s30, $0x38;
	[tilespmem:$0x18000] =	vst v63  }
0x20: {  	_ =	swait.ge [sflag:s0], $0x1000  }
0x21: {  	[sflag:s0] =	ssyncset.done $0x0  }
0x22: {  	s8 =	simm.s32 $0xC000;
	[sflag:s0] =	ssyncadd.s32 $0xFFFFF000  }
0x23: {  	[hbm4b:s12+s30] =	stream.strided.scatter [tilespmem:s8], [sflag:$0x3], $0x1000, s31, s30, $0x38;
	[tilespmem:$0x18000] =	vst v63  }
0x24: {  	_ =	swait.ge [sflag:s0], $0x1000  }
0x25: {  	[sflag:s0] =	ssyncset.done $0x0  }
0x26: {  	s9 =	simm.s32 $0xD000;
	[sflag:s0] =	ssyncadd.s32 $0xFFFFF000  }
0x27: {  	[hbm4b:s13+s30] =	stream.strided.scatter [tilespmem:s9], [sflag:$0x3], $0x1000, s31, s30, $0x38;
	[tilespmem:$0x18000] =	vst v63  }
0x28: {  	_ =	swait.ge [sflag:s0], $0x1000  }
0x29: {  	[sflag:s0] =	ssyncset.done $0x0  }
0x2a: {  	s10 =	simm.s32 $0xE000;
	[sflag:s0] =	ssyncadd.s32 $0xFFFFF000  }
0x2b: {  	[hbm4b:s14+s30] =	stream.strided.scatter [tilespmem:s10], [sflag:$0x3], $0x1000, s31, s30, $0x38;
	[tilespmem:$0x18000] =	vst v63  }
0x2c: {  	_ =	swait.ge [sflag:s0], $0x1000  }
0x2d: {  	[sflag:s0] =	ssyncset.done $0x0  }
0x2e: {  	s8 =	simm.s32 $0xF000;
	[sflag:s0] =	ssyncadd.s32 $0xFFFFF000  }
0x2f: {  	[hbm4b:s15+s30] =	stream.strided.scatter [tilespmem:s8], [sflag:$0x3], $0x1000, s31, s30, $0x38;
	[tilespmem:$0x18000] =	vst v63  }
0x30: {  	_ =	swait.ge [sflag:s0], $0x1000  }
0x31: {  	[sflag:s0] =	ssyncset.done $0x0  }
0x32: {  	s9 =	simm.s32 $0x10000;
	[sflag:s0] =	ssyncadd.s32 $0xFFFFF000  }
0x33: {  	[hbm4b:s16+s30] =	stream.strided.scatter [tilespmem:s9], [sflag:$0x3], $0x1000, s31, s30, $0x38;
	[tilespmem:$0x18000] =	vst v63  }
0x34: {  	_ =	swait.ge [sflag:s0], $0x1000  }
0x35: {  	[sflag:s0] =	ssyncset.done $0x0  }
0x36: {  	s10 =	simm.s32 $0x11000;
	[sflag:s0] =	ssyncadd.s32 $0xFFFFF000  }
0x37: {  	[hbm4b:s17+s30] =	stream.strided.scatter [tilespmem:s10], [sflag:$0x3], $0x1000, s31, s30, $0x38;
	[tilespmem:$0x18000] =	vst v63  }
0x38: {  	_ =	swait.ge [sflag:s0], $0x1000  }
0x39: {  	[sflag:s0] =	ssyncset.done $0x0  }
0x3a: {  	s8 =	simm.s32 $0x12000;
	[sflag:s0] =	ssyncadd.s32 $0xFFFFF000  }
0x3b: {  	[hbm4b:s18+s30] =	stream.strided.scatter [tilespmem:s8], [sflag:$0x3], $0x1000, s31, s30, $0x38;
	[tilespmem:$0x18000] =	vst v63  }
0x3c: {  	_ =	swait.ge [sflag:s0], $0x1000  }
0x3d: {  	[sflag:s0] =	ssyncset.done $0x0  }
0x3e: {  	s9 =	simm.s32 $0x13000;
	[sflag:s0] =	ssyncadd.s32 $0xFFFFF000  }
0x3f: {  	[hbm4b:s19+s30] =	stream.strided.scatter [tilespmem:s9], [sflag:$0x3], $0x1000, s31, s30, $0x38;
	[tilespmem:$0x18000] =	vst v63  }
0x40: {  	_ =	swait.ge [sflag:s0], $0x1000  }
0x41: {  	[sflag:s0] =	ssyncset.done $0x0  }
0x42: {  	s10 =	simm.s32 $0x14000;
	[sflag:s0] =	ssyncadd.s32 $0xFFFFF000  }
0x43: {  	[hbm4b:s20+s30] =	stream.strided.scatter [tilespmem:s10], [sflag:$0x3], $0x1000, s31, s30, $0x38;
	[tilespmem:$0x18000] =	vst v63  }
0x44: {  	_ =	swait.ge [sflag:s0], $0x1000  }
0x45: {  	[sflag:s0] =	ssyncset.done $0x0  }
0x46: {  	s8 =	simm.s32 $0x15000;
	[sflag:s0] =	ssyncadd.s32 $0xFFFFF000  }
0x47: {  	[hbm4b:s21+s30] =	stream.strided.scatter [tilespmem:s8], [sflag:$0x3], $0x1000, s31, s30, $0x38;
	[tilespmem:$0x18000] =	vst v63  }
0x48: {  	_ =	swait.ge [sflag:s0], $0x1000  }
0x49: {  	[sflag:s0] =	ssyncset.done $0x0  }
0x4a: {  	s9 =	simm.s32 $0x16000;
	[sflag:s0] =	ssyncadd.s32 $0xFFFFF000  }
0x4b: {  	[hbm4b:s22+s30] =	stream.strided.scatter [tilespmem:s9], [sflag:$0x3], $0x1000, s31, s30, $0x38;
	[tilespmem:$0x18000] =	vst v63  }
0x4c: {  	s1 =	sadd.s32 $0x1, s1;
	_ =	swait.ge [sflag:s0], $0x1000  }
0x4d: {  	p0 =	sne.s32 s1, s24;
	[sflag:s0] =	ssyncset.done $0x0  }
.Ltmp1:
0x4e: {  	s10 =	simm.s32 $0x17000;
	[sflag:s0] =	ssyncadd.s32 $0xFFFFF000;
	(pc) =	sbr.rel @!p0 .LBB2_11-.Ltmp1, $4  }
0x4f: {  	[hbm4b:s23+s30] =	stream.strided.scatter [tilespmem:s10], [sflag:$0x3], $0x1000, s31, s30, $0x38;
	[tilespmem:$0x18000] =	vst v63  }
0x50: {  	_ =	swait.ge [sflag:s0], $0x1000  }
0x51: {  	[sflag:s0] =	ssyncset.done $0x0  }
0x52: {  	[sflag:s0] =	ssyncadd.s32 $0xFFFFF000  }
.LBB2_1:
0x53: {  	s5 =	simm.s32 $0x8040  }
0x54: {  	[tilespmem:s5+$0xFFFFFFC0] =	vst v0  }
0x55: {  	[tilespmem:s5+$0x30] =	vst v0  }
0x56: {  	[tilespmem:s5+$0x20] =	vst v0  }
0x57: {  	[tilespmem:s5+$0x10] =	vst v0  }
0x58: {  	[tilespmem:s5+$0x0] =	vst v0  }
0x59: {  	[tilespmem:s5+$0xFFFFFFF0] =	vst v0  }
0x5a: {  	s8 =	simm.s32 $0x0;
	[tilespmem:s5+$0xFFFFFFE0] =	vst v0  }
.LBB2_2:
0x5b: {  	s8 =	sadd.s32 $0x80, s8;
	[tilespmem:s5+$0xFFFFFFD0] =	vst v0;
	s5 =	sadd.s32 $0x80, s5  }
0x5c: {  	[tilespmem:s5+$0xFFFFFFC0] =	vst v0;
	p0 =	slt.u32 s8, $0xFF80  }
0x5d: {  	[tilespmem:s5+$0x30] =	vst v0  }
.Ltmp2:
0x5e: {  	[tilespmem:s5+$0x20] =	vst v0;
	(pc) =	sbr.rel @p0 .LBB2_2-.Ltmp2, $4  }
0x5f: {  	[tilespmem:s5+$0x10] =	vst v0  }
0x60: {  	[tilespmem:s5+$0x0] =	vst v0  }
0x61: {  	[tilespmem:s5+$0xFFFFFFF0] =	vst v0  }
0x62: {  	[tilespmem:s5+$0xFFFFFFE0] =	vst v0  }
0x63: {  	[tilespmem:s5+$0xFFFFFFD0] =	vst v0;
	s5 =	simm.s32 $0x0  }
0x64: {  	[tilespmem:s5], [sflag:$0x1] =	stream.linear.gather [hbm4b:s4+s5], $0x4000, $0x38;
	[tilespmem:$0x18000] =	vst v63  }
0x65: {  	s8 =	rddreg [dreg:$0x2]  }
0x66: {  	[tilespmem:s25], [sflag:$0x2] =	stream.linear.gather [hbm4b:s8+s5], $0x4000, $0x38;
	[tilespmem:$0x18000] =	vst v63  }
.LBB2_4:
0x67: {  	_ =	swait.ge [sflag:s26], $0x4000  }
0x68: {  	[sflag:s26] =	ssyncset.done $0x0  }
0x69: {  	s8 =	simm.s32 $0x80;
	[sflag:s26] =	ssyncadd.s32 $0xFFFFC000  }
0x6a: {  	v3 =	vld [tilespmem:s8+$0xFFFFFF80]  }
0x6b: {  	v4 =	vld [tilespmem:s8+$0x60]  }
0x6c: {  	v6 =	vld [tilespmem:s8+$0x0]  }
0x6d: {  	v7 =	vld [tilespmem:s8+$0x50]  }
0x6e: {  	v8 =	vld [tilespmem:s8+$0xFFFFFFD0]  }
0x6f: {  	v10 =	vld [tilespmem:s8+$0xFFFFFFF0];
	_ =	sdelay $0x3  }
0x70: {  	v5 =	vld [tilespmem:s8+$0x20];
	v3 =	vshrl.u32 v3, $0x14;
	v4 =	vshrl.u32 v4, $0x14;
	v6 =	vshrl.u32 v6, $0x14  }
0x71: {  	v7 =	vshrl.u32 v7, $0x14;
	v19 =	vshrl.u32 v10, $0x14;
	v18 =	vshrl.u32 v8, $0x14  }
0x72: {  	v15 =	vld [tilespmem:s8+$0xFFFFFFA0];
	v9 =	vand.u32 $0xF80, v3;
	v3 =	vand.u32 $0x7F, v3;
	v12 =	vand.u32 $0x7F, v4  }
0x73: {  	v11 =	vld [tilespmem:s8+$0xFFFFFFE0];
	v4 =	vand.u32 $0xF80, v4;
	v10 =	vand.u32 $0x7F, v7;
	v7 =	vand.u32 $0xF80, v7  }
0x74: {  	v13 =	vld [tilespmem:s8+$0xFFFFFFC0];
	v8 =	vand.u32 $0xF80, v18;
	v9 =	vor.u32 v1, v9;
	v7 =	vor.u32 v1, v7  }
0x75: {  	v17 =	vld [tilespmem:s8+$0xFFFFFF90];
	v4 =	vor.u32 v1, v4;
	v9 =	vor.u32 v3, v9;
	v3 =	vshrl.u32 v5, $0x14  }
0x76: {  	v5 =	vand.u32 $0x7F, v6;
	v6 =	vand.u32 $0xF80, v6;
	v21 =	vor.u32 v10, v7  }
0x77: {  	v10 =	vshrl.u32 v15, $0x14;
	v7 =	vor.u32 v1, v8;
	v14 =	vand.u32 $0xF80, v3  }
0x78: {  	v15 =	vld [tilespmem:s8+$0x10];
	v16 =	vand.u32 $0x7F, v3;
	v3 =	vshrl.u32 v11, $0x14;
	v14 =	vor.u32 v1, v14  }
0x79: {  	v11 =	vshrl.u32 v13, $0x14;
	v13 =	vld [tilespmem:s8+$0xFFFFFFB0];
	v8 =	vand.u32 $0xF80, v10;
	v14 =	vor.u32 v16, v14  }
0x7a: {  	v20 =	vand.u32 $0xF80, v11;
	v16 =	vshrl.u32 v17, $0x14;
	v17 =	vor.u32 v12, v4;
	v12 =	vld [tilespmem:s8+$0x70]  }
0x7b: {  	v11 =	vand.u32 $0x7F, v11;
	v4 =	vand.u32 $0x7F, v10;
	v10 =	vor.u32 v1, v8;
	[tilespmem:v9+s28+$0x0] =	vst.idx.add.s32.msk $0xffff, v2  }
0x7c: {  	v8 =	vand.u32 $0xF80, v3;
	v23 =	vor.u32 v4, v10;
	v4 =	vand.u32 $0xF80, v16;
	v9 =	vld [tilespmem:s8+$0x40]  }
0x7d: {  	v22 =	vand.u32 $0x7F, v16;
	v10 =	vor.u32 v1, v6;
	[tilespmem:v21+s28+$0x0] =	vst.idx.add.s32.msk $0xffff, v2;
	v4 =	vor.u32 v1, v4  }
0x7e: {  	v6 =	vshrl.u32 v13, $0x14;
	v13 =	vand.u32 $0x7F, v18;
	v4 =	vor.u32 v22, v4;
	[tilespmem:v14+s28+$0x0] =	vst.idx.add.s32.msk $0xffff, v2  }
0x7f: {  	v18 =	vshrl.u32 v15, $0x14;
	v16 =	vand.u32 $0xF80, v6;
	v6 =	vand.u32 $0x7F, v6;
	[tilespmem:v17+s28+$0x0] =	vst.idx.add.s32.msk $0xffff, v2  }
0x80: {  	v16 =	vor.u32 v1, v16;
	v17 =	vor.u32 v1, v20;
	v20 =	vand.u32 $0xF80, v19;
	v14 =	vld [tilespmem:s8+$0x30]  }
0x81: {  	s9 =	simm.s32 $0x180;
	v15 =	vand.u32 $0x7F, v19;
	s8 =	simm.s32 $0x0;
	[tilespmem:v23+s28+$0x0] =	vst.idx.add.s32.msk $0xffff, v2;
	v6 =	vor.u32 v6, v16;
	v16 =	vor.u32 v1, v20  }
.LBB2_5:
0x82: {  	v19 =	vld [tilespmem:s9+$0x60];
	s8 =	sadd.s32 $0x100, s8;
	v11 =	vor.u32 v11, v17;
	v17 =	vand.u32 $0xF80, v18;
	v18 =	vand.u32 $0x7F, v18  }
0x83: {  	v8 =	vor.u32 v1, v8;
	v5 =	vor.u32 v5, v10;
	v20 =	vld [tilespmem:s9+$0xFFFFFF90];
	p0 =	slt.u32 s8, $0x3F00;
	v10 =	vor.u32 v1, v17  }
0x84: {  	v9 =	vshrl.u32 v9, $0x14;
	v12 =	vshrl.u32 v12, $0x14;
	v17 =	vld [tilespmem:s9+$0xFFFFFFA0];
	v10 =	vor.u32 v18, v10  }
0x85: {  	v7 =	vor.u32 v13, v7;
	v13 =	vand.u32 $0xF80, v9;
	v21 =	vand.u32 $0xF80, v12;
	v18 =	vld [tilespmem:s9+$0xFFFFFF80]  }
0x86: {  	v9 =	vand.u32 $0x7F, v9;
	v12 =	vand.u32 $0x7F, v12;
	v13 =	vor.u32 v1, v13;
	v22 =	vld [tilespmem:s9+$0x20]  }
0x87: {  	v9 =	vor.u32 v9, v13;
	v13 =	vor.u32 v1, v21;
	v23 =	vld [tilespmem:s9+$0xFFFFFFC0]  }
0x88: {  	v14 =	vshrl.u32 v14, $0x14;
	v12 =	vor.u32 v12, v13;
	v21 =	vld [tilespmem:s9+$0xFFFFFFD0]  }
0x89: {  	v13 =	vor.u32 v15, v16;
	[tilespmem:v10+s28+$0x0] =	vst.idx.add.s32.msk $0xffff, v2;
	v10 =	vand.u32 $0xF80, v14  }
0x8a: {  	v14 =	vand.u32 $0x7F, v14;
	v15 =	vshrl.u32 v18, $0x14;
	v16 =	vld [tilespmem:s9+$0xFFFFFFE0];
	v10 =	vor.u32 v1, v10  }
0x8b: {  	v3 =	vand.u32 $0x7F, v3;
	v18 =	vand.u32 $0xF80, v15;
	v24 =	vld [tilespmem:s9+$0xFFFFFFF0];
	v10 =	vor.u32 v14, v10  }
0x8c: {  	v3 =	vor.u32 v3, v8;
	v14 =	vor.u32 v1, v18;
	v18 =	vld [tilespmem:s9+$0x0]  }
0x8d: {  	[tilespmem:v12+s28+$0x0] =	vst.idx.add.s32.msk $0xffff, v2  }
0x8e: {  	v8 =	vld [tilespmem:s9+$0x50]  }
0x8f: {  	[tilespmem:v13+s28+$0x0] =	vst.idx.add.s32.msk $0xffff, v2  }
0x90: {  	v12 =	vshrl.u32 v19, $0x14;
	[tilespmem:v5+s28+$0x0] =	vst.idx.add.s32.msk $0xffff, v2  }
0x91: {  	v13 =	vand.u32 $0x7F, v12;
	v5 =	vand.u32 $0x7F, v15;
	[tilespmem:v7+s28+$0x0] =	vst.idx.add.s32.msk $0xffff, v2  }
0x92: {  	v12 =	vand.u32 $0xF80, v12;
	v14 =	vor.u32 v5, v14;
	v7 =	vshrl.u32 v22, $0x14;
	[tilespmem:v9+s28+$0x0] =	vst.idx.add.s32.msk $0xffff, v2  }
0x93: {  	v9 =	vshrl.u32 v18, $0x14;
	v15 =	vand.u32 $0xF80, v7;
	v8 =	vshrl.u32 v8, $0x14;
	[tilespmem:v10+s28+$0x0] =	vst.idx.add.s32.msk $0xffff, v2  }
0x94: {  	v5 =	vand.u32 $0x7F, v9;
	v10 =	vand.u32 $0x7F, v7;
	v15 =	vor.u32 v1, v15;
	[tilespmem:v11+s28+$0x0] =	vst.idx.add.s32.msk $0xffff, v2  }
0x95: {  	v19 =	vshrl.u32 v24, $0x14;
	v11 =	vand.u32 $0xF80, v9;
	v7 =	vand.u32 $0x7F, v8;
	[tilespmem:v3+s28+$0x0] =	vst.idx.add.s32.msk $0xffff, v2  }
0x96: {  	v18 =	vshrl.u32 v21, $0x14;
	v8 =	vand.u32 $0xF80, v8;
	v3 =	vshrl.u32 v16, $0x14;
	[tilespmem:v6+s28+$0x0] =	vst.idx.add.s32.msk $0xffff, v2  }
0x97: {  	v9 =	vand.u32 $0xF80, v18;
	v8 =	vor.u32 v1, v8;
	v6 =	vshrl.u32 v23, $0x14;
	[tilespmem:v4+s28+$0x0] =	vst.idx.add.s32.msk $0xffff, v2  }
0x98: {  	v21 =	vor.u32 v7, v8;
	v8 =	vor.u32 v1, v12;
	v16 =	vand.u32 $0xF80, v6;
	v4 =	vld [tilespmem:s9+$0xFFFFFFB0]  }
0x99: {  	v15 =	vor.u32 v10, v15;
	v12 =	vshrl.u32 v17, $0x14;
	v7 =	vor.u32 v1, v9;
	v17 =	vld [tilespmem:s9+$0x10]  }
0x9a: {  	v9 =	vand.u32 $0xF80, v12;
	[tilespmem:v14+s28+$0x0] =	vst.idx.add.s32.msk $0xffff, v2;
	v14 =	vshrl.u32 v20, $0x14;
	v20 =	vor.u32 v13, v8  }
0x9b: {  	v10 =	vand.u32 $0x7F, v12;
	v12 =	vor.u32 v1, v9;
	v8 =	vand.u32 $0xF80, v3;
	v9 =	vld [tilespmem:s9+$0x40]  }
0x9c: {  	v23 =	vor.u32 v10, v12;
	v10 =	vor.u32 v1, v11;
	v22 =	vand.u32 $0x7F, v14;
	v12 =	vld [tilespmem:s9+$0x70]  }
.Ltmp3:
0x9d: {  	v11 =	vand.u32 $0x7F, v6;
	v13 =	vand.u32 $0xF80, v14;
	v14 =	vshrl.u32 v4, $0x14;
	[tilespmem:v21+s28+$0x0] =	vst.idx.add.s32.msk $0xffff, v2;
	(pc) =	sbr.rel @p0 .LBB2_5-.Ltmp3, $4  }
0x9e: {  	v4 =	vor.u32 v1, v13;
	v13 =	vand.u32 $0x7F, v18;
	v6 =	vand.u32 $0xF80, v14;
	[tilespmem:v15+s28+$0x0] =	vst.idx.add.s32.msk $0xffff, v2  }
0x9f: {  	v4 =	vor.u32 v22, v4;
	v18 =	vshrl.u32 v17, $0x14;
	v6 =	vor.u32 v1, v6;
	[tilespmem:v20+s28+$0x0] =	vst.idx.add.s32.msk $0xffff, v2  }
0xa0: {  	v15 =	vand.u32 $0x7F, v14;
	v17 =	vor.u32 v1, v16;
	v16 =	vand.u32 $0xF80, v19;
	v14 =	vld [tilespmem:s9+$0x30]  }
0xa1: {  	v16 =	vor.u32 v1, v16;
	v6 =	vor.u32 v15, v6;
	v15 =	vand.u32 $0x7F, v19;
	s9 =	sadd.s32 $0x100, s9;
	[tilespmem:v23+s28+$0x0] =	vst.idx.add.s32.msk $0xffff, v2  }
0xa2: {  	v19 =	vand.u32 $0xF80, v18  }
0xa3: {  	v12 =	vshrl.u32 v12, $0x14;
	v5 =	vor.u32 v5, v10;
	v10 =	vor.u32 v15, v16  }
0xa4: {  	v18 =	vand.u32 $0x7F, v18;
	v9 =	vshrl.u32 v9, $0x14;
	v7 =	vor.u32 v13, v7  }
0xa5: {  	v11 =	vor.u32 v11, v17;
	v8 =	vor.u32 v1, v8;
	v3 =	vand.u32 $0x7F, v3  }
0xa6: {  	[tilespmem:v6+s28+$0x0] =	vst.idx.add.s32.msk $0xffff, v2;
	v19 =	vor.u32 v1, v19;
	v20 =	vand.u32 $0xF80, v12;
	v12 =	vand.u32 $0x7F, v12  }
0xa7: {  	[tilespmem:v4+s28+$0x0] =	vst.idx.add.s32.msk $0xffff, v2;
	v13 =	vand.u32 $0xF80, v9;
	v9 =	vand.u32 $0x7F, v9;
	v3 =	vor.u32 v3, v8  }
0xa8: {  	v18 =	vor.u32 v18, v19;
	v19 =	vor.u32 v1, v20;
	v14 =	vshrl.u32 v14, $0x14;
	[tilespmem:v10+s28+$0x0] =	vst.idx.add.s32.msk $0xffff, v2  }
0xa9: {  	v13 =	vor.u32 v1, v13;
	v12 =	vor.u32 v12, v19;
	v15 =	vand.u32 $0xF80, v14;
	[tilespmem:v5+s28+$0x0] =	vst.idx.add.s32.msk $0xffff, v2  }
0xaa: {  	v9 =	vor.u32 v9, v13;
	v13 =	vand.u32 $0x7F, v14;
	v14 =	vor.u32 v1, v15;
	[tilespmem:v7+s28+$0x0] =	vst.idx.add.s32.msk $0xffff, v2  }
0xab: {  	[tilespmem:v11+s28+$0x0] =	vst.idx.add.s32.msk $0xffff, v2;
	v13 =	vor.u32 v13, v14  }
0xac: {  	[tilespmem:v3+s28+$0x0] =	vst.idx.add.s32.msk $0xffff, v2  }
0xad: {  	s8 =	sshll.u32 s5, $0xF;
	p0 =	seq.s32 s5, $0xF;
	[tilespmem:v18+s28+$0x0] =	vst.idx.add.s32.msk $0xffff, v2  }
0xae: {  	s9 =	sadd.s32 @!p0 s8, s6;
	[tilespmem:v12+s28+$0x0] =	vst.idx.add.s32.msk $0xffff, v2  }
0xaf: {  	s9 =	sshrl.u32 @!p0 s9, $0x3;
	[tilespmem:v9+s28+$0x0] =	vst.idx.add.s32.msk $0xffff, v2  }
0xb0: {  	s10 =	simm.s32 @!p0 $0x0;
	s9 =	sadd.s32 @!p0 s3, s9;
	[tilespmem:v13+s28+$0x0] =	vst.idx.add.s32.msk $0xffff, v2  }
0xb1: {  	[tilespmem:s10], [sflag:$0x1] =	stream.linear.gather @!p0 [hbm4b:s9+s10], $0x4000, $0x38;
	[tilespmem:$0x18000] =	vst v63  }
0xb2: {  	_ =	swait.ge [sflag:s29], $0x4000  }
0xb3: {  	[sflag:s29] =	ssyncset.done $0x0  }
0xb4: {  	s10 =	simm.s32 $0x4080;
	[sflag:s29] =	ssyncadd.s32 $0xFFFFC000  }
0xb5: {  	v3 =	vld [tilespmem:s10+$0xFFFFFF80]  }
0xb6: {  	v4 =	vld [tilespmem:s10+$0x60]  }
0xb7: {  	v6 =	vld [tilespmem:s10+$0x0]  }
0xb8: {  	v7 =	vld [tilespmem:s10+$0x50]  }
0xb9: {  	v8 =	vld [tilespmem:s10+$0xFFFFFFD0]  }
0xba: {  	v10 =	vld [tilespmem:s10+$0xFFFFFFF0];
	_ =	sdelay $0x3  }
0xbb: {  	v5 =	vld [tilespmem:s10+$0x20];
	v3 =	vshrl.u32 v3, $0x14;
	v4 =	vshrl.u32 v4, $0x14;
	v6 =	vshrl.u32 v6, $0x14  }
0xbc: {  	v7 =	vshrl.u32 v7, $0x14;
	v19 =	vshrl.u32 v10, $0x14;
	v18 =	vshrl.u32 v8, $0x14  }
0xbd: {  	v15 =	vld [tilespmem:s10+$0xFFFFFFA0];
	v9 =	vand.u32 $0xF80, v3;
	v3 =	vand.u32 $0x7F, v3;
	v12 =	vand.u32 $0x7F, v4  }
0xbe: {  	v11 =	vld [tilespmem:s10+$0xFFFFFFE0];
	v4 =	vand.u32 $0xF80, v4;
	v10 =	vand.u32 $0x7F, v7;
	v7 =	vand.u32 $0xF80, v7  }
0xbf: {  	v13 =	vld [tilespmem:s10+$0xFFFFFFC0];
	v8 =	vand.u32 $0xF80, v18;
	v9 =	vor.u32 v1, v9;
	v7 =	vor.u32 v1, v7  }
0xc0: {  	v17 =	vld [tilespmem:s10+$0xFFFFFF90];
	v4 =	vor.u32 v1, v4;
	v9 =	vor.u32 v3, v9;
	v3 =	vshrl.u32 v5, $0x14  }
0xc1: {  	v5 =	vand.u32 $0x7F, v6;
	v6 =	vand.u32 $0xF80, v6;
	v21 =	vor.u32 v10, v7  }
0xc2: {  	v10 =	vshrl.u32 v15, $0x14;
	v7 =	vor.u32 v1, v8;
	v14 =	vand.u32 $0xF80, v3  }
0xc3: {  	v15 =	vld [tilespmem:s10+$0x10];
	v16 =	vand.u32 $0x7F, v3;
	v3 =	vshrl.u32 v11, $0x14;
	v14 =	vor.u32 v1, v14  }
0xc4: {  	v11 =	vshrl.u32 v13, $0x14;
	v13 =	vld [tilespmem:s10+$0xFFFFFFB0];
	v8 =	vand.u32 $0xF80, v10;
	v14 =	vor.u32 v16, v14  }
0xc5: {  	v20 =	vand.u32 $0xF80, v11;
	v16 =	vshrl.u32 v17, $0x14;
	v17 =	vor.u32 v12, v4;
	v12 =	vld [tilespmem:s10+$0x70]  }
0xc6: {  	v11 =	vand.u32 $0x7F, v11;
	v4 =	vand.u32 $0x7F, v10;
	v10 =	vor.u32 v1, v8;
	[tilespmem:v9+s28+$0x0] =	vst.idx.add.s32.msk $0xffff, v2  }
0xc7: {  	v8 =	vand.u32 $0xF80, v3;
	v23 =	vor.u32 v4, v10;
	v4 =	vand.u32 $0xF80, v16;
	v9 =	vld [tilespmem:s10+$0x40]  }
0xc8: {  	v22 =	vand.u32 $0x7F, v16;
	v10 =	vor.u32 v1, v6;
	[tilespmem:v21+s28+$0x0] =	vst.idx.add.s32.msk $0xffff, v2;
	v4 =	vor.u32 v1, v4  }
0xc9: {  	v6 =	vshrl.u32 v13, $0x14;
	v13 =	vand.u32 $0x7F, v18;
	v4 =	vor.u32 v22, v4;
	[tilespmem:v14+s28+$0x0] =	vst.idx.add.s32.msk $0xffff, v2  }
0xca: {  	v18 =	vshrl.u32 v15, $0x14;
	v16 =	vand.u32 $0xF80, v6;
	v6 =	vand.u32 $0x7F, v6;
	[tilespmem:v17+s28+$0x0] =	vst.idx.add.s32.msk $0xffff, v2  }
0xcb: {  	v16 =	vor.u32 v1, v16;
	v17 =	vor.u32 v1, v20;
	v20 =	vand.u32 $0xF80, v19;
	v14 =	vld [tilespmem:s10+$0x30]  }
0xcc: {  	s9 =	simm.s32 $0x0;
	v15 =	vand.u32 $0x7F, v19;
	s10 =	simm.s32 $0x4180;
	[tilespmem:v23+s28+$0x0] =	vst.idx.add.s32.msk $0xffff, v2;
	v6 =	vor.u32 v6, v16;
	v16 =	vor.u32 v1, v20  }
.LBB2_7:
0xcd: {  	v19 =	vld [tilespmem:s10+$0x60];
	s9 =	sadd.s32 $0x100, s9;
	v11 =	vor.u32 v11, v17;
	v17 =	vand.u32 $0xF80, v18;
	v18 =	vand.u32 $0x7F, v18  }
0xce: {  	v8 =	vor.u32 v1, v8;
	v5 =	vor.u32 v5, v10;
	v20 =	vld [tilespmem:s10+$0xFFFFFF90];
	p1 =	slt.u32 s9, $0x3F00;
	v10 =	vor.u32 v1, v17  }
0xcf: {  	v9 =	vshrl.u32 v9, $0x14;
	v12 =	vshrl.u32 v12, $0x14;
	v17 =	vld [tilespmem:s10+$0xFFFFFFA0];
	v10 =	vor.u32 v18, v10  }
0xd0: {  	v7 =	vor.u32 v13, v7;
	v13 =	vand.u32 $0xF80, v9;
	v21 =	vand.u32 $0xF80, v12;
	v18 =	vld [tilespmem:s10+$0xFFFFFF80]  }
0xd1: {  	v9 =	vand.u32 $0x7F, v9;
	v12 =	vand.u32 $0x7F, v12;
	v13 =	vor.u32 v1, v13;
	v22 =	vld [tilespmem:s10+$0x20]  }
0xd2: {  	v9 =	vor.u32 v9, v13;
	v13 =	vor.u32 v1, v21;
	v23 =	vld [tilespmem:s10+$0xFFFFFFC0]  }
0xd3: {  	v14 =	vshrl.u32 v14, $0x14;
	v12 =	vor.u32 v12, v13;
	v21 =	vld [tilespmem:s10+$0xFFFFFFD0]  }
0xd4: {  	v13 =	vor.u32 v15, v16;
	[tilespmem:v10+s28+$0x0] =	vst.idx.add.s32.msk $0xffff, v2;
	v10 =	vand.u32 $0xF80, v14  }
0xd5: {  	v14 =	vand.u32 $0x7F, v14;
	v15 =	vshrl.u32 v18, $0x14;
	v16 =	vld [tilespmem:s10+$0xFFFFFFE0];
	v10 =	vor.u32 v1, v10  }
0xd6: {  	v3 =	vand.u32 $0x7F, v3;
	v18 =	vand.u32 $0xF80, v15;
	v24 =	vld [tilespmem:s10+$0xFFFFFFF0];
	v10 =	vor.u32 v14, v10  }
0xd7: {  	v3 =	vor.u32 v3, v8;
	v14 =	vor.u32 v1, v18;
	v18 =	vld [tilespmem:s10+$0x0]  }
0xd8: {  	[tilespmem:v12+s28+$0x0] =	vst.idx.add.s32.msk $0xffff, v2  }
0xd9: {  	v8 =	vld [tilespmem:s10+$0x50]  }
0xda: {  	[tilespmem:v13+s28+$0x0] =	vst.idx.add.s32.msk $0xffff, v2  }
0xdb: {  	v12 =	vshrl.u32 v19, $0x14;
	[tilespmem:v5+s28+$0x0] =	vst.idx.add.s32.msk $0xffff, v2  }
0xdc: {  	v13 =	vand.u32 $0x7F, v12;
	v5 =	vand.u32 $0x7F, v15;
	[tilespmem:v7+s28+$0x0] =	vst.idx.add.s32.msk $0xffff, v2  }
0xdd: {  	v12 =	vand.u32 $0xF80, v12;
	v14 =	vor.u32 v5, v14;
	v7 =	vshrl.u32 v22, $0x14;
	[tilespmem:v9+s28+$0x0] =	vst.idx.add.s32.msk $0xffff, v2  }
0xde: {  	v9 =	vshrl.u32 v18, $0x14;
	v15 =	vand.u32 $0xF80, v7;
	v8 =	vshrl.u32 v8, $0x14;
	[tilespmem:v10+s28+$0x0] =	vst.idx.add.s32.msk $0xffff, v2  }
0xdf: {  	v5 =	vand.u32 $0x7F, v9;
	v10 =	vand.u32 $0x7F, v7;
	v15 =	vor.u32 v1, v15;
	[tilespmem:v11+s28+$0x0] =	vst.idx.add.s32.msk $0xffff, v2  }
0xe0: {  	v19 =	vshrl.u32 v24, $0x14;
	v11 =	vand.u32 $0xF80, v9;
	v7 =	vand.u32 $0x7F, v8;
	[tilespmem:v3+s28+$0x0] =	vst.idx.add.s32.msk $0xffff, v2  }
0xe1: {  	v18 =	vshrl.u32 v21, $0x14;
	v8 =	vand.u32 $0xF80, v8;
	v3 =	vshrl.u32 v16, $0x14;
	[tilespmem:v6+s28+$0x0] =	vst.idx.add.s32.msk $0xffff, v2  }
0xe2: {  	v9 =	vand.u32 $0xF80, v18;
	v8 =	vor.u32 v1, v8;
	v6 =	vshrl.u32 v23, $0x14;
	[tilespmem:v4+s28+$0x0] =	vst.idx.add.s32.msk $0xffff, v2  }
0xe3: {  	v21 =	vor.u32 v7, v8;
	v8 =	vor.u32 v1, v12;
	v16 =	vand.u32 $0xF80, v6;
	v4 =	vld [tilespmem:s10+$0xFFFFFFB0]  }
0xe4: {  	v15 =	vor.u32 v10, v15;
	v12 =	vshrl.u32 v17, $0x14;
	v7 =	vor.u32 v1, v9;
	v17 =	vld [tilespmem:s10+$0x10]  }
0xe5: {  	v9 =	vand.u32 $0xF80, v12;
	[tilespmem:v14+s28+$0x0] =	vst.idx.add.s32.msk $0xffff, v2;
	v14 =	vshrl.u32 v20, $0x14;
	v20 =	vor.u32 v13, v8  }
0xe6: {  	v10 =	vand.u32 $0x7F, v12;
	v12 =	vor.u32 v1, v9;
	v8 =	vand.u32 $0xF80, v3;
	v9 =	vld [tilespmem:s10+$0x40]  }
0xe7: {  	v23 =	vor.u32 v10, v12;
	v10 =	vor.u32 v1, v11;
	v22 =	vand.u32 $0x7F, v14;
	v12 =	vld [tilespmem:s10+$0x70]  }
.Ltmp4:
0xe8: {  	v11 =	vand.u32 $0x7F, v6;
	v13 =	vand.u32 $0xF80, v14;
	v14 =	vshrl.u32 v4, $0x14;
	[tilespmem:v21+s28+$0x0] =	vst.idx.add.s32.msk $0xffff, v2;
	(pc) =	sbr.rel @p1 .LBB2_7-.Ltmp4, $4  }
0xe9: {  	v4 =	vor.u32 v1, v13;
	v13 =	vand.u32 $0x7F, v18;
	v6 =	vand.u32 $0xF80, v14;
	[tilespmem:v15+s28+$0x0] =	vst.idx.add.s32.msk $0xffff, v2  }
0xea: {  	v4 =	vor.u32 v22, v4;
	v18 =	vshrl.u32 v17, $0x14;
	v6 =	vor.u32 v1, v6;
	[tilespmem:v20+s28+$0x0] =	vst.idx.add.s32.msk $0xffff, v2  }
0xeb: {  	v15 =	vand.u32 $0x7F, v14;
	v17 =	vor.u32 v1, v16;
	v16 =	vand.u32 $0xF80, v19;
	v14 =	vld [tilespmem:s10+$0x30]  }
0xec: {  	v16 =	vor.u32 v1, v16;
	v6 =	vor.u32 v15, v6;
	v15 =	vand.u32 $0x7F, v19;
	s10 =	sadd.s32 $0x100, s10;
	[tilespmem:v23+s28+$0x0] =	vst.idx.add.s32.msk $0xffff, v2  }
0xed: {  	v19 =	vand.u32 $0xF80, v18  }
0xee: {  	v12 =	vshrl.u32 v12, $0x14;
	v57 =	vand.u32 $0x7F, v18;
	v59 =	vor.u32 v15, v16  }
0xef: {  	v5 =	vor.u32 v5, v10;
	v9 =	vshrl.u32 v9, $0x14;
	v7 =	vor.u32 v13, v7  }
0xf0: {  	v11 =	vor.u32 v11, v17;
	v8 =	vor.u32 v1, v8;
	v3 =	vand.u32 $0x7F, v3  }
0xf1: {  	[tilespmem:v6+s28+$0x0] =	vst.idx.add.s32.msk $0xffff, v2;
	v19 =	vor.u32 v1, v19;
	v20 =	vand.u32 $0xF80, v12;
	v12 =	vand.u32 $0x7F, v12  }
0xf2: {  	[tilespmem:v4+s28+$0x0] =	vst.idx.add.s32.msk $0xffff, v2;
	v60 =	vand.u32 $0xF80, v9;
	v9 =	vand.u32 $0x7F, v9;
	v3 =	vor.u32 v3, v8  }
0xf3: {  	v18 =	vor.u32 v57, v19;
	v58 =	vor.u32 v1, v20;
	v14 =	vshrl.u32 v14, $0x14;
	[tilespmem:v59+s28+$0x0] =	vst.idx.add.s32.msk $0xffff, v2  }
0xf4: {  	v13 =	vor.u32 v1, v60;
	v12 =	vor.u32 v12, v58;
	v61 =	vand.u32 $0xF80, v14;
	[tilespmem:v5+s28+$0x0] =	vst.idx.add.s32.msk $0xffff, v2  }
0xf5: {  	v9 =	vor.u32 v9, v13;
	v62 =	vand.u32 $0x7F, v14;
	v63 =	vor.u32 v1, v61;
	[tilespmem:v7+s28+$0x0] =	vst.idx.add.s32.msk $0xffff, v2  }
0xf6: {  	[tilespmem:v11+s28+$0x0] =	vst.idx.add.s32.msk $0xffff, v2;
	v13 =	vor.u32 v62, v63  }
.Ltmp5:
0xf7: {  	[tilespmem:v3+s28+$0x0] =	vst.idx.add.s32.msk $0xffff, v2;
	(pc) =	sbr.rel @p0 .LBB2_10-.Ltmp5, $4  }
0xf8: {  	[tilespmem:v18+s28+$0x0] =	vst.idx.add.s32.msk $0xffff, v2  }
0xf9: {  	[tilespmem:v12+s28+$0x0] =	vst.idx.add.s32.msk $0xffff, v2  }
0xfa: {  	[tilespmem:v9+s28+$0x0] =	vst.idx.add.s32.msk $0xffff, v2  }
0xfb: {  	[tilespmem:v13+s28+$0x0] =	vst.idx.add.s32.msk $0xffff, v2  }
.Ltmp6:
0xfc: {  	(pc) =	sbr.rel .LBB2_4-.Ltmp6, $4  }
0xfd: {  	s8 =	sadd.s32 s8, s7  }
0xfe: {  	s8 =	sshrl.u32 s8, $0x3  }
0xff: {  	s5 =	sadd.s32 $0x1, s5;
	s8 =	sadd.s32 s3, s8  }
0x100: {  	[tilespmem:s25], [sflag:$0x2] =	stream.linear.gather [hbm4b:s8+s2], $0x4000, $0x38;
	[tilespmem:$0x18000] =	vst v63  }
.LBB2_11:
0x101: {  	_ =	sfence.sel $0x180000  }
0x102: {  	[bflag:$0x0] =	sbarrier.arrive $0xFFFF  }
0x103: {  	_ =	strace $0x90000047  }
0x104: {  	s0 =	stileid.u32;
	[bflag:$0x2] =	sbarrier.arrive $0xFFFF  }
0x105: {  	p0 =	sne.s32 s0, $0x0;
	s0 =	rddreg [dreg:$0x1]  }
0x106: {  	s0 =	sadd.s32 @!p0 $0x100000, s0  }
0x107: {  	[sflag:s0] =	ssyncadd.tile.s32 @!p0 $0x1;
	_ =	shalt  }
.Lfunc_end2:
_tile_overlayer_lowered:
.L_overlay_start_2:
0x108: {  	(tag) =	ssettag $0x2  }
0x109: {  	s0 =	rddreg [dreg:$0x0];
	s2 =	stileid.u32  }
0x10a: {  	s1 =	rddreg [dreg:$0x1];
	p0 =	sne.s32 s2, $0x0  }
0x10b: {  	s3 =	rddreg [dreg:$0x2];
	[bflag:$0x3] =	sbarrier.arrive $0xFFFF;
	s2 =	simm.s32 @!p0 $0x1C03  }
0x10c: {  	[timem:s3], [sflag:s2] =	dma.local @!p0 [hbm:s0], s1  }
0x10d: {  	s0 =	simm.s32 @!p0 $0x3  }
0x10e: {  	_ =	swait.ge @!p0 [sflag:s0], s1  }
0x10f: {  	s1 =	ssub.s32 @!p0 $0x0, s1;
	[sflag:s0] =	ssyncset.done @!p0 $0x0  }
0x110: {  	[sflag:s0] =	ssyncadd.s32 @!p0 s1  }
0x111: {  	[bflag:$0x3] =	sbarrier.arrive $0xFFFF  }
0x112: {  	_ =	shalt  }

</sc_bundles>
